<compile_context>
chip_gen: v7x
topology: tpu7x:2x2x1
jax: 0.10.2.dev20260603
libtpu: 0.0.44.dev20260713+nightly
codegen_flags: <defaults>
</compile_context>

<pallas_src>
import functools

import jax
import jax.numpy as jnp
from jax import lax
from jax.experimental import pallas as pl
from jax.experimental.pallas import tpu as pltpu
from jax.experimental.pallas import tpu_sc as plsc

VOCAB = 23236
DIM = 1728
DIM_PAD = 1792
BATCH = 1024
SEQ = 50
SEQ_PAD = 56
NP = BATCH * SEQ_PAD
NC, NS = 2, 16
NW = NC * NS
ROWS_PER_W = NP // NW
CH = 8
NBUF = 8
NCHUNK = ROWS_PER_W // CH

PAD_BR = 256
DEPAD_NB = 8


def _emb_body(table_hbm, idx_hbm, out_hbm, idx_v, rows_v, gsem, ssem):
    wid = lax.axis_index("s") * NC + lax.axis_index("c")
    base = wid * ROWS_PER_W

    pltpu.sync_copy(idx_hbm.at[wid], idx_v)

    def idx_at(c):
        return idx_v.at[c // 16, pl.ds((c % 16) * CH, CH)]

    def gather(c, slot):
        return pltpu.async_copy(
            table_hbm.at[idx_at(c)], rows_v.at[slot], gsem.at[slot])

    def scatter(c, slot):
        return pltpu.async_copy(
            rows_v.at[slot], out_hbm.at[pl.ds(base + c * CH, CH)], ssem.at[slot])

    def wait_gather(slot):
        pltpu.make_async_copy(
            table_hbm.at[idx_at(0)], rows_v.at[slot], gsem.at[slot]).wait()

    def wait_scatter(c, slot):
        pltpu.make_async_copy(
            rows_v.at[slot], out_hbm.at[pl.ds(base + c * CH, CH)],
            ssem.at[slot]).wait()

    K = NBUF // 2
    for p in range(K):
        gather(p, p)

    def step(c, slot, first, last):
        wait_gather(slot)
        scatter(c, slot)
        if not first:
            wait_scatter(c - K, (c + K) % NBUF)
        if not last:
            gather(c + K, (c + K) % NBUF)

    for c in range(NBUF):
        step(c, c, c < K, False)

    def octet(t, _):
        c0 = NBUF * t
        for i in range(NBUF):
            step(c0 + i, i, False, False)
        return _

    lax.fori_loop(1, NCHUNK // NBUF - 1, octet, 0)

    for i in range(NBUF):
        c = NCHUNK - NBUF + i
        step(c, i, False, i >= NBUF - K)
    for i in range(K):
        c = NCHUNK - K + i
        wait_scatter(c, c % NBUF)


def _pad_body(w_ref, o_ref):
    o_ref[...] = jnp.concatenate(
        [w_ref[...], jnp.zeros((PAD_BR, DIM_PAD - DIM), jnp.float32)], axis=1)


def _depad_body(i_ref, o_ref):
    for i in range(DEPAD_NB):
        o_ref[i] = i_ref[pl.ds(i * SEQ_PAD, SEQ), :DIM]


@jax.jit
def _emb(weight, idx):
    wpad = pl.pallas_call(
        _pad_body,
        grid=(pl.cdiv(VOCAB, PAD_BR),),
        in_specs=[pl.BlockSpec((PAD_BR, DIM), lambda g: (g, 0))],
        out_specs=pl.BlockSpec((PAD_BR, DIM_PAD), lambda g: (g, 0)),
        out_shape=jax.ShapeDtypeStruct((VOCAB, DIM_PAD), jnp.float32),
    )(weight)

    mesh = plsc.VectorSubcoreMesh(
        core_axis_name="c", subcore_axis_name="s", num_cores=NC, num_subcores=NS)
    f = pl.kernel(
        _emb_body,
        out_type=jax.ShapeDtypeStruct((NP, DIM_PAD), jnp.float32),
        mesh=mesh,
        scratch_types=[
            pltpu.VMEM((NCHUNK // 16, 128), jnp.int32),
            pltpu.VMEM((NBUF, CH, DIM_PAD), jnp.float32),
            pltpu.SemaphoreType.DMA((NBUF,)),
            pltpu.SemaphoreType.DMA((NBUF,)),
        ],
    )
    gathered = f(wpad, idx)

    return pl.pallas_call(
        _depad_body,
        grid=(BATCH // DEPAD_NB,),
        in_specs=[pl.BlockSpec((DEPAD_NB * SEQ_PAD, DIM_PAD), lambda g: (g, 0))],
        out_specs=pl.BlockSpec((DEPAD_NB, SEQ, DIM), lambda g: (g, 0, 0)),
        out_shape=jax.ShapeDtypeStruct((BATCH, SEQ, DIM), jnp.float32),
    )(gathered)


def kernel(input_ids, weight):
    idx = jnp.pad(input_ids, ((0, 0), (0, SEQ_PAD - SEQ)))
    return _emb(weight, idx.reshape(NW, NCHUNK // 16, 128))

# --- scband reference (transcript-rebuilt; emitter-appended) ---
"""Pipeline reference for scband-glyph-embedding-5128190951948 (READ-ONLY COPY).

The authoritative reference and input builder live on the scoring server;
editing this copy changes nothing except your own understanding.
"""

import jax, jax.numpy as jnp
import numpy as np

VOCAB_SIZE = 23236
FONT_NUM = 3
FONT_SIZE = 24
EMBED_DIM = FONT_NUM * FONT_SIZE * FONT_SIZE  # 1728
BATCH = 1024
SEQ_LEN = 50


def setup_inputs(seed: int = 0) -> dict:
    key = jax.random.key(seed)
    k_ids, k_w = jax.random.split(key)
    # input token ids [batch, sentence_length]
    input_ids = jax.random.randint(k_ids, (BATCH, SEQ_LEN), 0, VOCAB_SIZE, dtype=jnp.int32)
    # learned glyph embedding table: stands in for the stacked font arrays
    # reshaped to [vocab_size, font_num * font_size * font_size]
    weight = jax.random.normal(k_w, (VOCAB_SIZE, EMBED_DIM), dtype=jnp.float32)
    return {"input_ids": input_ids, "weight": weight}


def reference(input_ids, weight):
    # nn.Embedding lookup: images[b, s, :] = weight[input_ids[b, s], :]
    return jnp.take(weight, input_ids, axis=0)

if __name__ == "__main__":
    import jax
    _d = setup_inputs()
    print(jax.jit(kernel)(*tuple(_d.values())))

</pallas_src>

<mosaic_0001>
#map = affine_map<(d0, d1) -> (0, 0)>
#map1 = affine_map<(d0, d1) -> (0, 0, 0)>
module attributes {stable_mosaic.version = 14 : i64} {
  func.func @_emb_body(%arg0: i32, %arg1: i32, %arg2: memref<23236x1792xf32, #tpu.memory_space<hbm>>, %arg3: memref<32x14x128xi32, #tpu.memory_space<hbm>>, %arg4: memref<57344x1792xf32, #tpu.memory_space<hbm>>, %arg5: memref<14x128xi32, #tpu.memory_space<vmem>>, %arg6: memref<8x8x1792xf32, #tpu.memory_space<vmem>>, %arg7: memref<8x!tpu.dma_semaphore, #tpu.memory_space<semaphore_mem>>, %arg8: memref<8x!tpu.dma_semaphore, #tpu.memory_space<semaphore_mem>>) attributes {dimension_semantics = [#tpu.dimension_semantics<core_parallel>, #tpu.dimension_semantics<subcore_parallel>], iteration_bounds = array<i64: 2, 16>, scalar_prefetch = 0 : i64, scratch_operands = 4 : i64, tpu.core_type = #tpu.core_type<sc_vector_subcore>, window_params = [{transform_indices = #map}, {transform_indices = #map1}, {transform_indices = #map}]} {
    %mul3A = arith.constant 2 : i32
    %mul3A_0 = arith.muli %arg1, %mul3A : i32
    %add3A = arith.addi %mul3A_0, %arg0 : i32
    %mul3A_1 = arith.constant 1792 : i32
    %mul3A_2 = arith.muli %add3A, %mul3A_1 : i32
    "tpu.region"() ({
      %run_scoped3A = tpu.sem_alloc : memref<!tpu.dma_semaphore, #tpu.memory_space<semaphore_mem>>
      %dma_start3A_1062 = arith.constant 0 : i32
      %dma_start3A_1063 = arith.constant 0 : i32
      %dma_start3A_1064 = tpu.memref_slice %arg3[%add3A, %dma_start3A_1062, %dma_start3A_1063] : memref<32x14x128xi32, #tpu.memory_space<hbm>> -> memref<1x14x128xi32, #tpu.memory_space<hbm>>
      %dma_start3A_1065 = tpu.memref_squeeze %dma_start3A_1064 : memref<1x14x128xi32, #tpu.memory_space<hbm>> -> memref<14x128xi32, #tpu.memory_space<hbm>>
      %dma_start3A_1066 = arith.constant 0 : i32
      %dma_start3A_1067 = arith.constant 0 : i32
      %dma_start3A_1068 = tpu.memref_slice %arg3[%add3A, %dma_start3A_1066, %dma_start3A_1067] : memref<32x14x128xi32, #tpu.memory_space<hbm>> -> memref<1x14x128xi32, #tpu.memory_space<hbm>>
      %dma_start3A_1069 = tpu.memref_squeeze %dma_start3A_1068 : memref<1x14x128xi32, #tpu.memory_space<hbm>> -> memref<14x128xi32, #tpu.memory_space<hbm>>
      tpu.enqueue_dma source(%dma_start3A_1069 : memref<14x128xi32, #tpu.memory_space<hbm>>) target(%arg5 : memref<14x128xi32, #tpu.memory_space<vmem>>) target_semaphore(%run_scoped3A : memref<!tpu.dma_semaphore, #tpu.memory_space<semaphore_mem>>)
      %dma_wait3A_1070 = arith.constant 0 : i32
      %dma_wait3A_1071 = arith.constant 0 : i32
      %dma_wait3A_1072 = tpu.memref_slice %arg3[%add3A, %dma_wait3A_1070, %dma_wait3A_1071] : memref<32x14x128xi32, #tpu.memory_space<hbm>> -> memref<1x14x128xi32, #tpu.memory_space<hbm>>
      %dma_wait3A_1073 = tpu.memref_squeeze %dma_wait3A_1072 : memref<1x14x128xi32, #tpu.memory_space<hbm>> -> memref<14x128xi32, #tpu.memory_space<hbm>>
      %dma_wait3A_1074 = arith.constant 0 : i32
      %dma_wait3A_1075 = arith.constant 0 : i32
      %dma_wait3A_1076 = tpu.memref_slice %arg3[%add3A, %dma_wait3A_1074, %dma_wait3A_1075] : memref<32x14x128xi32, #tpu.memory_space<hbm>> -> memref<1x14x128xi32, #tpu.memory_space<hbm>>
      %dma_wait3A_1077 = tpu.memref_squeeze %dma_wait3A_1076 : memref<1x14x128xi32, #tpu.memory_space<hbm>> -> memref<14x128xi32, #tpu.memory_space<hbm>>
      tpu.wait_dma2 semaphore(%run_scoped3A : memref<!tpu.dma_semaphore, #tpu.memory_space<semaphore_mem>>) src(%dma_wait3A_1077 : memref<14x128xi32, #tpu.memory_space<hbm>>) dst(%arg5 : memref<14x128xi32, #tpu.memory_space<vmem>>)
      tpu.yield
    }) : () -> ()
    %dma_start3A = arith.constant 0 : i32
    %dma_start3A_3 = arith.constant 0 : i32
    %dma_start3A_4 = arith.constant 0 : i32
    %dma_start3A_5 = arith.constant 0 : i32
    %dma_start3A_6 = arith.constant 0 : i32
    %dma_start3A_7 = tpu.memref_slice %arg6[%dma_start3A_3, %dma_start3A_5, %dma_start3A_6] : memref<8x8x1792xf32, #tpu.memory_space<vmem>> -> memref<1x8x1792xf32, #tpu.memory_space<vmem>>
    %dma_start3A_8 = tpu.memref_squeeze %dma_start3A_7 : memref<1x8x1792xf32, #tpu.memory_space<vmem>> -> memref<8x1792xf32, #tpu.memory_space<vmem>>
    %dma_start3A_9 = arith.constant 0 : i32
    %dma_start3A_10 = tpu.memref_slice %arg5[%dma_start3A, %dma_start3A_9] : memref<14x128xi32, #tpu.memory_space<vmem>> -> memref<1x8xi32, #tpu.memory_space<vmem>>
    %dma_start3A_11 = tpu.memref_squeeze %dma_start3A_10 : memref<1x8xi32, #tpu.memory_space<vmem>> -> memref<8xi32, #tpu.memory_space<vmem>>
    %dma_start3A_12 = arith.constant 0 : i32
    %dma_start3A_13 = arith.constant 0 : i32
    %dma_start3A_14 = tpu.memref_slice %arg2[%dma_start3A_12, %dma_start3A_13] : memref<23236x1792xf32, #tpu.memory_space<hbm>> -> memref<23236x1792xf32, #tpu.memory_space<hbm>>
    %dma_start3A_15 = tpu.memref_slice %arg7[%dma_start3A_4] : memref<8x!tpu.dma_semaphore, #tpu.memory_space<semaphore_mem>> -> memref<1x!tpu.dma_semaphore, #tpu.memory_space<semaphore_mem>>
    %dma_start3A_16 = tpu.memref_squeeze %dma_start3A_15 : memref<1x!tpu.dma_semaphore, #tpu.memory_space<semaphore_mem>> -> memref<!tpu.dma_semaphore, #tpu.memory_space<semaphore_mem>>
    tpu.enqueue_indirect_dma source(%dma_start3A_14 : memref<23236x1792xf32, #tpu.memory_space<hbm>>) target(%dma_start3A_8 : memref<8x1792xf32, #tpu.memory_space<vmem>>) offsets(%dma_start3A_11 : memref<8xi32, #tpu.memory_space<vmem>>) semaphore(%dma_start3A_16 : memref<!tpu.dma_semaphore, #tpu.memory_space<semaphore_mem>>)
    %dma_start3A_17 = arith.constant 0 : i32
    %dma_start3A_18 = arith.constant 1 : i32
    %dma_start3A_19 = arith.constant 1 : i32
    %dma_start3A_20 = arith.constant 0 : i32
    %dma_start3A_21 = arith.constant 0 : i32
    %dma_start3A_22 = tpu.memref_slice %arg6[%dma_start3A_18, %dma_start3A_20, %dma_start3A_21] : memref<8x8x1792xf32, #tpu.memory_space<vmem>> -> memref<1x8x1792xf32, #tpu.memory_space<vmem>>
    %dma_start3A_23 = tpu.memref_squeeze %dma_start3A_22 : memref<1x8x1792xf32, #tpu.memory_space<vmem>> -> memref<8x1792xf32, #tpu.memory_space<vmem>>
    %dma_start3A_24 = arith.constant 8 : i32
    %dma_start3A_25 = tpu.memref_slice %arg5[%dma_start3A_17, %dma_start3A_24] : memref<14x128xi32, #tpu.memory_space<vmem>> -> memref<1x8xi32, #tpu.memory_space<vmem>>
    %dma_start3A_26 = tpu.memref_squeeze %dma_start3A_25 : memref<1x8xi32, #tpu.memory_space<vmem>> -> memref<8xi32, #tpu.memory_space<vmem>>
    %dma_start3A_27 = arith.constant 0 : i32
    %dma_start3A_28 = arith.constant 0 : i32
    %dma_start3A_29 = tpu.memref_slice %arg2[%dma_start3A_27, %dma_start3A_28] : memref<23236x1792xf32, #tpu.memory_space<hbm>> -> memref<23236x1792xf32, #tpu.memory_space<hbm>>
    %dma_start3A_30 = tpu.memref_slice %arg7[%dma_start3A_19] : memref<8x!tpu.dma_semaphore, #tpu.memory_space<semaphore_mem>> -> memref<1x!tpu.dma_semaphore, #tpu.memory_space<semaphore_mem>>
    %dma_start3A_31 = tpu.memref_squeeze %dma_start3A_30 : memref<1x!tpu.dma_semaphore, #tpu.memory_space<semaphore_mem>> -> memref<!tpu.dma_semaphore, #tpu.memory_space<semaphore_mem>>
    tpu.enqueue_indirect_dma source(%dma_start3A_29 : memref<23236x1792xf32, #tpu.memory_space<hbm>>) target(%dma_start3A_23 : memref<8x1792xf32, #tpu.memory_space<vmem>>) offsets(%dma_start3A_26 : memref<8xi32, #tpu.memory_space<vmem>>) semaphore(%dma_start3A_31 : memref<!tpu.dma_semaphore, #tpu.memory_space<semaphore_mem>>)
    %dma_start3A_32 = arith.constant 0 : i32
    %dma_start3A_33 = arith.constant 2 : i32
    %dma_start3A_34 = arith.constant 2 : i32
    %dma_start3A_35 = arith.constant 0 : i32
    %dma_start3A_36 = arith.constant 0 : i32
    %dma_start3A_37 = tpu.memref_slice %arg6[%dma_start3A_33, %dma_start3A_35, %dma_start3A_36] : memref<8x8x1792xf32, #tpu.memory_space<vmem>> -> memref<1x8x1792xf32, #tpu.memory_space<vmem>>
    %dma_start3A_38 = tpu.memref_squeeze %dma_start3A_37 : memref<1x8x1792xf32, #tpu.memory_space<vmem>> -> memref<8x1792xf32, #tpu.memory_space<vmem>>
    %dma_start3A_39 = arith.constant 16 : i32
    %dma_start3A_40 = tpu.memref_slice %arg5[%dma_start3A_32, %dma_start3A_39] : memref<14x128xi32, #tpu.memory_space<vmem>> -> memref<1x8xi32, #tpu.memory_space<vmem>>
    %dma_start3A_41 = tpu.memref_squeeze %dma_start3A_40 : memref<1x8xi32, #tpu.memory_space<vmem>> -> memref<8xi32, #tpu.memory_space<vmem>>
    %dma_start3A_42 = arith.constant 0 : i32
    %dma_start3A_43 = arith.constant 0 : i32
    %dma_start3A_44 = tpu.memref_slice %arg2[%dma_start3A_42, %dma_start3A_43] : memref<23236x1792xf32, #tpu.memory_space<hbm>> -> memref<23236x1792xf32, #tpu.memory_space<hbm>>
    %dma_start3A_45 = tpu.memref_slice %arg7[%dma_start3A_34] : memref<8x!tpu.dma_semaphore, #tpu.memory_space<semaphore_mem>> -> memref<1x!tpu.dma_semaphore, #tpu.memory_space<semaphore_mem>>
    %dma_start3A_46 = tpu.memref_squeeze %dma_start3A_45 : memref<1x!tpu.dma_semaphore, #tpu.memory_space<semaphore_mem>> -> memref<!tpu.dma_semaphore, #tpu.memory_space<semaphore_mem>>
    tpu.enqueue_indirect_dma source(%dma_start3A_44 : memref<23236x1792xf32, #tpu.memory_space<hbm>>) target(%dma_start3A_38 : memref<8x1792xf32, #tpu.memory_space<vmem>>) offsets(%dma_start3A_41 : memref<8xi32, #tpu.memory_space<vmem>>) semaphore(%dma_start3A_46 : memref<!tpu.dma_semaphore, #tpu.memory_space<semaphore_mem>>)
    %dma_start3A_47 = arith.constant 0 : i32
    %dma_start3A_48 = arith.constant 3 : i32
    %dma_start3A_49 = arith.constant 3 : i32
    %dma_start3A_50 = arith.constant 0 : i32
    %dma_start3A_51 = arith.constant 0 : i32
    %dma_start3A_52 = tpu.memref_slice %arg6[%dma_start3A_48, %dma_start3A_50, %dma_start3A_51] : memref<8x8x1792xf32, #tpu.memory_space<vmem>> -> memref<1x8x1792xf32, #tpu.memory_space<vmem>>
    %dma_start3A_53 = tpu.memref_squeeze %dma_start3A_52 : memref<1x8x1792xf32, #tpu.memory_space<vmem>> -> memref<8x1792xf32, #tpu.memory_space<vmem>>
    %dma_start3A_54 = arith.constant 24 : i32
    %dma_start3A_55 = tpu.memref_slice %arg5[%dma_start3A_47, %dma_start3A_54] : memref<14x128xi32, #tpu.memory_space<vmem>> -> memref<1x8xi32, #tpu.memory_space<vmem>>
    %dma_start3A_56 = tpu.memref_squeeze %dma_start3A_55 : memref<1x8xi32, #tpu.memory_space<vmem>> -> memref<8xi32, #tpu.memory_space<vmem>>
    %dma_start3A_57 = arith.constant 0 : i32
    %dma_start3A_58 = arith.constant 0 : i32
    %dma_start3A_59 = tpu.memref_slice %arg2[%dma_start3A_57, %dma_start3A_58] : memref<23236x1792xf32, #tpu.memory_space<hbm>> -> memref<23236x1792xf32, #tpu.memory_space<hbm>>
    %dma_start3A_60 = tpu.memref_slice %arg7[%dma_start3A_49] : memref<8x!tpu.dma_semaphore, #tpu.memory_space<semaphore_mem>> -> memref<1x!tpu.dma_semaphore, #tpu.memory_space<semaphore_mem>>
    %dma_start3A_61 = tpu.memref_squeeze %dma_start3A_60 : memref<1x!tpu.dma_semaphore, #tpu.memory_space<semaphore_mem>> -> memref<!tpu.dma_semaphore, #tpu.memory_space<semaphore_mem>>
    tpu.enqueue_indirect_dma source(%dma_start3A_59 : memref<23236x1792xf32, #tpu.memory_space<hbm>>) target(%dma_start3A_53 : memref<8x1792xf32, #tpu.memory_space<vmem>>) offsets(%dma_start3A_56 : memref<8xi32, #tpu.memory_space<vmem>>) semaphore(%dma_start3A_61 : memref<!tpu.dma_semaphore, #tpu.memory_space<semaphore_mem>>)
    %dma_wait3A = arith.constant 0 : i32
    %dma_wait3A_62 = arith.constant 0 : i32
    %dma_wait3A_63 = arith.constant 0 : i32
    %dma_wait3A_64 = arith.constant 0 : i32
    %dma_wait3A_65 = arith.constant 0 : i32
    %dma_wait3A_66 = tpu.memref_slice %arg6[%dma_wait3A_62, %dma_wait3A_64, %dma_wait3A_65] : memref<8x8x1792xf32, #tpu.memory_space<vmem>> -> memref<1x8x1792xf32, #tpu.memory_space<vmem>>
    %dma_wait3A_67 = tpu.memref_squeeze %dma_wait3A_66 : memref<1x8x1792xf32, #tpu.memory_space<vmem>> -> memref<8x1792xf32, #tpu.memory_space<vmem>>
    %dma_wait3A_68 = arith.constant 0 : i32
    %dma_wait3A_69 = tpu.memref_slice %arg5[%dma_wait3A, %dma_wait3A_68] : memref<14x128xi32, #tpu.memory_space<vmem>> -> memref<1x8xi32, #tpu.memory_space<vmem>>
    %dma_wait3A_70 = tpu.memref_squeeze %dma_wait3A_69 : memref<1x8xi32, #tpu.memory_space<vmem>> -> memref<8xi32, #tpu.memory_space<vmem>>
    %dma_wait3A_71 = arith.constant 0 : i32
    %dma_wait3A_72 = arith.constant 0 : i32
    %dma_wait3A_73 = tpu.memref_slice %arg2[%dma_wait3A_71, %dma_wait3A_72] : memref<23236x1792xf32, #tpu.memory_space<hbm>> -> memref<23236x1792xf32, #tpu.memory_space<hbm>>
    %dma_wait3A_74 = tpu.memref_slice %arg7[%dma_wait3A_63] : memref<8x!tpu.dma_semaphore, #tpu.memory_space<semaphore_mem>> -> memref<1x!tpu.dma_semaphore, #tpu.memory_space<semaphore_mem>>
    %dma_wait3A_75 = tpu.memref_squeeze %dma_wait3A_74 : memref<1x!tpu.dma_semaphore, #tpu.memory_space<semaphore_mem>> -> memref<!tpu.dma_semaphore, #tpu.memory_space<semaphore_mem>>
    tpu.wait_indirect_dma semaphore(%dma_wait3A_75 : memref<!tpu.dma_semaphore, #tpu.memory_space<semaphore_mem>>) src(%dma_wait3A_73 : memref<23236x1792xf32, #tpu.memory_space<hbm>>) dst(%dma_wait3A_67 : memref<8x1792xf32, #tpu.memory_space<vmem>>)
    %add3A_76 = arith.constant 0 : i32
    %add3A_77 = arith.addi %mul3A_2, %add3A_76 : i32
    %dma_start3A_78 = arith.constant 0 : i32
    %dma_start3A_79 = arith.constant 0 : i32
    %dma_start3A_80 = arith.constant 0 : i32
    %dma_start3A_81 = arith.constant 0 : i32
    %dma_start3A_82 = tpu.memref_slice %arg6[%dma_start3A_78, %dma_start3A_80, %dma_start3A_81] : memref<8x8x1792xf32, #tpu.memory_space<vmem>> -> memref<1x8x1792xf32, #tpu.memory_space<vmem>>
    %dma_start3A_83 = tpu.memref_squeeze %dma_start3A_82 : memref<1x8x1792xf32, #tpu.memory_space<vmem>> -> memref<8x1792xf32, #tpu.memory_space<vmem>>
    %dma_start3A_84 = arith.constant 0 : i32
    %dma_start3A_85 = tpu.memref_slice %arg4[%add3A_77, %dma_start3A_84] : memref<57344x1792xf32, #tpu.memory_space<hbm>> -> memref<8x1792xf32, #tpu.memory_space<hbm>>
    %dma_start3A_86 = tpu.memref_slice %arg8[%dma_start3A_79] : memref<8x!tpu.dma_semaphore, #tpu.memory_space<semaphore_mem>> -> memref<1x!tpu.dma_semaphore, #tpu.memory_space<semaphore_mem>>
    %dma_start3A_87 = tpu.memref_squeeze %dma_start3A_86 : memref<1x!tpu.dma_semaphore, #tpu.memory_space<semaphore_mem>> -> memref<!tpu.dma_semaphore, #tpu.memory_space<semaphore_mem>>
    %dma_start3A_88 = arith.constant 0 : i32
    %dma_start3A_89 = tpu.memref_slice %arg4[%add3A_77, %dma_start3A_88] : memref<57344x1792xf32, #tpu.memory_space<hbm>> -> memref<8x1792xf32, #tpu.memory_space<hbm>>
    %dma_start3A_90 = arith.constant 0 : i32
    %dma_start3A_91 = arith.constant 0 : i32
    %dma_start3A_92 = tpu.memref_slice %arg6[%dma_start3A_78, %dma_start3A_90, %dma_start3A_91] : memref<8x8x1792xf32, #tpu.memory_space<vmem>> -> memref<1x8x1792xf32, #tpu.memory_space<vmem>>
    %dma_start3A_93 = tpu.memref_squeeze %dma_start3A_92 : memref<1x8x1792xf32, #tpu.memory_space<vmem>> -> memref<8x1792xf32, #tpu.memory_space<vmem>>
    tpu.enqueue_dma source(%dma_start3A_93 : memref<8x1792xf32, #tpu.memory_space<vmem>>) target(%dma_start3A_89 : memref<8x1792xf32, #tpu.memory_space<hbm>>) target_semaphore(%dma_start3A_87 : memref<!tpu.dma_semaphore, #tpu.memory_space<semaphore_mem>>)
    %dma_start3A_94 = arith.constant 0 : i32
    %dma_start3A_95 = arith.constant 4 : i32
    %dma_start3A_96 = arith.constant 4 : i32
    %dma_start3A_97 = arith.constant 0 : i32
    %dma_start3A_98 = arith.constant 0 : i32
    %dma_start3A_99 = tpu.memref_slice %arg6[%dma_start3A_95, %dma_start3A_97, %dma_start3A_98] : memref<8x8x1792xf32, #tpu.memory_space<vmem>> -> memref<1x8x1792xf32, #tpu.memory_space<vmem>>
    %dma_start3A_100 = tpu.memref_squeeze %dma_start3A_99 : memref<1x8x1792xf32, #tpu.memory_space<vmem>> -> memref<8x1792xf32, #tpu.memory_space<vmem>>
    %dma_start3A_101 = arith.constant 32 : i32
    %dma_start3A_102 = tpu.memref_slice %arg5[%dma_start3A_94, %dma_start3A_101] : memref<14x128xi32, #tpu.memory_space<vmem>> -> memref<1x8xi32, #tpu.memory_space<vmem>>
    %dma_start3A_103 = tpu.memref_squeeze %dma_start3A_102 : memref<1x8xi32, #tpu.memory_space<vmem>> -> memref<8xi32, #tpu.memory_space<vmem>>
    %dma_start3A_104 = arith.constant 0 : i32
    %dma_start3A_105 = arith.constant 0 : i32
    %dma_start3A_106 = tpu.memref_slice %arg2[%dma_start3A_104, %dma_start3A_105] : memref<23236x1792xf32, #tpu.memory_space<hbm>> -> memref<23236x1792xf32, #tpu.memory_space<hbm>>
    %dma_start3A_107 = tpu.memref_slice %arg7[%dma_start3A_96] : memref<8x!tpu.dma_semaphore, #tpu.memory_space<semaphore_mem>> -> memref<1x!tpu.dma_semaphore, #tpu.memory_space<semaphore_mem>>
    %dma_start3A_108 = tpu.memref_squeeze %dma_start3A_107 : memref<1x!tpu.dma_semaphore, #tpu.memory_space<semaphore_mem>> -> memref<!tpu.dma_semaphore, #tpu.memory_space<semaphore_mem>>
    tpu.enqueue_indirect_dma source(%dma_start3A_106 : memref<23236x1792xf32, #tpu.memory_space<hbm>>) target(%dma_start3A_100 : memref<8x1792xf32, #tpu.memory_space<vmem>>) offsets(%dma_start3A_103 : memref<8xi32, #tpu.memory_space<vmem>>) semaphore(%dma_start3A_108 : memref<!tpu.dma_semaphore, #tpu.memory_space<semaphore_mem>>)
    %dma_wait3A_109 = arith.constant 0 : i32
    %dma_wait3A_110 = arith.constant 1 : i32
    %dma_wait3A_111 = arith.constant 1 : i32
    %dma_wait3A_112 = arith.constant 0 : i32
    %dma_wait3A_113 = arith.constant 0 : i32
    %dma_wait3A_114 = tpu.memref_slice %arg6[%dma_wait3A_110, %dma_wait3A_112, %dma_wait3A_113] : memref<8x8x1792xf32, #tpu.memory_space<vmem>> -> memref<1x8x1792xf32, #tpu.memory_space<vmem>>
    %dma_wait3A_115 = tpu.memref_squeeze %dma_wait3A_114 : memref<1x8x1792xf32, #tpu.memory_space<vmem>> -> memref<8x1792xf32, #tpu.memory_space<vmem>>
    %dma_wait3A_116 = arith.constant 0 : i32
    %dma_wait3A_117 = tpu.memref_slice %arg5[%dma_wait3A_109, %dma_wait3A_116] : memref<14x128xi32, #tpu.memory_space<vmem>> -> memref<1x8xi32, #tpu.memory_space<vmem>>
    %dma_wait3A_118 = tpu.memref_squeeze %dma_wait3A_117 : memref<1x8xi32, #tpu.memory_space<vmem>> -> memref<8xi32, #tpu.memory_space<vmem>>
    %dma_wait3A_119 = arith.constant 0 : i32
    %dma_wait3A_120 = arith.constant 0 : i32
    %dma_wait3A_121 = tpu.memref_slice %arg2[%dma_wait3A_119, %dma_wait3A_120] : memref<23236x1792xf32, #tpu.memory_space<hbm>> -> memref<23236x1792xf32, #tpu.memory_space<hbm>>
    %dma_wait3A_122 = tpu.memref_slice %arg7[%dma_wait3A_111] : memref<8x!tpu.dma_semaphore, #tpu.memory_space<semaphore_mem>> -> memref<1x!tpu.dma_semaphore, #tpu.memory_space<semaphore_mem>>
    %dma_wait3A_123 = tpu.memref_squeeze %dma_wait3A_122 : memref<1x!tpu.dma_semaphore, #tpu.memory_space<semaphore_mem>> -> memref<!tpu.dma_semaphore, #tpu.memory_space<semaphore_mem>>
    tpu.wait_indirect_dma semaphore(%dma_wait3A_123 : memref<!tpu.dma_semaphore, #tpu.memory_space<semaphore_mem>>) src(%dma_wait3A_121 : memref<23236x1792xf32, #tpu.memory_space<hbm>>) dst(%dma_wait3A_115 : memref<8x1792xf32, #tpu.memory_space<vmem>>)
    %add3A_124 = arith.constant 8 : i32
    %add3A_125 = arith.addi %mul3A_2, %add3A_124 : i32
    %dma_start3A_126 = arith.constant 1 : i32
    %dma_start3A_127 = arith.constant 1 : i32
    %dma_start3A_128 = arith.constant 0 : i32
    %dma_start3A_129 = arith.constant 0 : i32
    %dma_start3A_130 = tpu.memref_slice %arg6[%dma_start3A_126, %dma_start3A_128, %dma_start3A_129] : memref<8x8x1792xf32, #tpu.memory_space<vmem>> -> memref<1x8x1792xf32, #tpu.memory_space<vmem>>
    %dma_start3A_131 = tpu.memref_squeeze %dma_start3A_130 : memref<1x8x1792xf32, #tpu.memory_space<vmem>> -> memref<8x1792xf32, #tpu.memory_space<vmem>>
    %dma_start3A_132 = arith.constant 0 : i32
    %dma_start3A_133 = tpu.memref_slice %arg4[%add3A_125, %dma_start3A_132] : memref<57344x1792xf32, #tpu.memory_space<hbm>> -> memref<8x1792xf32, #tpu.memory_space<hbm>>
    %dma_start3A_134 = tpu.memref_slice %arg8[%dma_start3A_127] : memref<8x!tpu.dma_semaphore, #tpu.memory_space<semaphore_mem>> -> memref<1x!tpu.dma_semaphore, #tpu.memory_space<semaphore_mem>>
    %dma_start3A_135 = tpu.memref_squeeze %dma_start3A_134 : memref<1x!tpu.dma_semaphore, #tpu.memory_space<semaphore_mem>> -> memref<!tpu.dma_semaphore, #tpu.memory_space<semaphore_mem>>
    %dma_start3A_136 = arith.constant 0 : i32
    %dma_start3A_137 = tpu.memref_slice %arg4[%add3A_125, %dma_start3A_136] : memref<57344x1792xf32, #tpu.memory_space<hbm>> -> memref<8x1792xf32, #tpu.memory_space<hbm>>
    %dma_start3A_138 = arith.constant 0 : i32
    %dma_start3A_139 = arith.constant 0 : i32
    %dma_start3A_140 = tpu.memref_slice %arg6[%dma_start3A_126, %dma_start3A_138, %dma_start3A_139] : memref<8x8x1792xf32, #tpu.memory_space<vmem>> -> memref<1x8x1792xf32, #tpu.memory_space<vmem>>
    %dma_start3A_141 = tpu.memref_squeeze %dma_start3A_140 : memref<1x8x1792xf32, #tpu.memory_space<vmem>> -> memref<8x1792xf32, #tpu.memory_space<vmem>>
    tpu.enqueue_dma source(%dma_start3A_141 : memref<8x1792xf32, #tpu.memory_space<vmem>>) target(%dma_start3A_137 : memref<8x1792xf32, #tpu.memory_space<hbm>>) target_semaphore(%dma_start3A_135 : memref<!tpu.dma_semaphore, #tpu.memory_space<semaphore_mem>>)
    %dma_start3A_142 = arith.constant 0 : i32
    %dma_start3A_143 = arith.constant 5 : i32
    %dma_start3A_144 = arith.constant 5 : i32
    %dma_start3A_145 = arith.constant 0 : i32
    %dma_start3A_146 = arith.constant 0 : i32
    %dma_start3A_147 = tpu.memref_slice %arg6[%dma_start3A_143, %dma_start3A_145, %dma_start3A_146] : memref<8x8x1792xf32, #tpu.memory_space<vmem>> -> memref<1x8x1792xf32, #tpu.memory_space<vmem>>
    %dma_start3A_148 = tpu.memref_squeeze %dma_start3A_147 : memref<1x8x1792xf32, #tpu.memory_space<vmem>> -> memref<8x1792xf32, #tpu.memory_space<vmem>>
    %dma_start3A_149 = arith.constant 40 : i32
    %dma_start3A_150 = tpu.memref_slice %arg5[%dma_start3A_142, %dma_start3A_149] : memref<14x128xi32, #tpu.memory_space<vmem>> -> memref<1x8xi32, #tpu.memory_space<vmem>>
    %dma_start3A_151 = tpu.memref_squeeze %dma_start3A_150 : memref<1x8xi32, #tpu.memory_space<vmem>> -> memref<8xi32, #tpu.memory_space<vmem>>
    %dma_start3A_152 = arith.constant 0 : i32
    %dma_start3A_153 = arith.constant 0 : i32
    %dma_start3A_154 = tpu.memref_slice %arg2[%dma_start3A_152, %dma_start3A_153] : memref<23236x1792xf32, #tpu.memory_space<hbm>> -> memref<23236x1792xf32, #tpu.memory_space<hbm>>
    %dma_start3A_155 = tpu.memref_slice %arg7[%dma_start3A_144] : memref<8x!tpu.dma_semaphore, #tpu.memory_space<semaphore_mem>> -> memref<1x!tpu.dma_semaphore, #tpu.memory_space<semaphore_mem>>
    %dma_start3A_156 = tpu.memref_squeeze %dma_start3A_155 : memref<1x!tpu.dma_semaphore, #tpu.memory_space<semaphore_mem>> -> memref<!tpu.dma_semaphore, #tpu.memory_space<semaphore_mem>>
    tpu.enqueue_indirect_dma source(%dma_start3A_154 : memref<23236x1792xf32, #tpu.memory_space<hbm>>) target(%dma_start3A_148 : memref<8x1792xf32, #tpu.memory_space<vmem>>) offsets(%dma_start3A_151 : memref<8xi32, #tpu.memory_space<vmem>>) semaphore(%dma_start3A_156 : memref<!tpu.dma_semaphore, #tpu.memory_space<semaphore_mem>>)
    %dma_wait3A_157 = arith.constant 0 : i32
    %dma_wait3A_158 = arith.constant 2 : i32
    %dma_wait3A_159 = arith.constant 2 : i32
    %dma_wait3A_160 = arith.constant 0 : i32
    %dma_wait3A_161 = arith.constant 0 : i32
    %dma_wait3A_162 = tpu.memref_slice %arg6[%dma_wait3A_158, %dma_wait3A_160, %dma_wait3A_161] : memref<8x8x1792xf32, #tpu.memory_space<vmem>> -> memref<1x8x1792xf32, #tpu.memory_space<vmem>>
    %dma_wait3A_163 = tpu.memref_squeeze %dma_wait3A_162 : memref<1x8x1792xf32, #tpu.memory_space<vmem>> -> memref<8x1792xf32, #tpu.memory_space<vmem>>
    %dma_wait3A_164 = arith.constant 0 : i32
    %dma_wait3A_165 = tpu.memref_slice %arg5[%dma_wait3A_157, %dma_wait3A_164] : memref<14x128xi32, #tpu.memory_space<vmem>> -> memref<1x8xi32, #tpu.memory_space<vmem>>
    %dma_wait3A_166 = tpu.memref_squeeze %dma_wait3A_165 : memref<1x8xi32, #tpu.memory_space<vmem>> -> memref<8xi32, #tpu.memory_space<vmem>>
    %dma_wait3A_167 = arith.constant 0 : i32
    %dma_wait3A_168 = arith.constant 0 : i32
    %dma_wait3A_169 = tpu.memref_slice %arg2[%dma_wait3A_167, %dma_wait3A_168] : memref<23236x1792xf32, #tpu.memory_space<hbm>> -> memref<23236x1792xf32, #tpu.memory_space<hbm>>
    %dma_wait3A_170 = tpu.memref_slice %arg7[%dma_wait3A_159] : memref<8x!tpu.dma_semaphore, #tpu.memory_space<semaphore_mem>> -> memref<1x!tpu.dma_semaphore, #tpu.memory_space<semaphore_mem>>
    %dma_wait3A_171 = tpu.memref_squeeze %dma_wait3A_170 : memref<1x!tpu.dma_semaphore, #tpu.memory_space<semaphore_mem>> -> memref<!tpu.dma_semaphore, #tpu.memory_space<semaphore_mem>>
    tpu.wait_indirect_dma semaphore(%dma_wait3A_171 : memref<!tpu.dma_semaphore, #tpu.memory_space<semaphore_mem>>) src(%dma_wait3A_169 : memref<23236x1792xf32, #tpu.memory_space<hbm>>) dst(%dma_wait3A_163 : memref<8x1792xf32, #tpu.memory_space<vmem>>)
    %add3A_172 = arith.constant 16 : i32
    %add3A_173 = arith.addi %mul3A_2, %add3A_172 : i32
    %dma_start3A_174 = arith.constant 2 : i32
    %dma_start3A_175 = arith.constant 2 : i32
    %dma_start3A_176 = arith.constant 0 : i32
    %dma_start3A_177 = arith.constant 0 : i32
    %dma_start3A_178 = tpu.memref_slice %arg6[%dma_start3A_174, %dma_start3A_176, %dma_start3A_177] : memref<8x8x1792xf32, #tpu.memory_space<vmem>> -> memref<1x8x1792xf32, #tpu.memory_space<vmem>>
    %dma_start3A_179 = tpu.memref_squeeze %dma_start3A_178 : memref<1x8x1792xf32, #tpu.memory_space<vmem>> -> memref<8x1792xf32, #tpu.memory_space<vmem>>
    %dma_start3A_180 = arith.constant 0 : i32
    %dma_start3A_181 = tpu.memref_slice %arg4[%add3A_173, %dma_start3A_180] : memref<57344x1792xf32, #tpu.memory_space<hbm>> -> memref<8x1792xf32, #tpu.memory_space<hbm>>
    %dma_start3A_182 = tpu.memref_slice %arg8[%dma_start3A_175] : memref<8x!tpu.dma_semaphore, #tpu.memory_space<semaphore_mem>> -> memref<1x!tpu.dma_semaphore, #tpu.memory_space<semaphore_mem>>
    %dma_start3A_183 = tpu.memref_squeeze %dma_start3A_182 : memref<1x!tpu.dma_semaphore, #tpu.memory_space<semaphore_mem>> -> memref<!tpu.dma_semaphore, #tpu.memory_space<semaphore_mem>>
    %dma_start3A_184 = arith.constant 0 : i32
    %dma_start3A_185 = tpu.memref_slice %arg4[%add3A_173, %dma_start3A_184] : memref<57344x1792xf32, #tpu.memory_space<hbm>> -> memref<8x1792xf32, #tpu.memory_space<hbm>>
    %dma_start3A_186 = arith.constant 0 : i32
    %dma_start3A_187 = arith.constant 0 : i32
    %dma_start3A_188 = tpu.memref_slice %arg6[%dma_start3A_174, %dma_start3A_186, %dma_start3A_187] : memref<8x8x1792xf32, #tpu.memory_space<vmem>> -> memref<1x8x1792xf32, #tpu.memory_space<vmem>>
    %dma_start3A_189 = tpu.memref_squeeze %dma_start3A_188 : memref<1x8x1792xf32, #tpu.memory_space<vmem>> -> memref<8x1792xf32, #tpu.memory_space<vmem>>
    tpu.enqueue_dma source(%dma_start3A_189 : memref<8x1792xf32, #tpu.memory_space<vmem>>) target(%dma_start3A_185 : memref<8x1792xf32, #tpu.memory_space<hbm>>) target_semaphore(%dma_start3A_183 : memref<!tpu.dma_semaphore, #tpu.memory_space<semaphore_mem>>)
    %dma_start3A_190 = arith.constant 0 : i32
    %dma_start3A_191 = arith.constant 6 : i32
    %dma_start3A_192 = arith.constant 6 : i32
    %dma_start3A_193 = arith.constant 0 : i32
    %dma_start3A_194 = arith.constant 0 : i32
    %dma_start3A_195 = tpu.memref_slice %arg6[%dma_start3A_191, %dma_start3A_193, %dma_start3A_194] : memref<8x8x1792xf32, #tpu.memory_space<vmem>> -> memref<1x8x1792xf32, #tpu.memory_space<vmem>>
    %dma_start3A_196 = tpu.memref_squeeze %dma_start3A_195 : memref<1x8x1792xf32, #tpu.memory_space<vmem>> -> memref<8x1792xf32, #tpu.memory_space<vmem>>
    %dma_start3A_197 = arith.constant 48 : i32
    %dma_start3A_198 = tpu.memref_slice %arg5[%dma_start3A_190, %dma_start3A_197] : memref<14x128xi32, #tpu.memory_space<vmem>> -> memref<1x8xi32, #tpu.memory_space<vmem>>
    %dma_start3A_199 = tpu.memref_squeeze %dma_start3A_198 : memref<1x8xi32, #tpu.memory_space<vmem>> -> memref<8xi32, #tpu.memory_space<vmem>>
    %dma_start3A_200 = arith.constant 0 : i32
    %dma_start3A_201 = arith.constant 0 : i32
    %dma_start3A_202 = tpu.memref_slice %arg2[%dma_start3A_200, %dma_start3A_201] : memref<23236x1792xf32, #tpu.memory_space<hbm>> -> memref<23236x1792xf32, #tpu.memory_space<hbm>>
    %dma_start3A_203 = tpu.memref_slice %arg7[%dma_start3A_192] : memref<8x!tpu.dma_semaphore, #tpu.memory_space<semaphore_mem>> -> memref<1x!tpu.dma_semaphore, #tpu.memory_space<semaphore_mem>>
    %dma_start3A_204 = tpu.memref_squeeze %dma_start3A_203 : memref<1x!tpu.dma_semaphore, #tpu.memory_space<semaphore_mem>> -> memref<!tpu.dma_semaphore, #tpu.memory_space<semaphore_mem>>
    tpu.enqueue_indirect_dma source(%dma_start3A_202 : memref<23236x1792xf32, #tpu.memory_space<hbm>>) target(%dma_start3A_196 : memref<8x1792xf32, #tpu.memory_space<vmem>>) offsets(%dma_start3A_199 : memref<8xi32, #tpu.memory_space<vmem>>) semaphore(%dma_start3A_204 : memref<!tpu.dma_semaphore, #tpu.memory_space<semaphore_mem>>)
    %dma_wait3A_205 = arith.constant 0 : i32
    %dma_wait3A_206 = arith.constant 3 : i32
    %dma_wait3A_207 = arith.constant 3 : i32
    %dma_wait3A_208 = arith.constant 0 : i32
    %dma_wait3A_209 = arith.constant 0 : i32
    %dma_wait3A_210 = tpu.memref_slice %arg6[%dma_wait3A_206, %dma_wait3A_208, %dma_wait3A_209] : memref<8x8x1792xf32, #tpu.memory_space<vmem>> -> memref<1x8x1792xf32, #tpu.memory_space<vmem>>
    %dma_wait3A_211 = tpu.memref_squeeze %dma_wait3A_210 : memref<1x8x1792xf32, #tpu.memory_space<vmem>> -> memref<8x1792xf32, #tpu.memory_space<vmem>>
    %dma_wait3A_212 = arith.constant 0 : i32
    %dma_wait3A_213 = tpu.memref_slice %arg5[%dma_wait3A_205, %dma_wait3A_212] : memref<14x128xi32, #tpu.memory_space<vmem>> -> memref<1x8xi32, #tpu.memory_space<vmem>>
    %dma_wait3A_214 = tpu.memref_squeeze %dma_wait3A_213 : memref<1x8xi32, #tpu.memory_space<vmem>> -> memref<8xi32, #tpu.memory_space<vmem>>
    %dma_wait3A_215 = arith.constant 0 : i32
    %dma_wait3A_216 = arith.constant 0 : i32
    %dma_wait3A_217 = tpu.memref_slice %arg2[%dma_wait3A_215, %dma_wait3A_216] : memref<23236x1792xf32, #tpu.memory_space<hbm>> -> memref<23236x1792xf32, #tpu.memory_space<hbm>>
    %dma_wait3A_218 = tpu.memref_slice %arg7[%dma_wait3A_207] : memref<8x!tpu.dma_semaphore, #tpu.memory_space<semaphore_mem>> -> memref<1x!tpu.dma_semaphore, #tpu.memory_space<semaphore_mem>>
    %dma_wait3A_219 = tpu.memref_squeeze %dma_wait3A_218 : memref<1x!tpu.dma_semaphore, #tpu.memory_space<semaphore_mem>> -> memref<!tpu.dma_semaphore, #tpu.memory_space<semaphore_mem>>
    tpu.wait_indirect_dma semaphore(%dma_wait3A_219 : memref<!tpu.dma_semaphore, #tpu.memory_space<semaphore_mem>>) src(%dma_wait3A_217 : memref<23236x1792xf32, #tpu.memory_space<hbm>>) dst(%dma_wait3A_211 : memref<8x1792xf32, #tpu.memory_space<vmem>>)
    %add3A_220 = arith.constant 24 : i32
    %add3A_221 = arith.addi %mul3A_2, %add3A_220 : i32
    %dma_start3A_222 = arith.constant 3 : i32
    %dma_start3A_223 = arith.constant 3 : i32
    %dma_start3A_224 = arith.constant 0 : i32
    %dma_start3A_225 = arith.constant 0 : i32
    %dma_start3A_226 = tpu.memref_slice %arg6[%dma_start3A_222, %dma_start3A_224, %dma_start3A_225] : memref<8x8x1792xf32, #tpu.memory_space<vmem>> -> memref<1x8x1792xf32, #tpu.memory_space<vmem>>
    %dma_start3A_227 = tpu.memref_squeeze %dma_start3A_226 : memref<1x8x1792xf32, #tpu.memory_space<vmem>> -> memref<8x1792xf32, #tpu.memory_space<vmem>>
    %dma_start3A_228 = arith.constant 0 : i32
    %dma_start3A_229 = tpu.memref_slice %arg4[%add3A_221, %dma_start3A_228] : memref<57344x1792xf32, #tpu.memory_space<hbm>> -> memref<8x1792xf32, #tpu.memory_space<hbm>>
    %dma_start3A_230 = tpu.memref_slice %arg8[%dma_start3A_223] : memref<8x!tpu.dma_semaphore, #tpu.memory_space<semaphore_mem>> -> memref<1x!tpu.dma_semaphore, #tpu.memory_space<semaphore_mem>>
    %dma_start3A_231 = tpu.memref_squeeze %dma_start3A_230 : memref<1x!tpu.dma_semaphore, #tpu.memory_space<semaphore_mem>> -> memref<!tpu.dma_semaphore, #tpu.memory_space<semaphore_mem>>
    %dma_start3A_232 = arith.constant 0 : i32
    %dma_start3A_233 = tpu.memref_slice %arg4[%add3A_221, %dma_start3A_232] : memref<57344x1792xf32, #tpu.memory_space<hbm>> -> memref<8x1792xf32, #tpu.memory_space<hbm>>
    %dma_start3A_234 = arith.constant 0 : i32
    %dma_start3A_235 = arith.constant 0 : i32
    %dma_start3A_236 = tpu.memref_slice %arg6[%dma_start3A_222, %dma_start3A_234, %dma_start3A_235] : memref<8x8x1792xf32, #tpu.memory_space<vmem>> -> memref<1x8x1792xf32, #tpu.memory_space<vmem>>
    %dma_start3A_237 = tpu.memref_squeeze %dma_start3A_236 : memref<1x8x1792xf32, #tpu.memory_space<vmem>> -> memref<8x1792xf32, #tpu.memory_space<vmem>>
    tpu.enqueue_dma source(%dma_start3A_237 : memref<8x1792xf32, #tpu.memory_space<vmem>>) target(%dma_start3A_233 : memref<8x1792xf32, #tpu.memory_space<hbm>>) target_semaphore(%dma_start3A_231 : memref<!tpu.dma_semaphore, #tpu.memory_space<semaphore_mem>>)
    %dma_start3A_238 = arith.constant 0 : i32
    %dma_start3A_239 = arith.constant 7 : i32
    %dma_start3A_240 = arith.constant 7 : i32
    %dma_start3A_241 = arith.constant 0 : i32
    %dma_start3A_242 = arith.constant 0 : i32
    %dma_start3A_243 = tpu.memref_slice %arg6[%dma_start3A_239, %dma_start3A_241, %dma_start3A_242] : memref<8x8x1792xf32, #tpu.memory_space<vmem>> -> memref<1x8x1792xf32, #tpu.memory_space<vmem>>
    %dma_start3A_244 = tpu.memref_squeeze %dma_start3A_243 : memref<1x8x1792xf32, #tpu.memory_space<vmem>> -> memref<8x1792xf32, #tpu.memory_space<vmem>>
    %dma_start3A_245 = arith.constant 56 : i32
    %dma_start3A_246 = tpu.memref_slice %arg5[%dma_start3A_238, %dma_start3A_245] : memref<14x128xi32, #tpu.memory_space<vmem>> -> memref<1x8xi32, #tpu.memory_space<vmem>>
    %dma_start3A_247 = tpu.memref_squeeze %dma_start3A_246 : memref<1x8xi32, #tpu.memory_space<vmem>> -> memref<8xi32, #tpu.memory_space<vmem>>
    %dma_start3A_248 = arith.constant 0 : i32
    %dma_start3A_249 = arith.constant 0 : i32
    %dma_start3A_250 = tpu.memref_slice %arg2[%dma_start3A_248, %dma_start3A_249] : memref<23236x1792xf32, #tpu.memory_space<hbm>> -> memref<23236x1792xf32, #tpu.memory_space<hbm>>
    %dma_start3A_251 = tpu.memref_slice %arg7[%dma_start3A_240] : memref<8x!tpu.dma_semaphore, #tpu.memory_space<semaphore_mem>> -> memref<1x!tpu.dma_semaphore, #tpu.memory_space<semaphore_mem>>
    %dma_start3A_252 = tpu.memref_squeeze %dma_start3A_251 : memref<1x!tpu.dma_semaphore, #tpu.memory_space<semaphore_mem>> -> memref<!tpu.dma_semaphore, #tpu.memory_space<semaphore_mem>>
    tpu.enqueue_indirect_dma source(%dma_start3A_250 : memref<23236x1792xf32, #tpu.memory_space<hbm>>) target(%dma_start3A_244 : memref<8x1792xf32, #tpu.memory_space<vmem>>) offsets(%dma_start3A_247 : memref<8xi32, #tpu.memory_space<vmem>>) semaphore(%dma_start3A_252 : memref<!tpu.dma_semaphore, #tpu.memory_space<semaphore_mem>>)
    %dma_wait3A_253 = arith.constant 0 : i32
    %dma_wait3A_254 = arith.constant 4 : i32
    %dma_wait3A_255 = arith.constant 4 : i32
    %dma_wait3A_256 = arith.constant 0 : i32
    %dma_wait3A_257 = arith.constant 0 : i32
    %dma_wait3A_258 = tpu.memref_slice %arg6[%dma_wait3A_254, %dma_wait3A_256, %dma_wait3A_257] : memref<8x8x1792xf32, #tpu.memory_space<vmem>> -> memref<1x8x1792xf32, #tpu.memory_space<vmem>>
    %dma_wait3A_259 = tpu.memref_squeeze %dma_wait3A_258 : memref<1x8x1792xf32, #tpu.memory_space<vmem>> -> memref<8x1792xf32, #tpu.memory_space<vmem>>
    %dma_wait3A_260 = arith.constant 0 : i32
    %dma_wait3A_261 = tpu.memref_slice %arg5[%dma_wait3A_253, %dma_wait3A_260] : memref<14x128xi32, #tpu.memory_space<vmem>> -> memref<1x8xi32, #tpu.memory_space<vmem>>
    %dma_wait3A_262 = tpu.memref_squeeze %dma_wait3A_261 : memref<1x8xi32, #tpu.memory_space<vmem>> -> memref<8xi32, #tpu.memory_space<vmem>>
    %dma_wait3A_263 = arith.constant 0 : i32
    %dma_wait3A_264 = arith.constant 0 : i32
    %dma_wait3A_265 = tpu.memref_slice %arg2[%dma_wait3A_263, %dma_wait3A_264] : memref<23236x1792xf32, #tpu.memory_space<hbm>> -> memref<23236x1792xf32, #tpu.memory_space<hbm>>
    %dma_wait3A_266 = tpu.memref_slice %arg7[%dma_wait3A_255] : memref<8x!tpu.dma_semaphore, #tpu.memory_space<semaphore_mem>> -> memref<1x!tpu.dma_semaphore, #tpu.memory_space<semaphore_mem>>
    %dma_wait3A_267 = tpu.memref_squeeze %dma_wait3A_266 : memref<1x!tpu.dma_semaphore, #tpu.memory_space<semaphore_mem>> -> memref<!tpu.dma_semaphore, #tpu.memory_space<semaphore_mem>>
    tpu.wait_indirect_dma semaphore(%dma_wait3A_267 : memref<!tpu.dma_semaphore, #tpu.memory_space<semaphore_mem>>) src(%dma_wait3A_265 : memref<23236x1792xf32, #tpu.memory_space<hbm>>) dst(%dma_wait3A_259 : memref<8x1792xf32, #tpu.memory_space<vmem>>)
    %add3A_268 = arith.constant 32 : i32
    %add3A_269 = arith.addi %mul3A_2, %add3A_268 : i32
    %dma_start3A_270 = arith.constant 4 : i32
    %dma_start3A_271 = arith.constant 4 : i32
    %dma_start3A_272 = arith.constant 0 : i32
    %dma_start3A_273 = arith.constant 0 : i32
    %dma_start3A_274 = tpu.memref_slice %arg6[%dma_start3A_270, %dma_start3A_272, %dma_start3A_273] : memref<8x8x1792xf32, #tpu.memory_space<vmem>> -> memref<1x8x1792xf32, #tpu.memory_space<vmem>>
    %dma_start3A_275 = tpu.memref_squeeze %dma_start3A_274 : memref<1x8x1792xf32, #tpu.memory_space<vmem>> -> memref<8x1792xf32, #tpu.memory_space<vmem>>
    %dma_start3A_276 = arith.constant 0 : i32
    %dma_start3A_277 = tpu.memref_slice %arg4[%add3A_269, %dma_start3A_276] : memref<57344x1792xf32, #tpu.memory_space<hbm>> -> memref<8x1792xf32, #tpu.memory_space<hbm>>
    %dma_start3A_278 = tpu.memref_slice %arg8[%dma_start3A_271] : memref<8x!tpu.dma_semaphore, #tpu.memory_space<semaphore_mem>> -> memref<1x!tpu.dma_semaphore, #tpu.memory_space<semaphore_mem>>
    %dma_start3A_279 = tpu.memref_squeeze %dma_start3A_278 : memref<1x!tpu.dma_semaphore, #tpu.memory_space<semaphore_mem>> -> memref<!tpu.dma_semaphore, #tpu.memory_space<semaphore_mem>>
    %dma_start3A_280 = arith.constant 0 : i32
    %dma_start3A_281 = tpu.memref_slice %arg4[%add3A_269, %dma_start3A_280] : memref<57344x1792xf32, #tpu.memory_space<hbm>> -> memref<8x1792xf32, #tpu.memory_space<hbm>>
    %dma_start3A_282 = arith.constant 0 : i32
    %dma_start3A_283 = arith.constant 0 : i32
    %dma_start3A_284 = tpu.memref_slice %arg6[%dma_start3A_270, %dma_start3A_282, %dma_start3A_283] : memref<8x8x1792xf32, #tpu.memory_space<vmem>> -> memref<1x8x1792xf32, #tpu.memory_space<vmem>>
    %dma_start3A_285 = tpu.memref_squeeze %dma_start3A_284 : memref<1x8x1792xf32, #tpu.memory_space<vmem>> -> memref<8x1792xf32, #tpu.memory_space<vmem>>
    tpu.enqueue_dma source(%dma_start3A_285 : memref<8x1792xf32, #tpu.memory_space<vmem>>) target(%dma_start3A_281 : memref<8x1792xf32, #tpu.memory_space<hbm>>) target_semaphore(%dma_start3A_279 : memref<!tpu.dma_semaphore, #tpu.memory_space<semaphore_mem>>)
    %add3A_286 = arith.constant 0 : i32
    %add3A_287 = arith.addi %mul3A_2, %add3A_286 : i32
    %dma_wait3A_288 = arith.constant 0 : i32
    %dma_wait3A_289 = arith.constant 0 : i32
    %dma_wait3A_290 = arith.constant 0 : i32
    %dma_wait3A_291 = arith.constant 0 : i32
    %dma_wait3A_292 = tpu.memref_slice %arg6[%dma_wait3A_288, %dma_wait3A_290, %dma_wait3A_291] : memref<8x8x1792xf32, #tpu.memory_space<vmem>> -> memref<1x8x1792xf32, #tpu.memory_space<vmem>>
    %dma_wait3A_293 = tpu.memref_squeeze %dma_wait3A_292 : memref<1x8x1792xf32, #tpu.memory_space<vmem>> -> memref<8x1792xf32, #tpu.memory_space<vmem>>
    %dma_wait3A_294 = arith.constant 0 : i32
    %dma_wait3A_295 = tpu.memref_slice %arg4[%add3A_287, %dma_wait3A_294] : memref<57344x1792xf32, #tpu.memory_space<hbm>> -> memref<8x1792xf32, #tpu.memory_space<hbm>>
    %dma_wait3A_296 = tpu.memref_slice %arg8[%dma_wait3A_289] : memref<8x!tpu.dma_semaphore, #tpu.memory_space<semaphore_mem>> -> memref<1x!tpu.dma_semaphore, #tpu.memory_space<semaphore_mem>>
    %dma_wait3A_297 = tpu.memref_squeeze %dma_wait3A_296 : memref<1x!tpu.dma_semaphore, #tpu.memory_space<semaphore_mem>> -> memref<!tpu.dma_semaphore, #tpu.memory_space<semaphore_mem>>
    %dma_wait3A_298 = arith.constant 0 : i32
    %dma_wait3A_299 = tpu.memref_slice %arg4[%add3A_287, %dma_wait3A_298] : memref<57344x1792xf32, #tpu.memory_space<hbm>> -> memref<8x1792xf32, #tpu.memory_space<hbm>>
    %dma_wait3A_300 = arith.constant 0 : i32
    %dma_wait3A_301 = arith.constant 0 : i32
    %dma_wait3A_302 = tpu.memref_slice %arg6[%dma_wait3A_288, %dma_wait3A_300, %dma_wait3A_301] : memref<8x8x1792xf32, #tpu.memory_space<vmem>> -> memref<1x8x1792xf32, #tpu.memory_space<vmem>>
    %dma_wait3A_303 = tpu.memref_squeeze %dma_wait3A_302 : memref<1x8x1792xf32, #tpu.memory_space<vmem>> -> memref<8x1792xf32, #tpu.memory_space<vmem>>
    tpu.wait_dma2 semaphore(%dma_wait3A_297 : memref<!tpu.dma_semaphore, #tpu.memory_space<semaphore_mem>>) src(%dma_wait3A_303 : memref<8x1792xf32, #tpu.memory_space<vmem>>) dst(%dma_wait3A_299 : memref<8x1792xf32, #tpu.memory_space<hbm>>)
    %dma_start3A_304 = arith.constant 0 : i32
    %dma_start3A_305 = arith.constant 0 : i32
    %dma_start3A_306 = arith.constant 0 : i32
    %dma_start3A_307 = arith.constant 0 : i32
    %dma_start3A_308 = arith.constant 0 : i32
    %dma_start3A_309 = tpu.memref_slice %arg6[%dma_start3A_305, %dma_start3A_307, %dma_start3A_308] : memref<8x8x1792xf32, #tpu.memory_space<vmem>> -> memref<1x8x1792xf32, #tpu.memory_space<vmem>>
    %dma_start3A_310 = tpu.memref_squeeze %dma_start3A_309 : memref<1x8x1792xf32, #tpu.memory_space<vmem>> -> memref<8x1792xf32, #tpu.memory_space<vmem>>
    %dma_start3A_311 = arith.constant 64 : i32
    %dma_start3A_312 = tpu.memref_slice %arg5[%dma_start3A_304, %dma_start3A_311] : memref<14x128xi32, #tpu.memory_space<vmem>> -> memref<1x8xi32, #tpu.memory_space<vmem>>
    %dma_start3A_313 = tpu.memref_squeeze %dma_start3A_312 : memref<1x8xi32, #tpu.memory_space<vmem>> -> memref<8xi32, #tpu.memory_space<vmem>>
    %dma_start3A_314 = arith.constant 0 : i32
    %dma_start3A_315 = arith.constant 0 : i32
    %dma_start3A_316 = tpu.memref_slice %arg2[%dma_start3A_314, %dma_start3A_315] : memref<23236x1792xf32, #tpu.memory_space<hbm>> -> memref<23236x1792xf32, #tpu.memory_space<hbm>>
    %dma_start3A_317 = tpu.memref_slice %arg7[%dma_start3A_306] : memref<8x!tpu.dma_semaphore, #tpu.memory_space<semaphore_mem>> -> memref<1x!tpu.dma_semaphore, #tpu.memory_space<semaphore_mem>>
    %dma_start3A_318 = tpu.memref_squeeze %dma_start3A_317 : memref<1x!tpu.dma_semaphore, #tpu.memory_space<semaphore_mem>> -> memref<!tpu.dma_semaphore, #tpu.memory_space<semaphore_mem>>
    tpu.enqueue_indirect_dma source(%dma_start3A_316 : memref<23236x1792xf32, #tpu.memory_space<hbm>>) target(%dma_start3A_310 : memref<8x1792xf32, #tpu.memory_space<vmem>>) offsets(%dma_start3A_313 : memref<8xi32, #tpu.memory_space<vmem>>) semaphore(%dma_start3A_318 : memref<!tpu.dma_semaphore, #tpu.memory_space<semaphore_mem>>)
    %dma_wait3A_319 = arith.constant 0 : i32
    %dma_wait3A_320 = arith.constant 5 : i32
    %dma_wait3A_321 = arith.constant 5 : i32
    %dma_wait3A_322 = arith.constant 0 : i32
    %dma_wait3A_323 = arith.constant 0 : i32
    %dma_wait3A_324 = tpu.memref_slice %arg6[%dma_wait3A_320, %dma_wait3A_322, %dma_wait3A_323] : memref<8x8x1792xf32, #tpu.memory_space<vmem>> -> memref<1x8x1792xf32, #tpu.memory_space<vmem>>
    %dma_wait3A_325 = tpu.memref_squeeze %dma_wait3A_324 : memref<1x8x1792xf32, #tpu.memory_space<vmem>> -> memref<8x1792xf32, #tpu.memory_space<vmem>>
    %dma_wait3A_326 = arith.constant 0 : i32
    %dma_wait3A_327 = tpu.memref_slice %arg5[%dma_wait3A_319, %dma_wait3A_326] : memref<14x128xi32, #tpu.memory_space<vmem>> -> memref<1x8xi32, #tpu.memory_space<vmem>>
    %dma_wait3A_328 = tpu.memref_squeeze %dma_wait3A_327 : memref<1x8xi32, #tpu.memory_space<vmem>> -> memref<8xi32, #tpu.memory_space<vmem>>
    %dma_wait3A_329 = arith.constant 0 : i32
    %dma_wait3A_330 = arith.constant 0 : i32
    %dma_wait3A_331 = tpu.memref_slice %arg2[%dma_wait3A_329, %dma_wait3A_330] : memref<23236x1792xf32, #tpu.memory_space<hbm>> -> memref<23236x1792xf32, #tpu.memory_space<hbm>>
    %dma_wait3A_332 = tpu.memref_slice %arg7[%dma_wait3A_321] : memref<8x!tpu.dma_semaphore, #tpu.memory_space<semaphore_mem>> -> memref<1x!tpu.dma_semaphore, #tpu.memory_space<semaphore_mem>>
    %dma_wait3A_333 = tpu.memref_squeeze %dma_wait3A_332 : memref<1x!tpu.dma_semaphore, #tpu.memory_space<semaphore_mem>> -> memref<!tpu.dma_semaphore, #tpu.memory_space<semaphore_mem>>
    tpu.wait_indirect_dma semaphore(%dma_wait3A_333 : memref<!tpu.dma_semaphore, #tpu.memory_space<semaphore_mem>>) src(%dma_wait3A_331 : memref<23236x1792xf32, #tpu.memory_space<hbm>>) dst(%dma_wait3A_325 : memref<8x1792xf32, #tpu.memory_space<vmem>>)
    %add3A_334 = arith.constant 40 : i32
    %add3A_335 = arith.addi %mul3A_2, %add3A_334 : i32
    %dma_start3A_336 = arith.constant 5 : i32
    %dma_start3A_337 = arith.constant 5 : i32
    %dma_start3A_338 = arith.constant 0 : i32
    %dma_start3A_339 = arith.constant 0 : i32
    %dma_start3A_340 = tpu.memref_slice %arg6[%dma_start3A_336, %dma_start3A_338, %dma_start3A_339] : memref<8x8x1792xf32, #tpu.memory_space<vmem>> -> memref<1x8x1792xf32, #tpu.memory_space<vmem>>
    %dma_start3A_341 = tpu.memref_squeeze %dma_start3A_340 : memref<1x8x1792xf32, #tpu.memory_space<vmem>> -> memref<8x1792xf32, #tpu.memory_space<vmem>>
    %dma_start3A_342 = arith.constant 0 : i32
    %dma_start3A_343 = tpu.memref_slice %arg4[%add3A_335, %dma_start3A_342] : memref<57344x1792xf32, #tpu.memory_space<hbm>> -> memref<8x1792xf32, #tpu.memory_space<hbm>>
    %dma_start3A_344 = tpu.memref_slice %arg8[%dma_start3A_337] : memref<8x!tpu.dma_semaphore, #tpu.memory_space<semaphore_mem>> -> memref<1x!tpu.dma_semaphore, #tpu.memory_space<semaphore_mem>>
    %dma_start3A_345 = tpu.memref_squeeze %dma_start3A_344 : memref<1x!tpu.dma_semaphore, #tpu.memory_space<semaphore_mem>> -> memref<!tpu.dma_semaphore, #tpu.memory_space<semaphore_mem>>
    %dma_start3A_346 = arith.constant 0 : i32
    %dma_start3A_347 = tpu.memref_slice %arg4[%add3A_335, %dma_start3A_346] : memref<57344x1792xf32, #tpu.memory_space<hbm>> -> memref<8x1792xf32, #tpu.memory_space<hbm>>
    %dma_start3A_348 = arith.constant 0 : i32
    %dma_start3A_349 = arith.constant 0 : i32
    %dma_start3A_350 = tpu.memref_slice %arg6[%dma_start3A_336, %dma_start3A_348, %dma_start3A_349] : memref<8x8x1792xf32, #tpu.memory_space<vmem>> -> memref<1x8x1792xf32, #tpu.memory_space<vmem>>
    %dma_start3A_351 = tpu.memref_squeeze %dma_start3A_350 : memref<1x8x1792xf32, #tpu.memory_space<vmem>> -> memref<8x1792xf32, #tpu.memory_space<vmem>>
    tpu.enqueue_dma source(%dma_start3A_351 : memref<8x1792xf32, #tpu.memory_space<vmem>>) target(%dma_start3A_347 : memref<8x1792xf32, #tpu.memory_space<hbm>>) target_semaphore(%dma_start3A_345 : memref<!tpu.dma_semaphore, #tpu.memory_space<semaphore_mem>>)
    %add3A_352 = arith.constant 8 : i32
    %add3A_353 = arith.addi %mul3A_2, %add3A_352 : i32
    %dma_wait3A_354 = arith.constant 1 : i32
    %dma_wait3A_355 = arith.constant 1 : i32
    %dma_wait3A_356 = arith.constant 0 : i32
    %dma_wait3A_357 = arith.constant 0 : i32
    %dma_wait3A_358 = tpu.memref_slice %arg6[%dma_wait3A_354, %dma_wait3A_356, %dma_wait3A_357] : memref<8x8x1792xf32, #tpu.memory_space<vmem>> -> memref<1x8x1792xf32, #tpu.memory_space<vmem>>
    %dma_wait3A_359 = tpu.memref_squeeze %dma_wait3A_358 : memref<1x8x1792xf32, #tpu.memory_space<vmem>> -> memref<8x1792xf32, #tpu.memory_space<vmem>>
    %dma_wait3A_360 = arith.constant 0 : i32
    %dma_wait3A_361 = tpu.memref_slice %arg4[%add3A_353, %dma_wait3A_360] : memref<57344x1792xf32, #tpu.memory_space<hbm>> -> memref<8x1792xf32, #tpu.memory_space<hbm>>
    %dma_wait3A_362 = tpu.memref_slice %arg8[%dma_wait3A_355] : memref<8x!tpu.dma_semaphore, #tpu.memory_space<semaphore_mem>> -> memref<1x!tpu.dma_semaphore, #tpu.memory_space<semaphore_mem>>
    %dma_wait3A_363 = tpu.memref_squeeze %dma_wait3A_362 : memref<1x!tpu.dma_semaphore, #tpu.memory_space<semaphore_mem>> -> memref<!tpu.dma_semaphore, #tpu.memory_space<semaphore_mem>>
    %dma_wait3A_364 = arith.constant 0 : i32
    %dma_wait3A_365 = tpu.memref_slice %arg4[%add3A_353, %dma_wait3A_364] : memref<57344x1792xf32, #tpu.memory_space<hbm>> -> memref<8x1792xf32, #tpu.memory_space<hbm>>
    %dma_wait3A_366 = arith.constant 0 : i32
    %dma_wait3A_367 = arith.constant 0 : i32
    %dma_wait3A_368 = tpu.memref_slice %arg6[%dma_wait3A_354, %dma_wait3A_366, %dma_wait3A_367] : memref<8x8x1792xf32, #tpu.memory_space<vmem>> -> memref<1x8x1792xf32, #tpu.memory_space<vmem>>
    %dma_wait3A_369 = tpu.memref_squeeze %dma_wait3A_368 : memref<1x8x1792xf32, #tpu.memory_space<vmem>> -> memref<8x1792xf32, #tpu.memory_space<vmem>>
    tpu.wait_dma2 semaphore(%dma_wait3A_363 : memref<!tpu.dma_semaphore, #tpu.memory_space<semaphore_mem>>) src(%dma_wait3A_369 : memref<8x1792xf32, #tpu.memory_space<vmem>>) dst(%dma_wait3A_365 : memref<8x1792xf32, #tpu.memory_space<hbm>>)
    %dma_start3A_370 = arith.constant 0 : i32
    %dma_start3A_371 = arith.constant 1 : i32
    %dma_start3A_372 = arith.constant 1 : i32
    %dma_start3A_373 = arith.constant 0 : i32
    %dma_start3A_374 = arith.constant 0 : i32
    %dma_start3A_375 = tpu.memref_slice %arg6[%dma_start3A_371, %dma_start3A_373, %dma_start3A_374] : memref<8x8x1792xf32, #tpu.memory_space<vmem>> -> memref<1x8x1792xf32, #tpu.memory_space<vmem>>
    %dma_start3A_376 = tpu.memref_squeeze %dma_start3A_375 : memref<1x8x1792xf32, #tpu.memory_space<vmem>> -> memref<8x1792xf32, #tpu.memory_space<vmem>>
    %dma_start3A_377 = arith.constant 72 : i32
    %dma_start3A_378 = tpu.memref_slice %arg5[%dma_start3A_370, %dma_start3A_377] : memref<14x128xi32, #tpu.memory_space<vmem>> -> memref<1x8xi32, #tpu.memory_space<vmem>>
    %dma_start3A_379 = tpu.memref_squeeze %dma_start3A_378 : memref<1x8xi32, #tpu.memory_space<vmem>> -> memref<8xi32, #tpu.memory_space<vmem>>
    %dma_start3A_380 = arith.constant 0 : i32
    %dma_start3A_381 = arith.constant 0 : i32
    %dma_start3A_382 = tpu.memref_slice %arg2[%dma_start3A_380, %dma_start3A_381] : memref<23236x1792xf32, #tpu.memory_space<hbm>> -> memref<23236x1792xf32, #tpu.memory_space<hbm>>
    %dma_start3A_383 = tpu.memref_slice %arg7[%dma_start3A_372] : memref<8x!tpu.dma_semaphore, #tpu.memory_space<semaphore_mem>> -> memref<1x!tpu.dma_semaphore, #tpu.memory_space<semaphore_mem>>
    %dma_start3A_384 = tpu.memref_squeeze %dma_start3A_383 : memref<1x!tpu.dma_semaphore, #tpu.memory_space<semaphore_mem>> -> memref<!tpu.dma_semaphore, #tpu.memory_space<semaphore_mem>>
    tpu.enqueue_indirect_dma source(%dma_start3A_382 : memref<23236x1792xf32, #tpu.memory_space<hbm>>) target(%dma_start3A_376 : memref<8x1792xf32, #tpu.memory_space<vmem>>) offsets(%dma_start3A_379 : memref<8xi32, #tpu.memory_space<vmem>>) semaphore(%dma_start3A_384 : memref<!tpu.dma_semaphore, #tpu.memory_space<semaphore_mem>>)
    %dma_wait3A_385 = arith.constant 0 : i32
    %dma_wait3A_386 = arith.constant 6 : i32
    %dma_wait3A_387 = arith.constant 6 : i32
    %dma_wait3A_388 = arith.constant 0 : i32
    %dma_wait3A_389 = arith.constant 0 : i32
    %dma_wait3A_390 = tpu.memref_slice %arg6[%dma_wait3A_386, %dma_wait3A_388, %dma_wait3A_389] : memref<8x8x1792xf32, #tpu.memory_space<vmem>> -> memref<1x8x1792xf32, #tpu.memory_space<vmem>>
    %dma_wait3A_391 = tpu.memref_squeeze %dma_wait3A_390 : memref<1x8x1792xf32, #tpu.memory_space<vmem>> -> memref<8x1792xf32, #tpu.memory_space<vmem>>
    %dma_wait3A_392 = arith.constant 0 : i32
    %dma_wait3A_393 = tpu.memref_slice %arg5[%dma_wait3A_385, %dma_wait3A_392] : memref<14x128xi32, #tpu.memory_space<vmem>> -> memref<1x8xi32, #tpu.memory_space<vmem>>
    %dma_wait3A_394 = tpu.memref_squeeze %dma_wait3A_393 : memref<1x8xi32, #tpu.memory_space<vmem>> -> memref<8xi32, #tpu.memory_space<vmem>>
    %dma_wait3A_395 = arith.constant 0 : i32
    %dma_wait3A_396 = arith.constant 0 : i32
    %dma_wait3A_397 = tpu.memref_slice %arg2[%dma_wait3A_395, %dma_wait3A_396] : memref<23236x1792xf32, #tpu.memory_space<hbm>> -> memref<23236x1792xf32, #tpu.memory_space<hbm>>
    %dma_wait3A_398 = tpu.memref_slice %arg7[%dma_wait3A_387] : memref<8x!tpu.dma_semaphore, #tpu.memory_space<semaphore_mem>> -> memref<1x!tpu.dma_semaphore, #tpu.memory_space<semaphore_mem>>
    %dma_wait3A_399 = tpu.memref_squeeze %dma_wait3A_398 : memref<1x!tpu.dma_semaphore, #tpu.memory_space<semaphore_mem>> -> memref<!tpu.dma_semaphore, #tpu.memory_space<semaphore_mem>>
    tpu.wait_indirect_dma semaphore(%dma_wait3A_399 : memref<!tpu.dma_semaphore, #tpu.memory_space<semaphore_mem>>) src(%dma_wait3A_397 : memref<23236x1792xf32, #tpu.memory_space<hbm>>) dst(%dma_wait3A_391 : memref<8x1792xf32, #tpu.memory_space<vmem>>)
    %add3A_400 = arith.constant 48 : i32
    %add3A_401 = arith.addi %mul3A_2, %add3A_400 : i32
    %dma_start3A_402 = arith.constant 6 : i32
    %dma_start3A_403 = arith.constant 6 : i32
    %dma_start3A_404 = arith.constant 0 : i32
    %dma_start3A_405 = arith.constant 0 : i32
    %dma_start3A_406 = tpu.memref_slice %arg6[%dma_start3A_402, %dma_start3A_404, %dma_start3A_405] : memref<8x8x1792xf32, #tpu.memory_space<vmem>> -> memref<1x8x1792xf32, #tpu.memory_space<vmem>>
    %dma_start3A_407 = tpu.memref_squeeze %dma_start3A_406 : memref<1x8x1792xf32, #tpu.memory_space<vmem>> -> memref<8x1792xf32, #tpu.memory_space<vmem>>
    %dma_start3A_408 = arith.constant 0 : i32
    %dma_start3A_409 = tpu.memref_slice %arg4[%add3A_401, %dma_start3A_408] : memref<57344x1792xf32, #tpu.memory_space<hbm>> -> memref<8x1792xf32, #tpu.memory_space<hbm>>
    %dma_start3A_410 = tpu.memref_slice %arg8[%dma_start3A_403] : memref<8x!tpu.dma_semaphore, #tpu.memory_space<semaphore_mem>> -> memref<1x!tpu.dma_semaphore, #tpu.memory_space<semaphore_mem>>
    %dma_start3A_411 = tpu.memref_squeeze %dma_start3A_410 : memref<1x!tpu.dma_semaphore, #tpu.memory_space<semaphore_mem>> -> memref<!tpu.dma_semaphore, #tpu.memory_space<semaphore_mem>>
    %dma_start3A_412 = arith.constant 0 : i32
    %dma_start3A_413 = tpu.memref_slice %arg4[%add3A_401, %dma_start3A_412] : memref<57344x1792xf32, #tpu.memory_space<hbm>> -> memref<8x1792xf32, #tpu.memory_space<hbm>>
    %dma_start3A_414 = arith.constant 0 : i32
    %dma_start3A_415 = arith.constant 0 : i32
    %dma_start3A_416 = tpu.memref_slice %arg6[%dma_start3A_402, %dma_start3A_414, %dma_start3A_415] : memref<8x8x1792xf32, #tpu.memory_space<vmem>> -> memref<1x8x1792xf32, #tpu.memory_space<vmem>>
    %dma_start3A_417 = tpu.memref_squeeze %dma_start3A_416 : memref<1x8x1792xf32, #tpu.memory_space<vmem>> -> memref<8x1792xf32, #tpu.memory_space<vmem>>
    tpu.enqueue_dma source(%dma_start3A_417 : memref<8x1792xf32, #tpu.memory_space<vmem>>) target(%dma_start3A_413 : memref<8x1792xf32, #tpu.memory_space<hbm>>) target_semaphore(%dma_start3A_411 : memref<!tpu.dma_semaphore, #tpu.memory_space<semaphore_mem>>)
    %add3A_418 = arith.constant 16 : i32
    %add3A_419 = arith.addi %mul3A_2, %add3A_418 : i32
    %dma_wait3A_420 = arith.constant 2 : i32
    %dma_wait3A_421 = arith.constant 2 : i32
    %dma_wait3A_422 = arith.constant 0 : i32
    %dma_wait3A_423 = arith.constant 0 : i32
    %dma_wait3A_424 = tpu.memref_slice %arg6[%dma_wait3A_420, %dma_wait3A_422, %dma_wait3A_423] : memref<8x8x1792xf32, #tpu.memory_space<vmem>> -> memref<1x8x1792xf32, #tpu.memory_space<vmem>>
    %dma_wait3A_425 = tpu.memref_squeeze %dma_wait3A_424 : memref<1x8x1792xf32, #tpu.memory_space<vmem>> -> memref<8x1792xf32, #tpu.memory_space<vmem>>
    %dma_wait3A_426 = arith.constant 0 : i32
    %dma_wait3A_427 = tpu.memref_slice %arg4[%add3A_419, %dma_wait3A_426] : memref<57344x1792xf32, #tpu.memory_space<hbm>> -> memref<8x1792xf32, #tpu.memory_space<hbm>>
    %dma_wait3A_428 = tpu.memref_slice %arg8[%dma_wait3A_421] : memref<8x!tpu.dma_semaphore, #tpu.memory_space<semaphore_mem>> -> memref<1x!tpu.dma_semaphore, #tpu.memory_space<semaphore_mem>>
    %dma_wait3A_429 = tpu.memref_squeeze %dma_wait3A_428 : memref<1x!tpu.dma_semaphore, #tpu.memory_space<semaphore_mem>> -> memref<!tpu.dma_semaphore, #tpu.memory_space<semaphore_mem>>
    %dma_wait3A_430 = arith.constant 0 : i32
    %dma_wait3A_431 = tpu.memref_slice %arg4[%add3A_419, %dma_wait3A_430] : memref<57344x1792xf32, #tpu.memory_space<hbm>> -> memref<8x1792xf32, #tpu.memory_space<hbm>>
    %dma_wait3A_432 = arith.constant 0 : i32
    %dma_wait3A_433 = arith.constant 0 : i32
    %dma_wait3A_434 = tpu.memref_slice %arg6[%dma_wait3A_420, %dma_wait3A_432, %dma_wait3A_433] : memref<8x8x1792xf32, #tpu.memory_space<vmem>> -> memref<1x8x1792xf32, #tpu.memory_space<vmem>>
    %dma_wait3A_435 = tpu.memref_squeeze %dma_wait3A_434 : memref<1x8x1792xf32, #tpu.memory_space<vmem>> -> memref<8x1792xf32, #tpu.memory_space<vmem>>
    tpu.wait_dma2 semaphore(%dma_wait3A_429 : memref<!tpu.dma_semaphore, #tpu.memory_space<semaphore_mem>>) src(%dma_wait3A_435 : memref<8x1792xf32, #tpu.memory_space<vmem>>) dst(%dma_wait3A_431 : memref<8x1792xf32, #tpu.memory_space<hbm>>)
    %dma_start3A_436 = arith.constant 0 : i32
    %dma_start3A_437 = arith.constant 2 : i32
    %dma_start3A_438 = arith.constant 2 : i32
    %dma_start3A_439 = arith.constant 0 : i32
    %dma_start3A_440 = arith.constant 0 : i32
    %dma_start3A_441 = tpu.memref_slice %arg6[%dma_start3A_437, %dma_start3A_439, %dma_start3A_440] : memref<8x8x1792xf32, #tpu.memory_space<vmem>> -> memref<1x8x1792xf32, #tpu.memory_space<vmem>>
    %dma_start3A_442 = tpu.memref_squeeze %dma_start3A_441 : memref<1x8x1792xf32, #tpu.memory_space<vmem>> -> memref<8x1792xf32, #tpu.memory_space<vmem>>
    %dma_start3A_443 = arith.constant 80 : i32
    %dma_start3A_444 = tpu.memref_slice %arg5[%dma_start3A_436, %dma_start3A_443] : memref<14x128xi32, #tpu.memory_space<vmem>> -> memref<1x8xi32, #tpu.memory_space<vmem>>
    %dma_start3A_445 = tpu.memref_squeeze %dma_start3A_444 : memref<1x8xi32, #tpu.memory_space<vmem>> -> memref<8xi32, #tpu.memory_space<vmem>>
    %dma_start3A_446 = arith.constant 0 : i32
    %dma_start3A_447 = arith.constant 0 : i32
    %dma_start3A_448 = tpu.memref_slice %arg2[%dma_start3A_446, %dma_start3A_447] : memref<23236x1792xf32, #tpu.memory_space<hbm>> -> memref<23236x1792xf32, #tpu.memory_space<hbm>>
    %dma_start3A_449 = tpu.memref_slice %arg7[%dma_start3A_438] : memref<8x!tpu.dma_semaphore, #tpu.memory_space<semaphore_mem>> -> memref<1x!tpu.dma_semaphore, #tpu.memory_space<semaphore_mem>>
    %dma_start3A_450 = tpu.memref_squeeze %dma_start3A_449 : memref<1x!tpu.dma_semaphore, #tpu.memory_space<semaphore_mem>> -> memref<!tpu.dma_semaphore, #tpu.memory_space<semaphore_mem>>
    tpu.enqueue_indirect_dma source(%dma_start3A_448 : memref<23236x1792xf32, #tpu.memory_space<hbm>>) target(%dma_start3A_442 : memref<8x1792xf32, #tpu.memory_space<vmem>>) offsets(%dma_start3A_445 : memref<8xi32, #tpu.memory_space<vmem>>) semaphore(%dma_start3A_450 : memref<!tpu.dma_semaphore, #tpu.memory_space<semaphore_mem>>)
    %dma_wait3A_451 = arith.constant 0 : i32
    %dma_wait3A_452 = arith.constant 7 : i32
    %dma_wait3A_453 = arith.constant 7 : i32
    %dma_wait3A_454 = arith.constant 0 : i32
    %dma_wait3A_455 = arith.constant 0 : i32
    %dma_wait3A_456 = tpu.memref_slice %arg6[%dma_wait3A_452, %dma_wait3A_454, %dma_wait3A_455] : memref<8x8x1792xf32, #tpu.memory_space<vmem>> -> memref<1x8x1792xf32, #tpu.memory_space<vmem>>
    %dma_wait3A_457 = tpu.memref_squeeze %dma_wait3A_456 : memref<1x8x1792xf32, #tpu.memory_space<vmem>> -> memref<8x1792xf32, #tpu.memory_space<vmem>>
    %dma_wait3A_458 = arith.constant 0 : i32
    %dma_wait3A_459 = tpu.memref_slice %arg5[%dma_wait3A_451, %dma_wait3A_458] : memref<14x128xi32, #tpu.memory_space<vmem>> -> memref<1x8xi32, #tpu.memory_space<vmem>>
    %dma_wait3A_460 = tpu.memref_squeeze %dma_wait3A_459 : memref<1x8xi32, #tpu.memory_space<vmem>> -> memref<8xi32, #tpu.memory_space<vmem>>
    %dma_wait3A_461 = arith.constant 0 : i32
    %dma_wait3A_462 = arith.constant 0 : i32
    %dma_wait3A_463 = tpu.memref_slice %arg2[%dma_wait3A_461, %dma_wait3A_462] : memref<23236x1792xf32, #tpu.memory_space<hbm>> -> memref<23236x1792xf32, #tpu.memory_space<hbm>>
    %dma_wait3A_464 = tpu.memref_slice %arg7[%dma_wait3A_453] : memref<8x!tpu.dma_semaphore, #tpu.memory_space<semaphore_mem>> -> memref<1x!tpu.dma_semaphore, #tpu.memory_space<semaphore_mem>>
    %dma_wait3A_465 = tpu.memref_squeeze %dma_wait3A_464 : memref<1x!tpu.dma_semaphore, #tpu.memory_space<semaphore_mem>> -> memref<!tpu.dma_semaphore, #tpu.memory_space<semaphore_mem>>
    tpu.wait_indirect_dma semaphore(%dma_wait3A_465 : memref<!tpu.dma_semaphore, #tpu.memory_space<semaphore_mem>>) src(%dma_wait3A_463 : memref<23236x1792xf32, #tpu.memory_space<hbm>>) dst(%dma_wait3A_457 : memref<8x1792xf32, #tpu.memory_space<vmem>>)
    %add3A_466 = arith.constant 56 : i32
    %add3A_467 = arith.addi %mul3A_2, %add3A_466 : i32
    %dma_start3A_468 = arith.constant 7 : i32
    %dma_start3A_469 = arith.constant 7 : i32
    %dma_start3A_470 = arith.constant 0 : i32
    %dma_start3A_471 = arith.constant 0 : i32
    %dma_start3A_472 = tpu.memref_slice %arg6[%dma_start3A_468, %dma_start3A_470, %dma_start3A_471] : memref<8x8x1792xf32, #tpu.memory_space<vmem>> -> memref<1x8x1792xf32, #tpu.memory_space<vmem>>
    %dma_start3A_473 = tpu.memref_squeeze %dma_start3A_472 : memref<1x8x1792xf32, #tpu.memory_space<vmem>> -> memref<8x1792xf32, #tpu.memory_space<vmem>>
    %dma_start3A_474 = arith.constant 0 : i32
    %dma_start3A_475 = tpu.memref_slice %arg4[%add3A_467, %dma_start3A_474] : memref<57344x1792xf32, #tpu.memory_space<hbm>> -> memref<8x1792xf32, #tpu.memory_space<hbm>>
    %dma_start3A_476 = tpu.memref_slice %arg8[%dma_start3A_469] : memref<8x!tpu.dma_semaphore, #tpu.memory_space<semaphore_mem>> -> memref<1x!tpu.dma_semaphore, #tpu.memory_space<semaphore_mem>>
    %dma_start3A_477 = tpu.memref_squeeze %dma_start3A_476 : memref<1x!tpu.dma_semaphore, #tpu.memory_space<semaphore_mem>> -> memref<!tpu.dma_semaphore, #tpu.memory_space<semaphore_mem>>
    %dma_start3A_478 = arith.constant 0 : i32
    %dma_start3A_479 = tpu.memref_slice %arg4[%add3A_467, %dma_start3A_478] : memref<57344x1792xf32, #tpu.memory_space<hbm>> -> memref<8x1792xf32, #tpu.memory_space<hbm>>
    %dma_start3A_480 = arith.constant 0 : i32
    %dma_start3A_481 = arith.constant 0 : i32
    %dma_start3A_482 = tpu.memref_slice %arg6[%dma_start3A_468, %dma_start3A_480, %dma_start3A_481] : memref<8x8x1792xf32, #tpu.memory_space<vmem>> -> memref<1x8x1792xf32, #tpu.memory_space<vmem>>
    %dma_start3A_483 = tpu.memref_squeeze %dma_start3A_482 : memref<1x8x1792xf32, #tpu.memory_space<vmem>> -> memref<8x1792xf32, #tpu.memory_space<vmem>>
    tpu.enqueue_dma source(%dma_start3A_483 : memref<8x1792xf32, #tpu.memory_space<vmem>>) target(%dma_start3A_479 : memref<8x1792xf32, #tpu.memory_space<hbm>>) target_semaphore(%dma_start3A_477 : memref<!tpu.dma_semaphore, #tpu.memory_space<semaphore_mem>>)
    %add3A_484 = arith.constant 24 : i32
    %add3A_485 = arith.addi %mul3A_2, %add3A_484 : i32
    %dma_wait3A_486 = arith.constant 3 : i32
    %dma_wait3A_487 = arith.constant 3 : i32
    %dma_wait3A_488 = arith.constant 0 : i32
    %dma_wait3A_489 = arith.constant 0 : i32
    %dma_wait3A_490 = tpu.memref_slice %arg6[%dma_wait3A_486, %dma_wait3A_488, %dma_wait3A_489] : memref<8x8x1792xf32, #tpu.memory_space<vmem>> -> memref<1x8x1792xf32, #tpu.memory_space<vmem>>
    %dma_wait3A_491 = tpu.memref_squeeze %dma_wait3A_490 : memref<1x8x1792xf32, #tpu.memory_space<vmem>> -> memref<8x1792xf32, #tpu.memory_space<vmem>>
    %dma_wait3A_492 = arith.constant 0 : i32
    %dma_wait3A_493 = tpu.memref_slice %arg4[%add3A_485, %dma_wait3A_492] : memref<57344x1792xf32, #tpu.memory_space<hbm>> -> memref<8x1792xf32, #tpu.memory_space<hbm>>
    %dma_wait3A_494 = tpu.memref_slice %arg8[%dma_wait3A_487] : memref<8x!tpu.dma_semaphore, #tpu.memory_space<semaphore_mem>> -> memref<1x!tpu.dma_semaphore, #tpu.memory_space<semaphore_mem>>
    %dma_wait3A_495 = tpu.memref_squeeze %dma_wait3A_494 : memref<1x!tpu.dma_semaphore, #tpu.memory_space<semaphore_mem>> -> memref<!tpu.dma_semaphore, #tpu.memory_space<semaphore_mem>>
    %dma_wait3A_496 = arith.constant 0 : i32
    %dma_wait3A_497 = tpu.memref_slice %arg4[%add3A_485, %dma_wait3A_496] : memref<57344x1792xf32, #tpu.memory_space<hbm>> -> memref<8x1792xf32, #tpu.memory_space<hbm>>
    %dma_wait3A_498 = arith.constant 0 : i32
    %dma_wait3A_499 = arith.constant 0 : i32
    %dma_wait3A_500 = tpu.memref_slice %arg6[%dma_wait3A_486, %dma_wait3A_498, %dma_wait3A_499] : memref<8x8x1792xf32, #tpu.memory_space<vmem>> -> memref<1x8x1792xf32, #tpu.memory_space<vmem>>
    %dma_wait3A_501 = tpu.memref_squeeze %dma_wait3A_500 : memref<1x8x1792xf32, #tpu.memory_space<vmem>> -> memref<8x1792xf32, #tpu.memory_space<vmem>>
    tpu.wait_dma2 semaphore(%dma_wait3A_495 : memref<!tpu.dma_semaphore, #tpu.memory_space<semaphore_mem>>) src(%dma_wait3A_501 : memref<8x1792xf32, #tpu.memory_space<vmem>>) dst(%dma_wait3A_497 : memref<8x1792xf32, #tpu.memory_space<hbm>>)
    %dma_start3A_502 = arith.constant 0 : i32
    %dma_start3A_503 = arith.constant 3 : i32
    %dma_start3A_504 = arith.constant 3 : i32
    %dma_start3A_505 = arith.constant 0 : i32
    %dma_start3A_506 = arith.constant 0 : i32
    %dma_start3A_507 = tpu.memref_slice %arg6[%dma_start3A_503, %dma_start3A_505, %dma_start3A_506] : memref<8x8x1792xf32, #tpu.memory_space<vmem>> -> memref<1x8x1792xf32, #tpu.memory_space<vmem>>
    %dma_start3A_508 = tpu.memref_squeeze %dma_start3A_507 : memref<1x8x1792xf32, #tpu.memory_space<vmem>> -> memref<8x1792xf32, #tpu.memory_space<vmem>>
    %dma_start3A_509 = arith.constant 88 : i32
    %dma_start3A_510 = tpu.memref_slice %arg5[%dma_start3A_502, %dma_start3A_509] : memref<14x128xi32, #tpu.memory_space<vmem>> -> memref<1x8xi32, #tpu.memory_space<vmem>>
    %dma_start3A_511 = tpu.memref_squeeze %dma_start3A_510 : memref<1x8xi32, #tpu.memory_space<vmem>> -> memref<8xi32, #tpu.memory_space<vmem>>
    %dma_start3A_512 = arith.constant 0 : i32
    %dma_start3A_513 = arith.constant 0 : i32
    %dma_start3A_514 = tpu.memref_slice %arg2[%dma_start3A_512, %dma_start3A_513] : memref<23236x1792xf32, #tpu.memory_space<hbm>> -> memref<23236x1792xf32, #tpu.memory_space<hbm>>
    %dma_start3A_515 = tpu.memref_slice %arg7[%dma_start3A_504] : memref<8x!tpu.dma_semaphore, #tpu.memory_space<semaphore_mem>> -> memref<1x!tpu.dma_semaphore, #tpu.memory_space<semaphore_mem>>
    %dma_start3A_516 = tpu.memref_squeeze %dma_start3A_515 : memref<1x!tpu.dma_semaphore, #tpu.memory_space<semaphore_mem>> -> memref<!tpu.dma_semaphore, #tpu.memory_space<semaphore_mem>>
    tpu.enqueue_indirect_dma source(%dma_start3A_514 : memref<23236x1792xf32, #tpu.memory_space<hbm>>) target(%dma_start3A_508 : memref<8x1792xf32, #tpu.memory_space<vmem>>) offsets(%dma_start3A_511 : memref<8xi32, #tpu.memory_space<vmem>>) semaphore(%dma_start3A_516 : memref<!tpu.dma_semaphore, #tpu.memory_space<semaphore_mem>>)
    %scan3A = arith.constant 0 : i32
    %scan3A_517 = arith.constant 1 : i32
    %scan3A_518 = arith.constant 26 : i32
    %scan3A_519 = arith.addi %scan3A_517, %scan3A_518 : i32
    %scan3A_520 = arith.constant 1 : i32
    scf.for %scan3A_1062 = %scan3A_517 to %scan3A_519 step %scan3A_520  : i32 {
      %mul3A_1063 = arith.constant 8 : i32
      %mul3A_1064 = arith.muli %mul3A_1063, %scan3A_1062 : i32
      %add3A_1065 = arith.constant 0 : i32
      %add3A_1066 = arith.addi %mul3A_1064, %add3A_1065 : i32
      %dma_wait3A_1067 = arith.constant 0 : i32
      %dma_wait3A_1068 = arith.constant 0 : i32
      %dma_wait3A_1069 = arith.constant 0 : i32
      %dma_wait3A_1070 = arith.constant 0 : i32
      %dma_wait3A_1071 = arith.constant 0 : i32
      %dma_wait3A_1072 = tpu.memref_slice %arg6[%dma_wait3A_1068, %dma_wait3A_1070, %dma_wait3A_1071] : memref<8x8x1792xf32, #tpu.memory_space<vmem>> -> memref<1x8x1792xf32, #tpu.memory_space<vmem>>
      %dma_wait3A_1073 = tpu.memref_squeeze %dma_wait3A_1072 : memref<1x8x1792xf32, #tpu.memory_space<vmem>> -> memref<8x1792xf32, #tpu.memory_space<vmem>>
      %dma_wait3A_1074 = arith.constant 0 : i32
      %dma_wait3A_1075 = tpu.memref_slice %arg5[%dma_wait3A_1067, %dma_wait3A_1074] : memref<14x128xi32, #tpu.memory_space<vmem>> -> memref<1x8xi32, #tpu.memory_space<vmem>>
      %dma_wait3A_1076 = tpu.memref_squeeze %dma_wait3A_1075 : memref<1x8xi32, #tpu.memory_space<vmem>> -> memref<8xi32, #tpu.memory_space<vmem>>
      %dma_wait3A_1077 = arith.constant 0 : i32
      %dma_wait3A_1078 = arith.constant 0 : i32
      %dma_wait3A_1079 = tpu.memref_slice %arg2[%dma_wait3A_1077, %dma_wait3A_1078] : memref<23236x1792xf32, #tpu.memory_space<hbm>> -> memref<23236x1792xf32, #tpu.memory_space<hbm>>
      %dma_wait3A_1080 = tpu.memref_slice %arg7[%dma_wait3A_1069] : memref<8x!tpu.dma_semaphore, #tpu.memory_space<semaphore_mem>> -> memref<1x!tpu.dma_semaphore, #tpu.memory_space<semaphore_mem>>
      %dma_wait3A_1081 = tpu.memref_squeeze %dma_wait3A_1080 : memref<1x!tpu.dma_semaphore, #tpu.memory_space<semaphore_mem>> -> memref<!tpu.dma_semaphore, #tpu.memory_space<semaphore_mem>>
      tpu.wait_indirect_dma semaphore(%dma_wait3A_1081 : memref<!tpu.dma_semaphore, #tpu.memory_space<semaphore_mem>>) src(%dma_wait3A_1079 : memref<23236x1792xf32, #tpu.memory_space<hbm>>) dst(%dma_wait3A_1073 : memref<8x1792xf32, #tpu.memory_space<vmem>>)
      %mul3A_1082 = arith.constant 8 : i32
      %mul3A_1083 = arith.muli %add3A_1066, %mul3A_1082 : i32
      %add3A_1084 = arith.addi %mul3A_2, %mul3A_1083 : i32
      %dma_start3A_1085 = arith.constant 0 : i32
      %dma_start3A_1086 = arith.constant 0 : i32
      %dma_start3A_1087 = arith.constant 0 : i32
      %dma_start3A_1088 = arith.constant 0 : i32
      %dma_start3A_1089 = tpu.memref_slice %arg6[%dma_start3A_1085, %dma_start3A_1087, %dma_start3A_1088] : memref<8x8x1792xf32, #tpu.memory_space<vmem>> -> memref<1x8x1792xf32, #tpu.memory_space<vmem>>
      %dma_start3A_1090 = tpu.memref_squeeze %dma_start3A_1089 : memref<1x8x1792xf32, #tpu.memory_space<vmem>> -> memref<8x1792xf32, #tpu.memory_space<vmem>>
      %dma_start3A_1091 = arith.constant 0 : i32
      %dma_start3A_1092 = tpu.memref_slice %arg4[%add3A_1084, %dma_start3A_1091] : memref<57344x1792xf32, #tpu.memory_space<hbm>> -> memref<8x1792xf32, #tpu.memory_space<hbm>>
      %dma_start3A_1093 = tpu.memref_slice %arg8[%dma_start3A_1086] : memref<8x!tpu.dma_semaphore, #tpu.memory_space<semaphore_mem>> -> memref<1x!tpu.dma_semaphore, #tpu.memory_space<semaphore_mem>>
      %dma_start3A_1094 = tpu.memref_squeeze %dma_start3A_1093 : memref<1x!tpu.dma_semaphore, #tpu.memory_space<semaphore_mem>> -> memref<!tpu.dma_semaphore, #tpu.memory_space<semaphore_mem>>
      %dma_start3A_1095 = arith.constant 0 : i32
      %dma_start3A_1096 = tpu.memref_slice %arg4[%add3A_1084, %dma_start3A_1095] : memref<57344x1792xf32, #tpu.memory_space<hbm>> -> memref<8x1792xf32, #tpu.memory_space<hbm>>
      %dma_start3A_1097 = arith.constant 0 : i32
      %dma_start3A_1098 = arith.constant 0 : i32
      %dma_start3A_1099 = tpu.memref_slice %arg6[%dma_start3A_1085, %dma_start3A_1097, %dma_start3A_1098] : memref<8x8x1792xf32, #tpu.memory_space<vmem>> -> memref<1x8x1792xf32, #tpu.memory_space<vmem>>
      %dma_start3A_1100 = tpu.memref_squeeze %dma_start3A_1099 : memref<1x8x1792xf32, #tpu.memory_space<vmem>> -> memref<8x1792xf32, #tpu.memory_space<vmem>>
      tpu.enqueue_dma source(%dma_start3A_1100 : memref<8x1792xf32, #tpu.memory_space<vmem>>) target(%dma_start3A_1096 : memref<8x1792xf32, #tpu.memory_space<hbm>>) target_semaphore(%dma_start3A_1094 : memref<!tpu.dma_semaphore, #tpu.memory_space<semaphore_mem>>)
      %sub3A = arith.constant 4 : i32
      %sub3A_1101 = arith.subi %add3A_1066, %sub3A : i32
      %add3A_1102 = arith.constant 4 : i32
      %add3A_1103 = arith.addi %add3A_1066, %add3A_1102 : i32
      %jit3A = arith.constant 8 : i32
      %eq3A = arith.constant 0 : i32
      %eq3A_1104 = arith.cmpi eq, %jit3A, %eq3A : i32
      %jit3A_1105 = arith.constant 1 : i32
      %select_n3A = arith.select %eq3A_1104, %jit3A_1105, %jit3A : i32
      %rem3A = arith.remsi %add3A_1103, %select_n3A : i32
      %ne3A = arith.constant 0 : i32
      %ne3A_1106 = arith.cmpi ne, %rem3A, %ne3A : i32
      %lt3A = arith.constant 0 : i32
      %lt3A_1107 = arith.cmpi slt, %rem3A, %lt3A : i32
      %lt3A_1108 = arith.constant 0 : i32
      %lt3A_1109 = arith.cmpi slt, %select_n3A, %lt3A_1108 : i32
      %ne3A_1110 = arith.xori %lt3A_1107, %lt3A_1109 : i1
      %and3A = arith.andi %ne3A_1110, %ne3A_1106 : i1
      %add3A_1111 = arith.addi %rem3A, %select_n3A : i32
      %select_n3A_1112 = arith.select %and3A, %add3A_1111, %rem3A : i32
      %mul3A_1113 = arith.constant 8 : i32
      %mul3A_1114 = arith.muli %sub3A_1101, %mul3A_1113 : i32
      %add3A_1115 = arith.addi %mul3A_2, %mul3A_1114 : i32
      %dma_wait3A_1116 = arith.constant 0 : i32
      %dma_wait3A_1117 = arith.constant 0 : i32
      %dma_wait3A_1118 = tpu.memref_slice %arg6[%select_n3A_1112, %dma_wait3A_1116, %dma_wait3A_1117] : memref<8x8x1792xf32, #tpu.memory_space<vmem>> -> memref<1x8x1792xf32, #tpu.memory_space<vmem>>
      %dma_wait3A_1119 = tpu.memref_squeeze %dma_wait3A_1118 : memref<1x8x1792xf32, #tpu.memory_space<vmem>> -> memref<8x1792xf32, #tpu.memory_space<vmem>>
      %dma_wait3A_1120 = arith.constant 0 : i32
      %dma_wait3A_1121 = tpu.memref_slice %arg4[%add3A_1115, %dma_wait3A_1120] : memref<57344x1792xf32, #tpu.memory_space<hbm>> -> memref<8x1792xf32, #tpu.memory_space<hbm>>
      %dma_wait3A_1122 = tpu.memref_slice %arg8[%select_n3A_1112] : memref<8x!tpu.dma_semaphore, #tpu.memory_space<semaphore_mem>> -> memref<1x!tpu.dma_semaphore, #tpu.memory_space<semaphore_mem>>
      %dma_wait3A_1123 = tpu.memref_squeeze %dma_wait3A_1122 : memref<1x!tpu.dma_semaphore, #tpu.memory_space<semaphore_mem>> -> memref<!tpu.dma_semaphore, #tpu.memory_space<semaphore_mem>>
      %dma_wait3A_1124 = arith.constant 0 : i32
      %dma_wait3A_1125 = tpu.memref_slice %arg4[%add3A_1115, %dma_wait3A_1124] : memref<57344x1792xf32, #tpu.memory_space<hbm>> -> memref<8x1792xf32, #tpu.memory_space<hbm>>
      %dma_wait3A_1126 = arith.constant 0 : i32
      %dma_wait3A_1127 = arith.constant 0 : i32
      %dma_wait3A_1128 = tpu.memref_slice %arg6[%select_n3A_1112, %dma_wait3A_1126, %dma_wait3A_1127] : memref<8x8x1792xf32, #tpu.memory_space<vmem>> -> memref<1x8x1792xf32, #tpu.memory_space<vmem>>
      %dma_wait3A_1129 = tpu.memref_squeeze %dma_wait3A_1128 : memref<1x8x1792xf32, #tpu.memory_space<vmem>> -> memref<8x1792xf32, #tpu.memory_space<vmem>>
      tpu.wait_dma2 semaphore(%dma_wait3A_1123 : memref<!tpu.dma_semaphore, #tpu.memory_space<semaphore_mem>>) src(%dma_wait3A_1129 : memref<8x1792xf32, #tpu.memory_space<vmem>>) dst(%dma_wait3A_1125 : memref<8x1792xf32, #tpu.memory_space<hbm>>)
      %add3A_1130 = arith.constant 4 : i32
      %add3A_1131 = arith.addi %add3A_1066, %add3A_1130 : i32
      %add3A_1132 = arith.constant 4 : i32
      %add3A_1133 = arith.addi %add3A_1066, %add3A_1132 : i32
      %jit3A_1134 = arith.constant 8 : i32
      %eq3A_1135 = arith.constant 0 : i32
      %eq3A_1136 = arith.cmpi eq, %jit3A_1134, %eq3A_1135 : i32
      %jit3A_1137 = arith.constant 1 : i32
      %select_n3A_1138 = arith.select %eq3A_1136, %jit3A_1137, %jit3A_1134 : i32
      %rem3A_1139 = arith.remsi %add3A_1133, %select_n3A_1138 : i32
      %ne3A_1140 = arith.constant 0 : i32
      %ne3A_1141 = arith.cmpi ne, %rem3A_1139, %ne3A_1140 : i32
      %lt3A_1142 = arith.constant 0 : i32
      %lt3A_1143 = arith.cmpi slt, %rem3A_1139, %lt3A_1142 : i32
      %lt3A_1144 = arith.constant 0 : i32
      %lt3A_1145 = arith.cmpi slt, %select_n3A_1138, %lt3A_1144 : i32
      %ne3A_1146 = arith.xori %lt3A_1143, %lt3A_1145 : i1
      %and3A_1147 = arith.andi %ne3A_1146, %ne3A_1141 : i1
      %add3A_1148 = arith.addi %rem3A_1139, %select_n3A_1138 : i32
      %select_n3A_1149 = arith.select %and3A_1147, %add3A_1148, %rem3A_1139 : i32
      %jit3A_1150 = arith.constant 16 : i32
      %div3A = arith.divsi %add3A_1131, %jit3A_1150 : i32
      %sign3A = arith.constant 0 : i32
      %sign3A_1151 = arith.cmpi sgt, %add3A_1131, %sign3A : i32
      %sign3A_1152 = arith.extui %sign3A_1151 : i1 to i32
      %sign3A_1153 = arith.constant 0 : i32
      %sign3A_1154 = arith.cmpi slt, %add3A_1131, %sign3A_1153 : i32
      %sign3A_1155 = arith.extui %sign3A_1154 : i1 to i32
      %sign3A_1156 = arith.subi %sign3A_1152, %sign3A_1155 : i32
      %sign3A_1157 = arith.constant 0 : i32
      %sign3A_1158 = arith.cmpi sgt, %jit3A_1150, %sign3A_1157 : i32
      %sign3A_1159 = arith.extui %sign3A_1158 : i1 to i32
      %sign3A_1160 = arith.constant 0 : i32
      %sign3A_1161 = arith.cmpi slt, %jit3A_1150, %sign3A_1160 : i32
      %sign3A_1162 = arith.extui %sign3A_1161 : i1 to i32
      %sign3A_1163 = arith.subi %sign3A_1159, %sign3A_1162 : i32
      %ne3A_1164 = arith.cmpi ne, %sign3A_1156, %sign3A_1163 : i32
      %rem3A_1165 = arith.remsi %add3A_1131, %jit3A_1150 : i32
      %ne3A_1166 = arith.constant 0 : i32
      %ne3A_1167 = arith.cmpi ne, %rem3A_1165, %ne3A_1166 : i32
      %and3A_1168 = arith.andi %ne3A_1164, %ne3A_1167 : i1
      %sub3A_1169 = arith.constant 1 : i32
      %sub3A_1170 = arith.subi %div3A, %sub3A_1169 : i32
      %select_n3A_1171 = arith.select %and3A_1168, %sub3A_1170, %div3A : i32
      %jit3A_1172 = arith.constant 16 : i32
      %eq3A_1173 = arith.constant 0 : i32
      %eq3A_1174 = arith.cmpi eq, %jit3A_1172, %eq3A_1173 : i32
      %jit3A_1175 = arith.constant 1 : i32
      %select_n3A_1176 = arith.select %eq3A_1174, %jit3A_1175, %jit3A_1172 : i32
      %rem3A_1177 = arith.remsi %add3A_1131, %select_n3A_1176 : i32
      %ne3A_1178 = arith.constant 0 : i32
      %ne3A_1179 = arith.cmpi ne, %rem3A_1177, %ne3A_1178 : i32
      %lt3A_1180 = arith.constant 0 : i32
      %lt3A_1181 = arith.cmpi slt, %rem3A_1177, %lt3A_1180 : i32
      %lt3A_1182 = arith.constant 0 : i32
      %lt3A_1183 = arith.cmpi slt, %select_n3A_1176, %lt3A_1182 : i32
      %ne3A_1184 = arith.xori %lt3A_1181, %lt3A_1183 : i1
      %and3A_1185 = arith.andi %ne3A_1184, %ne3A_1179 : i1
      %add3A_1186 = arith.addi %rem3A_1177, %select_n3A_1176 : i32
      %select_n3A_1187 = arith.select %and3A_1185, %add3A_1186, %rem3A_1177 : i32
      %mul3A_1188 = arith.constant 8 : i32
      %mul3A_1189 = arith.muli %select_n3A_1187, %mul3A_1188 : i32
      %dma_start3A_1190 = arith.constant 0 : i32
      %dma_start3A_1191 = arith.constant 0 : i32
      %dma_start3A_1192 = tpu.memref_slice %arg6[%select_n3A_1149, %dma_start3A_1190, %dma_start3A_1191] : memref<8x8x1792xf32, #tpu.memory_space<vmem>> -> memref<1x8x1792xf32, #tpu.memory_space<vmem>>
      %dma_start3A_1193 = tpu.memref_squeeze %dma_start3A_1192 : memref<1x8x1792xf32, #tpu.memory_space<vmem>> -> memref<8x1792xf32, #tpu.memory_space<vmem>>
      %dma_start3A_1194 = tpu.memref_slice %arg5[%select_n3A_1171, %mul3A_1189] : memref<14x128xi32, #tpu.memory_space<vmem>> -> memref<1x8xi32, #tpu.memory_space<vmem>>
      %dma_start3A_1195 = tpu.memref_squeeze %dma_start3A_1194 : memref<1x8xi32, #tpu.memory_space<vmem>> -> memref<8xi32, #tpu.memory_space<vmem>>
      %dma_start3A_1196 = arith.constant 0 : i32
      %dma_start3A_1197 = arith.constant 0 : i32
      %dma_start3A_1198 = tpu.memref_slice %arg2[%dma_start3A_1196, %dma_start3A_1197] : memref<23236x1792xf32, #tpu.memory_space<hbm>> -> memref<23236x1792xf32, #tpu.memory_space<hbm>>
      %dma_start3A_1199 = tpu.memref_slice %arg7[%select_n3A_1149] : memref<8x!tpu.dma_semaphore, #tpu.memory_space<semaphore_mem>> -> memref<1x!tpu.dma_semaphore, #tpu.memory_space<semaphore_mem>>
      %dma_start3A_1200 = tpu.memref_squeeze %dma_start3A_1199 : memref<1x!tpu.dma_semaphore, #tpu.memory_space<semaphore_mem>> -> memref<!tpu.dma_semaphore, #tpu.memory_space<semaphore_mem>>
      tpu.enqueue_indirect_dma source(%dma_start3A_1198 : memref<23236x1792xf32, #tpu.memory_space<hbm>>) target(%dma_start3A_1193 : memref<8x1792xf32, #tpu.memory_space<vmem>>) offsets(%dma_start3A_1195 : memref<8xi32, #tpu.memory_space<vmem>>) semaphore(%dma_start3A_1200 : memref<!tpu.dma_semaphore, #tpu.memory_space<semaphore_mem>>)
      %add3A_1201 = arith.constant 1 : i32
      %add3A_1202 = arith.addi %mul3A_1064, %add3A_1201 : i32
      %dma_wait3A_1203 = arith.constant 0 : i32
      %dma_wait3A_1204 = arith.constant 1 : i32
      %dma_wait3A_1205 = arith.constant 1 : i32
      %dma_wait3A_1206 = arith.constant 0 : i32
      %dma_wait3A_1207 = arith.constant 0 : i32
      %dma_wait3A_1208 = tpu.memref_slice %arg6[%dma_wait3A_1204, %dma_wait3A_1206, %dma_wait3A_1207] : memref<8x8x1792xf32, #tpu.memory_space<vmem>> -> memref<1x8x1792xf32, #tpu.memory_space<vmem>>
      %dma_wait3A_1209 = tpu.memref_squeeze %dma_wait3A_1208 : memref<1x8x1792xf32, #tpu.memory_space<vmem>> -> memref<8x1792xf32, #tpu.memory_space<vmem>>
      %dma_wait3A_1210 = arith.constant 0 : i32
      %dma_wait3A_1211 = tpu.memref_slice %arg5[%dma_wait3A_1203, %dma_wait3A_1210] : memref<14x128xi32, #tpu.memory_space<vmem>> -> memref<1x8xi32, #tpu.memory_space<vmem>>
      %dma_wait3A_1212 = tpu.memref_squeeze %dma_wait3A_1211 : memref<1x8xi32, #tpu.memory_space<vmem>> -> memref<8xi32, #tpu.memory_space<vmem>>
      %dma_wait3A_1213 = arith.constant 0 : i32
      %dma_wait3A_1214 = arith.constant 0 : i32
      %dma_wait3A_1215 = tpu.memref_slice %arg2[%dma_wait3A_1213, %dma_wait3A_1214] : memref<23236x1792xf32, #tpu.memory_space<hbm>> -> memref<23236x1792xf32, #tpu.memory_space<hbm>>
      %dma_wait3A_1216 = tpu.memref_slice %arg7[%dma_wait3A_1205] : memref<8x!tpu.dma_semaphore, #tpu.memory_space<semaphore_mem>> -> memref<1x!tpu.dma_semaphore, #tpu.memory_space<semaphore_mem>>
      %dma_wait3A_1217 = tpu.memref_squeeze %dma_wait3A_1216 : memref<1x!tpu.dma_semaphore, #tpu.memory_space<semaphore_mem>> -> memref<!tpu.dma_semaphore, #tpu.memory_space<semaphore_mem>>
      tpu.wait_indirect_dma semaphore(%dma_wait3A_1217 : memref<!tpu.dma_semaphore, #tpu.memory_space<semaphore_mem>>) src(%dma_wait3A_1215 : memref<23236x1792xf32, #tpu.memory_space<hbm>>) dst(%dma_wait3A_1209 : memref<8x1792xf32, #tpu.memory_space<vmem>>)
      %mul3A_1218 = arith.constant 8 : i32
      %mul3A_1219 = arith.muli %add3A_1202, %mul3A_1218 : i32
      %add3A_1220 = arith.addi %mul3A_2, %mul3A_1219 : i32
      %dma_start3A_1221 = arith.constant 1 : i32
      %dma_start3A_1222 = arith.constant 1 : i32
      %dma_start3A_1223 = arith.constant 0 : i32
      %dma_start3A_1224 = arith.constant 0 : i32
      %dma_start3A_1225 = tpu.memref_slice %arg6[%dma_start3A_1221, %dma_start3A_1223, %dma_start3A_1224] : memref<8x8x1792xf32, #tpu.memory_space<vmem>> -> memref<1x8x1792xf32, #tpu.memory_space<vmem>>
      %dma_start3A_1226 = tpu.memref_squeeze %dma_start3A_1225 : memref<1x8x1792xf32, #tpu.memory_space<vmem>> -> memref<8x1792xf32, #tpu.memory_space<vmem>>
      %dma_start3A_1227 = arith.constant 0 : i32
      %dma_start3A_1228 = tpu.memref_slice %arg4[%add3A_1220, %dma_start3A_1227] : memref<57344x1792xf32, #tpu.memory_space<hbm>> -> memref<8x1792xf32, #tpu.memory_space<hbm>>
      %dma_start3A_1229 = tpu.memref_slice %arg8[%dma_start3A_1222] : memref<8x!tpu.dma_semaphore, #tpu.memory_space<semaphore_mem>> -> memref<1x!tpu.dma_semaphore, #tpu.memory_space<semaphore_mem>>
      %dma_start3A_1230 = tpu.memref_squeeze %dma_start3A_1229 : memref<1x!tpu.dma_semaphore, #tpu.memory_space<semaphore_mem>> -> memref<!tpu.dma_semaphore, #tpu.memory_space<semaphore_mem>>
      %dma_start3A_1231 = arith.constant 0 : i32
      %dma_start3A_1232 = tpu.memref_slice %arg4[%add3A_1220, %dma_start3A_1231] : memref<57344x1792xf32, #tpu.memory_space<hbm>> -> memref<8x1792xf32, #tpu.memory_space<hbm>>
      %dma_start3A_1233 = arith.constant 0 : i32
      %dma_start3A_1234 = arith.constant 0 : i32
      %dma_start3A_1235 = tpu.memref_slice %arg6[%dma_start3A_1221, %dma_start3A_1233, %dma_start3A_1234] : memref<8x8x1792xf32, #tpu.memory_space<vmem>> -> memref<1x8x1792xf32, #tpu.memory_space<vmem>>
      %dma_start3A_1236 = tpu.memref_squeeze %dma_start3A_1235 : memref<1x8x1792xf32, #tpu.memory_space<vmem>> -> memref<8x1792xf32, #tpu.memory_space<vmem>>
      tpu.enqueue_dma source(%dma_start3A_1236 : memref<8x1792xf32, #tpu.memory_space<vmem>>) target(%dma_start3A_1232 : memref<8x1792xf32, #tpu.memory_space<hbm>>) target_semaphore(%dma_start3A_1230 : memref<!tpu.dma_semaphore, #tpu.memory_space<semaphore_mem>>)
      %sub3A_1237 = arith.constant 4 : i32
      %sub3A_1238 = arith.subi %add3A_1202, %sub3A_1237 : i32
      %add3A_1239 = arith.constant 4 : i32
      %add3A_1240 = arith.addi %add3A_1202, %add3A_1239 : i32
      %jit3A_1241 = arith.constant 8 : i32
      %eq3A_1242 = arith.constant 0 : i32
      %eq3A_1243 = arith.cmpi eq, %jit3A_1241, %eq3A_1242 : i32
      %jit3A_1244 = arith.constant 1 : i32
      %select_n3A_1245 = arith.select %eq3A_1243, %jit3A_1244, %jit3A_1241 : i32
      %rem3A_1246 = arith.remsi %add3A_1240, %select_n3A_1245 : i32
      %ne3A_1247 = arith.constant 0 : i32
      %ne3A_1248 = arith.cmpi ne, %rem3A_1246, %ne3A_1247 : i32
      %lt3A_1249 = arith.constant 0 : i32
      %lt3A_1250 = arith.cmpi slt, %rem3A_1246, %lt3A_1249 : i32
      %lt3A_1251 = arith.constant 0 : i32
      %lt3A_1252 = arith.cmpi slt, %select_n3A_1245, %lt3A_1251 : i32
      %ne3A_1253 = arith.xori %lt3A_1250, %lt3A_1252 : i1
      %and3A_1254 = arith.andi %ne3A_1253, %ne3A_1248 : i1
      %add3A_1255 = arith.addi %rem3A_1246, %select_n3A_1245 : i32
      %select_n3A_1256 = arith.select %and3A_1254, %add3A_1255, %rem3A_1246 : i32
      %mul3A_1257 = arith.constant 8 : i32
      %mul3A_1258 = arith.muli %sub3A_1238, %mul3A_1257 : i32
      %add3A_1259 = arith.addi %mul3A_2, %mul3A_1258 : i32
      %dma_wait3A_1260 = arith.constant 0 : i32
      %dma_wait3A_1261 = arith.constant 0 : i32
      %dma_wait3A_1262 = tpu.memref_slice %arg6[%select_n3A_1256, %dma_wait3A_1260, %dma_wait3A_1261] : memref<8x8x1792xf32, #tpu.memory_space<vmem>> -> memref<1x8x1792xf32, #tpu.memory_space<vmem>>
      %dma_wait3A_1263 = tpu.memref_squeeze %dma_wait3A_1262 : memref<1x8x1792xf32, #tpu.memory_space<vmem>> -> memref<8x1792xf32, #tpu.memory_space<vmem>>
      %dma_wait3A_1264 = arith.constant 0 : i32
      %dma_wait3A_1265 = tpu.memref_slice %arg4[%add3A_1259, %dma_wait3A_1264] : memref<57344x1792xf32, #tpu.memory_space<hbm>> -> memref<8x1792xf32, #tpu.memory_space<hbm>>
      %dma_wait3A_1266 = tpu.memref_slice %arg8[%select_n3A_1256] : memref<8x!tpu.dma_semaphore, #tpu.memory_space<semaphore_mem>> -> memref<1x!tpu.dma_semaphore, #tpu.memory_space<semaphore_mem>>
      %dma_wait3A_1267 = tpu.memref_squeeze %dma_wait3A_1266 : memref<1x!tpu.dma_semaphore, #tpu.memory_space<semaphore_mem>> -> memref<!tpu.dma_semaphore, #tpu.memory_space<semaphore_mem>>
      %dma_wait3A_1268 = arith.constant 0 : i32
      %dma_wait3A_1269 = tpu.memref_slice %arg4[%add3A_1259, %dma_wait3A_1268] : memref<57344x1792xf32, #tpu.memory_space<hbm>> -> memref<8x1792xf32, #tpu.memory_space<hbm>>
      %dma_wait3A_1270 = arith.constant 0 : i32
      %dma_wait3A_1271 = arith.constant 0 : i32
      %dma_wait3A_1272 = tpu.memref_slice %arg6[%select_n3A_1256, %dma_wait3A_1270, %dma_wait3A_1271] : memref<8x8x1792xf32, #tpu.memory_space<vmem>> -> memref<1x8x1792xf32, #tpu.memory_space<vmem>>
      %dma_wait3A_1273 = tpu.memref_squeeze %dma_wait3A_1272 : memref<1x8x1792xf32, #tpu.memory_space<vmem>> -> memref<8x1792xf32, #tpu.memory_space<vmem>>
      tpu.wait_dma2 semaphore(%dma_wait3A_1267 : memref<!tpu.dma_semaphore, #tpu.memory_space<semaphore_mem>>) src(%dma_wait3A_1273 : memref<8x1792xf32, #tpu.memory_space<vmem>>) dst(%dma_wait3A_1269 : memref<8x1792xf32, #tpu.memory_space<hbm>>)
      %add3A_1274 = arith.constant 4 : i32
      %add3A_1275 = arith.addi %add3A_1202, %add3A_1274 : i32
      %add3A_1276 = arith.constant 4 : i32
      %add3A_1277 = arith.addi %add3A_1202, %add3A_1276 : i32
      %jit3A_1278 = arith.constant 8 : i32
      %eq3A_1279 = arith.constant 0 : i32
      %eq3A_1280 = arith.cmpi eq, %jit3A_1278, %eq3A_1279 : i32
      %jit3A_1281 = arith.constant 1 : i32
      %select_n3A_1282 = arith.select %eq3A_1280, %jit3A_1281, %jit3A_1278 : i32
      %rem3A_1283 = arith.remsi %add3A_1277, %select_n3A_1282 : i32
      %ne3A_1284 = arith.constant 0 : i32
      %ne3A_1285 = arith.cmpi ne, %rem3A_1283, %ne3A_1284 : i32
      %lt3A_1286 = arith.constant 0 : i32
      %lt3A_1287 = arith.cmpi slt, %rem3A_1283, %lt3A_1286 : i32
      %lt3A_1288 = arith.constant 0 : i32
      %lt3A_1289 = arith.cmpi slt, %select_n3A_1282, %lt3A_1288 : i32
      %ne3A_1290 = arith.xori %lt3A_1287, %lt3A_1289 : i1
      %and3A_1291 = arith.andi %ne3A_1290, %ne3A_1285 : i1
      %add3A_1292 = arith.addi %rem3A_1283, %select_n3A_1282 : i32
      %select_n3A_1293 = arith.select %and3A_1291, %add3A_1292, %rem3A_1283 : i32
      %jit3A_1294 = arith.constant 16 : i32
      %div3A_1295 = arith.divsi %add3A_1275, %jit3A_1294 : i32
      %sign3A_1296 = arith.constant 0 : i32
      %sign3A_1297 = arith.cmpi sgt, %add3A_1275, %sign3A_1296 : i32
      %sign3A_1298 = arith.extui %sign3A_1297 : i1 to i32
      %sign3A_1299 = arith.constant 0 : i32
      %sign3A_1300 = arith.cmpi slt, %add3A_1275, %sign3A_1299 : i32
      %sign3A_1301 = arith.extui %sign3A_1300 : i1 to i32
      %sign3A_1302 = arith.subi %sign3A_1298, %sign3A_1301 : i32
      %sign3A_1303 = arith.constant 0 : i32
      %sign3A_1304 = arith.cmpi sgt, %jit3A_1294, %sign3A_1303 : i32
      %sign3A_1305 = arith.extui %sign3A_1304 : i1 to i32
      %sign3A_1306 = arith.constant 0 : i32
      %sign3A_1307 = arith.cmpi slt, %jit3A_1294, %sign3A_1306 : i32
      %sign3A_1308 = arith.extui %sign3A_1307 : i1 to i32
      %sign3A_1309 = arith.subi %sign3A_1305, %sign3A_1308 : i32
      %ne3A_1310 = arith.cmpi ne, %sign3A_1302, %sign3A_1309 : i32
      %rem3A_1311 = arith.remsi %add3A_1275, %jit3A_1294 : i32
      %ne3A_1312 = arith.constant 0 : i32
      %ne3A_1313 = arith.cmpi ne, %rem3A_1311, %ne3A_1312 : i32
      %and3A_1314 = arith.andi %ne3A_1310, %ne3A_1313 : i1
      %sub3A_1315 = arith.constant 1 : i32
      %sub3A_1316 = arith.subi %div3A_1295, %sub3A_1315 : i32
      %select_n3A_1317 = arith.select %and3A_1314, %sub3A_1316, %div3A_1295 : i32
      %jit3A_1318 = arith.constant 16 : i32
      %eq3A_1319 = arith.constant 0 : i32
      %eq3A_1320 = arith.cmpi eq, %jit3A_1318, %eq3A_1319 : i32
      %jit3A_1321 = arith.constant 1 : i32
      %select_n3A_1322 = arith.select %eq3A_1320, %jit3A_1321, %jit3A_1318 : i32
      %rem3A_1323 = arith.remsi %add3A_1275, %select_n3A_1322 : i32
      %ne3A_1324 = arith.constant 0 : i32
      %ne3A_1325 = arith.cmpi ne, %rem3A_1323, %ne3A_1324 : i32
      %lt3A_1326 = arith.constant 0 : i32
      %lt3A_1327 = arith.cmpi slt, %rem3A_1323, %lt3A_1326 : i32
      %lt3A_1328 = arith.constant 0 : i32
      %lt3A_1329 = arith.cmpi slt, %select_n3A_1322, %lt3A_1328 : i32
      %ne3A_1330 = arith.xori %lt3A_1327, %lt3A_1329 : i1
      %and3A_1331 = arith.andi %ne3A_1330, %ne3A_1325 : i1
      %add3A_1332 = arith.addi %rem3A_1323, %select_n3A_1322 : i32
      %select_n3A_1333 = arith.select %and3A_1331, %add3A_1332, %rem3A_1323 : i32
      %mul3A_1334 = arith.constant 8 : i32
      %mul3A_1335 = arith.muli %select_n3A_1333, %mul3A_1334 : i32
      %dma_start3A_1336 = arith.constant 0 : i32
      %dma_start3A_1337 = arith.constant 0 : i32
      %dma_start3A_1338 = tpu.memref_slice %arg6[%select_n3A_1293, %dma_start3A_1336, %dma_start3A_1337] : memref<8x8x1792xf32, #tpu.memory_space<vmem>> -> memref<1x8x1792xf32, #tpu.memory_space<vmem>>
      %dma_start3A_1339 = tpu.memref_squeeze %dma_start3A_1338 : memref<1x8x1792xf32, #tpu.memory_space<vmem>> -> memref<8x1792xf32, #tpu.memory_space<vmem>>
      %dma_start3A_1340 = tpu.memref_slice %arg5[%select_n3A_1317, %mul3A_1335] : memref<14x128xi32, #tpu.memory_space<vmem>> -> memref<1x8xi32, #tpu.memory_space<vmem>>
      %dma_start3A_1341 = tpu.memref_squeeze %dma_start3A_1340 : memref<1x8xi32, #tpu.memory_space<vmem>> -> memref<8xi32, #tpu.memory_space<vmem>>
      %dma_start3A_1342 = arith.constant 0 : i32
      %dma_start3A_1343 = arith.constant 0 : i32
      %dma_start3A_1344 = tpu.memref_slice %arg2[%dma_start3A_1342, %dma_start3A_1343] : memref<23236x1792xf32, #tpu.memory_space<hbm>> -> memref<23236x1792xf32, #tpu.memory_space<hbm>>
      %dma_start3A_1345 = tpu.memref_slice %arg7[%select_n3A_1293] : memref<8x!tpu.dma_semaphore, #tpu.memory_space<semaphore_mem>> -> memref<1x!tpu.dma_semaphore, #tpu.memory_space<semaphore_mem>>
      %dma_start3A_1346 = tpu.memref_squeeze %dma_start3A_1345 : memref<1x!tpu.dma_semaphore, #tpu.memory_space<semaphore_mem>> -> memref<!tpu.dma_semaphore, #tpu.memory_space<semaphore_mem>>
      tpu.enqueue_indirect_dma source(%dma_start3A_1344 : memref<23236x1792xf32, #tpu.memory_space<hbm>>) target(%dma_start3A_1339 : memref<8x1792xf32, #tpu.memory_space<vmem>>) offsets(%dma_start3A_1341 : memref<8xi32, #tpu.memory_space<vmem>>) semaphore(%dma_start3A_1346 : memref<!tpu.dma_semaphore, #tpu.memory_space<semaphore_mem>>)
      %add3A_1347 = arith.constant 2 : i32
      %add3A_1348 = arith.addi %mul3A_1064, %add3A_1347 : i32
      %dma_wait3A_1349 = arith.constant 0 : i32
      %dma_wait3A_1350 = arith.constant 2 : i32
      %dma_wait3A_1351 = arith.constant 2 : i32
      %dma_wait3A_1352 = arith.constant 0 : i32
      %dma_wait3A_1353 = arith.constant 0 : i32
      %dma_wait3A_1354 = tpu.memref_slice %arg6[%dma_wait3A_1350, %dma_wait3A_1352, %dma_wait3A_1353] : memref<8x8x1792xf32, #tpu.memory_space<vmem>> -> memref<1x8x1792xf32, #tpu.memory_space<vmem>>
      %dma_wait3A_1355 = tpu.memref_squeeze %dma_wait3A_1354 : memref<1x8x1792xf32, #tpu.memory_space<vmem>> -> memref<8x1792xf32, #tpu.memory_space<vmem>>
      %dma_wait3A_1356 = arith.constant 0 : i32
      %dma_wait3A_1357 = tpu.memref_slice %arg5[%dma_wait3A_1349, %dma_wait3A_1356] : memref<14x128xi32, #tpu.memory_space<vmem>> -> memref<1x8xi32, #tpu.memory_space<vmem>>
      %dma_wait3A_1358 = tpu.memref_squeeze %dma_wait3A_1357 : memref<1x8xi32, #tpu.memory_space<vmem>> -> memref<8xi32, #tpu.memory_space<vmem>>
      %dma_wait3A_1359 = arith.constant 0 : i32
      %dma_wait3A_1360 = arith.constant 0 : i32
      %dma_wait3A_1361 = tpu.memref_slice %arg2[%dma_wait3A_1359, %dma_wait3A_1360] : memref<23236x1792xf32, #tpu.memory_space<hbm>> -> memref<23236x1792xf32, #tpu.memory_space<hbm>>
      %dma_wait3A_1362 = tpu.memref_slice %arg7[%dma_wait3A_1351] : memref<8x!tpu.dma_semaphore, #tpu.memory_space<semaphore_mem>> -> memref<1x!tpu.dma_semaphore, #tpu.memory_space<semaphore_mem>>
      %dma_wait3A_1363 = tpu.memref_squeeze %dma_wait3A_1362 : memref<1x!tpu.dma_semaphore, #tpu.memory_space<semaphore_mem>> -> memref<!tpu.dma_semaphore, #tpu.memory_space<semaphore_mem>>
      tpu.wait_indirect_dma semaphore(%dma_wait3A_1363 : memref<!tpu.dma_semaphore, #tpu.memory_space<semaphore_mem>>) src(%dma_wait3A_1361 : memref<23236x1792xf32, #tpu.memory_space<hbm>>) dst(%dma_wait3A_1355 : memref<8x1792xf32, #tpu.memory_space<vmem>>)
      %mul3A_1364 = arith.constant 8 : i32
      %mul3A_1365 = arith.muli %add3A_1348, %mul3A_1364 : i32
      %add3A_1366 = arith.addi %mul3A_2, %mul3A_1365 : i32
      %dma_start3A_1367 = arith.constant 2 : i32
      %dma_start3A_1368 = arith.constant 2 : i32
      %dma_start3A_1369 = arith.constant 0 : i32
      %dma_start3A_1370 = arith.constant 0 : i32
      %dma_start3A_1371 = tpu.memref_slice %arg6[%dma_start3A_1367, %dma_start3A_1369, %dma_start3A_1370] : memref<8x8x1792xf32, #tpu.memory_space<vmem>> -> memref<1x8x1792xf32, #tpu.memory_space<vmem>>
      %dma_start3A_1372 = tpu.memref_squeeze %dma_start3A_1371 : memref<1x8x1792xf32, #tpu.memory_space<vmem>> -> memref<8x1792xf32, #tpu.memory_space<vmem>>
      %dma_start3A_1373 = arith.constant 0 : i32
      %dma_start3A_1374 = tpu.memref_slice %arg4[%add3A_1366, %dma_start3A_1373] : memref<57344x1792xf32, #tpu.memory_space<hbm>> -> memref<8x1792xf32, #tpu.memory_space<hbm>>
      %dma_start3A_1375 = tpu.memref_slice %arg8[%dma_start3A_1368] : memref<8x!tpu.dma_semaphore, #tpu.memory_space<semaphore_mem>> -> memref<1x!tpu.dma_semaphore, #tpu.memory_space<semaphore_mem>>
      %dma_start3A_1376 = tpu.memref_squeeze %dma_start3A_1375 : memref<1x!tpu.dma_semaphore, #tpu.memory_space<semaphore_mem>> -> memref<!tpu.dma_semaphore, #tpu.memory_space<semaphore_mem>>
      %dma_start3A_1377 = arith.constant 0 : i32
      %dma_start3A_1378 = tpu.memref_slice %arg4[%add3A_1366, %dma_start3A_1377] : memref<57344x1792xf32, #tpu.memory_space<hbm>> -> memref<8x1792xf32, #tpu.memory_space<hbm>>
      %dma_start3A_1379 = arith.constant 0 : i32
      %dma_start3A_1380 = arith.constant 0 : i32
      %dma_start3A_1381 = tpu.memref_slice %arg6[%dma_start3A_1367, %dma_start3A_1379, %dma_start3A_1380] : memref<8x8x1792xf32, #tpu.memory_space<vmem>> -> memref<1x8x1792xf32, #tpu.memory_space<vmem>>
      %dma_start3A_1382 = tpu.memref_squeeze %dma_start3A_1381 : memref<1x8x1792xf32, #tpu.memory_space<vmem>> -> memref<8x1792xf32, #tpu.memory_space<vmem>>
      tpu.enqueue_dma source(%dma_start3A_1382 : memref<8x1792xf32, #tpu.memory_space<vmem>>) target(%dma_start3A_1378 : memref<8x1792xf32, #tpu.memory_space<hbm>>) target_semaphore(%dma_start3A_1376 : memref<!tpu.dma_semaphore, #tpu.memory_space<semaphore_mem>>)
      %sub3A_1383 = arith.constant 4 : i32
      %sub3A_1384 = arith.subi %add3A_1348, %sub3A_1383 : i32
      %add3A_1385 = arith.constant 4 : i32
      %add3A_1386 = arith.addi %add3A_1348, %add3A_1385 : i32
      %jit3A_1387 = arith.constant 8 : i32
      %eq3A_1388 = arith.constant 0 : i32
      %eq3A_1389 = arith.cmpi eq, %jit3A_1387, %eq3A_1388 : i32
      %jit3A_1390 = arith.constant 1 : i32
      %select_n3A_1391 = arith.select %eq3A_1389, %jit3A_1390, %jit3A_1387 : i32
      %rem3A_1392 = arith.remsi %add3A_1386, %select_n3A_1391 : i32
      %ne3A_1393 = arith.constant 0 : i32
      %ne3A_1394 = arith.cmpi ne, %rem3A_1392, %ne3A_1393 : i32
      %lt3A_1395 = arith.constant 0 : i32
      %lt3A_1396 = arith.cmpi slt, %rem3A_1392, %lt3A_1395 : i32
      %lt3A_1397 = arith.constant 0 : i32
      %lt3A_1398 = arith.cmpi slt, %select_n3A_1391, %lt3A_1397 : i32
      %ne3A_1399 = arith.xori %lt3A_1396, %lt3A_1398 : i1
      %and3A_1400 = arith.andi %ne3A_1399, %ne3A_1394 : i1
      %add3A_1401 = arith.addi %rem3A_1392, %select_n3A_1391 : i32
      %select_n3A_1402 = arith.select %and3A_1400, %add3A_1401, %rem3A_1392 : i32
      %mul3A_1403 = arith.constant 8 : i32
      %mul3A_1404 = arith.muli %sub3A_1384, %mul3A_1403 : i32
      %add3A_1405 = arith.addi %mul3A_2, %mul3A_1404 : i32
      %dma_wait3A_1406 = arith.constant 0 : i32
      %dma_wait3A_1407 = arith.constant 0 : i32
      %dma_wait3A_1408 = tpu.memref_slice %arg6[%select_n3A_1402, %dma_wait3A_1406, %dma_wait3A_1407] : memref<8x8x1792xf32, #tpu.memory_space<vmem>> -> memref<1x8x1792xf32, #tpu.memory_space<vmem>>
      %dma_wait3A_1409 = tpu.memref_squeeze %dma_wait3A_1408 : memref<1x8x1792xf32, #tpu.memory_space<vmem>> -> memref<8x1792xf32, #tpu.memory_space<vmem>>
      %dma_wait3A_1410 = arith.constant 0 : i32
      %dma_wait3A_1411 = tpu.memref_slice %arg4[%add3A_1405, %dma_wait3A_1410] : memref<57344x1792xf32, #tpu.memory_space<hbm>> -> memref<8x1792xf32, #tpu.memory_space<hbm>>
      %dma_wait3A_1412 = tpu.memref_slice %arg8[%select_n3A_1402] : memref<8x!tpu.dma_semaphore, #tpu.memory_space<semaphore_mem>> -> memref<1x!tpu.dma_semaphore, #tpu.memory_space<semaphore_mem>>
      %dma_wait3A_1413 = tpu.memref_squeeze %dma_wait3A_1412 : memref<1x!tpu.dma_semaphore, #tpu.memory_space<semaphore_mem>> -> memref<!tpu.dma_semaphore, #tpu.memory_space<semaphore_mem>>
      %dma_wait3A_1414 = arith.constant 0 : i32
      %dma_wait3A_1415 = tpu.memref_slice %arg4[%add3A_1405, %dma_wait3A_1414] : memref<57344x1792xf32, #tpu.memory_space<hbm>> -> memref<8x1792xf32, #tpu.memory_space<hbm>>
      %dma_wait3A_1416 = arith.constant 0 : i32
      %dma_wait3A_1417 = arith.constant 0 : i32
      %dma_wait3A_1418 = tpu.memref_slice %arg6[%select_n3A_1402, %dma_wait3A_1416, %dma_wait3A_1417] : memref<8x8x1792xf32, #tpu.memory_space<vmem>> -> memref<1x8x1792xf32, #tpu.memory_space<vmem>>
      %dma_wait3A_1419 = tpu.memref_squeeze %dma_wait3A_1418 : memref<1x8x1792xf32, #tpu.memory_space<vmem>> -> memref<8x1792xf32, #tpu.memory_space<vmem>>
      tpu.wait_dma2 semaphore(%dma_wait3A_1413 : memref<!tpu.dma_semaphore, #tpu.memory_space<semaphore_mem>>) src(%dma_wait3A_1419 : memref<8x1792xf32, #tpu.memory_space<vmem>>) dst(%dma_wait3A_1415 : memref<8x1792xf32, #tpu.memory_space<hbm>>)
      %add3A_1420 = arith.constant 4 : i32
      %add3A_1421 = arith.addi %add3A_1348, %add3A_1420 : i32
      %add3A_1422 = arith.constant 4 : i32
      %add3A_1423 = arith.addi %add3A_1348, %add3A_1422 : i32
      %jit3A_1424 = arith.constant 8 : i32
      %eq3A_1425 = arith.constant 0 : i32
      %eq3A_1426 = arith.cmpi eq, %jit3A_1424, %eq3A_1425 : i32
      %jit3A_1427 = arith.constant 1 : i32
      %select_n3A_1428 = arith.select %eq3A_1426, %jit3A_1427, %jit3A_1424 : i32
      %rem3A_1429 = arith.remsi %add3A_1423, %select_n3A_1428 : i32
      %ne3A_1430 = arith.constant 0 : i32
      %ne3A_1431 = arith.cmpi ne, %rem3A_1429, %ne3A_1430 : i32
      %lt3A_1432 = arith.constant 0 : i32
      %lt3A_1433 = arith.cmpi slt, %rem3A_1429, %lt3A_1432 : i32
      %lt3A_1434 = arith.constant 0 : i32
      %lt3A_1435 = arith.cmpi slt, %select_n3A_1428, %lt3A_1434 : i32
      %ne3A_1436 = arith.xori %lt3A_1433, %lt3A_1435 : i1
      %and3A_1437 = arith.andi %ne3A_1436, %ne3A_1431 : i1
      %add3A_1438 = arith.addi %rem3A_1429, %select_n3A_1428 : i32
      %select_n3A_1439 = arith.select %and3A_1437, %add3A_1438, %rem3A_1429 : i32
      %jit3A_1440 = arith.constant 16 : i32
      %div3A_1441 = arith.divsi %add3A_1421, %jit3A_1440 : i32
      %sign3A_1442 = arith.constant 0 : i32
      %sign3A_1443 = arith.cmpi sgt, %add3A_1421, %sign3A_1442 : i32
      %sign3A_1444 = arith.extui %sign3A_1443 : i1 to i32
      %sign3A_1445 = arith.constant 0 : i32
      %sign3A_1446 = arith.cmpi slt, %add3A_1421, %sign3A_1445 : i32
      %sign3A_1447 = arith.extui %sign3A_1446 : i1 to i32
      %sign3A_1448 = arith.subi %sign3A_1444, %sign3A_1447 : i32
      %sign3A_1449 = arith.constant 0 : i32
      %sign3A_1450 = arith.cmpi sgt, %jit3A_1440, %sign3A_1449 : i32
      %sign3A_1451 = arith.extui %sign3A_1450 : i1 to i32
      %sign3A_1452 = arith.constant 0 : i32
      %sign3A_1453 = arith.cmpi slt, %jit3A_1440, %sign3A_1452 : i32
      %sign3A_1454 = arith.extui %sign3A_1453 : i1 to i32
      %sign3A_1455 = arith.subi %sign3A_1451, %sign3A_1454 : i32
      %ne3A_1456 = arith.cmpi ne, %sign3A_1448, %sign3A_1455 : i32
      %rem3A_1457 = arith.remsi %add3A_1421, %jit3A_1440 : i32
      %ne3A_1458 = arith.constant 0 : i32
      %ne3A_1459 = arith.cmpi ne, %rem3A_1457, %ne3A_1458 : i32
      %and3A_1460 = arith.andi %ne3A_1456, %ne3A_1459 : i1
      %sub3A_1461 = arith.constant 1 : i32
      %sub3A_1462 = arith.subi %div3A_1441, %sub3A_1461 : i32
      %select_n3A_1463 = arith.select %and3A_1460, %sub3A_1462, %div3A_1441 : i32
      %jit3A_1464 = arith.constant 16 : i32
      %eq3A_1465 = arith.constant 0 : i32
      %eq3A_1466 = arith.cmpi eq, %jit3A_1464, %eq3A_1465 : i32
      %jit3A_1467 = arith.constant 1 : i32
      %select_n3A_1468 = arith.select %eq3A_1466, %jit3A_1467, %jit3A_1464 : i32
      %rem3A_1469 = arith.remsi %add3A_1421, %select_n3A_1468 : i32
      %ne3A_1470 = arith.constant 0 : i32
      %ne3A_1471 = arith.cmpi ne, %rem3A_1469, %ne3A_1470 : i32
      %lt3A_1472 = arith.constant 0 : i32
      %lt3A_1473 = arith.cmpi slt, %rem3A_1469, %lt3A_1472 : i32
      %lt3A_1474 = arith.constant 0 : i32
      %lt3A_1475 = arith.cmpi slt, %select_n3A_1468, %lt3A_1474 : i32
      %ne3A_1476 = arith.xori %lt3A_1473, %lt3A_1475 : i1
      %and3A_1477 = arith.andi %ne3A_1476, %ne3A_1471 : i1
      %add3A_1478 = arith.addi %rem3A_1469, %select_n3A_1468 : i32
      %select_n3A_1479 = arith.select %and3A_1477, %add3A_1478, %rem3A_1469 : i32
      %mul3A_1480 = arith.constant 8 : i32
      %mul3A_1481 = arith.muli %select_n3A_1479, %mul3A_1480 : i32
      %dma_start3A_1482 = arith.constant 0 : i32
      %dma_start3A_1483 = arith.constant 0 : i32
      %dma_start3A_1484 = tpu.memref_slice %arg6[%select_n3A_1439, %dma_start3A_1482, %dma_start3A_1483] : memref<8x8x1792xf32, #tpu.memory_space<vmem>> -> memref<1x8x1792xf32, #tpu.memory_space<vmem>>
      %dma_start3A_1485 = tpu.memref_squeeze %dma_start3A_1484 : memref<1x8x1792xf32, #tpu.memory_space<vmem>> -> memref<8x1792xf32, #tpu.memory_space<vmem>>
      %dma_start3A_1486 = tpu.memref_slice %arg5[%select_n3A_1463, %mul3A_1481] : memref<14x128xi32, #tpu.memory_space<vmem>> -> memref<1x8xi32, #tpu.memory_space<vmem>>
      %dma_start3A_1487 = tpu.memref_squeeze %dma_start3A_1486 : memref<1x8xi32, #tpu.memory_space<vmem>> -> memref<8xi32, #tpu.memory_space<vmem>>
      %dma_start3A_1488 = arith.constant 0 : i32
      %dma_start3A_1489 = arith.constant 0 : i32
      %dma_start3A_1490 = tpu.memref_slice %arg2[%dma_start3A_1488, %dma_start3A_1489] : memref<23236x1792xf32, #tpu.memory_space<hbm>> -> memref<23236x1792xf32, #tpu.memory_space<hbm>>
      %dma_start3A_1491 = tpu.memref_slice %arg7[%select_n3A_1439] : memref<8x!tpu.dma_semaphore, #tpu.memory_space<semaphore_mem>> -> memref<1x!tpu.dma_semaphore, #tpu.memory_space<semaphore_mem>>
      %dma_start3A_1492 = tpu.memref_squeeze %dma_start3A_1491 : memref<1x!tpu.dma_semaphore, #tpu.memory_space<semaphore_mem>> -> memref<!tpu.dma_semaphore, #tpu.memory_space<semaphore_mem>>
      tpu.enqueue_indirect_dma source(%dma_start3A_1490 : memref<23236x1792xf32, #tpu.memory_space<hbm>>) target(%dma_start3A_1485 : memref<8x1792xf32, #tpu.memory_space<vmem>>) offsets(%dma_start3A_1487 : memref<8xi32, #tpu.memory_space<vmem>>) semaphore(%dma_start3A_1492 : memref<!tpu.dma_semaphore, #tpu.memory_space<semaphore_mem>>)
      %add3A_1493 = arith.constant 3 : i32
      %add3A_1494 = arith.addi %mul3A_1064, %add3A_1493 : i32
      %dma_wait3A_1495 = arith.constant 0 : i32
      %dma_wait3A_1496 = arith.constant 3 : i32
      %dma_wait3A_1497 = arith.constant 3 : i32
      %dma_wait3A_1498 = arith.constant 0 : i32
      %dma_wait3A_1499 = arith.constant 0 : i32
      %dma_wait3A_1500 = tpu.memref_slice %arg6[%dma_wait3A_1496, %dma_wait3A_1498, %dma_wait3A_1499] : memref<8x8x1792xf32, #tpu.memory_space<vmem>> -> memref<1x8x1792xf32, #tpu.memory_space<vmem>>
      %dma_wait3A_1501 = tpu.memref_squeeze %dma_wait3A_1500 : memref<1x8x1792xf32, #tpu.memory_space<vmem>> -> memref<8x1792xf32, #tpu.memory_space<vmem>>
      %dma_wait3A_1502 = arith.constant 0 : i32
      %dma_wait3A_1503 = tpu.memref_slice %arg5[%dma_wait3A_1495, %dma_wait3A_1502] : memref<14x128xi32, #tpu.memory_space<vmem>> -> memref<1x8xi32, #tpu.memory_space<vmem>>
      %dma_wait3A_1504 = tpu.memref_squeeze %dma_wait3A_1503 : memref<1x8xi32, #tpu.memory_space<vmem>> -> memref<8xi32, #tpu.memory_space<vmem>>
      %dma_wait3A_1505 = arith.constant 0 : i32
      %dma_wait3A_1506 = arith.constant 0 : i32
      %dma_wait3A_1507 = tpu.memref_slice %arg2[%dma_wait3A_1505, %dma_wait3A_1506] : memref<23236x1792xf32, #tpu.memory_space<hbm>> -> memref<23236x1792xf32, #tpu.memory_space<hbm>>
      %dma_wait3A_1508 = tpu.memref_slice %arg7[%dma_wait3A_1497] : memref<8x!tpu.dma_semaphore, #tpu.memory_space<semaphore_mem>> -> memref<1x!tpu.dma_semaphore, #tpu.memory_space<semaphore_mem>>
      %dma_wait3A_1509 = tpu.memref_squeeze %dma_wait3A_1508 : memref<1x!tpu.dma_semaphore, #tpu.memory_space<semaphore_mem>> -> memref<!tpu.dma_semaphore, #tpu.memory_space<semaphore_mem>>
      tpu.wait_indirect_dma semaphore(%dma_wait3A_1509 : memref<!tpu.dma_semaphore, #tpu.memory_space<semaphore_mem>>) src(%dma_wait3A_1507 : memref<23236x1792xf32, #tpu.memory_space<hbm>>) dst(%dma_wait3A_1501 : memref<8x1792xf32, #tpu.memory_space<vmem>>)
      %mul3A_1510 = arith.constant 8 : i32
      %mul3A_1511 = arith.muli %add3A_1494, %mul3A_1510 : i32
      %add3A_1512 = arith.addi %mul3A_2, %mul3A_1511 : i32
      %dma_start3A_1513 = arith.constant 3 : i32
      %dma_start3A_1514 = arith.constant 3 : i32
      %dma_start3A_1515 = arith.constant 0 : i32
      %dma_start3A_1516 = arith.constant 0 : i32
      %dma_start3A_1517 = tpu.memref_slice %arg6[%dma_start3A_1513, %dma_start3A_1515, %dma_start3A_1516] : memref<8x8x1792xf32, #tpu.memory_space<vmem>> -> memref<1x8x1792xf32, #tpu.memory_space<vmem>>
      %dma_start3A_1518 = tpu.memref_squeeze %dma_start3A_1517 : memref<1x8x1792xf32, #tpu.memory_space<vmem>> -> memref<8x1792xf32, #tpu.memory_space<vmem>>
      %dma_start3A_1519 = arith.constant 0 : i32
      %dma_start3A_1520 = tpu.memref_slice %arg4[%add3A_1512, %dma_start3A_1519] : memref<57344x1792xf32, #tpu.memory_space<hbm>> -> memref<8x1792xf32, #tpu.memory_space<hbm>>
      %dma_start3A_1521 = tpu.memref_slice %arg8[%dma_start3A_1514] : memref<8x!tpu.dma_semaphore, #tpu.memory_space<semaphore_mem>> -> memref<1x!tpu.dma_semaphore, #tpu.memory_space<semaphore_mem>>
      %dma_start3A_1522 = tpu.memref_squeeze %dma_start3A_1521 : memref<1x!tpu.dma_semaphore, #tpu.memory_space<semaphore_mem>> -> memref<!tpu.dma_semaphore, #tpu.memory_space<semaphore_mem>>
      %dma_start3A_1523 = arith.constant 0 : i32
      %dma_start3A_1524 = tpu.memref_slice %arg4[%add3A_1512, %dma_start3A_1523] : memref<57344x1792xf32, #tpu.memory_space<hbm>> -> memref<8x1792xf32, #tpu.memory_space<hbm>>
      %dma_start3A_1525 = arith.constant 0 : i32
      %dma_start3A_1526 = arith.constant 0 : i32
      %dma_start3A_1527 = tpu.memref_slice %arg6[%dma_start3A_1513, %dma_start3A_1525, %dma_start3A_1526] : memref<8x8x1792xf32, #tpu.memory_space<vmem>> -> memref<1x8x1792xf32, #tpu.memory_space<vmem>>
      %dma_start3A_1528 = tpu.memref_squeeze %dma_start3A_1527 : memref<1x8x1792xf32, #tpu.memory_space<vmem>> -> memref<8x1792xf32, #tpu.memory_space<vmem>>
      tpu.enqueue_dma source(%dma_start3A_1528 : memref<8x1792xf32, #tpu.memory_space<vmem>>) target(%dma_start3A_1524 : memref<8x1792xf32, #tpu.memory_space<hbm>>) target_semaphore(%dma_start3A_1522 : memref<!tpu.dma_semaphore, #tpu.memory_space<semaphore_mem>>)
      %sub3A_1529 = arith.constant 4 : i32
      %sub3A_1530 = arith.subi %add3A_1494, %sub3A_1529 : i32
      %add3A_1531 = arith.constant 4 : i32
      %add3A_1532 = arith.addi %add3A_1494, %add3A_1531 : i32
      %jit3A_1533 = arith.constant 8 : i32
      %eq3A_1534 = arith.constant 0 : i32
      %eq3A_1535 = arith.cmpi eq, %jit3A_1533, %eq3A_1534 : i32
      %jit3A_1536 = arith.constant 1 : i32
      %select_n3A_1537 = arith.select %eq3A_1535, %jit3A_1536, %jit3A_1533 : i32
      %rem3A_1538 = arith.remsi %add3A_1532, %select_n3A_1537 : i32
      %ne3A_1539 = arith.constant 0 : i32
      %ne3A_1540 = arith.cmpi ne, %rem3A_1538, %ne3A_1539 : i32
      %lt3A_1541 = arith.constant 0 : i32
      %lt3A_1542 = arith.cmpi slt, %rem3A_1538, %lt3A_1541 : i32
      %lt3A_1543 = arith.constant 0 : i32
      %lt3A_1544 = arith.cmpi slt, %select_n3A_1537, %lt3A_1543 : i32
      %ne3A_1545 = arith.xori %lt3A_1542, %lt3A_1544 : i1
      %and3A_1546 = arith.andi %ne3A_1545, %ne3A_1540 : i1
      %add3A_1547 = arith.addi %rem3A_1538, %select_n3A_1537 : i32
      %select_n3A_1548 = arith.select %and3A_1546, %add3A_1547, %rem3A_1538 : i32
      %mul3A_1549 = arith.constant 8 : i32
      %mul3A_1550 = arith.muli %sub3A_1530, %mul3A_1549 : i32
      %add3A_1551 = arith.addi %mul3A_2, %mul3A_1550 : i32
      %dma_wait3A_1552 = arith.constant 0 : i32
      %dma_wait3A_1553 = arith.constant 0 : i32
      %dma_wait3A_1554 = tpu.memref_slice %arg6[%select_n3A_1548, %dma_wait3A_1552, %dma_wait3A_1553] : memref<8x8x1792xf32, #tpu.memory_space<vmem>> -> memref<1x8x1792xf32, #tpu.memory_space<vmem>>
      %dma_wait3A_1555 = tpu.memref_squeeze %dma_wait3A_1554 : memref<1x8x1792xf32, #tpu.memory_space<vmem>> -> memref<8x1792xf32, #tpu.memory_space<vmem>>
      %dma_wait3A_1556 = arith.constant 0 : i32
      %dma_wait3A_1557 = tpu.memref_slice %arg4[%add3A_1551, %dma_wait3A_1556] : memref<57344x1792xf32, #tpu.memory_space<hbm>> -> memref<8x1792xf32, #tpu.memory_space<hbm>>
      %dma_wait3A_1558 = tpu.memref_slice %arg8[%select_n3A_1548] : memref<8x!tpu.dma_semaphore, #tpu.memory_space<semaphore_mem>> -> memref<1x!tpu.dma_semaphore, #tpu.memory_space<semaphore_mem>>
      %dma_wait3A_1559 = tpu.memref_squeeze %dma_wait3A_1558 : memref<1x!tpu.dma_semaphore, #tpu.memory_space<semaphore_mem>> -> memref<!tpu.dma_semaphore, #tpu.memory_space<semaphore_mem>>
      %dma_wait3A_1560 = arith.constant 0 : i32
      %dma_wait3A_1561 = tpu.memref_slice %arg4[%add3A_1551, %dma_wait3A_1560] : memref<57344x1792xf32, #tpu.memory_space<hbm>> -> memref<8x1792xf32, #tpu.memory_space<hbm>>
      %dma_wait3A_1562 = arith.constant 0 : i32
      %dma_wait3A_1563 = arith.constant 0 : i32
      %dma_wait3A_1564 = tpu.memref_slice %arg6[%select_n3A_1548, %dma_wait3A_1562, %dma_wait3A_1563] : memref<8x8x1792xf32, #tpu.memory_space<vmem>> -> memref<1x8x1792xf32, #tpu.memory_space<vmem>>
      %dma_wait3A_1565 = tpu.memref_squeeze %dma_wait3A_1564 : memref<1x8x1792xf32, #tpu.memory_space<vmem>> -> memref<8x1792xf32, #tpu.memory_space<vmem>>
      tpu.wait_dma2 semaphore(%dma_wait3A_1559 : memref<!tpu.dma_semaphore, #tpu.memory_space<semaphore_mem>>) src(%dma_wait3A_1565 : memref<8x1792xf32, #tpu.memory_space<vmem>>) dst(%dma_wait3A_1561 : memref<8x1792xf32, #tpu.memory_space<hbm>>)
      %add3A_1566 = arith.constant 4 : i32
      %add3A_1567 = arith.addi %add3A_1494, %add3A_1566 : i32
      %add3A_1568 = arith.constant 4 : i32
      %add3A_1569 = arith.addi %add3A_1494, %add3A_1568 : i32
      %jit3A_1570 = arith.constant 8 : i32
      %eq3A_1571 = arith.constant 0 : i32
      %eq3A_1572 = arith.cmpi eq, %jit3A_1570, %eq3A_1571 : i32
      %jit3A_1573 = arith.constant 1 : i32
      %select_n3A_1574 = arith.select %eq3A_1572, %jit3A_1573, %jit3A_1570 : i32
      %rem3A_1575 = arith.remsi %add3A_1569, %select_n3A_1574 : i32
      %ne3A_1576 = arith.constant 0 : i32
      %ne3A_1577 = arith.cmpi ne, %rem3A_1575, %ne3A_1576 : i32
      %lt3A_1578 = arith.constant 0 : i32
      %lt3A_1579 = arith.cmpi slt, %rem3A_1575, %lt3A_1578 : i32
      %lt3A_1580 = arith.constant 0 : i32
      %lt3A_1581 = arith.cmpi slt, %select_n3A_1574, %lt3A_1580 : i32
      %ne3A_1582 = arith.xori %lt3A_1579, %lt3A_1581 : i1
      %and3A_1583 = arith.andi %ne3A_1582, %ne3A_1577 : i1
      %add3A_1584 = arith.addi %rem3A_1575, %select_n3A_1574 : i32
      %select_n3A_1585 = arith.select %and3A_1583, %add3A_1584, %rem3A_1575 : i32
      %jit3A_1586 = arith.constant 16 : i32
      %div3A_1587 = arith.divsi %add3A_1567, %jit3A_1586 : i32
      %sign3A_1588 = arith.constant 0 : i32
      %sign3A_1589 = arith.cmpi sgt, %add3A_1567, %sign3A_1588 : i32
      %sign3A_1590 = arith.extui %sign3A_1589 : i1 to i32
      %sign3A_1591 = arith.constant 0 : i32
      %sign3A_1592 = arith.cmpi slt, %add3A_1567, %sign3A_1591 : i32
      %sign3A_1593 = arith.extui %sign3A_1592 : i1 to i32
      %sign3A_1594 = arith.subi %sign3A_1590, %sign3A_1593 : i32
      %sign3A_1595 = arith.constant 0 : i32
      %sign3A_1596 = arith.cmpi sgt, %jit3A_1586, %sign3A_1595 : i32
      %sign3A_1597 = arith.extui %sign3A_1596 : i1 to i32
      %sign3A_1598 = arith.constant 0 : i32
      %sign3A_1599 = arith.cmpi slt, %jit3A_1586, %sign3A_1598 : i32
      %sign3A_1600 = arith.extui %sign3A_1599 : i1 to i32
      %sign3A_1601 = arith.subi %sign3A_1597, %sign3A_1600 : i32
      %ne3A_1602 = arith.cmpi ne, %sign3A_1594, %sign3A_1601 : i32
      %rem3A_1603 = arith.remsi %add3A_1567, %jit3A_1586 : i32
      %ne3A_1604 = arith.constant 0 : i32
      %ne3A_1605 = arith.cmpi ne, %rem3A_1603, %ne3A_1604 : i32
      %and3A_1606 = arith.andi %ne3A_1602, %ne3A_1605 : i1
      %sub3A_1607 = arith.constant 1 : i32
      %sub3A_1608 = arith.subi %div3A_1587, %sub3A_1607 : i32
      %select_n3A_1609 = arith.select %and3A_1606, %sub3A_1608, %div3A_1587 : i32
      %jit3A_1610 = arith.constant 16 : i32
      %eq3A_1611 = arith.constant 0 : i32
      %eq3A_1612 = arith.cmpi eq, %jit3A_1610, %eq3A_1611 : i32
      %jit3A_1613 = arith.constant 1 : i32
      %select_n3A_1614 = arith.select %eq3A_1612, %jit3A_1613, %jit3A_1610 : i32
      %rem3A_1615 = arith.remsi %add3A_1567, %select_n3A_1614 : i32
      %ne3A_1616 = arith.constant 0 : i32
      %ne3A_1617 = arith.cmpi ne, %rem3A_1615, %ne3A_1616 : i32
      %lt3A_1618 = arith.constant 0 : i32
      %lt3A_1619 = arith.cmpi slt, %rem3A_1615, %lt3A_1618 : i32
      %lt3A_1620 = arith.constant 0 : i32
      %lt3A_1621 = arith.cmpi slt, %select_n3A_1614, %lt3A_1620 : i32
      %ne3A_1622 = arith.xori %lt3A_1619, %lt3A_1621 : i1
      %and3A_1623 = arith.andi %ne3A_1622, %ne3A_1617 : i1
      %add3A_1624 = arith.addi %rem3A_1615, %select_n3A_1614 : i32
      %select_n3A_1625 = arith.select %and3A_1623, %add3A_1624, %rem3A_1615 : i32
      %mul3A_1626 = arith.constant 8 : i32
      %mul3A_1627 = arith.muli %select_n3A_1625, %mul3A_1626 : i32
      %dma_start3A_1628 = arith.constant 0 : i32
      %dma_start3A_1629 = arith.constant 0 : i32
      %dma_start3A_1630 = tpu.memref_slice %arg6[%select_n3A_1585, %dma_start3A_1628, %dma_start3A_1629] : memref<8x8x1792xf32, #tpu.memory_space<vmem>> -> memref<1x8x1792xf32, #tpu.memory_space<vmem>>
      %dma_start3A_1631 = tpu.memref_squeeze %dma_start3A_1630 : memref<1x8x1792xf32, #tpu.memory_space<vmem>> -> memref<8x1792xf32, #tpu.memory_space<vmem>>
      %dma_start3A_1632 = tpu.memref_slice %arg5[%select_n3A_1609, %mul3A_1627] : memref<14x128xi32, #tpu.memory_space<vmem>> -> memref<1x8xi32, #tpu.memory_space<vmem>>
      %dma_start3A_1633 = tpu.memref_squeeze %dma_start3A_1632 : memref<1x8xi32, #tpu.memory_space<vmem>> -> memref<8xi32, #tpu.memory_space<vmem>>
      %dma_start3A_1634 = arith.constant 0 : i32
      %dma_start3A_1635 = arith.constant 0 : i32
      %dma_start3A_1636 = tpu.memref_slice %arg2[%dma_start3A_1634, %dma_start3A_1635] : memref<23236x1792xf32, #tpu.memory_space<hbm>> -> memref<23236x1792xf32, #tpu.memory_space<hbm>>
      %dma_start3A_1637 = tpu.memref_slice %arg7[%select_n3A_1585] : memref<8x!tpu.dma_semaphore, #tpu.memory_space<semaphore_mem>> -> memref<1x!tpu.dma_semaphore, #tpu.memory_space<semaphore_mem>>
      %dma_start3A_1638 = tpu.memref_squeeze %dma_start3A_1637 : memref<1x!tpu.dma_semaphore, #tpu.memory_space<semaphore_mem>> -> memref<!tpu.dma_semaphore, #tpu.memory_space<semaphore_mem>>
      tpu.enqueue_indirect_dma source(%dma_start3A_1636 : memref<23236x1792xf32, #tpu.memory_space<hbm>>) target(%dma_start3A_1631 : memref<8x1792xf32, #tpu.memory_space<vmem>>) offsets(%dma_start3A_1633 : memref<8xi32, #tpu.memory_space<vmem>>) semaphore(%dma_start3A_1638 : memref<!tpu.dma_semaphore, #tpu.memory_space<semaphore_mem>>)
      %add3A_1639 = arith.constant 4 : i32
      %add3A_1640 = arith.addi %mul3A_1064, %add3A_1639 : i32
      %dma_wait3A_1641 = arith.constant 0 : i32
      %dma_wait3A_1642 = arith.constant 4 : i32
      %dma_wait3A_1643 = arith.constant 4 : i32
      %dma_wait3A_1644 = arith.constant 0 : i32
      %dma_wait3A_1645 = arith.constant 0 : i32
      %dma_wait3A_1646 = tpu.memref_slice %arg6[%dma_wait3A_1642, %dma_wait3A_1644, %dma_wait3A_1645] : memref<8x8x1792xf32, #tpu.memory_space<vmem>> -> memref<1x8x1792xf32, #tpu.memory_space<vmem>>
      %dma_wait3A_1647 = tpu.memref_squeeze %dma_wait3A_1646 : memref<1x8x1792xf32, #tpu.memory_space<vmem>> -> memref<8x1792xf32, #tpu.memory_space<vmem>>
      %dma_wait3A_1648 = arith.constant 0 : i32
      %dma_wait3A_1649 = tpu.memref_slice %arg5[%dma_wait3A_1641, %dma_wait3A_1648] : memref<14x128xi32, #tpu.memory_space<vmem>> -> memref<1x8xi32, #tpu.memory_space<vmem>>
      %dma_wait3A_1650 = tpu.memref_squeeze %dma_wait3A_1649 : memref<1x8xi32, #tpu.memory_space<vmem>> -> memref<8xi32, #tpu.memory_space<vmem>>
      %dma_wait3A_1651 = arith.constant 0 : i32
      %dma_wait3A_1652 = arith.constant 0 : i32
      %dma_wait3A_1653 = tpu.memref_slice %arg2[%dma_wait3A_1651, %dma_wait3A_1652] : memref<23236x1792xf32, #tpu.memory_space<hbm>> -> memref<23236x1792xf32, #tpu.memory_space<hbm>>
      %dma_wait3A_1654 = tpu.memref_slice %arg7[%dma_wait3A_1643] : memref<8x!tpu.dma_semaphore, #tpu.memory_space<semaphore_mem>> -> memref<1x!tpu.dma_semaphore, #tpu.memory_space<semaphore_mem>>
      %dma_wait3A_1655 = tpu.memref_squeeze %dma_wait3A_1654 : memref<1x!tpu.dma_semaphore, #tpu.memory_space<semaphore_mem>> -> memref<!tpu.dma_semaphore, #tpu.memory_space<semaphore_mem>>
      tpu.wait_indirect_dma semaphore(%dma_wait3A_1655 : memref<!tpu.dma_semaphore, #tpu.memory_space<semaphore_mem>>) src(%dma_wait3A_1653 : memref<23236x1792xf32, #tpu.memory_space<hbm>>) dst(%dma_wait3A_1647 : memref<8x1792xf32, #tpu.memory_space<vmem>>)
      %mul3A_1656 = arith.constant 8 : i32
      %mul3A_1657 = arith.muli %add3A_1640, %mul3A_1656 : i32
      %add3A_1658 = arith.addi %mul3A_2, %mul3A_1657 : i32
      %dma_start3A_1659 = arith.constant 4 : i32
      %dma_start3A_1660 = arith.constant 4 : i32
      %dma_start3A_1661 = arith.constant 0 : i32
      %dma_start3A_1662 = arith.constant 0 : i32
      %dma_start3A_1663 = tpu.memref_slice %arg6[%dma_start3A_1659, %dma_start3A_1661, %dma_start3A_1662] : memref<8x8x1792xf32, #tpu.memory_space<vmem>> -> memref<1x8x1792xf32, #tpu.memory_space<vmem>>
      %dma_start3A_1664 = tpu.memref_squeeze %dma_start3A_1663 : memref<1x8x1792xf32, #tpu.memory_space<vmem>> -> memref<8x1792xf32, #tpu.memory_space<vmem>>
      %dma_start3A_1665 = arith.constant 0 : i32
      %dma_start3A_1666 = tpu.memref_slice %arg4[%add3A_1658, %dma_start3A_1665] : memref<57344x1792xf32, #tpu.memory_space<hbm>> -> memref<8x1792xf32, #tpu.memory_space<hbm>>
      %dma_start3A_1667 = tpu.memref_slice %arg8[%dma_start3A_1660] : memref<8x!tpu.dma_semaphore, #tpu.memory_space<semaphore_mem>> -> memref<1x!tpu.dma_semaphore, #tpu.memory_space<semaphore_mem>>
      %dma_start3A_1668 = tpu.memref_squeeze %dma_start3A_1667 : memref<1x!tpu.dma_semaphore, #tpu.memory_space<semaphore_mem>> -> memref<!tpu.dma_semaphore, #tpu.memory_space<semaphore_mem>>
      %dma_start3A_1669 = arith.constant 0 : i32
      %dma_start3A_1670 = tpu.memref_slice %arg4[%add3A_1658, %dma_start3A_1669] : memref<57344x1792xf32, #tpu.memory_space<hbm>> -> memref<8x1792xf32, #tpu.memory_space<hbm>>
      %dma_start3A_1671 = arith.constant 0 : i32
      %dma_start3A_1672 = arith.constant 0 : i32
      %dma_start3A_1673 = tpu.memref_slice %arg6[%dma_start3A_1659, %dma_start3A_1671, %dma_start3A_1672] : memref<8x8x1792xf32, #tpu.memory_space<vmem>> -> memref<1x8x1792xf32, #tpu.memory_space<vmem>>
      %dma_start3A_1674 = tpu.memref_squeeze %dma_start3A_1673 : memref<1x8x1792xf32, #tpu.memory_space<vmem>> -> memref<8x1792xf32, #tpu.memory_space<vmem>>
      tpu.enqueue_dma source(%dma_start3A_1674 : memref<8x1792xf32, #tpu.memory_space<vmem>>) target(%dma_start3A_1670 : memref<8x1792xf32, #tpu.memory_space<hbm>>) target_semaphore(%dma_start3A_1668 : memref<!tpu.dma_semaphore, #tpu.memory_space<semaphore_mem>>)
      %sub3A_1675 = arith.constant 4 : i32
      %sub3A_1676 = arith.subi %add3A_1640, %sub3A_1675 : i32
      %add3A_1677 = arith.constant 4 : i32
      %add3A_1678 = arith.addi %add3A_1640, %add3A_1677 : i32
      %jit3A_1679 = arith.constant 8 : i32
      %eq3A_1680 = arith.constant 0 : i32
      %eq3A_1681 = arith.cmpi eq, %jit3A_1679, %eq3A_1680 : i32
      %jit3A_1682 = arith.constant 1 : i32
      %select_n3A_1683 = arith.select %eq3A_1681, %jit3A_1682, %jit3A_1679 : i32
      %rem3A_1684 = arith.remsi %add3A_1678, %select_n3A_1683 : i32
      %ne3A_1685 = arith.constant 0 : i32
      %ne3A_1686 = arith.cmpi ne, %rem3A_1684, %ne3A_1685 : i32
      %lt3A_1687 = arith.constant 0 : i32
      %lt3A_1688 = arith.cmpi slt, %rem3A_1684, %lt3A_1687 : i32
      %lt3A_1689 = arith.constant 0 : i32
      %lt3A_1690 = arith.cmpi slt, %select_n3A_1683, %lt3A_1689 : i32
      %ne3A_1691 = arith.xori %lt3A_1688, %lt3A_1690 : i1
      %and3A_1692 = arith.andi %ne3A_1691, %ne3A_1686 : i1
      %add3A_1693 = arith.addi %rem3A_1684, %select_n3A_1683 : i32
      %select_n3A_1694 = arith.select %and3A_1692, %add3A_1693, %rem3A_1684 : i32
      %mul3A_1695 = arith.constant 8 : i32
      %mul3A_1696 = arith.muli %sub3A_1676, %mul3A_1695 : i32
      %add3A_1697 = arith.addi %mul3A_2, %mul3A_1696 : i32
      %dma_wait3A_1698 = arith.constant 0 : i32
      %dma_wait3A_1699 = arith.constant 0 : i32
      %dma_wait3A_1700 = tpu.memref_slice %arg6[%select_n3A_1694, %dma_wait3A_1698, %dma_wait3A_1699] : memref<8x8x1792xf32, #tpu.memory_space<vmem>> -> memref<1x8x1792xf32, #tpu.memory_space<vmem>>
      %dma_wait3A_1701 = tpu.memref_squeeze %dma_wait3A_1700 : memref<1x8x1792xf32, #tpu.memory_space<vmem>> -> memref<8x1792xf32, #tpu.memory_space<vmem>>
      %dma_wait3A_1702 = arith.constant 0 : i32
      %dma_wait3A_1703 = tpu.memref_slice %arg4[%add3A_1697, %dma_wait3A_1702] : memref<57344x1792xf32, #tpu.memory_space<hbm>> -> memref<8x1792xf32, #tpu.memory_space<hbm>>
      %dma_wait3A_1704 = tpu.memref_slice %arg8[%select_n3A_1694] : memref<8x!tpu.dma_semaphore, #tpu.memory_space<semaphore_mem>> -> memref<1x!tpu.dma_semaphore, #tpu.memory_space<semaphore_mem>>
      %dma_wait3A_1705 = tpu.memref_squeeze %dma_wait3A_1704 : memref<1x!tpu.dma_semaphore, #tpu.memory_space<semaphore_mem>> -> memref<!tpu.dma_semaphore, #tpu.memory_space<semaphore_mem>>
      %dma_wait3A_1706 = arith.constant 0 : i32
      %dma_wait3A_1707 = tpu.memref_slice %arg4[%add3A_1697, %dma_wait3A_1706] : memref<57344x1792xf32, #tpu.memory_space<hbm>> -> memref<8x1792xf32, #tpu.memory_space<hbm>>
      %dma_wait3A_1708 = arith.constant 0 : i32
      %dma_wait3A_1709 = arith.constant 0 : i32
      %dma_wait3A_1710 = tpu.memref_slice %arg6[%select_n3A_1694, %dma_wait3A_1708, %dma_wait3A_1709] : memref<8x8x1792xf32, #tpu.memory_space<vmem>> -> memref<1x8x1792xf32, #tpu.memory_space<vmem>>
      %dma_wait3A_1711 = tpu.memref_squeeze %dma_wait3A_1710 : memref<1x8x1792xf32, #tpu.memory_space<vmem>> -> memref<8x1792xf32, #tpu.memory_space<vmem>>
      tpu.wait_dma2 semaphore(%dma_wait3A_1705 : memref<!tpu.dma_semaphore, #tpu.memory_space<semaphore_mem>>) src(%dma_wait3A_1711 : memref<8x1792xf32, #tpu.memory_space<vmem>>) dst(%dma_wait3A_1707 : memref<8x1792xf32, #tpu.memory_space<hbm>>)
      %add3A_1712 = arith.constant 4 : i32
      %add3A_1713 = arith.addi %add3A_1640, %add3A_1712 : i32
      %add3A_1714 = arith.constant 4 : i32
      %add3A_1715 = arith.addi %add3A_1640, %add3A_1714 : i32
      %jit3A_1716 = arith.constant 8 : i32
      %eq3A_1717 = arith.constant 0 : i32
      %eq3A_1718 = arith.cmpi eq, %jit3A_1716, %eq3A_1717 : i32
      %jit3A_1719 = arith.constant 1 : i32
      %select_n3A_1720 = arith.select %eq3A_1718, %jit3A_1719, %jit3A_1716 : i32
      %rem3A_1721 = arith.remsi %add3A_1715, %select_n3A_1720 : i32
      %ne3A_1722 = arith.constant 0 : i32
      %ne3A_1723 = arith.cmpi ne, %rem3A_1721, %ne3A_1722 : i32
      %lt3A_1724 = arith.constant 0 : i32
      %lt3A_1725 = arith.cmpi slt, %rem3A_1721, %lt3A_1724 : i32
      %lt3A_1726 = arith.constant 0 : i32
      %lt3A_1727 = arith.cmpi slt, %select_n3A_1720, %lt3A_1726 : i32
      %ne3A_1728 = arith.xori %lt3A_1725, %lt3A_1727 : i1
      %and3A_1729 = arith.andi %ne3A_1728, %ne3A_1723 : i1
      %add3A_1730 = arith.addi %rem3A_1721, %select_n3A_1720 : i32
      %select_n3A_1731 = arith.select %and3A_1729, %add3A_1730, %rem3A_1721 : i32
      %jit3A_1732 = arith.constant 16 : i32
      %div3A_1733 = arith.divsi %add3A_1713, %jit3A_1732 : i32
      %sign3A_1734 = arith.constant 0 : i32
      %sign3A_1735 = arith.cmpi sgt, %add3A_1713, %sign3A_1734 : i32
      %sign3A_1736 = arith.extui %sign3A_1735 : i1 to i32
      %sign3A_1737 = arith.constant 0 : i32
      %sign3A_1738 = arith.cmpi slt, %add3A_1713, %sign3A_1737 : i32
      %sign3A_1739 = arith.extui %sign3A_1738 : i1 to i32
      %sign3A_1740 = arith.subi %sign3A_1736, %sign3A_1739 : i32
      %sign3A_1741 = arith.constant 0 : i32
      %sign3A_1742 = arith.cmpi sgt, %jit3A_1732, %sign3A_1741 : i32
      %sign3A_1743 = arith.extui %sign3A_1742 : i1 to i32
      %sign3A_1744 = arith.constant 0 : i32
      %sign3A_1745 = arith.cmpi slt, %jit3A_1732, %sign3A_1744 : i32
      %sign3A_1746 = arith.extui %sign3A_1745 : i1 to i32
      %sign3A_1747 = arith.subi %sign3A_1743, %sign3A_1746 : i32
      %ne3A_1748 = arith.cmpi ne, %sign3A_1740, %sign3A_1747 : i32
      %rem3A_1749 = arith.remsi %add3A_1713, %jit3A_1732 : i32
      %ne3A_1750 = arith.constant 0 : i32
      %ne3A_1751 = arith.cmpi ne, %rem3A_1749, %ne3A_1750 : i32
      %and3A_1752 = arith.andi %ne3A_1748, %ne3A_1751 : i1
      %sub3A_1753 = arith.constant 1 : i32
      %sub3A_1754 = arith.subi %div3A_1733, %sub3A_1753 : i32
      %select_n3A_1755 = arith.select %and3A_1752, %sub3A_1754, %div3A_1733 : i32
      %jit3A_1756 = arith.constant 16 : i32
      %eq3A_1757 = arith.constant 0 : i32
      %eq3A_1758 = arith.cmpi eq, %jit3A_1756, %eq3A_1757 : i32
      %jit3A_1759 = arith.constant 1 : i32
      %select_n3A_1760 = arith.select %eq3A_1758, %jit3A_1759, %jit3A_1756 : i32
      %rem3A_1761 = arith.remsi %add3A_1713, %select_n3A_1760 : i32
      %ne3A_1762 = arith.constant 0 : i32
      %ne3A_1763 = arith.cmpi ne, %rem3A_1761, %ne3A_1762 : i32
      %lt3A_1764 = arith.constant 0 : i32
      %lt3A_1765 = arith.cmpi slt, %rem3A_1761, %lt3A_1764 : i32
      %lt3A_1766 = arith.constant 0 : i32
      %lt3A_1767 = arith.cmpi slt, %select_n3A_1760, %lt3A_1766 : i32
      %ne3A_1768 = arith.xori %lt3A_1765, %lt3A_1767 : i1
      %and3A_1769 = arith.andi %ne3A_1768, %ne3A_1763 : i1
      %add3A_1770 = arith.addi %rem3A_1761, %select_n3A_1760 : i32
      %select_n3A_1771 = arith.select %and3A_1769, %add3A_1770, %rem3A_1761 : i32
      %mul3A_1772 = arith.constant 8 : i32
      %mul3A_1773 = arith.muli %select_n3A_1771, %mul3A_1772 : i32
      %dma_start3A_1774 = arith.constant 0 : i32
      %dma_start3A_1775 = arith.constant 0 : i32
      %dma_start3A_1776 = tpu.memref_slice %arg6[%select_n3A_1731, %dma_start3A_1774, %dma_start3A_1775] : memref<8x8x1792xf32, #tpu.memory_space<vmem>> -> memref<1x8x1792xf32, #tpu.memory_space<vmem>>
      %dma_start3A_1777 = tpu.memref_squeeze %dma_start3A_1776 : memref<1x8x1792xf32, #tpu.memory_space<vmem>> -> memref<8x1792xf32, #tpu.memory_space<vmem>>
      %dma_start3A_1778 = tpu.memref_slice %arg5[%select_n3A_1755, %mul3A_1773] : memref<14x128xi32, #tpu.memory_space<vmem>> -> memref<1x8xi32, #tpu.memory_space<vmem>>
      %dma_start3A_1779 = tpu.memref_squeeze %dma_start3A_1778 : memref<1x8xi32, #tpu.memory_space<vmem>> -> memref<8xi32, #tpu.memory_space<vmem>>
      %dma_start3A_1780 = arith.constant 0 : i32
      %dma_start3A_1781 = arith.constant 0 : i32
      %dma_start3A_1782 = tpu.memref_slice %arg2[%dma_start3A_1780, %dma_start3A_1781] : memref<23236x1792xf32, #tpu.memory_space<hbm>> -> memref<23236x1792xf32, #tpu.memory_space<hbm>>
      %dma_start3A_1783 = tpu.memref_slice %arg7[%select_n3A_1731] : memref<8x!tpu.dma_semaphore, #tpu.memory_space<semaphore_mem>> -> memref<1x!tpu.dma_semaphore, #tpu.memory_space<semaphore_mem>>
      %dma_start3A_1784 = tpu.memref_squeeze %dma_start3A_1783 : memref<1x!tpu.dma_semaphore, #tpu.memory_space<semaphore_mem>> -> memref<!tpu.dma_semaphore, #tpu.memory_space<semaphore_mem>>
      tpu.enqueue_indirect_dma source(%dma_start3A_1782 : memref<23236x1792xf32, #tpu.memory_space<hbm>>) target(%dma_start3A_1777 : memref<8x1792xf32, #tpu.memory_space<vmem>>) offsets(%dma_start3A_1779 : memref<8xi32, #tpu.memory_space<vmem>>) semaphore(%dma_start3A_1784 : memref<!tpu.dma_semaphore, #tpu.memory_space<semaphore_mem>>)
      %add3A_1785 = arith.constant 5 : i32
      %add3A_1786 = arith.addi %mul3A_1064, %add3A_1785 : i32
      %dma_wait3A_1787 = arith.constant 0 : i32
      %dma_wait3A_1788 = arith.constant 5 : i32
      %dma_wait3A_1789 = arith.constant 5 : i32
      %dma_wait3A_1790 = arith.constant 0 : i32
      %dma_wait3A_1791 = arith.constant 0 : i32
      %dma_wait3A_1792 = tpu.memref_slice %arg6[%dma_wait3A_1788, %dma_wait3A_1790, %dma_wait3A_1791] : memref<8x8x1792xf32, #tpu.memory_space<vmem>> -> memref<1x8x1792xf32, #tpu.memory_space<vmem>>
      %dma_wait3A_1793 = tpu.memref_squeeze %dma_wait3A_1792 : memref<1x8x1792xf32, #tpu.memory_space<vmem>> -> memref<8x1792xf32, #tpu.memory_space<vmem>>
      %dma_wait3A_1794 = arith.constant 0 : i32
      %dma_wait3A_1795 = tpu.memref_slice %arg5[%dma_wait3A_1787, %dma_wait3A_1794] : memref<14x128xi32, #tpu.memory_space<vmem>> -> memref<1x8xi32, #tpu.memory_space<vmem>>
      %dma_wait3A_1796 = tpu.memref_squeeze %dma_wait3A_1795 : memref<1x8xi32, #tpu.memory_space<vmem>> -> memref<8xi32, #tpu.memory_space<vmem>>
      %dma_wait3A_1797 = arith.constant 0 : i32
      %dma_wait3A_1798 = arith.constant 0 : i32
      %dma_wait3A_1799 = tpu.memref_slice %arg2[%dma_wait3A_1797, %dma_wait3A_1798] : memref<23236x1792xf32, #tpu.memory_space<hbm>> -> memref<23236x1792xf32, #tpu.memory_space<hbm>>
      %dma_wait3A_1800 = tpu.memref_slice %arg7[%dma_wait3A_1789] : memref<8x!tpu.dma_semaphore, #tpu.memory_space<semaphore_mem>> -> memref<1x!tpu.dma_semaphore, #tpu.memory_space<semaphore_mem>>
      %dma_wait3A_1801 = tpu.memref_squeeze %dma_wait3A_1800 : memref<1x!tpu.dma_semaphore, #tpu.memory_space<semaphore_mem>> -> memref<!tpu.dma_semaphore, #tpu.memory_space<semaphore_mem>>
      tpu.wait_indirect_dma semaphore(%dma_wait3A_1801 : memref<!tpu.dma_semaphore, #tpu.memory_space<semaphore_mem>>) src(%dma_wait3A_1799 : memref<23236x1792xf32, #tpu.memory_space<hbm>>) dst(%dma_wait3A_1793 : memref<8x1792xf32, #tpu.memory_space<vmem>>)
      %mul3A_1802 = arith.constant 8 : i32
      %mul3A_1803 = arith.muli %add3A_1786, %mul3A_1802 : i32
      %add3A_1804 = arith.addi %mul3A_2, %mul3A_1803 : i32
      %dma_start3A_1805 = arith.constant 5 : i32
      %dma_start3A_1806 = arith.constant 5 : i32
      %dma_start3A_1807 = arith.constant 0 : i32
      %dma_start3A_1808 = arith.constant 0 : i32
      %dma_start3A_1809 = tpu.memref_slice %arg6[%dma_start3A_1805, %dma_start3A_1807, %dma_start3A_1808] : memref<8x8x1792xf32, #tpu.memory_space<vmem>> -> memref<1x8x1792xf32, #tpu.memory_space<vmem>>
      %dma_start3A_1810 = tpu.memref_squeeze %dma_start3A_1809 : memref<1x8x1792xf32, #tpu.memory_space<vmem>> -> memref<8x1792xf32, #tpu.memory_space<vmem>>
      %dma_start3A_1811 = arith.constant 0 : i32
      %dma_start3A_1812 = tpu.memref_slice %arg4[%add3A_1804, %dma_start3A_1811] : memref<57344x1792xf32, #tpu.memory_space<hbm>> -> memref<8x1792xf32, #tpu.memory_space<hbm>>
      %dma_start3A_1813 = tpu.memref_slice %arg8[%dma_start3A_1806] : memref<8x!tpu.dma_semaphore, #tpu.memory_space<semaphore_mem>> -> memref<1x!tpu.dma_semaphore, #tpu.memory_space<semaphore_mem>>
      %dma_start3A_1814 = tpu.memref_squeeze %dma_start3A_1813 : memref<1x!tpu.dma_semaphore, #tpu.memory_space<semaphore_mem>> -> memref<!tpu.dma_semaphore, #tpu.memory_space<semaphore_mem>>
      %dma_start3A_1815 = arith.constant 0 : i32
      %dma_start3A_1816 = tpu.memref_slice %arg4[%add3A_1804, %dma_start3A_1815] : memref<57344x1792xf32, #tpu.memory_space<hbm>> -> memref<8x1792xf32, #tpu.memory_space<hbm>>
      %dma_start3A_1817 = arith.constant 0 : i32
      %dma_start3A_1818 = arith.constant 0 : i32
      %dma_start3A_1819 = tpu.memref_slice %arg6[%dma_start3A_1805, %dma_start3A_1817, %dma_start3A_1818] : memref<8x8x1792xf32, #tpu.memory_space<vmem>> -> memref<1x8x1792xf32, #tpu.memory_space<vmem>>
      %dma_start3A_1820 = tpu.memref_squeeze %dma_start3A_1819 : memref<1x8x1792xf32, #tpu.memory_space<vmem>> -> memref<8x1792xf32, #tpu.memory_space<vmem>>
      tpu.enqueue_dma source(%dma_start3A_1820 : memref<8x1792xf32, #tpu.memory_space<vmem>>) target(%dma_start3A_1816 : memref<8x1792xf32, #tpu.memory_space<hbm>>) target_semaphore(%dma_start3A_1814 : memref<!tpu.dma_semaphore, #tpu.memory_space<semaphore_mem>>)
      %sub3A_1821 = arith.constant 4 : i32
      %sub3A_1822 = arith.subi %add3A_1786, %sub3A_1821 : i32
      %add3A_1823 = arith.constant 4 : i32
      %add3A_1824 = arith.addi %add3A_1786, %add3A_1823 : i32
      %jit3A_1825 = arith.constant 8 : i32
      %eq3A_1826 = arith.constant 0 : i32
      %eq3A_1827 = arith.cmpi eq, %jit3A_1825, %eq3A_1826 : i32
      %jit3A_1828 = arith.constant 1 : i32
      %select_n3A_1829 = arith.select %eq3A_1827, %jit3A_1828, %jit3A_1825 : i32
      %rem3A_1830 = arith.remsi %add3A_1824, %select_n3A_1829 : i32
      %ne3A_1831 = arith.constant 0 : i32
      %ne3A_1832 = arith.cmpi ne, %rem3A_1830, %ne3A_1831 : i32
      %lt3A_1833 = arith.constant 0 : i32
      %lt3A_1834 = arith.cmpi slt, %rem3A_1830, %lt3A_1833 : i32
      %lt3A_1835 = arith.constant 0 : i32
      %lt3A_1836 = arith.cmpi slt, %select_n3A_1829, %lt3A_1835 : i32
      %ne3A_1837 = arith.xori %lt3A_1834, %lt3A_1836 : i1
      %and3A_1838 = arith.andi %ne3A_1837, %ne3A_1832 : i1
      %add3A_1839 = arith.addi %rem3A_1830, %select_n3A_1829 : i32
      %select_n3A_1840 = arith.select %and3A_1838, %add3A_1839, %rem3A_1830 : i32
      %mul3A_1841 = arith.constant 8 : i32
      %mul3A_1842 = arith.muli %sub3A_1822, %mul3A_1841 : i32
      %add3A_1843 = arith.addi %mul3A_2, %mul3A_1842 : i32
      %dma_wait3A_1844 = arith.constant 0 : i32
      %dma_wait3A_1845 = arith.constant 0 : i32
      %dma_wait3A_1846 = tpu.memref_slice %arg6[%select_n3A_1840, %dma_wait3A_1844, %dma_wait3A_1845] : memref<8x8x1792xf32, #tpu.memory_space<vmem>> -> memref<1x8x1792xf32, #tpu.memory_space<vmem>>
      %dma_wait3A_1847 = tpu.memref_squeeze %dma_wait3A_1846 : memref<1x8x1792xf32, #tpu.memory_space<vmem>> -> memref<8x1792xf32, #tpu.memory_space<vmem>>
      %dma_wait3A_1848 = arith.constant 0 : i32
      %dma_wait3A_1849 = tpu.memref_slice %arg4[%add3A_1843, %dma_wait3A_1848] : memref<57344x1792xf32, #tpu.memory_space<hbm>> -> memref<8x1792xf32, #tpu.memory_space<hbm>>
      %dma_wait3A_1850 = tpu.memref_slice %arg8[%select_n3A_1840] : memref<8x!tpu.dma_semaphore, #tpu.memory_space<semaphore_mem>> -> memref<1x!tpu.dma_semaphore, #tpu.memory_space<semaphore_mem>>
      %dma_wait3A_1851 = tpu.memref_squeeze %dma_wait3A_1850 : memref<1x!tpu.dma_semaphore, #tpu.memory_space<semaphore_mem>> -> memref<!tpu.dma_semaphore, #tpu.memory_space<semaphore_mem>>
      %dma_wait3A_1852 = arith.constant 0 : i32
      %dma_wait3A_1853 = tpu.memref_slice %arg4[%add3A_1843, %dma_wait3A_1852] : memref<57344x1792xf32, #tpu.memory_space<hbm>> -> memref<8x1792xf32, #tpu.memory_space<hbm>>
      %dma_wait3A_1854 = arith.constant 0 : i32
      %dma_wait3A_1855 = arith.constant 0 : i32
      %dma_wait3A_1856 = tpu.memref_slice %arg6[%select_n3A_1840, %dma_wait3A_1854, %dma_wait3A_1855] : memref<8x8x1792xf32, #tpu.memory_space<vmem>> -> memref<1x8x1792xf32, #tpu.memory_space<vmem>>
      %dma_wait3A_1857 = tpu.memref_squeeze %dma_wait3A_1856 : memref<1x8x1792xf32, #tpu.memory_space<vmem>> -> memref<8x1792xf32, #tpu.memory_space<vmem>>
      tpu.wait_dma2 semaphore(%dma_wait3A_1851 : memref<!tpu.dma_semaphore, #tpu.memory_space<semaphore_mem>>) src(%dma_wait3A_1857 : memref<8x1792xf32, #tpu.memory_space<vmem>>) dst(%dma_wait3A_1853 : memref<8x1792xf32, #tpu.memory_space<hbm>>)
      %add3A_1858 = arith.constant 4 : i32
      %add3A_1859 = arith.addi %add3A_1786, %add3A_1858 : i32
      %add3A_1860 = arith.constant 4 : i32
      %add3A_1861 = arith.addi %add3A_1786, %add3A_1860 : i32
      %jit3A_1862 = arith.constant 8 : i32
      %eq3A_1863 = arith.constant 0 : i32
      %eq3A_1864 = arith.cmpi eq, %jit3A_1862, %eq3A_1863 : i32
      %jit3A_1865 = arith.constant 1 : i32
      %select_n3A_1866 = arith.select %eq3A_1864, %jit3A_1865, %jit3A_1862 : i32
      %rem3A_1867 = arith.remsi %add3A_1861, %select_n3A_1866 : i32
      %ne3A_1868 = arith.constant 0 : i32
      %ne3A_1869 = arith.cmpi ne, %rem3A_1867, %ne3A_1868 : i32
      %lt3A_1870 = arith.constant 0 : i32
      %lt3A_1871 = arith.cmpi slt, %rem3A_1867, %lt3A_1870 : i32
      %lt3A_1872 = arith.constant 0 : i32
      %lt3A_1873 = arith.cmpi slt, %select_n3A_1866, %lt3A_1872 : i32
      %ne3A_1874 = arith.xori %lt3A_1871, %lt3A_1873 : i1
      %and3A_1875 = arith.andi %ne3A_1874, %ne3A_1869 : i1
      %add3A_1876 = arith.addi %rem3A_1867, %select_n3A_1866 : i32
      %select_n3A_1877 = arith.select %and3A_1875, %add3A_1876, %rem3A_1867 : i32
      %jit3A_1878 = arith.constant 16 : i32
      %div3A_1879 = arith.divsi %add3A_1859, %jit3A_1878 : i32
      %sign3A_1880 = arith.constant 0 : i32
      %sign3A_1881 = arith.cmpi sgt, %add3A_1859, %sign3A_1880 : i32
      %sign3A_1882 = arith.extui %sign3A_1881 : i1 to i32
      %sign3A_1883 = arith.constant 0 : i32
      %sign3A_1884 = arith.cmpi slt, %add3A_1859, %sign3A_1883 : i32
      %sign3A_1885 = arith.extui %sign3A_1884 : i1 to i32
      %sign3A_1886 = arith.subi %sign3A_1882, %sign3A_1885 : i32
      %sign3A_1887 = arith.constant 0 : i32
      %sign3A_1888 = arith.cmpi sgt, %jit3A_1878, %sign3A_1887 : i32
      %sign3A_1889 = arith.extui %sign3A_1888 : i1 to i32
      %sign3A_1890 = arith.constant 0 : i32
      %sign3A_1891 = arith.cmpi slt, %jit3A_1878, %sign3A_1890 : i32
      %sign3A_1892 = arith.extui %sign3A_1891 : i1 to i32
      %sign3A_1893 = arith.subi %sign3A_1889, %sign3A_1892 : i32
      %ne3A_1894 = arith.cmpi ne, %sign3A_1886, %sign3A_1893 : i32
      %rem3A_1895 = arith.remsi %add3A_1859, %jit3A_1878 : i32
      %ne3A_1896 = arith.constant 0 : i32
      %ne3A_1897 = arith.cmpi ne, %rem3A_1895, %ne3A_1896 : i32
      %and3A_1898 = arith.andi %ne3A_1894, %ne3A_1897 : i1
      %sub3A_1899 = arith.constant 1 : i32
      %sub3A_1900 = arith.subi %div3A_1879, %sub3A_1899 : i32
      %select_n3A_1901 = arith.select %and3A_1898, %sub3A_1900, %div3A_1879 : i32
      %jit3A_1902 = arith.constant 16 : i32
      %eq3A_1903 = arith.constant 0 : i32
      %eq3A_1904 = arith.cmpi eq, %jit3A_1902, %eq3A_1903 : i32
      %jit3A_1905 = arith.constant 1 : i32
      %select_n3A_1906 = arith.select %eq3A_1904, %jit3A_1905, %jit3A_1902 : i32
      %rem3A_1907 = arith.remsi %add3A_1859, %select_n3A_1906 : i32
      %ne3A_1908 = arith.constant 0 : i32
      %ne3A_1909 = arith.cmpi ne, %rem3A_1907, %ne3A_1908 : i32
      %lt3A_1910 = arith.constant 0 : i32
      %lt3A_1911 = arith.cmpi slt, %rem3A_1907, %lt3A_1910 : i32
      %lt3A_1912 = arith.constant 0 : i32
      %lt3A_1913 = arith.cmpi slt, %select_n3A_1906, %lt3A_1912 : i32
      %ne3A_1914 = arith.xori %lt3A_1911, %lt3A_1913 : i1
      %and3A_1915 = arith.andi %ne3A_1914, %ne3A_1909 : i1
      %add3A_1916 = arith.addi %rem3A_1907, %select_n3A_1906 : i32
      %select_n3A_1917 = arith.select %and3A_1915, %add3A_1916, %rem3A_1907 : i32
      %mul3A_1918 = arith.constant 8 : i32
      %mul3A_1919 = arith.muli %select_n3A_1917, %mul3A_1918 : i32
      %dma_start3A_1920 = arith.constant 0 : i32
      %dma_start3A_1921 = arith.constant 0 : i32
      %dma_start3A_1922 = tpu.memref_slice %arg6[%select_n3A_1877, %dma_start3A_1920, %dma_start3A_1921] : memref<8x8x1792xf32, #tpu.memory_space<vmem>> -> memref<1x8x1792xf32, #tpu.memory_space<vmem>>
      %dma_start3A_1923 = tpu.memref_squeeze %dma_start3A_1922 : memref<1x8x1792xf32, #tpu.memory_space<vmem>> -> memref<8x1792xf32, #tpu.memory_space<vmem>>
      %dma_start3A_1924 = tpu.memref_slice %arg5[%select_n3A_1901, %mul3A_1919] : memref<14x128xi32, #tpu.memory_space<vmem>> -> memref<1x8xi32, #tpu.memory_space<vmem>>
      %dma_start3A_1925 = tpu.memref_squeeze %dma_start3A_1924 : memref<1x8xi32, #tpu.memory_space<vmem>> -> memref<8xi32, #tpu.memory_space<vmem>>
      %dma_start3A_1926 = arith.constant 0 : i32
      %dma_start3A_1927 = arith.constant 0 : i32
      %dma_start3A_1928 = tpu.memref_slice %arg2[%dma_start3A_1926, %dma_start3A_1927] : memref<23236x1792xf32, #tpu.memory_space<hbm>> -> memref<23236x1792xf32, #tpu.memory_space<hbm>>
      %dma_start3A_1929 = tpu.memref_slice %arg7[%select_n3A_1877] : memref<8x!tpu.dma_semaphore, #tpu.memory_space<semaphore_mem>> -> memref<1x!tpu.dma_semaphore, #tpu.memory_space<semaphore_mem>>
      %dma_start3A_1930 = tpu.memref_squeeze %dma_start3A_1929 : memref<1x!tpu.dma_semaphore, #tpu.memory_space<semaphore_mem>> -> memref<!tpu.dma_semaphore, #tpu.memory_space<semaphore_mem>>
      tpu.enqueue_indirect_dma source(%dma_start3A_1928 : memref<23236x1792xf32, #tpu.memory_space<hbm>>) target(%dma_start3A_1923 : memref<8x1792xf32, #tpu.memory_space<vmem>>) offsets(%dma_start3A_1925 : memref<8xi32, #tpu.memory_space<vmem>>) semaphore(%dma_start3A_1930 : memref<!tpu.dma_semaphore, #tpu.memory_space<semaphore_mem>>)
      %add3A_1931 = arith.constant 6 : i32
      %add3A_1932 = arith.addi %mul3A_1064, %add3A_1931 : i32
      %dma_wait3A_1933 = arith.constant 0 : i32
      %dma_wait3A_1934 = arith.constant 6 : i32
      %dma_wait3A_1935 = arith.constant 6 : i32
      %dma_wait3A_1936 = arith.constant 0 : i32
      %dma_wait3A_1937 = arith.constant 0 : i32
      %dma_wait3A_1938 = tpu.memref_slice %arg6[%dma_wait3A_1934, %dma_wait3A_1936, %dma_wait3A_1937] : memref<8x8x1792xf32, #tpu.memory_space<vmem>> -> memref<1x8x1792xf32, #tpu.memory_space<vmem>>
      %dma_wait3A_1939 = tpu.memref_squeeze %dma_wait3A_1938 : memref<1x8x1792xf32, #tpu.memory_space<vmem>> -> memref<8x1792xf32, #tpu.memory_space<vmem>>
      %dma_wait3A_1940 = arith.constant 0 : i32
      %dma_wait3A_1941 = tpu.memref_slice %arg5[%dma_wait3A_1933, %dma_wait3A_1940] : memref<14x128xi32, #tpu.memory_space<vmem>> -> memref<1x8xi32, #tpu.memory_space<vmem>>
      %dma_wait3A_1942 = tpu.memref_squeeze %dma_wait3A_1941 : memref<1x8xi32, #tpu.memory_space<vmem>> -> memref<8xi32, #tpu.memory_space<vmem>>
      %dma_wait3A_1943 = arith.constant 0 : i32
      %dma_wait3A_1944 = arith.constant 0 : i32
      %dma_wait3A_1945 = tpu.memref_slice %arg2[%dma_wait3A_1943, %dma_wait3A_1944] : memref<23236x1792xf32, #tpu.memory_space<hbm>> -> memref<23236x1792xf32, #tpu.memory_space<hbm>>
      %dma_wait3A_1946 = tpu.memref_slice %arg7[%dma_wait3A_1935] : memref<8x!tpu.dma_semaphore, #tpu.memory_space<semaphore_mem>> -> memref<1x!tpu.dma_semaphore, #tpu.memory_space<semaphore_mem>>
      %dma_wait3A_1947 = tpu.memref_squeeze %dma_wait3A_1946 : memref<1x!tpu.dma_semaphore, #tpu.memory_space<semaphore_mem>> -> memref<!tpu.dma_semaphore, #tpu.memory_space<semaphore_mem>>
      tpu.wait_indirect_dma semaphore(%dma_wait3A_1947 : memref<!tpu.dma_semaphore, #tpu.memory_space<semaphore_mem>>) src(%dma_wait3A_1945 : memref<23236x1792xf32, #tpu.memory_space<hbm>>) dst(%dma_wait3A_1939 : memref<8x1792xf32, #tpu.memory_space<vmem>>)
      %mul3A_1948 = arith.constant 8 : i32
      %mul3A_1949 = arith.muli %add3A_1932, %mul3A_1948 : i32
      %add3A_1950 = arith.addi %mul3A_2, %mul3A_1949 : i32
      %dma_start3A_1951 = arith.constant 6 : i32
      %dma_start3A_1952 = arith.constant 6 : i32
      %dma_start3A_1953 = arith.constant 0 : i32
      %dma_start3A_1954 = arith.constant 0 : i32
      %dma_start3A_1955 = tpu.memref_slice %arg6[%dma_start3A_1951, %dma_start3A_1953, %dma_start3A_1954] : memref<8x8x1792xf32, #tpu.memory_space<vmem>> -> memref<1x8x1792xf32, #tpu.memory_space<vmem>>
      %dma_start3A_1956 = tpu.memref_squeeze %dma_start3A_1955 : memref<1x8x1792xf32, #tpu.memory_space<vmem>> -> memref<8x1792xf32, #tpu.memory_space<vmem>>
      %dma_start3A_1957 = arith.constant 0 : i32
      %dma_start3A_1958 = tpu.memref_slice %arg4[%add3A_1950, %dma_start3A_1957] : memref<57344x1792xf32, #tpu.memory_space<hbm>> -> memref<8x1792xf32, #tpu.memory_space<hbm>>
      %dma_start3A_1959 = tpu.memref_slice %arg8[%dma_start3A_1952] : memref<8x!tpu.dma_semaphore, #tpu.memory_space<semaphore_mem>> -> memref<1x!tpu.dma_semaphore, #tpu.memory_space<semaphore_mem>>
      %dma_start3A_1960 = tpu.memref_squeeze %dma_start3A_1959 : memref<1x!tpu.dma_semaphore, #tpu.memory_space<semaphore_mem>> -> memref<!tpu.dma_semaphore, #tpu.memory_space<semaphore_mem>>
      %dma_start3A_1961 = arith.constant 0 : i32
      %dma_start3A_1962 = tpu.memref_slice %arg4[%add3A_1950, %dma_start3A_1961] : memref<57344x1792xf32, #tpu.memory_space<hbm>> -> memref<8x1792xf32, #tpu.memory_space<hbm>>
      %dma_start3A_1963 = arith.constant 0 : i32
      %dma_start3A_1964 = arith.constant 0 : i32
      %dma_start3A_1965 = tpu.memref_slice %arg6[%dma_start3A_1951, %dma_start3A_1963, %dma_start3A_1964] : memref<8x8x1792xf32, #tpu.memory_space<vmem>> -> memref<1x8x1792xf32, #tpu.memory_space<vmem>>
      %dma_start3A_1966 = tpu.memref_squeeze %dma_start3A_1965 : memref<1x8x1792xf32, #tpu.memory_space<vmem>> -> memref<8x1792xf32, #tpu.memory_space<vmem>>
      tpu.enqueue_dma source(%dma_start3A_1966 : memref<8x1792xf32, #tpu.memory_space<vmem>>) target(%dma_start3A_1962 : memref<8x1792xf32, #tpu.memory_space<hbm>>) target_semaphore(%dma_start3A_1960 : memref<!tpu.dma_semaphore, #tpu.memory_space<semaphore_mem>>)
      %sub3A_1967 = arith.constant 4 : i32
      %sub3A_1968 = arith.subi %add3A_1932, %sub3A_1967 : i32
      %add3A_1969 = arith.constant 4 : i32
      %add3A_1970 = arith.addi %add3A_1932, %add3A_1969 : i32
      %jit3A_1971 = arith.constant 8 : i32
      %eq3A_1972 = arith.constant 0 : i32
      %eq3A_1973 = arith.cmpi eq, %jit3A_1971, %eq3A_1972 : i32
      %jit3A_1974 = arith.constant 1 : i32
      %select_n3A_1975 = arith.select %eq3A_1973, %jit3A_1974, %jit3A_1971 : i32
      %rem3A_1976 = arith.remsi %add3A_1970, %select_n3A_1975 : i32
      %ne3A_1977 = arith.constant 0 : i32
      %ne3A_1978 = arith.cmpi ne, %rem3A_1976, %ne3A_1977 : i32
      %lt3A_1979 = arith.constant 0 : i32
      %lt3A_1980 = arith.cmpi slt, %rem3A_1976, %lt3A_1979 : i32
      %lt3A_1981 = arith.constant 0 : i32
      %lt3A_1982 = arith.cmpi slt, %select_n3A_1975, %lt3A_1981 : i32
      %ne3A_1983 = arith.xori %lt3A_1980, %lt3A_1982 : i1
      %and3A_1984 = arith.andi %ne3A_1983, %ne3A_1978 : i1
      %add3A_1985 = arith.addi %rem3A_1976, %select_n3A_1975 : i32
      %select_n3A_1986 = arith.select %and3A_1984, %add3A_1985, %rem3A_1976 : i32
      %mul3A_1987 = arith.constant 8 : i32
      %mul3A_1988 = arith.muli %sub3A_1968, %mul3A_1987 : i32
      %add3A_1989 = arith.addi %mul3A_2, %mul3A_1988 : i32
      %dma_wait3A_1990 = arith.constant 0 : i32
      %dma_wait3A_1991 = arith.constant 0 : i32
      %dma_wait3A_1992 = tpu.memref_slice %arg6[%select_n3A_1986, %dma_wait3A_1990, %dma_wait3A_1991] : memref<8x8x1792xf32, #tpu.memory_space<vmem>> -> memref<1x8x1792xf32, #tpu.memory_space<vmem>>
      %dma_wait3A_1993 = tpu.memref_squeeze %dma_wait3A_1992 : memref<1x8x1792xf32, #tpu.memory_space<vmem>> -> memref<8x1792xf32, #tpu.memory_space<vmem>>
      %dma_wait3A_1994 = arith.constant 0 : i32
      %dma_wait3A_1995 = tpu.memref_slice %arg4[%add3A_1989, %dma_wait3A_1994] : memref<57344x1792xf32, #tpu.memory_space<hbm>> -> memref<8x1792xf32, #tpu.memory_space<hbm>>
      %dma_wait3A_1996 = tpu.memref_slice %arg8[%select_n3A_1986] : memref<8x!tpu.dma_semaphore, #tpu.memory_space<semaphore_mem>> -> memref<1x!tpu.dma_semaphore, #tpu.memory_space<semaphore_mem>>
      %dma_wait3A_1997 = tpu.memref_squeeze %dma_wait3A_1996 : memref<1x!tpu.dma_semaphore, #tpu.memory_space<semaphore_mem>> -> memref<!tpu.dma_semaphore, #tpu.memory_space<semaphore_mem>>
      %dma_wait3A_1998 = arith.constant 0 : i32
      %dma_wait3A_1999 = tpu.memref_slice %arg4[%add3A_1989, %dma_wait3A_1998] : memref<57344x1792xf32, #tpu.memory_space<hbm>> -> memref<8x1792xf32, #tpu.memory_space<hbm>>
      %dma_wait3A_2000 = arith.constant 0 : i32
      %dma_wait3A_2001 = arith.constant 0 : i32
      %dma_wait3A_2002 = tpu.memref_slice %arg6[%select_n3A_1986, %dma_wait3A_2000, %dma_wait3A_2001] : memref<8x8x1792xf32, #tpu.memory_space<vmem>> -> memref<1x8x1792xf32, #tpu.memory_space<vmem>>
      %dma_wait3A_2003 = tpu.memref_squeeze %dma_wait3A_2002 : memref<1x8x1792xf32, #tpu.memory_space<vmem>> -> memref<8x1792xf32, #tpu.memory_space<vmem>>
      tpu.wait_dma2 semaphore(%dma_wait3A_1997 : memref<!tpu.dma_semaphore, #tpu.memory_space<semaphore_mem>>) src(%dma_wait3A_2003 : memref<8x1792xf32, #tpu.memory_space<vmem>>) dst(%dma_wait3A_1999 : memref<8x1792xf32, #tpu.memory_space<hbm>>)
      %add3A_2004 = arith.constant 4 : i32
      %add3A_2005 = arith.addi %add3A_1932, %add3A_2004 : i32
      %add3A_2006 = arith.constant 4 : i32
      %add3A_2007 = arith.addi %add3A_1932, %add3A_2006 : i32
      %jit3A_2008 = arith.constant 8 : i32
      %eq3A_2009 = arith.constant 0 : i32
      %eq3A_2010 = arith.cmpi eq, %jit3A_2008, %eq3A_2009 : i32
      %jit3A_2011 = arith.constant 1 : i32
      %select_n3A_2012 = arith.select %eq3A_2010, %jit3A_2011, %jit3A_2008 : i32
      %rem3A_2013 = arith.remsi %add3A_2007, %select_n3A_2012 : i32
      %ne3A_2014 = arith.constant 0 : i32
      %ne3A_2015 = arith.cmpi ne, %rem3A_2013, %ne3A_2014 : i32
      %lt3A_2016 = arith.constant 0 : i32
      %lt3A_2017 = arith.cmpi slt, %rem3A_2013, %lt3A_2016 : i32
      %lt3A_2018 = arith.constant 0 : i32
      %lt3A_2019 = arith.cmpi slt, %select_n3A_2012, %lt3A_2018 : i32
      %ne3A_2020 = arith.xori %lt3A_2017, %lt3A_2019 : i1
      %and3A_2021 = arith.andi %ne3A_2020, %ne3A_2015 : i1
      %add3A_2022 = arith.addi %rem3A_2013, %select_n3A_2012 : i32
      %select_n3A_2023 = arith.select %and3A_2021, %add3A_2022, %rem3A_2013 : i32
      %jit3A_2024 = arith.constant 16 : i32
      %div3A_2025 = arith.divsi %add3A_2005, %jit3A_2024 : i32
      %sign3A_2026 = arith.constant 0 : i32
      %sign3A_2027 = arith.cmpi sgt, %add3A_2005, %sign3A_2026 : i32
      %sign3A_2028 = arith.extui %sign3A_2027 : i1 to i32
      %sign3A_2029 = arith.constant 0 : i32
      %sign3A_2030 = arith.cmpi slt, %add3A_2005, %sign3A_2029 : i32
      %sign3A_2031 = arith.extui %sign3A_2030 : i1 to i32
      %sign3A_2032 = arith.subi %sign3A_2028, %sign3A_2031 : i32
      %sign3A_2033 = arith.constant 0 : i32
      %sign3A_2034 = arith.cmpi sgt, %jit3A_2024, %sign3A_2033 : i32
      %sign3A_2035 = arith.extui %sign3A_2034 : i1 to i32
      %sign3A_2036 = arith.constant 0 : i32
      %sign3A_2037 = arith.cmpi slt, %jit3A_2024, %sign3A_2036 : i32
      %sign3A_2038 = arith.extui %sign3A_2037 : i1 to i32
      %sign3A_2039 = arith.subi %sign3A_2035, %sign3A_2038 : i32
      %ne3A_2040 = arith.cmpi ne, %sign3A_2032, %sign3A_2039 : i32
      %rem3A_2041 = arith.remsi %add3A_2005, %jit3A_2024 : i32
      %ne3A_2042 = arith.constant 0 : i32
      %ne3A_2043 = arith.cmpi ne, %rem3A_2041, %ne3A_2042 : i32
      %and3A_2044 = arith.andi %ne3A_2040, %ne3A_2043 : i1
      %sub3A_2045 = arith.constant 1 : i32
      %sub3A_2046 = arith.subi %div3A_2025, %sub3A_2045 : i32
      %select_n3A_2047 = arith.select %and3A_2044, %sub3A_2046, %div3A_2025 : i32
      %jit3A_2048 = arith.constant 16 : i32
      %eq3A_2049 = arith.constant 0 : i32
      %eq3A_2050 = arith.cmpi eq, %jit3A_2048, %eq3A_2049 : i32
      %jit3A_2051 = arith.constant 1 : i32
      %select_n3A_2052 = arith.select %eq3A_2050, %jit3A_2051, %jit3A_2048 : i32
      %rem3A_2053 = arith.remsi %add3A_2005, %select_n3A_2052 : i32
      %ne3A_2054 = arith.constant 0 : i32
      %ne3A_2055 = arith.cmpi ne, %rem3A_2053, %ne3A_2054 : i32
      %lt3A_2056 = arith.constant 0 : i32
      %lt3A_2057 = arith.cmpi slt, %rem3A_2053, %lt3A_2056 : i32
      %lt3A_2058 = arith.constant 0 : i32
      %lt3A_2059 = arith.cmpi slt, %select_n3A_2052, %lt3A_2058 : i32
      %ne3A_2060 = arith.xori %lt3A_2057, %lt3A_2059 : i1
      %and3A_2061 = arith.andi %ne3A_2060, %ne3A_2055 : i1
      %add3A_2062 = arith.addi %rem3A_2053, %select_n3A_2052 : i32
      %select_n3A_2063 = arith.select %and3A_2061, %add3A_2062, %rem3A_2053 : i32
      %mul3A_2064 = arith.constant 8 : i32
      %mul3A_2065 = arith.muli %select_n3A_2063, %mul3A_2064 : i32
      %dma_start3A_2066 = arith.constant 0 : i32
      %dma_start3A_2067 = arith.constant 0 : i32
      %dma_start3A_2068 = tpu.memref_slice %arg6[%select_n3A_2023, %dma_start3A_2066, %dma_start3A_2067] : memref<8x8x1792xf32, #tpu.memory_space<vmem>> -> memref<1x8x1792xf32, #tpu.memory_space<vmem>>
      %dma_start3A_2069 = tpu.memref_squeeze %dma_start3A_2068 : memref<1x8x1792xf32, #tpu.memory_space<vmem>> -> memref<8x1792xf32, #tpu.memory_space<vmem>>
      %dma_start3A_2070 = tpu.memref_slice %arg5[%select_n3A_2047, %mul3A_2065] : memref<14x128xi32, #tpu.memory_space<vmem>> -> memref<1x8xi32, #tpu.memory_space<vmem>>
      %dma_start3A_2071 = tpu.memref_squeeze %dma_start3A_2070 : memref<1x8xi32, #tpu.memory_space<vmem>> -> memref<8xi32, #tpu.memory_space<vmem>>
      %dma_start3A_2072 = arith.constant 0 : i32
      %dma_start3A_2073 = arith.constant 0 : i32
      %dma_start3A_2074 = tpu.memref_slice %arg2[%dma_start3A_2072, %dma_start3A_2073] : memref<23236x1792xf32, #tpu.memory_space<hbm>> -> memref<23236x1792xf32, #tpu.memory_space<hbm>>
      %dma_start3A_2075 = tpu.memref_slice %arg7[%select_n3A_2023] : memref<8x!tpu.dma_semaphore, #tpu.memory_space<semaphore_mem>> -> memref<1x!tpu.dma_semaphore, #tpu.memory_space<semaphore_mem>>
      %dma_start3A_2076 = tpu.memref_squeeze %dma_start3A_2075 : memref<1x!tpu.dma_semaphore, #tpu.memory_space<semaphore_mem>> -> memref<!tpu.dma_semaphore, #tpu.memory_space<semaphore_mem>>
      tpu.enqueue_indirect_dma source(%dma_start3A_2074 : memref<23236x1792xf32, #tpu.memory_space<hbm>>) target(%dma_start3A_2069 : memref<8x1792xf32, #tpu.memory_space<vmem>>) offsets(%dma_start3A_2071 : memref<8xi32, #tpu.memory_space<vmem>>) semaphore(%dma_start3A_2076 : memref<!tpu.dma_semaphore, #tpu.memory_space<semaphore_mem>>)
      %add3A_2077 = arith.constant 7 : i32
      %add3A_2078 = arith.addi %mul3A_1064, %add3A_2077 : i32
      %dma_wait3A_2079 = arith.constant 0 : i32
      %dma_wait3A_2080 = arith.constant 7 : i32
      %dma_wait3A_2081 = arith.constant 7 : i32
      %dma_wait3A_2082 = arith.constant 0 : i32
      %dma_wait3A_2083 = arith.constant 0 : i32
      %dma_wait3A_2084 = tpu.memref_slice %arg6[%dma_wait3A_2080, %dma_wait3A_2082, %dma_wait3A_2083] : memref<8x8x1792xf32, #tpu.memory_space<vmem>> -> memref<1x8x1792xf32, #tpu.memory_space<vmem>>
      %dma_wait3A_2085 = tpu.memref_squeeze %dma_wait3A_2084 : memref<1x8x1792xf32, #tpu.memory_space<vmem>> -> memref<8x1792xf32, #tpu.memory_space<vmem>>
      %dma_wait3A_2086 = arith.constant 0 : i32
      %dma_wait3A_2087 = tpu.memref_slice %arg5[%dma_wait3A_2079, %dma_wait3A_2086] : memref<14x128xi32, #tpu.memory_space<vmem>> -> memref<1x8xi32, #tpu.memory_space<vmem>>
      %dma_wait3A_2088 = tpu.memref_squeeze %dma_wait3A_2087 : memref<1x8xi32, #tpu.memory_space<vmem>> -> memref<8xi32, #tpu.memory_space<vmem>>
      %dma_wait3A_2089 = arith.constant 0 : i32
      %dma_wait3A_2090 = arith.constant 0 : i32
      %dma_wait3A_2091 = tpu.memref_slice %arg2[%dma_wait3A_2089, %dma_wait3A_2090] : memref<23236x1792xf32, #tpu.memory_space<hbm>> -> memref<23236x1792xf32, #tpu.memory_space<hbm>>
      %dma_wait3A_2092 = tpu.memref_slice %arg7[%dma_wait3A_2081] : memref<8x!tpu.dma_semaphore, #tpu.memory_space<semaphore_mem>> -> memref<1x!tpu.dma_semaphore, #tpu.memory_space<semaphore_mem>>
      %dma_wait3A_2093 = tpu.memref_squeeze %dma_wait3A_2092 : memref<1x!tpu.dma_semaphore, #tpu.memory_space<semaphore_mem>> -> memref<!tpu.dma_semaphore, #tpu.memory_space<semaphore_mem>>
      tpu.wait_indirect_dma semaphore(%dma_wait3A_2093 : memref<!tpu.dma_semaphore, #tpu.memory_space<semaphore_mem>>) src(%dma_wait3A_2091 : memref<23236x1792xf32, #tpu.memory_space<hbm>>) dst(%dma_wait3A_2085 : memref<8x1792xf32, #tpu.memory_space<vmem>>)
      %mul3A_2094 = arith.constant 8 : i32
      %mul3A_2095 = arith.muli %add3A_2078, %mul3A_2094 : i32
      %add3A_2096 = arith.addi %mul3A_2, %mul3A_2095 : i32
      %dma_start3A_2097 = arith.constant 7 : i32
      %dma_start3A_2098 = arith.constant 7 : i32
      %dma_start3A_2099 = arith.constant 0 : i32
      %dma_start3A_2100 = arith.constant 0 : i32
      %dma_start3A_2101 = tpu.memref_slice %arg6[%dma_start3A_2097, %dma_start3A_2099, %dma_start3A_2100] : memref<8x8x1792xf32, #tpu.memory_space<vmem>> -> memref<1x8x1792xf32, #tpu.memory_space<vmem>>
      %dma_start3A_2102 = tpu.memref_squeeze %dma_start3A_2101 : memref<1x8x1792xf32, #tpu.memory_space<vmem>> -> memref<8x1792xf32, #tpu.memory_space<vmem>>
      %dma_start3A_2103 = arith.constant 0 : i32
      %dma_start3A_2104 = tpu.memref_slice %arg4[%add3A_2096, %dma_start3A_2103] : memref<57344x1792xf32, #tpu.memory_space<hbm>> -> memref<8x1792xf32, #tpu.memory_space<hbm>>
      %dma_start3A_2105 = tpu.memref_slice %arg8[%dma_start3A_2098] : memref<8x!tpu.dma_semaphore, #tpu.memory_space<semaphore_mem>> -> memref<1x!tpu.dma_semaphore, #tpu.memory_space<semaphore_mem>>
      %dma_start3A_2106 = tpu.memref_squeeze %dma_start3A_2105 : memref<1x!tpu.dma_semaphore, #tpu.memory_space<semaphore_mem>> -> memref<!tpu.dma_semaphore, #tpu.memory_space<semaphore_mem>>
      %dma_start3A_2107 = arith.constant 0 : i32
      %dma_start3A_2108 = tpu.memref_slice %arg4[%add3A_2096, %dma_start3A_2107] : memref<57344x1792xf32, #tpu.memory_space<hbm>> -> memref<8x1792xf32, #tpu.memory_space<hbm>>
      %dma_start3A_2109 = arith.constant 0 : i32
      %dma_start3A_2110 = arith.constant 0 : i32
      %dma_start3A_2111 = tpu.memref_slice %arg6[%dma_start3A_2097, %dma_start3A_2109, %dma_start3A_2110] : memref<8x8x1792xf32, #tpu.memory_space<vmem>> -> memref<1x8x1792xf32, #tpu.memory_space<vmem>>
      %dma_start3A_2112 = tpu.memref_squeeze %dma_start3A_2111 : memref<1x8x1792xf32, #tpu.memory_space<vmem>> -> memref<8x1792xf32, #tpu.memory_space<vmem>>
      tpu.enqueue_dma source(%dma_start3A_2112 : memref<8x1792xf32, #tpu.memory_space<vmem>>) target(%dma_start3A_2108 : memref<8x1792xf32, #tpu.memory_space<hbm>>) target_semaphore(%dma_start3A_2106 : memref<!tpu.dma_semaphore, #tpu.memory_space<semaphore_mem>>)
      %sub3A_2113 = arith.constant 4 : i32
      %sub3A_2114 = arith.subi %add3A_2078, %sub3A_2113 : i32
      %add3A_2115 = arith.constant 4 : i32
      %add3A_2116 = arith.addi %add3A_2078, %add3A_2115 : i32
      %jit3A_2117 = arith.constant 8 : i32
      %eq3A_2118 = arith.constant 0 : i32
      %eq3A_2119 = arith.cmpi eq, %jit3A_2117, %eq3A_2118 : i32
      %jit3A_2120 = arith.constant 1 : i32
      %select_n3A_2121 = arith.select %eq3A_2119, %jit3A_2120, %jit3A_2117 : i32
      %rem3A_2122 = arith.remsi %add3A_2116, %select_n3A_2121 : i32
      %ne3A_2123 = arith.constant 0 : i32
      %ne3A_2124 = arith.cmpi ne, %rem3A_2122, %ne3A_2123 : i32
      %lt3A_2125 = arith.constant 0 : i32
      %lt3A_2126 = arith.cmpi slt, %rem3A_2122, %lt3A_2125 : i32
      %lt3A_2127 = arith.constant 0 : i32
      %lt3A_2128 = arith.cmpi slt, %select_n3A_2121, %lt3A_2127 : i32
      %ne3A_2129 = arith.xori %lt3A_2126, %lt3A_2128 : i1
      %and3A_2130 = arith.andi %ne3A_2129, %ne3A_2124 : i1
      %add3A_2131 = arith.addi %rem3A_2122, %select_n3A_2121 : i32
      %select_n3A_2132 = arith.select %and3A_2130, %add3A_2131, %rem3A_2122 : i32
      %mul3A_2133 = arith.constant 8 : i32
      %mul3A_2134 = arith.muli %sub3A_2114, %mul3A_2133 : i32
      %add3A_2135 = arith.addi %mul3A_2, %mul3A_2134 : i32
      %dma_wait3A_2136 = arith.constant 0 : i32
      %dma_wait3A_2137 = arith.constant 0 : i32
      %dma_wait3A_2138 = tpu.memref_slice %arg6[%select_n3A_2132, %dma_wait3A_2136, %dma_wait3A_2137] : memref<8x8x1792xf32, #tpu.memory_space<vmem>> -> memref<1x8x1792xf32, #tpu.memory_space<vmem>>
      %dma_wait3A_2139 = tpu.memref_squeeze %dma_wait3A_2138 : memref<1x8x1792xf32, #tpu.memory_space<vmem>> -> memref<8x1792xf32, #tpu.memory_space<vmem>>
      %dma_wait3A_2140 = arith.constant 0 : i32
      %dma_wait3A_2141 = tpu.memref_slice %arg4[%add3A_2135, %dma_wait3A_2140] : memref<57344x1792xf32, #tpu.memory_space<hbm>> -> memref<8x1792xf32, #tpu.memory_space<hbm>>
      %dma_wait3A_2142 = tpu.memref_slice %arg8[%select_n3A_2132] : memref<8x!tpu.dma_semaphore, #tpu.memory_space<semaphore_mem>> -> memref<1x!tpu.dma_semaphore, #tpu.memory_space<semaphore_mem>>
      %dma_wait3A_2143 = tpu.memref_squeeze %dma_wait3A_2142 : memref<1x!tpu.dma_semaphore, #tpu.memory_space<semaphore_mem>> -> memref<!tpu.dma_semaphore, #tpu.memory_space<semaphore_mem>>
      %dma_wait3A_2144 = arith.constant 0 : i32
      %dma_wait3A_2145 = tpu.memref_slice %arg4[%add3A_2135, %dma_wait3A_2144] : memref<57344x1792xf32, #tpu.memory_space<hbm>> -> memref<8x1792xf32, #tpu.memory_space<hbm>>
      %dma_wait3A_2146 = arith.constant 0 : i32
      %dma_wait3A_2147 = arith.constant 0 : i32
      %dma_wait3A_2148 = tpu.memref_slice %arg6[%select_n3A_2132, %dma_wait3A_2146, %dma_wait3A_2147] : memref<8x8x1792xf32, #tpu.memory_space<vmem>> -> memref<1x8x1792xf32, #tpu.memory_space<vmem>>
      %dma_wait3A_2149 = tpu.memref_squeeze %dma_wait3A_2148 : memref<1x8x1792xf32, #tpu.memory_space<vmem>> -> memref<8x1792xf32, #tpu.memory_space<vmem>>
      tpu.wait_dma2 semaphore(%dma_wait3A_2143 : memref<!tpu.dma_semaphore, #tpu.memory_space<semaphore_mem>>) src(%dma_wait3A_2149 : memref<8x1792xf32, #tpu.memory_space<vmem>>) dst(%dma_wait3A_2145 : memref<8x1792xf32, #tpu.memory_space<hbm>>)
      %add3A_2150 = arith.constant 4 : i32
      %add3A_2151 = arith.addi %add3A_2078, %add3A_2150 : i32
      %add3A_2152 = arith.constant 4 : i32
      %add3A_2153 = arith.addi %add3A_2078, %add3A_2152 : i32
      %jit3A_2154 = arith.constant 8 : i32
      %eq3A_2155 = arith.constant 0 : i32
      %eq3A_2156 = arith.cmpi eq, %jit3A_2154, %eq3A_2155 : i32
      %jit3A_2157 = arith.constant 1 : i32
      %select_n3A_2158 = arith.select %eq3A_2156, %jit3A_2157, %jit3A_2154 : i32
      %rem3A_2159 = arith.remsi %add3A_2153, %select_n3A_2158 : i32
      %ne3A_2160 = arith.constant 0 : i32
      %ne3A_2161 = arith.cmpi ne, %rem3A_2159, %ne3A_2160 : i32
      %lt3A_2162 = arith.constant 0 : i32
      %lt3A_2163 = arith.cmpi slt, %rem3A_2159, %lt3A_2162 : i32
      %lt3A_2164 = arith.constant 0 : i32
      %lt3A_2165 = arith.cmpi slt, %select_n3A_2158, %lt3A_2164 : i32
      %ne3A_2166 = arith.xori %lt3A_2163, %lt3A_2165 : i1
      %and3A_2167 = arith.andi %ne3A_2166, %ne3A_2161 : i1
      %add3A_2168 = arith.addi %rem3A_2159, %select_n3A_2158 : i32
      %select_n3A_2169 = arith.select %and3A_2167, %add3A_2168, %rem3A_2159 : i32
      %jit3A_2170 = arith.constant 16 : i32
      %div3A_2171 = arith.divsi %add3A_2151, %jit3A_2170 : i32
      %sign3A_2172 = arith.constant 0 : i32
      %sign3A_2173 = arith.cmpi sgt, %add3A_2151, %sign3A_2172 : i32
      %sign3A_2174 = arith.extui %sign3A_2173 : i1 to i32
      %sign3A_2175 = arith.constant 0 : i32
      %sign3A_2176 = arith.cmpi slt, %add3A_2151, %sign3A_2175 : i32
      %sign3A_2177 = arith.extui %sign3A_2176 : i1 to i32
      %sign3A_2178 = arith.subi %sign3A_2174, %sign3A_2177 : i32
      %sign3A_2179 = arith.constant 0 : i32
      %sign3A_2180 = arith.cmpi sgt, %jit3A_2170, %sign3A_2179 : i32
      %sign3A_2181 = arith.extui %sign3A_2180 : i1 to i32
      %sign3A_2182 = arith.constant 0 : i32
      %sign3A_2183 = arith.cmpi slt, %jit3A_2170, %sign3A_2182 : i32
      %sign3A_2184 = arith.extui %sign3A_2183 : i1 to i32
      %sign3A_2185 = arith.subi %sign3A_2181, %sign3A_2184 : i32
      %ne3A_2186 = arith.cmpi ne, %sign3A_2178, %sign3A_2185 : i32
      %rem3A_2187 = arith.remsi %add3A_2151, %jit3A_2170 : i32
      %ne3A_2188 = arith.constant 0 : i32
      %ne3A_2189 = arith.cmpi ne, %rem3A_2187, %ne3A_2188 : i32
      %and3A_2190 = arith.andi %ne3A_2186, %ne3A_2189 : i1
      %sub3A_2191 = arith.constant 1 : i32
      %sub3A_2192 = arith.subi %div3A_2171, %sub3A_2191 : i32
      %select_n3A_2193 = arith.select %and3A_2190, %sub3A_2192, %div3A_2171 : i32
      %jit3A_2194 = arith.constant 16 : i32
      %eq3A_2195 = arith.constant 0 : i32
      %eq3A_2196 = arith.cmpi eq, %jit3A_2194, %eq3A_2195 : i32
      %jit3A_2197 = arith.constant 1 : i32
      %select_n3A_2198 = arith.select %eq3A_2196, %jit3A_2197, %jit3A_2194 : i32
      %rem3A_2199 = arith.remsi %add3A_2151, %select_n3A_2198 : i32
      %ne3A_2200 = arith.constant 0 : i32
      %ne3A_2201 = arith.cmpi ne, %rem3A_2199, %ne3A_2200 : i32
      %lt3A_2202 = arith.constant 0 : i32
      %lt3A_2203 = arith.cmpi slt, %rem3A_2199, %lt3A_2202 : i32
      %lt3A_2204 = arith.constant 0 : i32
      %lt3A_2205 = arith.cmpi slt, %select_n3A_2198, %lt3A_2204 : i32
      %ne3A_2206 = arith.xori %lt3A_2203, %lt3A_2205 : i1
      %and3A_2207 = arith.andi %ne3A_2206, %ne3A_2201 : i1
      %add3A_2208 = arith.addi %rem3A_2199, %select_n3A_2198 : i32
      %select_n3A_2209 = arith.select %and3A_2207, %add3A_2208, %rem3A_2199 : i32
      %mul3A_2210 = arith.constant 8 : i32
      %mul3A_2211 = arith.muli %select_n3A_2209, %mul3A_2210 : i32
      %dma_start3A_2212 = arith.constant 0 : i32
      %dma_start3A_2213 = arith.constant 0 : i32
      %dma_start3A_2214 = tpu.memref_slice %arg6[%select_n3A_2169, %dma_start3A_2212, %dma_start3A_2213] : memref<8x8x1792xf32, #tpu.memory_space<vmem>> -> memref<1x8x1792xf32, #tpu.memory_space<vmem>>
      %dma_start3A_2215 = tpu.memref_squeeze %dma_start3A_2214 : memref<1x8x1792xf32, #tpu.memory_space<vmem>> -> memref<8x1792xf32, #tpu.memory_space<vmem>>
      %dma_start3A_2216 = tpu.memref_slice %arg5[%select_n3A_2193, %mul3A_2211] : memref<14x128xi32, #tpu.memory_space<vmem>> -> memref<1x8xi32, #tpu.memory_space<vmem>>
      %dma_start3A_2217 = tpu.memref_squeeze %dma_start3A_2216 : memref<1x8xi32, #tpu.memory_space<vmem>> -> memref<8xi32, #tpu.memory_space<vmem>>
      %dma_start3A_2218 = arith.constant 0 : i32
      %dma_start3A_2219 = arith.constant 0 : i32
      %dma_start3A_2220 = tpu.memref_slice %arg2[%dma_start3A_2218, %dma_start3A_2219] : memref<23236x1792xf32, #tpu.memory_space<hbm>> -> memref<23236x1792xf32, #tpu.memory_space<hbm>>
      %dma_start3A_2221 = tpu.memref_slice %arg7[%select_n3A_2169] : memref<8x!tpu.dma_semaphore, #tpu.memory_space<semaphore_mem>> -> memref<1x!tpu.dma_semaphore, #tpu.memory_space<semaphore_mem>>
      %dma_start3A_2222 = tpu.memref_squeeze %dma_start3A_2221 : memref<1x!tpu.dma_semaphore, #tpu.memory_space<semaphore_mem>> -> memref<!tpu.dma_semaphore, #tpu.memory_space<semaphore_mem>>
      tpu.enqueue_indirect_dma source(%dma_start3A_2220 : memref<23236x1792xf32, #tpu.memory_space<hbm>>) target(%dma_start3A_2215 : memref<8x1792xf32, #tpu.memory_space<vmem>>) offsets(%dma_start3A_2217 : memref<8xi32, #tpu.memory_space<vmem>>) semaphore(%dma_start3A_2222 : memref<!tpu.dma_semaphore, #tpu.memory_space<semaphore_mem>>)
    }
    %scan3A_521 = arith.constant 26 : i32
    %dma_wait3A_522 = arith.constant 0 : i32
    %dma_wait3A_523 = arith.constant 0 : i32
    %dma_wait3A_524 = arith.constant 0 : i32
    %dma_wait3A_525 = arith.constant 0 : i32
    %dma_wait3A_526 = arith.constant 0 : i32
    %dma_wait3A_527 = tpu.memref_slice %arg6[%dma_wait3A_523, %dma_wait3A_525, %dma_wait3A_526] : memref<8x8x1792xf32, #tpu.memory_space<vmem>> -> memref<1x8x1792xf32, #tpu.memory_space<vmem>>
    %dma_wait3A_528 = tpu.memref_squeeze %dma_wait3A_527 : memref<1x8x1792xf32, #tpu.memory_space<vmem>> -> memref<8x1792xf32, #tpu.memory_space<vmem>>
    %dma_wait3A_529 = arith.constant 0 : i32
    %dma_wait3A_530 = tpu.memref_slice %arg5[%dma_wait3A_522, %dma_wait3A_529] : memref<14x128xi32, #tpu.memory_space<vmem>> -> memref<1x8xi32, #tpu.memory_space<vmem>>
    %dma_wait3A_531 = tpu.memref_squeeze %dma_wait3A_530 : memref<1x8xi32, #tpu.memory_space<vmem>> -> memref<8xi32, #tpu.memory_space<vmem>>
    %dma_wait3A_532 = arith.constant 0 : i32
    %dma_wait3A_533 = arith.constant 0 : i32
    %dma_wait3A_534 = tpu.memref_slice %arg2[%dma_wait3A_532, %dma_wait3A_533] : memref<23236x1792xf32, #tpu.memory_space<hbm>> -> memref<23236x1792xf32, #tpu.memory_space<hbm>>
    %dma_wait3A_535 = tpu.memref_slice %arg7[%dma_wait3A_524] : memref<8x!tpu.dma_semaphore, #tpu.memory_space<semaphore_mem>> -> memref<1x!tpu.dma_semaphore, #tpu.memory_space<semaphore_mem>>
    %dma_wait3A_536 = tpu.memref_squeeze %dma_wait3A_535 : memref<1x!tpu.dma_semaphore, #tpu.memory_space<semaphore_mem>> -> memref<!tpu.dma_semaphore, #tpu.memory_space<semaphore_mem>>
    tpu.wait_indirect_dma semaphore(%dma_wait3A_536 : memref<!tpu.dma_semaphore, #tpu.memory_space<semaphore_mem>>) src(%dma_wait3A_534 : memref<23236x1792xf32, #tpu.memory_space<hbm>>) dst(%dma_wait3A_528 : memref<8x1792xf32, #tpu.memory_space<vmem>>)
    %add3A_537 = arith.constant 1728 : i32
    %add3A_538 = arith.addi %mul3A_2, %add3A_537 : i32
    %dma_start3A_539 = arith.constant 0 : i32
    %dma_start3A_540 = arith.constant 0 : i32
    %dma_start3A_541 = arith.constant 0 : i32
    %dma_start3A_542 = arith.constant 0 : i32
    %dma_start3A_543 = tpu.memref_slice %arg6[%dma_start3A_539, %dma_start3A_541, %dma_start3A_542] : memref<8x8x1792xf32, #tpu.memory_space<vmem>> -> memref<1x8x1792xf32, #tpu.memory_space<vmem>>
    %dma_start3A_544 = tpu.memref_squeeze %dma_start3A_543 : memref<1x8x1792xf32, #tpu.memory_space<vmem>> -> memref<8x1792xf32, #tpu.memory_space<vmem>>
    %dma_start3A_545 = arith.constant 0 : i32
    %dma_start3A_546 = tpu.memref_slice %arg4[%add3A_538, %dma_start3A_545] : memref<57344x1792xf32, #tpu.memory_space<hbm>> -> memref<8x1792xf32, #tpu.memory_space<hbm>>
    %dma_start3A_547 = tpu.memref_slice %arg8[%dma_start3A_540] : memref<8x!tpu.dma_semaphore, #tpu.memory_space<semaphore_mem>> -> memref<1x!tpu.dma_semaphore, #tpu.memory_space<semaphore_mem>>
    %dma_start3A_548 = tpu.memref_squeeze %dma_start3A_547 : memref<1x!tpu.dma_semaphore, #tpu.memory_space<semaphore_mem>> -> memref<!tpu.dma_semaphore, #tpu.memory_space<semaphore_mem>>
    %dma_start3A_549 = arith.constant 0 : i32
    %dma_start3A_550 = tpu.memref_slice %arg4[%add3A_538, %dma_start3A_549] : memref<57344x1792xf32, #tpu.memory_space<hbm>> -> memref<8x1792xf32, #tpu.memory_space<hbm>>
    %dma_start3A_551 = arith.constant 0 : i32
    %dma_start3A_552 = arith.constant 0 : i32
    %dma_start3A_553 = tpu.memref_slice %arg6[%dma_start3A_539, %dma_start3A_551, %dma_start3A_552] : memref<8x8x1792xf32, #tpu.memory_space<vmem>> -> memref<1x8x1792xf32, #tpu.memory_space<vmem>>
    %dma_start3A_554 = tpu.memref_squeeze %dma_start3A_553 : memref<1x8x1792xf32, #tpu.memory_space<vmem>> -> memref<8x1792xf32, #tpu.memory_space<vmem>>
    tpu.enqueue_dma source(%dma_start3A_554 : memref<8x1792xf32, #tpu.memory_space<vmem>>) target(%dma_start3A_550 : memref<8x1792xf32, #tpu.memory_space<hbm>>) target_semaphore(%dma_start3A_548 : memref<!tpu.dma_semaphore, #tpu.memory_space<semaphore_mem>>)
    %add3A_555 = arith.constant 1696 : i32
    %add3A_556 = arith.addi %mul3A_2, %add3A_555 : i32
    %dma_wait3A_557 = arith.constant 4 : i32
    %dma_wait3A_558 = arith.constant 4 : i32
    %dma_wait3A_559 = arith.constant 0 : i32
    %dma_wait3A_560 = arith.constant 0 : i32
    %dma_wait3A_561 = tpu.memref_slice %arg6[%dma_wait3A_557, %dma_wait3A_559, %dma_wait3A_560] : memref<8x8x1792xf32, #tpu.memory_space<vmem>> -> memref<1x8x1792xf32, #tpu.memory_space<vmem>>
    %dma_wait3A_562 = tpu.memref_squeeze %dma_wait3A_561 : memref<1x8x1792xf32, #tpu.memory_space<vmem>> -> memref<8x1792xf32, #tpu.memory_space<vmem>>
    %dma_wait3A_563 = arith.constant 0 : i32
    %dma_wait3A_564 = tpu.memref_slice %arg4[%add3A_556, %dma_wait3A_563] : memref<57344x1792xf32, #tpu.memory_space<hbm>> -> memref<8x1792xf32, #tpu.memory_space<hbm>>
    %dma_wait3A_565 = tpu.memref_slice %arg8[%dma_wait3A_558] : memref<8x!tpu.dma_semaphore, #tpu.memory_space<semaphore_mem>> -> memref<1x!tpu.dma_semaphore, #tpu.memory_space<semaphore_mem>>
    %dma_wait3A_566 = tpu.memref_squeeze %dma_wait3A_565 : memref<1x!tpu.dma_semaphore, #tpu.memory_space<semaphore_mem>> -> memref<!tpu.dma_semaphore, #tpu.memory_space<semaphore_mem>>
    %dma_wait3A_567 = arith.constant 0 : i32
    %dma_wait3A_568 = tpu.memref_slice %arg4[%add3A_556, %dma_wait3A_567] : memref<57344x1792xf32, #tpu.memory_space<hbm>> -> memref<8x1792xf32, #tpu.memory_space<hbm>>
    %dma_wait3A_569 = arith.constant 0 : i32
    %dma_wait3A_570 = arith.constant 0 : i32
    %dma_wait3A_571 = tpu.memref_slice %arg6[%dma_wait3A_557, %dma_wait3A_569, %dma_wait3A_570] : memref<8x8x1792xf32, #tpu.memory_space<vmem>> -> memref<1x8x1792xf32, #tpu.memory_space<vmem>>
    %dma_wait3A_572 = tpu.memref_squeeze %dma_wait3A_571 : memref<1x8x1792xf32, #tpu.memory_space<vmem>> -> memref<8x1792xf32, #tpu.memory_space<vmem>>
    tpu.wait_dma2 semaphore(%dma_wait3A_566 : memref<!tpu.dma_semaphore, #tpu.memory_space<semaphore_mem>>) src(%dma_wait3A_572 : memref<8x1792xf32, #tpu.memory_space<vmem>>) dst(%dma_wait3A_568 : memref<8x1792xf32, #tpu.memory_space<hbm>>)
    %dma_start3A_573 = arith.constant 13 : i32
    %dma_start3A_574 = arith.constant 4 : i32
    %dma_start3A_575 = arith.constant 4 : i32
    %dma_start3A_576 = arith.constant 0 : i32
    %dma_start3A_577 = arith.constant 0 : i32
    %dma_start3A_578 = tpu.memref_slice %arg6[%dma_start3A_574, %dma_start3A_576, %dma_start3A_577] : memref<8x8x1792xf32, #tpu.memory_space<vmem>> -> memref<1x8x1792xf32, #tpu.memory_space<vmem>>
    %dma_start3A_579 = tpu.memref_squeeze %dma_start3A_578 : memref<1x8x1792xf32, #tpu.memory_space<vmem>> -> memref<8x1792xf32, #tpu.memory_space<vmem>>
    %dma_start3A_580 = arith.constant 96 : i32
    %dma_start3A_581 = tpu.memref_slice %arg5[%dma_start3A_573, %dma_start3A_580] : memref<14x128xi32, #tpu.memory_space<vmem>> -> memref<1x8xi32, #tpu.memory_space<vmem>>
    %dma_start3A_582 = tpu.memref_squeeze %dma_start3A_581 : memref<1x8xi32, #tpu.memory_space<vmem>> -> memref<8xi32, #tpu.memory_space<vmem>>
    %dma_start3A_583 = arith.constant 0 : i32
    %dma_start3A_584 = arith.constant 0 : i32
    %dma_start3A_585 = tpu.memref_slice %arg2[%dma_start3A_583, %dma_start3A_584] : memref<23236x1792xf32, #tpu.memory_space<hbm>> -> memref<23236x1792xf32, #tpu.memory_space<hbm>>
    %dma_start3A_586 = tpu.memref_slice %arg7[%dma_start3A_575] : memref<8x!tpu.dma_semaphore, #tpu.memory_space<semaphore_mem>> -> memref<1x!tpu.dma_semaphore, #tpu.memory_space<semaphore_mem>>
    %dma_start3A_587 = tpu.memref_squeeze %dma_start3A_586 : memref<1x!tpu.dma_semaphore, #tpu.memory_space<semaphore_mem>> -> memref<!tpu.dma_semaphore, #tpu.memory_space<semaphore_mem>>
    tpu.enqueue_indirect_dma source(%dma_start3A_585 : memref<23236x1792xf32, #tpu.memory_space<hbm>>) target(%dma_start3A_579 : memref<8x1792xf32, #tpu.memory_space<vmem>>) offsets(%dma_start3A_582 : memref<8xi32, #tpu.memory_space<vmem>>) semaphore(%dma_start3A_587 : memref<!tpu.dma_semaphore, #tpu.memory_space<semaphore_mem>>)
    %dma_wait3A_588 = arith.constant 0 : i32
    %dma_wait3A_589 = arith.constant 1 : i32
    %dma_wait3A_590 = arith.constant 1 : i32
    %dma_wait3A_591 = arith.constant 0 : i32
    %dma_wait3A_592 = arith.constant 0 : i32
    %dma_wait3A_593 = tpu.memref_slice %arg6[%dma_wait3A_589, %dma_wait3A_591, %dma_wait3A_592] : memref<8x8x1792xf32, #tpu.memory_space<vmem>> -> memref<1x8x1792xf32, #tpu.memory_space<vmem>>
    %dma_wait3A_594 = tpu.memref_squeeze %dma_wait3A_593 : memref<1x8x1792xf32, #tpu.memory_space<vmem>> -> memref<8x1792xf32, #tpu.memory_space<vmem>>
    %dma_wait3A_595 = arith.constant 0 : i32
    %dma_wait3A_596 = tpu.memref_slice %arg5[%dma_wait3A_588, %dma_wait3A_595] : memref<14x128xi32, #tpu.memory_space<vmem>> -> memref<1x8xi32, #tpu.memory_space<vmem>>
    %dma_wait3A_597 = tpu.memref_squeeze %dma_wait3A_596 : memref<1x8xi32, #tpu.memory_space<vmem>> -> memref<8xi32, #tpu.memory_space<vmem>>
    %dma_wait3A_598 = arith.constant 0 : i32
    %dma_wait3A_599 = arith.constant 0 : i32
    %dma_wait3A_600 = tpu.memref_slice %arg2[%dma_wait3A_598, %dma_wait3A_599] : memref<23236x1792xf32, #tpu.memory_space<hbm>> -> memref<23236x1792xf32, #tpu.memory_space<hbm>>
    %dma_wait3A_601 = tpu.memref_slice %arg7[%dma_wait3A_590] : memref<8x!tpu.dma_semaphore, #tpu.memory_space<semaphore_mem>> -> memref<1x!tpu.dma_semaphore, #tpu.memory_space<semaphore_mem>>
    %dma_wait3A_602 = tpu.memref_squeeze %dma_wait3A_601 : memref<1x!tpu.dma_semaphore, #tpu.memory_space<semaphore_mem>> -> memref<!tpu.dma_semaphore, #tpu.memory_space<semaphore_mem>>
    tpu.wait_indirect_dma semaphore(%dma_wait3A_602 : memref<!tpu.dma_semaphore, #tpu.memory_space<semaphore_mem>>) src(%dma_wait3A_600 : memref<23236x1792xf32, #tpu.memory_space<hbm>>) dst(%dma_wait3A_594 : memref<8x1792xf32, #tpu.memory_space<vmem>>)
    %add3A_603 = arith.constant 1736 : i32
    %add3A_604 = arith.addi %mul3A_2, %add3A_603 : i32
    %dma_start3A_605 = arith.constant 1 : i32
    %dma_start3A_606 = arith.constant 1 : i32
    %dma_start3A_607 = arith.constant 0 : i32
    %dma_start3A_608 = arith.constant 0 : i32
    %dma_start3A_609 = tpu.memref_slice %arg6[%dma_start3A_605, %dma_start3A_607, %dma_start3A_608] : memref<8x8x1792xf32, #tpu.memory_space<vmem>> -> memref<1x8x1792xf32, #tpu.memory_space<vmem>>
    %dma_start3A_610 = tpu.memref_squeeze %dma_start3A_609 : memref<1x8x1792xf32, #tpu.memory_space<vmem>> -> memref<8x1792xf32, #tpu.memory_space<vmem>>
    %dma_start3A_611 = arith.constant 0 : i32
    %dma_start3A_612 = tpu.memref_slice %arg4[%add3A_604, %dma_start3A_611] : memref<57344x1792xf32, #tpu.memory_space<hbm>> -> memref<8x1792xf32, #tpu.memory_space<hbm>>
    %dma_start3A_613 = tpu.memref_slice %arg8[%dma_start3A_606] : memref<8x!tpu.dma_semaphore, #tpu.memory_space<semaphore_mem>> -> memref<1x!tpu.dma_semaphore, #tpu.memory_space<semaphore_mem>>
    %dma_start3A_614 = tpu.memref_squeeze %dma_start3A_613 : memref<1x!tpu.dma_semaphore, #tpu.memory_space<semaphore_mem>> -> memref<!tpu.dma_semaphore, #tpu.memory_space<semaphore_mem>>
    %dma_start3A_615 = arith.constant 0 : i32
    %dma_start3A_616 = tpu.memref_slice %arg4[%add3A_604, %dma_start3A_615] : memref<57344x1792xf32, #tpu.memory_space<hbm>> -> memref<8x1792xf32, #tpu.memory_space<hbm>>
    %dma_start3A_617 = arith.constant 0 : i32
    %dma_start3A_618 = arith.constant 0 : i32
    %dma_start3A_619 = tpu.memref_slice %arg6[%dma_start3A_605, %dma_start3A_617, %dma_start3A_618] : memref<8x8x1792xf32, #tpu.memory_space<vmem>> -> memref<1x8x1792xf32, #tpu.memory_space<vmem>>
    %dma_start3A_620 = tpu.memref_squeeze %dma_start3A_619 : memref<1x8x1792xf32, #tpu.memory_space<vmem>> -> memref<8x1792xf32, #tpu.memory_space<vmem>>
    tpu.enqueue_dma source(%dma_start3A_620 : memref<8x1792xf32, #tpu.memory_space<vmem>>) target(%dma_start3A_616 : memref<8x1792xf32, #tpu.memory_space<hbm>>) target_semaphore(%dma_start3A_614 : memref<!tpu.dma_semaphore, #tpu.memory_space<semaphore_mem>>)
    %add3A_621 = arith.constant 1704 : i32
    %add3A_622 = arith.addi %mul3A_2, %add3A_621 : i32
    %dma_wait3A_623 = arith.constant 5 : i32
    %dma_wait3A_624 = arith.constant 5 : i32
    %dma_wait3A_625 = arith.constant 0 : i32
    %dma_wait3A_626 = arith.constant 0 : i32
    %dma_wait3A_627 = tpu.memref_slice %arg6[%dma_wait3A_623, %dma_wait3A_625, %dma_wait3A_626] : memref<8x8x1792xf32, #tpu.memory_space<vmem>> -> memref<1x8x1792xf32, #tpu.memory_space<vmem>>
    %dma_wait3A_628 = tpu.memref_squeeze %dma_wait3A_627 : memref<1x8x1792xf32, #tpu.memory_space<vmem>> -> memref<8x1792xf32, #tpu.memory_space<vmem>>
    %dma_wait3A_629 = arith.constant 0 : i32
    %dma_wait3A_630 = tpu.memref_slice %arg4[%add3A_622, %dma_wait3A_629] : memref<57344x1792xf32, #tpu.memory_space<hbm>> -> memref<8x1792xf32, #tpu.memory_space<hbm>>
    %dma_wait3A_631 = tpu.memref_slice %arg8[%dma_wait3A_624] : memref<8x!tpu.dma_semaphore, #tpu.memory_space<semaphore_mem>> -> memref<1x!tpu.dma_semaphore, #tpu.memory_space<semaphore_mem>>
    %dma_wait3A_632 = tpu.memref_squeeze %dma_wait3A_631 : memref<1x!tpu.dma_semaphore, #tpu.memory_space<semaphore_mem>> -> memref<!tpu.dma_semaphore, #tpu.memory_space<semaphore_mem>>
    %dma_wait3A_633 = arith.constant 0 : i32
    %dma_wait3A_634 = tpu.memref_slice %arg4[%add3A_622, %dma_wait3A_633] : memref<57344x1792xf32, #tpu.memory_space<hbm>> -> memref<8x1792xf32, #tpu.memory_space<hbm>>
    %dma_wait3A_635 = arith.constant 0 : i32
    %dma_wait3A_636 = arith.constant 0 : i32
    %dma_wait3A_637 = tpu.memref_slice %arg6[%dma_wait3A_623, %dma_wait3A_635, %dma_wait3A_636] : memref<8x8x1792xf32, #tpu.memory_space<vmem>> -> memref<1x8x1792xf32, #tpu.memory_space<vmem>>
    %dma_wait3A_638 = tpu.memref_squeeze %dma_wait3A_637 : memref<1x8x1792xf32, #tpu.memory_space<vmem>> -> memref<8x1792xf32, #tpu.memory_space<vmem>>
    tpu.wait_dma2 semaphore(%dma_wait3A_632 : memref<!tpu.dma_semaphore, #tpu.memory_space<semaphore_mem>>) src(%dma_wait3A_638 : memref<8x1792xf32, #tpu.memory_space<vmem>>) dst(%dma_wait3A_634 : memref<8x1792xf32, #tpu.memory_space<hbm>>)
    %dma_start3A_639 = arith.constant 13 : i32
    %dma_start3A_640 = arith.constant 5 : i32
    %dma_start3A_641 = arith.constant 5 : i32
    %dma_start3A_642 = arith.constant 0 : i32
    %dma_start3A_643 = arith.constant 0 : i32
    %dma_start3A_644 = tpu.memref_slice %arg6[%dma_start3A_640, %dma_start3A_642, %dma_start3A_643] : memref<8x8x1792xf32, #tpu.memory_space<vmem>> -> memref<1x8x1792xf32, #tpu.memory_space<vmem>>
    %dma_start3A_645 = tpu.memref_squeeze %dma_start3A_644 : memref<1x8x1792xf32, #tpu.memory_space<vmem>> -> memref<8x1792xf32, #tpu.memory_space<vmem>>
    %dma_start3A_646 = arith.constant 104 : i32
    %dma_start3A_647 = tpu.memref_slice %arg5[%dma_start3A_639, %dma_start3A_646] : memref<14x128xi32, #tpu.memory_space<vmem>> -> memref<1x8xi32, #tpu.memory_space<vmem>>
    %dma_start3A_648 = tpu.memref_squeeze %dma_start3A_647 : memref<1x8xi32, #tpu.memory_space<vmem>> -> memref<8xi32, #tpu.memory_space<vmem>>
    %dma_start3A_649 = arith.constant 0 : i32
    %dma_start3A_650 = arith.constant 0 : i32
    %dma_start3A_651 = tpu.memref_slice %arg2[%dma_start3A_649, %dma_start3A_650] : memref<23236x1792xf32, #tpu.memory_space<hbm>> -> memref<23236x1792xf32, #tpu.memory_space<hbm>>
    %dma_start3A_652 = tpu.memref_slice %arg7[%dma_start3A_641] : memref<8x!tpu.dma_semaphore, #tpu.memory_space<semaphore_mem>> -> memref<1x!tpu.dma_semaphore, #tpu.memory_space<semaphore_mem>>
    %dma_start3A_653 = tpu.memref_squeeze %dma_start3A_652 : memref<1x!tpu.dma_semaphore, #tpu.memory_space<semaphore_mem>> -> memref<!tpu.dma_semaphore, #tpu.memory_space<semaphore_mem>>
    tpu.enqueue_indirect_dma source(%dma_start3A_651 : memref<23236x1792xf32, #tpu.memory_space<hbm>>) target(%dma_start3A_645 : memref<8x1792xf32, #tpu.memory_space<vmem>>) offsets(%dma_start3A_648 : memref<8xi32, #tpu.memory_space<vmem>>) semaphore(%dma_start3A_653 : memref<!tpu.dma_semaphore, #tpu.memory_space<semaphore_mem>>)
    %dma_wait3A_654 = arith.constant 0 : i32
    %dma_wait3A_655 = arith.constant 2 : i32
    %dma_wait3A_656 = arith.constant 2 : i32
    %dma_wait3A_657 = arith.constant 0 : i32
    %dma_wait3A_658 = arith.constant 0 : i32
    %dma_wait3A_659 = tpu.memref_slice %arg6[%dma_wait3A_655, %dma_wait3A_657, %dma_wait3A_658] : memref<8x8x1792xf32, #tpu.memory_space<vmem>> -> memref<1x8x1792xf32, #tpu.memory_space<vmem>>
    %dma_wait3A_660 = tpu.memref_squeeze %dma_wait3A_659 : memref<1x8x1792xf32, #tpu.memory_space<vmem>> -> memref<8x1792xf32, #tpu.memory_space<vmem>>
    %dma_wait3A_661 = arith.constant 0 : i32
    %dma_wait3A_662 = tpu.memref_slice %arg5[%dma_wait3A_654, %dma_wait3A_661] : memref<14x128xi32, #tpu.memory_space<vmem>> -> memref<1x8xi32, #tpu.memory_space<vmem>>
    %dma_wait3A_663 = tpu.memref_squeeze %dma_wait3A_662 : memref<1x8xi32, #tpu.memory_space<vmem>> -> memref<8xi32, #tpu.memory_space<vmem>>
    %dma_wait3A_664 = arith.constant 0 : i32
    %dma_wait3A_665 = arith.constant 0 : i32
    %dma_wait3A_666 = tpu.memref_slice %arg2[%dma_wait3A_664, %dma_wait3A_665] : memref<23236x1792xf32, #tpu.memory_space<hbm>> -> memref<23236x1792xf32, #tpu.memory_space<hbm>>
    %dma_wait3A_667 = tpu.memref_slice %arg7[%dma_wait3A_656] : memref<8x!tpu.dma_semaphore, #tpu.memory_space<semaphore_mem>> -> memref<1x!tpu.dma_semaphore, #tpu.memory_space<semaphore_mem>>
    %dma_wait3A_668 = tpu.memref_squeeze %dma_wait3A_667 : memref<1x!tpu.dma_semaphore, #tpu.memory_space<semaphore_mem>> -> memref<!tpu.dma_semaphore, #tpu.memory_space<semaphore_mem>>
    tpu.wait_indirect_dma semaphore(%dma_wait3A_668 : memref<!tpu.dma_semaphore, #tpu.memory_space<semaphore_mem>>) src(%dma_wait3A_666 : memref<23236x1792xf32, #tpu.memory_space<hbm>>) dst(%dma_wait3A_660 : memref<8x1792xf32, #tpu.memory_space<vmem>>)
    %add3A_669 = arith.constant 1744 : i32
    %add3A_670 = arith.addi %mul3A_2, %add3A_669 : i32
    %dma_start3A_671 = arith.constant 2 : i32
    %dma_start3A_672 = arith.constant 2 : i32
    %dma_start3A_673 = arith.constant 0 : i32
    %dma_start3A_674 = arith.constant 0 : i32
    %dma_start3A_675 = tpu.memref_slice %arg6[%dma_start3A_671, %dma_start3A_673, %dma_start3A_674] : memref<8x8x1792xf32, #tpu.memory_space<vmem>> -> memref<1x8x1792xf32, #tpu.memory_space<vmem>>
    %dma_start3A_676 = tpu.memref_squeeze %dma_start3A_675 : memref<1x8x1792xf32, #tpu.memory_space<vmem>> -> memref<8x1792xf32, #tpu.memory_space<vmem>>
    %dma_start3A_677 = arith.constant 0 : i32
    %dma_start3A_678 = tpu.memref_slice %arg4[%add3A_670, %dma_start3A_677] : memref<57344x1792xf32, #tpu.memory_space<hbm>> -> memref<8x1792xf32, #tpu.memory_space<hbm>>
    %dma_start3A_679 = tpu.memref_slice %arg8[%dma_start3A_672] : memref<8x!tpu.dma_semaphore, #tpu.memory_space<semaphore_mem>> -> memref<1x!tpu.dma_semaphore, #tpu.memory_space<semaphore_mem>>
    %dma_start3A_680 = tpu.memref_squeeze %dma_start3A_679 : memref<1x!tpu.dma_semaphore, #tpu.memory_space<semaphore_mem>> -> memref<!tpu.dma_semaphore, #tpu.memory_space<semaphore_mem>>
    %dma_start3A_681 = arith.constant 0 : i32
    %dma_start3A_682 = tpu.memref_slice %arg4[%add3A_670, %dma_start3A_681] : memref<57344x1792xf32, #tpu.memory_space<hbm>> -> memref<8x1792xf32, #tpu.memory_space<hbm>>
    %dma_start3A_683 = arith.constant 0 : i32
    %dma_start3A_684 = arith.constant 0 : i32
    %dma_start3A_685 = tpu.memref_slice %arg6[%dma_start3A_671, %dma_start3A_683, %dma_start3A_684] : memref<8x8x1792xf32, #tpu.memory_space<vmem>> -> memref<1x8x1792xf32, #tpu.memory_space<vmem>>
    %dma_start3A_686 = tpu.memref_squeeze %dma_start3A_685 : memref<1x8x1792xf32, #tpu.memory_space<vmem>> -> memref<8x1792xf32, #tpu.memory_space<vmem>>
    tpu.enqueue_dma source(%dma_start3A_686 : memref<8x1792xf32, #tpu.memory_space<vmem>>) target(%dma_start3A_682 : memref<8x1792xf32, #tpu.memory_space<hbm>>) target_semaphore(%dma_start3A_680 : memref<!tpu.dma_semaphore, #tpu.memory_space<semaphore_mem>>)
    %add3A_687 = arith.constant 1712 : i32
    %add3A_688 = arith.addi %mul3A_2, %add3A_687 : i32
    %dma_wait3A_689 = arith.constant 6 : i32
    %dma_wait3A_690 = arith.constant 6 : i32
    %dma_wait3A_691 = arith.constant 0 : i32
    %dma_wait3A_692 = arith.constant 0 : i32
    %dma_wait3A_693 = tpu.memref_slice %arg6[%dma_wait3A_689, %dma_wait3A_691, %dma_wait3A_692] : memref<8x8x1792xf32, #tpu.memory_space<vmem>> -> memref<1x8x1792xf32, #tpu.memory_space<vmem>>
    %dma_wait3A_694 = tpu.memref_squeeze %dma_wait3A_693 : memref<1x8x1792xf32, #tpu.memory_space<vmem>> -> memref<8x1792xf32, #tpu.memory_space<vmem>>
    %dma_wait3A_695 = arith.constant 0 : i32
    %dma_wait3A_696 = tpu.memref_slice %arg4[%add3A_688, %dma_wait3A_695] : memref<57344x1792xf32, #tpu.memory_space<hbm>> -> memref<8x1792xf32, #tpu.memory_space<hbm>>
    %dma_wait3A_697 = tpu.memref_slice %arg8[%dma_wait3A_690] : memref<8x!tpu.dma_semaphore, #tpu.memory_space<semaphore_mem>> -> memref<1x!tpu.dma_semaphore, #tpu.memory_space<semaphore_mem>>
    %dma_wait3A_698 = tpu.memref_squeeze %dma_wait3A_697 : memref<1x!tpu.dma_semaphore, #tpu.memory_space<semaphore_mem>> -> memref<!tpu.dma_semaphore, #tpu.memory_space<semaphore_mem>>
    %dma_wait3A_699 = arith.constant 0 : i32
    %dma_wait3A_700 = tpu.memref_slice %arg4[%add3A_688, %dma_wait3A_699] : memref<57344x1792xf32, #tpu.memory_space<hbm>> -> memref<8x1792xf32, #tpu.memory_space<hbm>>
    %dma_wait3A_701 = arith.constant 0 : i32
    %dma_wait3A_702 = arith.constant 0 : i32
    %dma_wait3A_703 = tpu.memref_slice %arg6[%dma_wait3A_689, %dma_wait3A_701, %dma_wait3A_702] : memref<8x8x1792xf32, #tpu.memory_space<vmem>> -> memref<1x8x1792xf32, #tpu.memory_space<vmem>>
    %dma_wait3A_704 = tpu.memref_squeeze %dma_wait3A_703 : memref<1x8x1792xf32, #tpu.memory_space<vmem>> -> memref<8x1792xf32, #tpu.memory_space<vmem>>
    tpu.wait_dma2 semaphore(%dma_wait3A_698 : memref<!tpu.dma_semaphore, #tpu.memory_space<semaphore_mem>>) src(%dma_wait3A_704 : memref<8x1792xf32, #tpu.memory_space<vmem>>) dst(%dma_wait3A_700 : memref<8x1792xf32, #tpu.memory_space<hbm>>)
    %dma_start3A_705 = arith.constant 13 : i32
    %dma_start3A_706 = arith.constant 6 : i32
    %dma_start3A_707 = arith.constant 6 : i32
    %dma_start3A_708 = arith.constant 0 : i32
    %dma_start3A_709 = arith.constant 0 : i32
    %dma_start3A_710 = tpu.memref_slice %arg6[%dma_start3A_706, %dma_start3A_708, %dma_start3A_709] : memref<8x8x1792xf32, #tpu.memory_space<vmem>> -> memref<1x8x1792xf32, #tpu.memory_space<vmem>>
    %dma_start3A_711 = tpu.memref_squeeze %dma_start3A_710 : memref<1x8x1792xf32, #tpu.memory_space<vmem>> -> memref<8x1792xf32, #tpu.memory_space<vmem>>
    %dma_start3A_712 = arith.constant 112 : i32
    %dma_start3A_713 = tpu.memref_slice %arg5[%dma_start3A_705, %dma_start3A_712] : memref<14x128xi32, #tpu.memory_space<vmem>> -> memref<1x8xi32, #tpu.memory_space<vmem>>
    %dma_start3A_714 = tpu.memref_squeeze %dma_start3A_713 : memref<1x8xi32, #tpu.memory_space<vmem>> -> memref<8xi32, #tpu.memory_space<vmem>>
    %dma_start3A_715 = arith.constant 0 : i32
    %dma_start3A_716 = arith.constant 0 : i32
    %dma_start3A_717 = tpu.memref_slice %arg2[%dma_start3A_715, %dma_start3A_716] : memref<23236x1792xf32, #tpu.memory_space<hbm>> -> memref<23236x1792xf32, #tpu.memory_space<hbm>>
    %dma_start3A_718 = tpu.memref_slice %arg7[%dma_start3A_707] : memref<8x!tpu.dma_semaphore, #tpu.memory_space<semaphore_mem>> -> memref<1x!tpu.dma_semaphore, #tpu.memory_space<semaphore_mem>>
    %dma_start3A_719 = tpu.memref_squeeze %dma_start3A_718 : memref<1x!tpu.dma_semaphore, #tpu.memory_space<semaphore_mem>> -> memref<!tpu.dma_semaphore, #tpu.memory_space<semaphore_mem>>
    tpu.enqueue_indirect_dma source(%dma_start3A_717 : memref<23236x1792xf32, #tpu.memory_space<hbm>>) target(%dma_start3A_711 : memref<8x1792xf32, #tpu.memory_space<vmem>>) offsets(%dma_start3A_714 : memref<8xi32, #tpu.memory_space<vmem>>) semaphore(%dma_start3A_719 : memref<!tpu.dma_semaphore, #tpu.memory_space<semaphore_mem>>)
    %dma_wait3A_720 = arith.constant 0 : i32
    %dma_wait3A_721 = arith.constant 3 : i32
    %dma_wait3A_722 = arith.constant 3 : i32
    %dma_wait3A_723 = arith.constant 0 : i32
    %dma_wait3A_724 = arith.constant 0 : i32
    %dma_wait3A_725 = tpu.memref_slice %arg6[%dma_wait3A_721, %dma_wait3A_723, %dma_wait3A_724] : memref<8x8x1792xf32, #tpu.memory_space<vmem>> -> memref<1x8x1792xf32, #tpu.memory_space<vmem>>
    %dma_wait3A_726 = tpu.memref_squeeze %dma_wait3A_725 : memref<1x8x1792xf32, #tpu.memory_space<vmem>> -> memref<8x1792xf32, #tpu.memory_space<vmem>>
    %dma_wait3A_727 = arith.constant 0 : i32
    %dma_wait3A_728 = tpu.memref_slice %arg5[%dma_wait3A_720, %dma_wait3A_727] : memref<14x128xi32, #tpu.memory_space<vmem>> -> memref<1x8xi32, #tpu.memory_space<vmem>>
    %dma_wait3A_729 = tpu.memref_squeeze %dma_wait3A_728 : memref<1x8xi32, #tpu.memory_space<vmem>> -> memref<8xi32, #tpu.memory_space<vmem>>
    %dma_wait3A_730 = arith.constant 0 : i32
    %dma_wait3A_731 = arith.constant 0 : i32
    %dma_wait3A_732 = tpu.memref_slice %arg2[%dma_wait3A_730, %dma_wait3A_731] : memref<23236x1792xf32, #tpu.memory_space<hbm>> -> memref<23236x1792xf32, #tpu.memory_space<hbm>>
    %dma_wait3A_733 = tpu.memref_slice %arg7[%dma_wait3A_722] : memref<8x!tpu.dma_semaphore, #tpu.memory_space<semaphore_mem>> -> memref<1x!tpu.dma_semaphore, #tpu.memory_space<semaphore_mem>>
    %dma_wait3A_734 = tpu.memref_squeeze %dma_wait3A_733 : memref<1x!tpu.dma_semaphore, #tpu.memory_space<semaphore_mem>> -> memref<!tpu.dma_semaphore, #tpu.memory_space<semaphore_mem>>
    tpu.wait_indirect_dma semaphore(%dma_wait3A_734 : memref<!tpu.dma_semaphore, #tpu.memory_space<semaphore_mem>>) src(%dma_wait3A_732 : memref<23236x1792xf32, #tpu.memory_space<hbm>>) dst(%dma_wait3A_726 : memref<8x1792xf32, #tpu.memory_space<vmem>>)
    %add3A_735 = arith.constant 1752 : i32
    %add3A_736 = arith.addi %mul3A_2, %add3A_735 : i32
    %dma_start3A_737 = arith.constant 3 : i32
    %dma_start3A_738 = arith.constant 3 : i32
    %dma_start3A_739 = arith.constant 0 : i32
    %dma_start3A_740 = arith.constant 0 : i32
    %dma_start3A_741 = tpu.memref_slice %arg6[%dma_start3A_737, %dma_start3A_739, %dma_start3A_740] : memref<8x8x1792xf32, #tpu.memory_space<vmem>> -> memref<1x8x1792xf32, #tpu.memory_space<vmem>>
    %dma_start3A_742 = tpu.memref_squeeze %dma_start3A_741 : memref<1x8x1792xf32, #tpu.memory_space<vmem>> -> memref<8x1792xf32, #tpu.memory_space<vmem>>
    %dma_start3A_743 = arith.constant 0 : i32
    %dma_start3A_744 = tpu.memref_slice %arg4[%add3A_736, %dma_start3A_743] : memref<57344x1792xf32, #tpu.memory_space<hbm>> -> memref<8x1792xf32, #tpu.memory_space<hbm>>
    %dma_start3A_745 = tpu.memref_slice %arg8[%dma_start3A_738] : memref<8x!tpu.dma_semaphore, #tpu.memory_space<semaphore_mem>> -> memref<1x!tpu.dma_semaphore, #tpu.memory_space<semaphore_mem>>
    %dma_start3A_746 = tpu.memref_squeeze %dma_start3A_745 : memref<1x!tpu.dma_semaphore, #tpu.memory_space<semaphore_mem>> -> memref<!tpu.dma_semaphore, #tpu.memory_space<semaphore_mem>>
    %dma_start3A_747 = arith.constant 0 : i32
    %dma_start3A_748 = tpu.memref_slice %arg4[%add3A_736, %dma_start3A_747] : memref<57344x1792xf32, #tpu.memory_space<hbm>> -> memref<8x1792xf32, #tpu.memory_space<hbm>>
    %dma_start3A_749 = arith.constant 0 : i32
    %dma_start3A_750 = arith.constant 0 : i32
    %dma_start3A_751 = tpu.memref_slice %arg6[%dma_start3A_737, %dma_start3A_749, %dma_start3A_750] : memref<8x8x1792xf32, #tpu.memory_space<vmem>> -> memref<1x8x1792xf32, #tpu.memory_space<vmem>>
    %dma_start3A_752 = tpu.memref_squeeze %dma_start3A_751 : memref<1x8x1792xf32, #tpu.memory_space<vmem>> -> memref<8x1792xf32, #tpu.memory_space<vmem>>
    tpu.enqueue_dma source(%dma_start3A_752 : memref<8x1792xf32, #tpu.memory_space<vmem>>) target(%dma_start3A_748 : memref<8x1792xf32, #tpu.memory_space<hbm>>) target_semaphore(%dma_start3A_746 : memref<!tpu.dma_semaphore, #tpu.memory_space<semaphore_mem>>)
    %add3A_753 = arith.constant 1720 : i32
    %add3A_754 = arith.addi %mul3A_2, %add3A_753 : i32
    %dma_wait3A_755 = arith.constant 7 : i32
    %dma_wait3A_756 = arith.constant 7 : i32
    %dma_wait3A_757 = arith.constant 0 : i32
    %dma_wait3A_758 = arith.constant 0 : i32
    %dma_wait3A_759 = tpu.memref_slice %arg6[%dma_wait3A_755, %dma_wait3A_757, %dma_wait3A_758] : memref<8x8x1792xf32, #tpu.memory_space<vmem>> -> memref<1x8x1792xf32, #tpu.memory_space<vmem>>
    %dma_wait3A_760 = tpu.memref_squeeze %dma_wait3A_759 : memref<1x8x1792xf32, #tpu.memory_space<vmem>> -> memref<8x1792xf32, #tpu.memory_space<vmem>>
    %dma_wait3A_761 = arith.constant 0 : i32
    %dma_wait3A_762 = tpu.memref_slice %arg4[%add3A_754, %dma_wait3A_761] : memref<57344x1792xf32, #tpu.memory_space<hbm>> -> memref<8x1792xf32, #tpu.memory_space<hbm>>
    %dma_wait3A_763 = tpu.memref_slice %arg8[%dma_wait3A_756] : memref<8x!tpu.dma_semaphore, #tpu.memory_space<semaphore_mem>> -> memref<1x!tpu.dma_semaphore, #tpu.memory_space<semaphore_mem>>
    %dma_wait3A_764 = tpu.memref_squeeze %dma_wait3A_763 : memref<1x!tpu.dma_semaphore, #tpu.memory_space<semaphore_mem>> -> memref<!tpu.dma_semaphore, #tpu.memory_space<semaphore_mem>>
    %dma_wait3A_765 = arith.constant 0 : i32
    %dma_wait3A_766 = tpu.memref_slice %arg4[%add3A_754, %dma_wait3A_765] : memref<57344x1792xf32, #tpu.memory_space<hbm>> -> memref<8x1792xf32, #tpu.memory_space<hbm>>
    %dma_wait3A_767 = arith.constant 0 : i32
    %dma_wait3A_768 = arith.constant 0 : i32
    %dma_wait3A_769 = tpu.memref_slice %arg6[%dma_wait3A_755, %dma_wait3A_767, %dma_wait3A_768] : memref<8x8x1792xf32, #tpu.memory_space<vmem>> -> memref<1x8x1792xf32, #tpu.memory_space<vmem>>
    %dma_wait3A_770 = tpu.memref_squeeze %dma_wait3A_769 : memref<1x8x1792xf32, #tpu.memory_space<vmem>> -> memref<8x1792xf32, #tpu.memory_space<vmem>>
    tpu.wait_dma2 semaphore(%dma_wait3A_764 : memref<!tpu.dma_semaphore, #tpu.memory_space<semaphore_mem>>) src(%dma_wait3A_770 : memref<8x1792xf32, #tpu.memory_space<vmem>>) dst(%dma_wait3A_766 : memref<8x1792xf32, #tpu.memory_space<hbm>>)
    %dma_start3A_771 = arith.constant 13 : i32
    %dma_start3A_772 = arith.constant 7 : i32
    %dma_start3A_773 = arith.constant 7 : i32
    %dma_start3A_774 = arith.constant 0 : i32
    %dma_start3A_775 = arith.constant 0 : i32
    %dma_start3A_776 = tpu.memref_slice %arg6[%dma_start3A_772, %dma_start3A_774, %dma_start3A_775] : memref<8x8x1792xf32, #tpu.memory_space<vmem>> -> memref<1x8x1792xf32, #tpu.memory_space<vmem>>
    %dma_start3A_777 = tpu.memref_squeeze %dma_start3A_776 : memref<1x8x1792xf32, #tpu.memory_space<vmem>> -> memref<8x1792xf32, #tpu.memory_space<vmem>>
    %dma_start3A_778 = arith.constant 120 : i32
    %dma_start3A_779 = tpu.memref_slice %arg5[%dma_start3A_771, %dma_start3A_778] : memref<14x128xi32, #tpu.memory_space<vmem>> -> memref<1x8xi32, #tpu.memory_space<vmem>>
    %dma_start3A_780 = tpu.memref_squeeze %dma_start3A_779 : memref<1x8xi32, #tpu.memory_space<vmem>> -> memref<8xi32, #tpu.memory_space<vmem>>
    %dma_start3A_781 = arith.constant 0 : i32
    %dma_start3A_782 = arith.constant 0 : i32
    %dma_start3A_783 = tpu.memref_slice %arg2[%dma_start3A_781, %dma_start3A_782] : memref<23236x1792xf32, #tpu.memory_space<hbm>> -> memref<23236x1792xf32, #tpu.memory_space<hbm>>
    %dma_start3A_784 = tpu.memref_slice %arg7[%dma_start3A_773] : memref<8x!tpu.dma_semaphore, #tpu.memory_space<semaphore_mem>> -> memref<1x!tpu.dma_semaphore, #tpu.memory_space<semaphore_mem>>
    %dma_start3A_785 = tpu.memref_squeeze %dma_start3A_784 : memref<1x!tpu.dma_semaphore, #tpu.memory_space<semaphore_mem>> -> memref<!tpu.dma_semaphore, #tpu.memory_space<semaphore_mem>>
    tpu.enqueue_indirect_dma source(%dma_start3A_783 : memref<23236x1792xf32, #tpu.memory_space<hbm>>) target(%dma_start3A_777 : memref<8x1792xf32, #tpu.memory_space<vmem>>) offsets(%dma_start3A_780 : memref<8xi32, #tpu.memory_space<vmem>>) semaphore(%dma_start3A_785 : memref<!tpu.dma_semaphore, #tpu.memory_space<semaphore_mem>>)
    %dma_wait3A_786 = arith.constant 0 : i32
    %dma_wait3A_787 = arith.constant 4 : i32
    %dma_wait3A_788 = arith.constant 4 : i32
    %dma_wait3A_789 = arith.constant 0 : i32
    %dma_wait3A_790 = arith.constant 0 : i32
    %dma_wait3A_791 = tpu.memref_slice %arg6[%dma_wait3A_787, %dma_wait3A_789, %dma_wait3A_790] : memref<8x8x1792xf32, #tpu.memory_space<vmem>> -> memref<1x8x1792xf32, #tpu.memory_space<vmem>>
    %dma_wait3A_792 = tpu.memref_squeeze %dma_wait3A_791 : memref<1x8x1792xf32, #tpu.memory_space<vmem>> -> memref<8x1792xf32, #tpu.memory_space<vmem>>
    %dma_wait3A_793 = arith.constant 0 : i32
    %dma_wait3A_794 = tpu.memref_slice %arg5[%dma_wait3A_786, %dma_wait3A_793] : memref<14x128xi32, #tpu.memory_space<vmem>> -> memref<1x8xi32, #tpu.memory_space<vmem>>
    %dma_wait3A_795 = tpu.memref_squeeze %dma_wait3A_794 : memref<1x8xi32, #tpu.memory_space<vmem>> -> memref<8xi32, #tpu.memory_space<vmem>>
    %dma_wait3A_796 = arith.constant 0 : i32
    %dma_wait3A_797 = arith.constant 0 : i32
    %dma_wait3A_798 = tpu.memref_slice %arg2[%dma_wait3A_796, %dma_wait3A_797] : memref<23236x1792xf32, #tpu.memory_space<hbm>> -> memref<23236x1792xf32, #tpu.memory_space<hbm>>
    %dma_wait3A_799 = tpu.memref_slice %arg7[%dma_wait3A_788] : memref<8x!tpu.dma_semaphore, #tpu.memory_space<semaphore_mem>> -> memref<1x!tpu.dma_semaphore, #tpu.memory_space<semaphore_mem>>
    %dma_wait3A_800 = tpu.memref_squeeze %dma_wait3A_799 : memref<1x!tpu.dma_semaphore, #tpu.memory_space<semaphore_mem>> -> memref<!tpu.dma_semaphore, #tpu.memory_space<semaphore_mem>>
    tpu.wait_indirect_dma semaphore(%dma_wait3A_800 : memref<!tpu.dma_semaphore, #tpu.memory_space<semaphore_mem>>) src(%dma_wait3A_798 : memref<23236x1792xf32, #tpu.memory_space<hbm>>) dst(%dma_wait3A_792 : memref<8x1792xf32, #tpu.memory_space<vmem>>)
    %add3A_801 = arith.constant 1760 : i32
    %add3A_802 = arith.addi %mul3A_2, %add3A_801 : i32
    %dma_start3A_803 = arith.constant 4 : i32
    %dma_start3A_804 = arith.constant 4 : i32
    %dma_start3A_805 = arith.constant 0 : i32
    %dma_start3A_806 = arith.constant 0 : i32
    %dma_start3A_807 = tpu.memref_slice %arg6[%dma_start3A_803, %dma_start3A_805, %dma_start3A_806] : memref<8x8x1792xf32, #tpu.memory_space<vmem>> -> memref<1x8x1792xf32, #tpu.memory_space<vmem>>
    %dma_start3A_808 = tpu.memref_squeeze %dma_start3A_807 : memref<1x8x1792xf32, #tpu.memory_space<vmem>> -> memref<8x1792xf32, #tpu.memory_space<vmem>>
    %dma_start3A_809 = arith.constant 0 : i32
    %dma_start3A_810 = tpu.memref_slice %arg4[%add3A_802, %dma_start3A_809] : memref<57344x1792xf32, #tpu.memory_space<hbm>> -> memref<8x1792xf32, #tpu.memory_space<hbm>>
    %dma_start3A_811 = tpu.memref_slice %arg8[%dma_start3A_804] : memref<8x!tpu.dma_semaphore, #tpu.memory_space<semaphore_mem>> -> memref<1x!tpu.dma_semaphore, #tpu.memory_space<semaphore_mem>>
    %dma_start3A_812 = tpu.memref_squeeze %dma_start3A_811 : memref<1x!tpu.dma_semaphore, #tpu.memory_space<semaphore_mem>> -> memref<!tpu.dma_semaphore, #tpu.memory_space<semaphore_mem>>
    %dma_start3A_813 = arith.constant 0 : i32
    %dma_start3A_814 = tpu.memref_slice %arg4[%add3A_802, %dma_start3A_813] : memref<57344x1792xf32, #tpu.memory_space<hbm>> -> memref<8x1792xf32, #tpu.memory_space<hbm>>
    %dma_start3A_815 = arith.constant 0 : i32
    %dma_start3A_816 = arith.constant 0 : i32
    %dma_start3A_817 = tpu.memref_slice %arg6[%dma_start3A_803, %dma_start3A_815, %dma_start3A_816] : memref<8x8x1792xf32, #tpu.memory_space<vmem>> -> memref<1x8x1792xf32, #tpu.memory_space<vmem>>
    %dma_start3A_818 = tpu.memref_squeeze %dma_start3A_817 : memref<1x8x1792xf32, #tpu.memory_space<vmem>> -> memref<8x1792xf32, #tpu.memory_space<vmem>>
    tpu.enqueue_dma source(%dma_start3A_818 : memref<8x1792xf32, #tpu.memory_space<vmem>>) target(%dma_start3A_814 : memref<8x1792xf32, #tpu.memory_space<hbm>>) target_semaphore(%dma_start3A_812 : memref<!tpu.dma_semaphore, #tpu.memory_space<semaphore_mem>>)
    %add3A_819 = arith.constant 1728 : i32
    %add3A_820 = arith.addi %mul3A_2, %add3A_819 : i32
    %dma_wait3A_821 = arith.constant 0 : i32
    %dma_wait3A_822 = arith.constant 0 : i32
    %dma_wait3A_823 = arith.constant 0 : i32
    %dma_wait3A_824 = arith.constant 0 : i32
    %dma_wait3A_825 = tpu.memref_slice %arg6[%dma_wait3A_821, %dma_wait3A_823, %dma_wait3A_824] : memref<8x8x1792xf32, #tpu.memory_space<vmem>> -> memref<1x8x1792xf32, #tpu.memory_space<vmem>>
    %dma_wait3A_826 = tpu.memref_squeeze %dma_wait3A_825 : memref<1x8x1792xf32, #tpu.memory_space<vmem>> -> memref<8x1792xf32, #tpu.memory_space<vmem>>
    %dma_wait3A_827 = arith.constant 0 : i32
    %dma_wait3A_828 = tpu.memref_slice %arg4[%add3A_820, %dma_wait3A_827] : memref<57344x1792xf32, #tpu.memory_space<hbm>> -> memref<8x1792xf32, #tpu.memory_space<hbm>>
    %dma_wait3A_829 = tpu.memref_slice %arg8[%dma_wait3A_822] : memref<8x!tpu.dma_semaphore, #tpu.memory_space<semaphore_mem>> -> memref<1x!tpu.dma_semaphore, #tpu.memory_space<semaphore_mem>>
    %dma_wait3A_830 = tpu.memref_squeeze %dma_wait3A_829 : memref<1x!tpu.dma_semaphore, #tpu.memory_space<semaphore_mem>> -> memref<!tpu.dma_semaphore, #tpu.memory_space<semaphore_mem>>
    %dma_wait3A_831 = arith.constant 0 : i32
    %dma_wait3A_832 = tpu.memref_slice %arg4[%add3A_820, %dma_wait3A_831] : memref<57344x1792xf32, #tpu.memory_space<hbm>> -> memref<8x1792xf32, #tpu.memory_space<hbm>>
    %dma_wait3A_833 = arith.constant 0 : i32
    %dma_wait3A_834 = arith.constant 0 : i32
    %dma_wait3A_835 = tpu.memref_slice %arg6[%dma_wait3A_821, %dma_wait3A_833, %dma_wait3A_834] : memref<8x8x1792xf32, #tpu.memory_space<vmem>> -> memref<1x8x1792xf32, #tpu.memory_space<vmem>>
    %dma_wait3A_836 = tpu.memref_squeeze %dma_wait3A_835 : memref<1x8x1792xf32, #tpu.memory_space<vmem>> -> memref<8x1792xf32, #tpu.memory_space<vmem>>
    tpu.wait_dma2 semaphore(%dma_wait3A_830 : memref<!tpu.dma_semaphore, #tpu.memory_space<semaphore_mem>>) src(%dma_wait3A_836 : memref<8x1792xf32, #tpu.memory_space<vmem>>) dst(%dma_wait3A_832 : memref<8x1792xf32, #tpu.memory_space<hbm>>)
    %dma_wait3A_837 = arith.constant 0 : i32
    %dma_wait3A_838 = arith.constant 5 : i32
    %dma_wait3A_839 = arith.constant 5 : i32
    %dma_wait3A_840 = arith.constant 0 : i32
    %dma_wait3A_841 = arith.constant 0 : i32
    %dma_wait3A_842 = tpu.memref_slice %arg6[%dma_wait3A_838, %dma_wait3A_840, %dma_wait3A_841] : memref<8x8x1792xf32, #tpu.memory_space<vmem>> -> memref<1x8x1792xf32, #tpu.memory_space<vmem>>
    %dma_wait3A_843 = tpu.memref_squeeze %dma_wait3A_842 : memref<1x8x1792xf32, #tpu.memory_space<vmem>> -> memref<8x1792xf32, #tpu.memory_space<vmem>>
    %dma_wait3A_844 = arith.constant 0 : i32
    %dma_wait3A_845 = tpu.memref_slice %arg5[%dma_wait3A_837, %dma_wait3A_844] : memref<14x128xi32, #tpu.memory_space<vmem>> -> memref<1x8xi32, #tpu.memory_space<vmem>>
    %dma_wait3A_846 = tpu.memref_squeeze %dma_wait3A_845 : memref<1x8xi32, #tpu.memory_space<vmem>> -> memref<8xi32, #tpu.memory_space<vmem>>
    %dma_wait3A_847 = arith.constant 0 : i32
    %dma_wait3A_848 = arith.constant 0 : i32
    %dma_wait3A_849 = tpu.memref_slice %arg2[%dma_wait3A_847, %dma_wait3A_848] : memref<23236x1792xf32, #tpu.memory_space<hbm>> -> memref<23236x1792xf32, #tpu.memory_space<hbm>>
    %dma_wait3A_850 = tpu.memref_slice %arg7[%dma_wait3A_839] : memref<8x!tpu.dma_semaphore, #tpu.memory_space<semaphore_mem>> -> memref<1x!tpu.dma_semaphore, #tpu.memory_space<semaphore_mem>>
    %dma_wait3A_851 = tpu.memref_squeeze %dma_wait3A_850 : memref<1x!tpu.dma_semaphore, #tpu.memory_space<semaphore_mem>> -> memref<!tpu.dma_semaphore, #tpu.memory_space<semaphore_mem>>
    tpu.wait_indirect_dma semaphore(%dma_wait3A_851 : memref<!tpu.dma_semaphore, #tpu.memory_space<semaphore_mem>>) src(%dma_wait3A_849 : memref<23236x1792xf32, #tpu.memory_space<hbm>>) dst(%dma_wait3A_843 : memref<8x1792xf32, #tpu.memory_space<vmem>>)
    %add3A_852 = arith.constant 1768 : i32
    %add3A_853 = arith.addi %mul3A_2, %add3A_852 : i32
    %dma_start3A_854 = arith.constant 5 : i32
    %dma_start3A_855 = arith.constant 5 : i32
    %dma_start3A_856 = arith.constant 0 : i32
    %dma_start3A_857 = arith.constant 0 : i32
    %dma_start3A_858 = tpu.memref_slice %arg6[%dma_start3A_854, %dma_start3A_856, %dma_start3A_857] : memref<8x8x1792xf32, #tpu.memory_space<vmem>> -> memref<1x8x1792xf32, #tpu.memory_space<vmem>>
    %dma_start3A_859 = tpu.memref_squeeze %dma_start3A_858 : memref<1x8x1792xf32, #tpu.memory_space<vmem>> -> memref<8x1792xf32, #tpu.memory_space<vmem>>
    %dma_start3A_860 = arith.constant 0 : i32
    %dma_start3A_861 = tpu.memref_slice %arg4[%add3A_853, %dma_start3A_860] : memref<57344x1792xf32, #tpu.memory_space<hbm>> -> memref<8x1792xf32, #tpu.memory_space<hbm>>
    %dma_start3A_862 = tpu.memref_slice %arg8[%dma_start3A_855] : memref<8x!tpu.dma_semaphore, #tpu.memory_space<semaphore_mem>> -> memref<1x!tpu.dma_semaphore, #tpu.memory_space<semaphore_mem>>
    %dma_start3A_863 = tpu.memref_squeeze %dma_start3A_862 : memref<1x!tpu.dma_semaphore, #tpu.memory_space<semaphore_mem>> -> memref<!tpu.dma_semaphore, #tpu.memory_space<semaphore_mem>>
    %dma_start3A_864 = arith.constant 0 : i32
    %dma_start3A_865 = tpu.memref_slice %arg4[%add3A_853, %dma_start3A_864] : memref<57344x1792xf32, #tpu.memory_space<hbm>> -> memref<8x1792xf32, #tpu.memory_space<hbm>>
    %dma_start3A_866 = arith.constant 0 : i32
    %dma_start3A_867 = arith.constant 0 : i32
    %dma_start3A_868 = tpu.memref_slice %arg6[%dma_start3A_854, %dma_start3A_866, %dma_start3A_867] : memref<8x8x1792xf32, #tpu.memory_space<vmem>> -> memref<1x8x1792xf32, #tpu.memory_space<vmem>>
    %dma_start3A_869 = tpu.memref_squeeze %dma_start3A_868 : memref<1x8x1792xf32, #tpu.memory_space<vmem>> -> memref<8x1792xf32, #tpu.memory_space<vmem>>
    tpu.enqueue_dma source(%dma_start3A_869 : memref<8x1792xf32, #tpu.memory_space<vmem>>) target(%dma_start3A_865 : memref<8x1792xf32, #tpu.memory_space<hbm>>) target_semaphore(%dma_start3A_863 : memref<!tpu.dma_semaphore, #tpu.memory_space<semaphore_mem>>)
    %add3A_870 = arith.constant 1736 : i32
    %add3A_871 = arith.addi %mul3A_2, %add3A_870 : i32
    %dma_wait3A_872 = arith.constant 1 : i32
    %dma_wait3A_873 = arith.constant 1 : i32
    %dma_wait3A_874 = arith.constant 0 : i32
    %dma_wait3A_875 = arith.constant 0 : i32
    %dma_wait3A_876 = tpu.memref_slice %arg6[%dma_wait3A_872, %dma_wait3A_874, %dma_wait3A_875] : memref<8x8x1792xf32, #tpu.memory_space<vmem>> -> memref<1x8x1792xf32, #tpu.memory_space<vmem>>
    %dma_wait3A_877 = tpu.memref_squeeze %dma_wait3A_876 : memref<1x8x1792xf32, #tpu.memory_space<vmem>> -> memref<8x1792xf32, #tpu.memory_space<vmem>>
    %dma_wait3A_878 = arith.constant 0 : i32
    %dma_wait3A_879 = tpu.memref_slice %arg4[%add3A_871, %dma_wait3A_878] : memref<57344x1792xf32, #tpu.memory_space<hbm>> -> memref<8x1792xf32, #tpu.memory_space<hbm>>
    %dma_wait3A_880 = tpu.memref_slice %arg8[%dma_wait3A_873] : memref<8x!tpu.dma_semaphore, #tpu.memory_space<semaphore_mem>> -> memref<1x!tpu.dma_semaphore, #tpu.memory_space<semaphore_mem>>
    %dma_wait3A_881 = tpu.memref_squeeze %dma_wait3A_880 : memref<1x!tpu.dma_semaphore, #tpu.memory_space<semaphore_mem>> -> memref<!tpu.dma_semaphore, #tpu.memory_space<semaphore_mem>>
    %dma_wait3A_882 = arith.constant 0 : i32
    %dma_wait3A_883 = tpu.memref_slice %arg4[%add3A_871, %dma_wait3A_882] : memref<57344x1792xf32, #tpu.memory_space<hbm>> -> memref<8x1792xf32, #tpu.memory_space<hbm>>
    %dma_wait3A_884 = arith.constant 0 : i32
    %dma_wait3A_885 = arith.constant 0 : i32
    %dma_wait3A_886 = tpu.memref_slice %arg6[%dma_wait3A_872, %dma_wait3A_884, %dma_wait3A_885] : memref<8x8x1792xf32, #tpu.memory_space<vmem>> -> memref<1x8x1792xf32, #tpu.memory_space<vmem>>
    %dma_wait3A_887 = tpu.memref_squeeze %dma_wait3A_886 : memref<1x8x1792xf32, #tpu.memory_space<vmem>> -> memref<8x1792xf32, #tpu.memory_space<vmem>>
    tpu.wait_dma2 semaphore(%dma_wait3A_881 : memref<!tpu.dma_semaphore, #tpu.memory_space<semaphore_mem>>) src(%dma_wait3A_887 : memref<8x1792xf32, #tpu.memory_space<vmem>>) dst(%dma_wait3A_883 : memref<8x1792xf32, #tpu.memory_space<hbm>>)
    %dma_wait3A_888 = arith.constant 0 : i32
    %dma_wait3A_889 = arith.constant 6 : i32
    %dma_wait3A_890 = arith.constant 6 : i32
    %dma_wait3A_891 = arith.constant 0 : i32
    %dma_wait3A_892 = arith.constant 0 : i32
    %dma_wait3A_893 = tpu.memref_slice %arg6[%dma_wait3A_889, %dma_wait3A_891, %dma_wait3A_892] : memref<8x8x1792xf32, #tpu.memory_space<vmem>> -> memref<1x8x1792xf32, #tpu.memory_space<vmem>>
    %dma_wait3A_894 = tpu.memref_squeeze %dma_wait3A_893 : memref<1x8x1792xf32, #tpu.memory_space<vmem>> -> memref<8x1792xf32, #tpu.memory_space<vmem>>
    %dma_wait3A_895 = arith.constant 0 : i32
    %dma_wait3A_896 = tpu.memref_slice %arg5[%dma_wait3A_888, %dma_wait3A_895] : memref<14x128xi32, #tpu.memory_space<vmem>> -> memref<1x8xi32, #tpu.memory_space<vmem>>
    %dma_wait3A_897 = tpu.memref_squeeze %dma_wait3A_896 : memref<1x8xi32, #tpu.memory_space<vmem>> -> memref<8xi32, #tpu.memory_space<vmem>>
    %dma_wait3A_898 = arith.constant 0 : i32
    %dma_wait3A_899 = arith.constant 0 : i32
    %dma_wait3A_900 = tpu.memref_slice %arg2[%dma_wait3A_898, %dma_wait3A_899] : memref<23236x1792xf32, #tpu.memory_space<hbm>> -> memref<23236x1792xf32, #tpu.memory_space<hbm>>
    %dma_wait3A_901 = tpu.memref_slice %arg7[%dma_wait3A_890] : memref<8x!tpu.dma_semaphore, #tpu.memory_space<semaphore_mem>> -> memref<1x!tpu.dma_semaphore, #tpu.memory_space<semaphore_mem>>
    %dma_wait3A_902 = tpu.memref_squeeze %dma_wait3A_901 : memref<1x!tpu.dma_semaphore, #tpu.memory_space<semaphore_mem>> -> memref<!tpu.dma_semaphore, #tpu.memory_space<semaphore_mem>>
    tpu.wait_indirect_dma semaphore(%dma_wait3A_902 : memref<!tpu.dma_semaphore, #tpu.memory_space<semaphore_mem>>) src(%dma_wait3A_900 : memref<23236x1792xf32, #tpu.memory_space<hbm>>) dst(%dma_wait3A_894 : memref<8x1792xf32, #tpu.memory_space<vmem>>)
    %add3A_903 = arith.constant 1776 : i32
    %add3A_904 = arith.addi %mul3A_2, %add3A_903 : i32
    %dma_start3A_905 = arith.constant 6 : i32
    %dma_start3A_906 = arith.constant 6 : i32
    %dma_start3A_907 = arith.constant 0 : i32
    %dma_start3A_908 = arith.constant 0 : i32
    %dma_start3A_909 = tpu.memref_slice %arg6[%dma_start3A_905, %dma_start3A_907, %dma_start3A_908] : memref<8x8x1792xf32, #tpu.memory_space<vmem>> -> memref<1x8x1792xf32, #tpu.memory_space<vmem>>
    %dma_start3A_910 = tpu.memref_squeeze %dma_start3A_909 : memref<1x8x1792xf32, #tpu.memory_space<vmem>> -> memref<8x1792xf32, #tpu.memory_space<vmem>>
    %dma_start3A_911 = arith.constant 0 : i32
    %dma_start3A_912 = tpu.memref_slice %arg4[%add3A_904, %dma_start3A_911] : memref<57344x1792xf32, #tpu.memory_space<hbm>> -> memref<8x1792xf32, #tpu.memory_space<hbm>>
    %dma_start3A_913 = tpu.memref_slice %arg8[%dma_start3A_906] : memref<8x!tpu.dma_semaphore, #tpu.memory_space<semaphore_mem>> -> memref<1x!tpu.dma_semaphore, #tpu.memory_space<semaphore_mem>>
    %dma_start3A_914 = tpu.memref_squeeze %dma_start3A_913 : memref<1x!tpu.dma_semaphore, #tpu.memory_space<semaphore_mem>> -> memref<!tpu.dma_semaphore, #tpu.memory_space<semaphore_mem>>
    %dma_start3A_915 = arith.constant 0 : i32
    %dma_start3A_916 = tpu.memref_slice %arg4[%add3A_904, %dma_start3A_915] : memref<57344x1792xf32, #tpu.memory_space<hbm>> -> memref<8x1792xf32, #tpu.memory_space<hbm>>
    %dma_start3A_917 = arith.constant 0 : i32
    %dma_start3A_918 = arith.constant 0 : i32
    %dma_start3A_919 = tpu.memref_slice %arg6[%dma_start3A_905, %dma_start3A_917, %dma_start3A_918] : memref<8x8x1792xf32, #tpu.memory_space<vmem>> -> memref<1x8x1792xf32, #tpu.memory_space<vmem>>
    %dma_start3A_920 = tpu.memref_squeeze %dma_start3A_919 : memref<1x8x1792xf32, #tpu.memory_space<vmem>> -> memref<8x1792xf32, #tpu.memory_space<vmem>>
    tpu.enqueue_dma source(%dma_start3A_920 : memref<8x1792xf32, #tpu.memory_space<vmem>>) target(%dma_start3A_916 : memref<8x1792xf32, #tpu.memory_space<hbm>>) target_semaphore(%dma_start3A_914 : memref<!tpu.dma_semaphore, #tpu.memory_space<semaphore_mem>>)
    %add3A_921 = arith.constant 1744 : i32
    %add3A_922 = arith.addi %mul3A_2, %add3A_921 : i32
    %dma_wait3A_923 = arith.constant 2 : i32
    %dma_wait3A_924 = arith.constant 2 : i32
    %dma_wait3A_925 = arith.constant 0 : i32
    %dma_wait3A_926 = arith.constant 0 : i32
    %dma_wait3A_927 = tpu.memref_slice %arg6[%dma_wait3A_923, %dma_wait3A_925, %dma_wait3A_926] : memref<8x8x1792xf32, #tpu.memory_space<vmem>> -> memref<1x8x1792xf32, #tpu.memory_space<vmem>>
    %dma_wait3A_928 = tpu.memref_squeeze %dma_wait3A_927 : memref<1x8x1792xf32, #tpu.memory_space<vmem>> -> memref<8x1792xf32, #tpu.memory_space<vmem>>
    %dma_wait3A_929 = arith.constant 0 : i32
    %dma_wait3A_930 = tpu.memref_slice %arg4[%add3A_922, %dma_wait3A_929] : memref<57344x1792xf32, #tpu.memory_space<hbm>> -> memref<8x1792xf32, #tpu.memory_space<hbm>>
    %dma_wait3A_931 = tpu.memref_slice %arg8[%dma_wait3A_924] : memref<8x!tpu.dma_semaphore, #tpu.memory_space<semaphore_mem>> -> memref<1x!tpu.dma_semaphore, #tpu.memory_space<semaphore_mem>>
    %dma_wait3A_932 = tpu.memref_squeeze %dma_wait3A_931 : memref<1x!tpu.dma_semaphore, #tpu.memory_space<semaphore_mem>> -> memref<!tpu.dma_semaphore, #tpu.memory_space<semaphore_mem>>
    %dma_wait3A_933 = arith.constant 0 : i32
    %dma_wait3A_934 = tpu.memref_slice %arg4[%add3A_922, %dma_wait3A_933] : memref<57344x1792xf32, #tpu.memory_space<hbm>> -> memref<8x1792xf32, #tpu.memory_space<hbm>>
    %dma_wait3A_935 = arith.constant 0 : i32
    %dma_wait3A_936 = arith.constant 0 : i32
    %dma_wait3A_937 = tpu.memref_slice %arg6[%dma_wait3A_923, %dma_wait3A_935, %dma_wait3A_936] : memref<8x8x1792xf32, #tpu.memory_space<vmem>> -> memref<1x8x1792xf32, #tpu.memory_space<vmem>>
    %dma_wait3A_938 = tpu.memref_squeeze %dma_wait3A_937 : memref<1x8x1792xf32, #tpu.memory_space<vmem>> -> memref<8x1792xf32, #tpu.memory_space<vmem>>
    tpu.wait_dma2 semaphore(%dma_wait3A_932 : memref<!tpu.dma_semaphore, #tpu.memory_space<semaphore_mem>>) src(%dma_wait3A_938 : memref<8x1792xf32, #tpu.memory_space<vmem>>) dst(%dma_wait3A_934 : memref<8x1792xf32, #tpu.memory_space<hbm>>)
    %dma_wait3A_939 = arith.constant 0 : i32
    %dma_wait3A_940 = arith.constant 7 : i32
    %dma_wait3A_941 = arith.constant 7 : i32
    %dma_wait3A_942 = arith.constant 0 : i32
    %dma_wait3A_943 = arith.constant 0 : i32
    %dma_wait3A_944 = tpu.memref_slice %arg6[%dma_wait3A_940, %dma_wait3A_942, %dma_wait3A_943] : memref<8x8x1792xf32, #tpu.memory_space<vmem>> -> memref<1x8x1792xf32, #tpu.memory_space<vmem>>
    %dma_wait3A_945 = tpu.memref_squeeze %dma_wait3A_944 : memref<1x8x1792xf32, #tpu.memory_space<vmem>> -> memref<8x1792xf32, #tpu.memory_space<vmem>>
    %dma_wait3A_946 = arith.constant 0 : i32
    %dma_wait3A_947 = tpu.memref_slice %arg5[%dma_wait3A_939, %dma_wait3A_946] : memref<14x128xi32, #tpu.memory_space<vmem>> -> memref<1x8xi32, #tpu.memory_space<vmem>>
    %dma_wait3A_948 = tpu.memref_squeeze %dma_wait3A_947 : memref<1x8xi32, #tpu.memory_space<vmem>> -> memref<8xi32, #tpu.memory_space<vmem>>
    %dma_wait3A_949 = arith.constant 0 : i32
    %dma_wait3A_950 = arith.constant 0 : i32
    %dma_wait3A_951 = tpu.memref_slice %arg2[%dma_wait3A_949, %dma_wait3A_950] : memref<23236x1792xf32, #tpu.memory_space<hbm>> -> memref<23236x1792xf32, #tpu.memory_space<hbm>>
    %dma_wait3A_952 = tpu.memref_slice %arg7[%dma_wait3A_941] : memref<8x!tpu.dma_semaphore, #tpu.memory_space<semaphore_mem>> -> memref<1x!tpu.dma_semaphore, #tpu.memory_space<semaphore_mem>>
    %dma_wait3A_953 = tpu.memref_squeeze %dma_wait3A_952 : memref<1x!tpu.dma_semaphore, #tpu.memory_space<semaphore_mem>> -> memref<!tpu.dma_semaphore, #tpu.memory_space<semaphore_mem>>
    tpu.wait_indirect_dma semaphore(%dma_wait3A_953 : memref<!tpu.dma_semaphore, #tpu.memory_space<semaphore_mem>>) src(%dma_wait3A_951 : memref<23236x1792xf32, #tpu.memory_space<hbm>>) dst(%dma_wait3A_945 : memref<8x1792xf32, #tpu.memory_space<vmem>>)
    %add3A_954 = arith.constant 1784 : i32
    %add3A_955 = arith.addi %mul3A_2, %add3A_954 : i32
    %dma_start3A_956 = arith.constant 7 : i32
    %dma_start3A_957 = arith.constant 7 : i32
    %dma_start3A_958 = arith.constant 0 : i32
    %dma_start3A_959 = arith.constant 0 : i32
    %dma_start3A_960 = tpu.memref_slice %arg6[%dma_start3A_956, %dma_start3A_958, %dma_start3A_959] : memref<8x8x1792xf32, #tpu.memory_space<vmem>> -> memref<1x8x1792xf32, #tpu.memory_space<vmem>>
    %dma_start3A_961 = tpu.memref_squeeze %dma_start3A_960 : memref<1x8x1792xf32, #tpu.memory_space<vmem>> -> memref<8x1792xf32, #tpu.memory_space<vmem>>
    %dma_start3A_962 = arith.constant 0 : i32
    %dma_start3A_963 = tpu.memref_slice %arg4[%add3A_955, %dma_start3A_962] : memref<57344x1792xf32, #tpu.memory_space<hbm>> -> memref<8x1792xf32, #tpu.memory_space<hbm>>
    %dma_start3A_964 = tpu.memref_slice %arg8[%dma_start3A_957] : memref<8x!tpu.dma_semaphore, #tpu.memory_space<semaphore_mem>> -> memref<1x!tpu.dma_semaphore, #tpu.memory_space<semaphore_mem>>
    %dma_start3A_965 = tpu.memref_squeeze %dma_start3A_964 : memref<1x!tpu.dma_semaphore, #tpu.memory_space<semaphore_mem>> -> memref<!tpu.dma_semaphore, #tpu.memory_space<semaphore_mem>>
    %dma_start3A_966 = arith.constant 0 : i32
    %dma_start3A_967 = tpu.memref_slice %arg4[%add3A_955, %dma_start3A_966] : memref<57344x1792xf32, #tpu.memory_space<hbm>> -> memref<8x1792xf32, #tpu.memory_space<hbm>>
    %dma_start3A_968 = arith.constant 0 : i32
    %dma_start3A_969 = arith.constant 0 : i32
    %dma_start3A_970 = tpu.memref_slice %arg6[%dma_start3A_956, %dma_start3A_968, %dma_start3A_969] : memref<8x8x1792xf32, #tpu.memory_space<vmem>> -> memref<1x8x1792xf32, #tpu.memory_space<vmem>>
    %dma_start3A_971 = tpu.memref_squeeze %dma_start3A_970 : memref<1x8x1792xf32, #tpu.memory_space<vmem>> -> memref<8x1792xf32, #tpu.memory_space<vmem>>
    tpu.enqueue_dma source(%dma_start3A_971 : memref<8x1792xf32, #tpu.memory_space<vmem>>) target(%dma_start3A_967 : memref<8x1792xf32, #tpu.memory_space<hbm>>) target_semaphore(%dma_start3A_965 : memref<!tpu.dma_semaphore, #tpu.memory_space<semaphore_mem>>)
    %add3A_972 = arith.constant 1752 : i32
    %add3A_973 = arith.addi %mul3A_2, %add3A_972 : i32
    %dma_wait3A_974 = arith.constant 3 : i32
    %dma_wait3A_975 = arith.constant 3 : i32
    %dma_wait3A_976 = arith.constant 0 : i32
    %dma_wait3A_977 = arith.constant 0 : i32
    %dma_wait3A_978 = tpu.memref_slice %arg6[%dma_wait3A_974, %dma_wait3A_976, %dma_wait3A_977] : memref<8x8x1792xf32, #tpu.memory_space<vmem>> -> memref<1x8x1792xf32, #tpu.memory_space<vmem>>
    %dma_wait3A_979 = tpu.memref_squeeze %dma_wait3A_978 : memref<1x8x1792xf32, #tpu.memory_space<vmem>> -> memref<8x1792xf32, #tpu.memory_space<vmem>>
    %dma_wait3A_980 = arith.constant 0 : i32
    %dma_wait3A_981 = tpu.memref_slice %arg4[%add3A_973, %dma_wait3A_980] : memref<57344x1792xf32, #tpu.memory_space<hbm>> -> memref<8x1792xf32, #tpu.memory_space<hbm>>
    %dma_wait3A_982 = tpu.memref_slice %arg8[%dma_wait3A_975] : memref<8x!tpu.dma_semaphore, #tpu.memory_space<semaphore_mem>> -> memref<1x!tpu.dma_semaphore, #tpu.memory_space<semaphore_mem>>
    %dma_wait3A_983 = tpu.memref_squeeze %dma_wait3A_982 : memref<1x!tpu.dma_semaphore, #tpu.memory_space<semaphore_mem>> -> memref<!tpu.dma_semaphore, #tpu.memory_space<semaphore_mem>>
    %dma_wait3A_984 = arith.constant 0 : i32
    %dma_wait3A_985 = tpu.memref_slice %arg4[%add3A_973, %dma_wait3A_984] : memref<57344x1792xf32, #tpu.memory_space<hbm>> -> memref<8x1792xf32, #tpu.memory_space<hbm>>
    %dma_wait3A_986 = arith.constant 0 : i32
    %dma_wait3A_987 = arith.constant 0 : i32
    %dma_wait3A_988 = tpu.memref_slice %arg6[%dma_wait3A_974, %dma_wait3A_986, %dma_wait3A_987] : memref<8x8x1792xf32, #tpu.memory_space<vmem>> -> memref<1x8x1792xf32, #tpu.memory_space<vmem>>
    %dma_wait3A_989 = tpu.memref_squeeze %dma_wait3A_988 : memref<1x8x1792xf32, #tpu.memory_space<vmem>> -> memref<8x1792xf32, #tpu.memory_space<vmem>>
    tpu.wait_dma2 semaphore(%dma_wait3A_983 : memref<!tpu.dma_semaphore, #tpu.memory_space<semaphore_mem>>) src(%dma_wait3A_989 : memref<8x1792xf32, #tpu.memory_space<vmem>>) dst(%dma_wait3A_985 : memref<8x1792xf32, #tpu.memory_space<hbm>>)
    %add3A_990 = arith.constant 1760 : i32
    %add3A_991 = arith.addi %mul3A_2, %add3A_990 : i32
    %dma_wait3A_992 = arith.constant 4 : i32
    %dma_wait3A_993 = arith.constant 4 : i32
    %dma_wait3A_994 = arith.constant 0 : i32
    %dma_wait3A_995 = arith.constant 0 : i32
    %dma_wait3A_996 = tpu.memref_slice %arg6[%dma_wait3A_992, %dma_wait3A_994, %dma_wait3A_995] : memref<8x8x1792xf32, #tpu.memory_space<vmem>> -> memref<1x8x1792xf32, #tpu.memory_space<vmem>>
    %dma_wait3A_997 = tpu.memref_squeeze %dma_wait3A_996 : memref<1x8x1792xf32, #tpu.memory_space<vmem>> -> memref<8x1792xf32, #tpu.memory_space<vmem>>
    %dma_wait3A_998 = arith.constant 0 : i32
    %dma_wait3A_999 = tpu.memref_slice %arg4[%add3A_991, %dma_wait3A_998] : memref<57344x1792xf32, #tpu.memory_space<hbm>> -> memref<8x1792xf32, #tpu.memory_space<hbm>>
    %dma_wait3A_1000 = tpu.memref_slice %arg8[%dma_wait3A_993] : memref<8x!tpu.dma_semaphore, #tpu.memory_space<semaphore_mem>> -> memref<1x!tpu.dma_semaphore, #tpu.memory_space<semaphore_mem>>
    %dma_wait3A_1001 = tpu.memref_squeeze %dma_wait3A_1000 : memref<1x!tpu.dma_semaphore, #tpu.memory_space<semaphore_mem>> -> memref<!tpu.dma_semaphore, #tpu.memory_space<semaphore_mem>>
    %dma_wait3A_1002 = arith.constant 0 : i32
    %dma_wait3A_1003 = tpu.memref_slice %arg4[%add3A_991, %dma_wait3A_1002] : memref<57344x1792xf32, #tpu.memory_space<hbm>> -> memref<8x1792xf32, #tpu.memory_space<hbm>>
    %dma_wait3A_1004 = arith.constant 0 : i32
    %dma_wait3A_1005 = arith.constant 0 : i32
    %dma_wait3A_1006 = tpu.memref_slice %arg6[%dma_wait3A_992, %dma_wait3A_1004, %dma_wait3A_1005] : memref<8x8x1792xf32, #tpu.memory_space<vmem>> -> memref<1x8x1792xf32, #tpu.memory_space<vmem>>
    %dma_wait3A_1007 = tpu.memref_squeeze %dma_wait3A_1006 : memref<1x8x1792xf32, #tpu.memory_space<vmem>> -> memref<8x1792xf32, #tpu.memory_space<vmem>>
    tpu.wait_dma2 semaphore(%dma_wait3A_1001 : memref<!tpu.dma_semaphore, #tpu.memory_space<semaphore_mem>>) src(%dma_wait3A_1007 : memref<8x1792xf32, #tpu.memory_space<vmem>>) dst(%dma_wait3A_1003 : memref<8x1792xf32, #tpu.memory_space<hbm>>)
    %add3A_1008 = arith.constant 1768 : i32
    %add3A_1009 = arith.addi %mul3A_2, %add3A_1008 : i32
    %dma_wait3A_1010 = arith.constant 5 : i32
    %dma_wait3A_1011 = arith.constant 5 : i32
    %dma_wait3A_1012 = arith.constant 0 : i32
    %dma_wait3A_1013 = arith.constant 0 : i32
    %dma_wait3A_1014 = tpu.memref_slice %arg6[%dma_wait3A_1010, %dma_wait3A_1012, %dma_wait3A_1013] : memref<8x8x1792xf32, #tpu.memory_space<vmem>> -> memref<1x8x1792xf32, #tpu.memory_space<vmem>>
    %dma_wait3A_1015 = tpu.memref_squeeze %dma_wait3A_1014 : memref<1x8x1792xf32, #tpu.memory_space<vmem>> -> memref<8x1792xf32, #tpu.memory_space<vmem>>
    %dma_wait3A_1016 = arith.constant 0 : i32
    %dma_wait3A_1017 = tpu.memref_slice %arg4[%add3A_1009, %dma_wait3A_1016] : memref<57344x1792xf32, #tpu.memory_space<hbm>> -> memref<8x1792xf32, #tpu.memory_space<hbm>>
    %dma_wait3A_1018 = tpu.memref_slice %arg8[%dma_wait3A_1011] : memref<8x!tpu.dma_semaphore, #tpu.memory_space<semaphore_mem>> -> memref<1x!tpu.dma_semaphore, #tpu.memory_space<semaphore_mem>>
    %dma_wait3A_1019 = tpu.memref_squeeze %dma_wait3A_1018 : memref<1x!tpu.dma_semaphore, #tpu.memory_space<semaphore_mem>> -> memref<!tpu.dma_semaphore, #tpu.memory_space<semaphore_mem>>
    %dma_wait3A_1020 = arith.constant 0 : i32
    %dma_wait3A_1021 = tpu.memref_slice %arg4[%add3A_1009, %dma_wait3A_1020] : memref<57344x1792xf32, #tpu.memory_space<hbm>> -> memref<8x1792xf32, #tpu.memory_space<hbm>>
    %dma_wait3A_1022 = arith.constant 0 : i32
    %dma_wait3A_1023 = arith.constant 0 : i32
    %dma_wait3A_1024 = tpu.memref_slice %arg6[%dma_wait3A_1010, %dma_wait3A_1022, %dma_wait3A_1023] : memref<8x8x1792xf32, #tpu.memory_space<vmem>> -> memref<1x8x1792xf32, #tpu.memory_space<vmem>>
    %dma_wait3A_1025 = tpu.memref_squeeze %dma_wait3A_1024 : memref<1x8x1792xf32, #tpu.memory_space<vmem>> -> memref<8x1792xf32, #tpu.memory_space<vmem>>
    tpu.wait_dma2 semaphore(%dma_wait3A_1019 : memref<!tpu.dma_semaphore, #tpu.memory_space<semaphore_mem>>) src(%dma_wait3A_1025 : memref<8x1792xf32, #tpu.memory_space<vmem>>) dst(%dma_wait3A_1021 : memref<8x1792xf32, #tpu.memory_space<hbm>>)
    %add3A_1026 = arith.constant 1776 : i32
    %add3A_1027 = arith.addi %mul3A_2, %add3A_1026 : i32
    %dma_wait3A_1028 = arith.constant 6 : i32
    %dma_wait3A_1029 = arith.constant 6 : i32
    %dma_wait3A_1030 = arith.constant 0 : i32
    %dma_wait3A_1031 = arith.constant 0 : i32
    %dma_wait3A_1032 = tpu.memref_slice %arg6[%dma_wait3A_1028, %dma_wait3A_1030, %dma_wait3A_1031] : memref<8x8x1792xf32, #tpu.memory_space<vmem>> -> memref<1x8x1792xf32, #tpu.memory_space<vmem>>
    %dma_wait3A_1033 = tpu.memref_squeeze %dma_wait3A_1032 : memref<1x8x1792xf32, #tpu.memory_space<vmem>> -> memref<8x1792xf32, #tpu.memory_space<vmem>>
    %dma_wait3A_1034 = arith.constant 0 : i32
    %dma_wait3A_1035 = tpu.memref_slice %arg4[%add3A_1027, %dma_wait3A_1034] : memref<57344x1792xf32, #tpu.memory_space<hbm>> -> memref<8x1792xf32, #tpu.memory_space<hbm>>
    %dma_wait3A_1036 = tpu.memref_slice %arg8[%dma_wait3A_1029] : memref<8x!tpu.dma_semaphore, #tpu.memory_space<semaphore_mem>> -> memref<1x!tpu.dma_semaphore, #tpu.memory_space<semaphore_mem>>
    %dma_wait3A_1037 = tpu.memref_squeeze %dma_wait3A_1036 : memref<1x!tpu.dma_semaphore, #tpu.memory_space<semaphore_mem>> -> memref<!tpu.dma_semaphore, #tpu.memory_space<semaphore_mem>>
    %dma_wait3A_1038 = arith.constant 0 : i32
    %dma_wait3A_1039 = tpu.memref_slice %arg4[%add3A_1027, %dma_wait3A_1038] : memref<57344x1792xf32, #tpu.memory_space<hbm>> -> memref<8x1792xf32, #tpu.memory_space<hbm>>
    %dma_wait3A_1040 = arith.constant 0 : i32
    %dma_wait3A_1041 = arith.constant 0 : i32
    %dma_wait3A_1042 = tpu.memref_slice %arg6[%dma_wait3A_1028, %dma_wait3A_1040, %dma_wait3A_1041] : memref<8x8x1792xf32, #tpu.memory_space<vmem>> -> memref<1x8x1792xf32, #tpu.memory_space<vmem>>
    %dma_wait3A_1043 = tpu.memref_squeeze %dma_wait3A_1042 : memref<1x8x1792xf32, #tpu.memory_space<vmem>> -> memref<8x1792xf32, #tpu.memory_space<vmem>>
    tpu.wait_dma2 semaphore(%dma_wait3A_1037 : memref<!tpu.dma_semaphore, #tpu.memory_space<semaphore_mem>>) src(%dma_wait3A_1043 : memref<8x1792xf32, #tpu.memory_space<vmem>>) dst(%dma_wait3A_1039 : memref<8x1792xf32, #tpu.memory_space<hbm>>)
    %add3A_1044 = arith.constant 1784 : i32
    %add3A_1045 = arith.addi %mul3A_2, %add3A_1044 : i32
    %dma_wait3A_1046 = arith.constant 7 : i32
    %dma_wait3A_1047 = arith.constant 7 : i32
    %dma_wait3A_1048 = arith.constant 0 : i32
    %dma_wait3A_1049 = arith.constant 0 : i32
    %dma_wait3A_1050 = tpu.memref_slice %arg6[%dma_wait3A_1046, %dma_wait3A_1048, %dma_wait3A_1049] : memref<8x8x1792xf32, #tpu.memory_space<vmem>> -> memref<1x8x1792xf32, #tpu.memory_space<vmem>>
    %dma_wait3A_1051 = tpu.memref_squeeze %dma_wait3A_1050 : memref<1x8x1792xf32, #tpu.memory_space<vmem>> -> memref<8x1792xf32, #tpu.memory_space<vmem>>
    %dma_wait3A_1052 = arith.constant 0 : i32
    %dma_wait3A_1053 = tpu.memref_slice %arg4[%add3A_1045, %dma_wait3A_1052] : memref<57344x1792xf32, #tpu.memory_space<hbm>> -> memref<8x1792xf32, #tpu.memory_space<hbm>>
    %dma_wait3A_1054 = tpu.memref_slice %arg8[%dma_wait3A_1047] : memref<8x!tpu.dma_semaphore, #tpu.memory_space<semaphore_mem>> -> memref<1x!tpu.dma_semaphore, #tpu.memory_space<semaphore_mem>>
    %dma_wait3A_1055 = tpu.memref_squeeze %dma_wait3A_1054 : memref<1x!tpu.dma_semaphore, #tpu.memory_space<semaphore_mem>> -> memref<!tpu.dma_semaphore, #tpu.memory_space<semaphore_mem>>
    %dma_wait3A_1056 = arith.constant 0 : i32
    %dma_wait3A_1057 = tpu.memref_slice %arg4[%add3A_1045, %dma_wait3A_1056] : memref<57344x1792xf32, #tpu.memory_space<hbm>> -> memref<8x1792xf32, #tpu.memory_space<hbm>>
    %dma_wait3A_1058 = arith.constant 0 : i32
    %dma_wait3A_1059 = arith.constant 0 : i32
    %dma_wait3A_1060 = tpu.memref_slice %arg6[%dma_wait3A_1046, %dma_wait3A_1058, %dma_wait3A_1059] : memref<8x8x1792xf32, #tpu.memory_space<vmem>> -> memref<1x8x1792xf32, #tpu.memory_space<vmem>>
    %dma_wait3A_1061 = tpu.memref_squeeze %dma_wait3A_1060 : memref<1x8x1792xf32, #tpu.memory_space<vmem>> -> memref<8x1792xf32, #tpu.memory_space<vmem>>
    tpu.wait_dma2 semaphore(%dma_wait3A_1055 : memref<!tpu.dma_semaphore, #tpu.memory_space<semaphore_mem>>) src(%dma_wait3A_1061 : memref<8x1792xf32, #tpu.memory_space<vmem>>) dst(%dma_wait3A_1057 : memref<8x1792xf32, #tpu.memory_space<hbm>>)
    return
  }
}

module attributes {stable_mosaic.version = 14 : i64} {
  func.func @_depad_body(%arg0: i32, %arg1: memref<448x1792xf32, #tpu.memory_space<vmem>>, %arg2: memref<8x50x1728xf32, #tpu.memory_space<vmem>>) attributes {dimension_semantics = [#tpu.dimension_semantics<arbitrary>], iteration_bounds = array<i64: 128>, scalar_prefetch = 0 : i64, scratch_operands = 0 : i64, tpu.core_type = #tpu.core_type<tc>, window_params = [{transform_indices = @transform_0, window_bounds = array<i64: 448, 1792>}, {transform_indices = @transform_1, window_bounds = array<i64: 8, 50, 1728>}]} {
    %get3A = arith.constant 0 : index
    %get3A_0 = arith.constant 0 : index
    %get3A_1 = vector.load %arg1[%get3A, %get3A_0] : memref<448x1792xf32, #tpu.memory_space<vmem>>, vector<50x1728xf32>
    %swap3A = arith.constant 0 : index
    %swap3A_2 = arith.constant 0 : index
    %swap3A_3 = arith.constant 0 : index
    %swap3A_4 = vector.load %arg2[%swap3A, %swap3A_2, %swap3A_3] : memref<8x50x1728xf32, #tpu.memory_space<vmem>>, vector<1x50x1728xf32>
    %swap3A_5 = vector.shape_cast %swap3A_4 : vector<1x50x1728xf32> to vector<50x1728xf32>
    %swap3A_6 = vector.shape_cast %get3A_1 : vector<50x1728xf32> to vector<1x50x1728xf32>
    tpu.vector_store %arg2[%swap3A, %swap3A_2, %swap3A_3], %swap3A_6 {strides = array<i32>} : memref<8x50x1728xf32, #tpu.memory_space<vmem>>, vector<1x50x1728xf32>,
    %get3A_7 = arith.constant 56 : index
    %get3A_8 = arith.constant 0 : index
    %get3A_9 = vector.load %arg1[%get3A_7, %get3A_8] : memref<448x1792xf32, #tpu.memory_space<vmem>>, vector<50x1728xf32>
    %swap3A_10 = arith.constant 1 : index
    %swap3A_11 = arith.constant 0 : index
    %swap3A_12 = arith.constant 0 : index
    %swap3A_13 = vector.load %arg2[%swap3A_10, %swap3A_11, %swap3A_12] : memref<8x50x1728xf32, #tpu.memory_space<vmem>>, vector<1x50x1728xf32>
    %swap3A_14 = vector.shape_cast %swap3A_13 : vector<1x50x1728xf32> to vector<50x1728xf32>
    %swap3A_15 = vector.shape_cast %get3A_9 : vector<50x1728xf32> to vector<1x50x1728xf32>
    tpu.vector_store %arg2[%swap3A_10, %swap3A_11, %swap3A_12], %swap3A_15 {strides = array<i32>} : memref<8x50x1728xf32, #tpu.memory_space<vmem>>, vector<1x50x1728xf32>,
    %get3A_16 = arith.constant 112 : index
    %get3A_17 = arith.constant 0 : index
    %get3A_18 = vector.load %arg1[%get3A_16, %get3A_17] : memref<448x1792xf32, #tpu.memory_space<vmem>>, vector<50x1728xf32>
    %swap3A_19 = arith.constant 2 : index
    %swap3A_20 = arith.constant 0 : index
    %swap3A_21 = arith.constant 0 : index
    %swap3A_22 = vector.load %arg2[%swap3A_19, %swap3A_20, %swap3A_21] : memref<8x50x1728xf32, #tpu.memory_space<vmem>>, vector<1x50x1728xf32>
    %swap3A_23 = vector.shape_cast %swap3A_22 : vector<1x50x1728xf32> to vector<50x1728xf32>
    %swap3A_24 = vector.shape_cast %get3A_18 : vector<50x1728xf32> to vector<1x50x1728xf32>
    tpu.vector_store %arg2[%swap3A_19, %swap3A_20, %swap3A_21], %swap3A_24 {strides = array<i32>} : memref<8x50x1728xf32, #tpu.memory_space<vmem>>, vector<1x50x1728xf32>,
    %get3A_25 = arith.constant 168 : index
    %get3A_26 = arith.constant 0 : index
    %get3A_27 = vector.load %arg1[%get3A_25, %get3A_26] : memref<448x1792xf32, #tpu.memory_space<vmem>>, vector<50x1728xf32>
    %swap3A_28 = arith.constant 3 : index
    %swap3A_29 = arith.constant 0 : index
    %swap3A_30 = arith.constant 0 : index
    %swap3A_31 = vector.load %arg2[%swap3A_28, %swap3A_29, %swap3A_30] : memref<8x50x1728xf32, #tpu.memory_space<vmem>>, vector<1x50x1728xf32>
    %swap3A_32 = vector.shape_cast %swap3A_31 : vector<1x50x1728xf32> to vector<50x1728xf32>
    %swap3A_33 = vector.shape_cast %get3A_27 : vector<50x1728xf32> to vector<1x50x1728xf32>
    tpu.vector_store %arg2[%swap3A_28, %swap3A_29, %swap3A_30], %swap3A_33 {strides = array<i32>} : memref<8x50x1728xf32, #tpu.memory_space<vmem>>, vector<1x50x1728xf32>,
    %get3A_34 = arith.constant 224 : index
    %get3A_35 = arith.constant 0 : index
    %get3A_36 = vector.load %arg1[%get3A_34, %get3A_35] : memref<448x1792xf32, #tpu.memory_space<vmem>>, vector<50x1728xf32>
    %swap3A_37 = arith.constant 4 : index
    %swap3A_38 = arith.constant 0 : index
    %swap3A_39 = arith.constant 0 : index
    %swap3A_40 = vector.load %arg2[%swap3A_37, %swap3A_38, %swap3A_39] : memref<8x50x1728xf32, #tpu.memory_space<vmem>>, vector<1x50x1728xf32>
    %swap3A_41 = vector.shape_cast %swap3A_40 : vector<1x50x1728xf32> to vector<50x1728xf32>
    %swap3A_42 = vector.shape_cast %get3A_36 : vector<50x1728xf32> to vector<1x50x1728xf32>
    tpu.vector_store %arg2[%swap3A_37, %swap3A_38, %swap3A_39], %swap3A_42 {strides = array<i32>} : memref<8x50x1728xf32, #tpu.memory_space<vmem>>, vector<1x50x1728xf32>,
    %get3A_43 = arith.constant 280 : index
    %get3A_44 = arith.constant 0 : index
    %get3A_45 = vector.load %arg1[%get3A_43, %get3A_44] : memref<448x1792xf32, #tpu.memory_space<vmem>>, vector<50x1728xf32>
    %swap3A_46 = arith.constant 5 : index
    %swap3A_47 = arith.constant 0 : index
    %swap3A_48 = arith.constant 0 : index
    %swap3A_49 = vector.load %arg2[%swap3A_46, %swap3A_47, %swap3A_48] : memref<8x50x1728xf32, #tpu.memory_space<vmem>>, vector<1x50x1728xf32>
    %swap3A_50 = vector.shape_cast %swap3A_49 : vector<1x50x1728xf32> to vector<50x1728xf32>
    %swap3A_51 = vector.shape_cast %get3A_45 : vector<50x1728xf32> to vector<1x50x1728xf32>
    tpu.vector_store %arg2[%swap3A_46, %swap3A_47, %swap3A_48], %swap3A_51 {strides = array<i32>} : memref<8x50x1728xf32, #tpu.memory_space<vmem>>, vector<1x50x1728xf32>,
    %get3A_52 = arith.constant 336 : index
    %get3A_53 = arith.constant 0 : index
    %get3A_54 = vector.load %arg1[%get3A_52, %get3A_53] : memref<448x1792xf32, #tpu.memory_space<vmem>>, vector<50x1728xf32>
    %swap3A_55 = arith.constant 6 : index
    %swap3A_56 = arith.constant 0 : index
    %swap3A_57 = arith.constant 0 : index
    %swap3A_58 = vector.load %arg2[%swap3A_55, %swap3A_56, %swap3A_57] : memref<8x50x1728xf32, #tpu.memory_space<vmem>>, vector<1x50x1728xf32>
    %swap3A_59 = vector.shape_cast %swap3A_58 : vector<1x50x1728xf32> to vector<50x1728xf32>
    %swap3A_60 = vector.shape_cast %get3A_54 : vector<50x1728xf32> to vector<1x50x1728xf32>
    tpu.vector_store %arg2[%swap3A_55, %swap3A_56, %swap3A_57], %swap3A_60 {strides = array<i32>} : memref<8x50x1728xf32, #tpu.memory_space<vmem>>, vector<1x50x1728xf32>,
    %get3A_61 = arith.constant 392 : index
    %get3A_62 = arith.constant 0 : index
    %get3A_63 = vector.load %arg1[%get3A_61, %get3A_62] : memref<448x1792xf32, #tpu.memory_space<vmem>>, vector<50x1728xf32>
    %swap3A_64 = arith.constant 7 : index
    %swap3A_65 = arith.constant 0 : index
    %swap3A_66 = arith.constant 0 : index
    %swap3A_67 = vector.load %arg2[%swap3A_64, %swap3A_65, %swap3A_66] : memref<8x50x1728xf32, #tpu.memory_space<vmem>>, vector<1x50x1728xf32>
    %swap3A_68 = vector.shape_cast %swap3A_67 : vector<1x50x1728xf32> to vector<50x1728xf32>
    %swap3A_69 = vector.shape_cast %get3A_63 : vector<50x1728xf32> to vector<1x50x1728xf32>
    tpu.vector_store %arg2[%swap3A_64, %swap3A_65, %swap3A_66], %swap3A_69 {strides = array<i32>} : memref<8x50x1728xf32, #tpu.memory_space<vmem>>, vector<1x50x1728xf32>,
    return
  }
  func.func @transform_0(%arg0: i32) -> (i32, i32) {
    %c0_i32 = arith.constant 0 : i32
    %c0_i32_0 = arith.constant 0 : i32
    return %arg0, %c0_i32 : i32, i32
  }
  func.func @transform_1(%arg0: i32) -> (i32, i32, i32) {
    %c0_i32 = arith.constant 0 : i32
    %c0_i32_0 = arith.constant 0 : i32
    %c0_i32_1 = arith.constant 0 : i32
    return %arg0, %c0_i32, %c0_i32_0 : i32, i32, i32
  }
}

module attributes {stable_mosaic.version = 14 : i64} {
  func.func @_pad_body(%arg0: i32, %arg1: memref<256x1728xf32, #tpu.memory_space<vmem>>, %arg2: memref<256x1792xf32, #tpu.memory_space<vmem>>) attributes {dimension_semantics = [#tpu.dimension_semantics<arbitrary>], iteration_bounds = array<i64: 91>, scalar_prefetch = 0 : i64, scratch_operands = 0 : i64, tpu.core_type = #tpu.core_type<tc>, window_params = [{transform_indices = @transform_0, window_bounds = array<i64: 256, 1728>}, {transform_indices = @transform_1, window_bounds = array<i64: 256, 1792>}]} {
    %get3A = arith.constant 0 : index
    %get3A_0 = arith.constant 0 : index
    %get3A_1 = vector.load %arg1[%get3A, %get3A_0] : memref<256x1728xf32, #tpu.memory_space<vmem>>, vector<256x1728xf32>
    %broadcast_in_dim3A = arith.constant 0.000000e+00 : f32
    %broadcast_in_dim3A_2 = vector.broadcast %broadcast_in_dim3A : f32 to vector<256x64xf32>
    %concatenate3A = tpu.concatenate %get3A_1, %broadcast_in_dim3A_2 in 1 : vector<256x1728xf32>, vector<256x64xf32> -> vector<256x1792xf32>
    %swap3A = arith.constant 0 : index
    %swap3A_3 = arith.constant 0 : index
    %swap3A_4 = vector.load %arg2[%swap3A, %swap3A_3] : memref<256x1792xf32, #tpu.memory_space<vmem>>, vector<256x1792xf32>
    tpu.vector_store %arg2[%swap3A, %swap3A_3], %concatenate3A {strides = array<i32>} : memref<256x1792xf32, #tpu.memory_space<vmem>>, vector<256x1792xf32>,
    return
  }
  func.func @transform_0(%arg0: i32) -> (i32, i32) {
    %c0_i32 = arith.constant 0 : i32
    %c0_i32_0 = arith.constant 0 : i32
    return %arg0, %c0_i32 : i32, i32
  }
  func.func @transform_1(%arg0: i32) -> (i32, i32) {
    %c0_i32 = arith.constant 0 : i32
    %c0_i32_0 = arith.constant 0 : i32
    return %arg0, %c0_i32 : i32, i32
  }
}

</mosaic_0001>

<sc_bundles>
// kernel: _emb.5.cloned.1.call-start
scs
__scs_entry_jumppad:
0x0: {  	(pc) =	sbr.rel $0x88, $3  }
0x1: {  	(tag) =	ssettag $0x0;
	lr =	simm.s32 $0x1  }
0x2: {  	[smem:$0x3F9F] =	sst lr;
	_ =	strace $0xD0000000  }
0x3: {  	_ = 	snop  }
0x4: {  	_ = 	snop  }
0x5: {  	_ = 	snop  }
0x6: {  	_ = 	snop  }
0x7: {  	_ = 	snop  }
__scs_overlays_trampoline_lowered:
0x8: {  	[smem:$0x3FAE] =	sst s0  }
0x9: {  	[smem:$0x3FAF] =	sst s1  }
0xa: {  	[smem:$0x3FB0] =	sst s2  }
0xb: {  	[smem:$0x3FB1] =	sst s3  }
0xc: {  	[smem:$0x3FB2] =	sst s4  }
0xd: {  	[smem:$0x3FB3] =	sst s5  }
0xe: {  	[smem:$0x3FB4] =	sst s6  }
0xf: {  	[smem:$0x3FB5] =	sst s7  }
0x10: {  	[smem:$0x3FB6] =	sst s8  }
0x11: {  	[smem:$0x3FB7] =	sst s9;
	s0 =	simm.s32 @!p0 $0x0  }
0x12: {  	s1 =	sld [smem:$0x3F9D];
	s0 =	simm.s32 @p0 $0x1  }
0x13: {  	[smem:$0x3FB8] =	sst s0;
	s0 =	simm.s32 @!p1 $0x0  }
0x14: {  	s2 =	sld [smem:$0x3F9C];
	s0 =	simm.s32 @p1 $0x1  }
0x15: {  	[smem:$0x3FB9] =	sst s0;
	s0 =	simm.s32 @!p2 $0x0  }
0x16: {  	s3 =	sld [smem:$0x3FDB];
	s0 =	simm.s32 @p2 $0x1  }
0x17: {  	s4 =	simm.s32 $0x1BF5;
	[smem:$0x3FBB] =	sst s0  }
0x18: {  	s0 =	sld [smem:$0x3F9E];
	_ =	swait.ge [sflag:s4], $0x0  }
0x19: {  	s7 =	sld [smem:$0x3F9F]  }
0x1a: {  	s8 =	sadd.s32 $0xFFFFE003, lr  }
0x1b: {  	s9 =	sadd.s32 $0xFFFFFEF7, lr;
	s5 =	simm.s32 $0xFFFFFFFF;
	p2 =	slt.u32 s8, $0xFFFFF086  }
0x1c: {  	p1 =	slt.u32 s9, $0xF7A;
	s5 =	simm.s32 @!p2 $0x0  }
0x1d: {  	s5 =	simm.s32 @p1 $0x1;
	p0 =	seq.s32 s7, s2  }
0x1e: {  	s7 =	smul.u32 @!p0 $0xF7A, s2;
	p2 =	seq.s32 @!p0 s5, $0x0  }
0x1f: {  	s9 =	smul.u32 $0xF7A, s1;
	s8 =	simm.s32 @!p0 $0x1BF5;
	p2 =	por !p2, p0  }
0x20: {  	[sflag:s8] =	ssyncset.s32 @!p0 $0xFFFFF086;
	s6 =	sadd.s32 @!p0 s3, s7;
	s7 =	simm.s32 @!p0 $0x108  }
0x21: {  	s3 =	sadd.s32 s3, s9;
	s6 =	sadd.s32 @!p0 $0x88, s6;
	s7 =	simm.s32 @p2 $0x1082  }
0x22: {  	[simem:s7], [sflag:s8] =	dma.local @!p0 [hbm:s6], $0xF7A  }
0x23: {  	s9 =	sor.u32 $0xD0000000, s2;
	s6 =	simm.s32 $0x108;
	_ =	swait.ge @!p0 [sflag:s8], $0x0  }
0x24: {  	s3 =	sadd.s32 $0x88, s3;
	s6 =	simm.s32 @!p1 $0x1082;
	[sflag:s4] =	ssyncset.s32 $0xFFFFF086  }
0x25: {  	[simem:s6], [sflag:s4] =	dma.local [hbm:s3], $0xF7A  }
0x26: {  	[smem:$0x3F9F] =	sst s1;
	(tag) =	ssettag s2;
	_ =	strace s9  }
0x27: {  	s1 =	sld [smem:$0x3FAF]  }
0x28: {  	s2 =	sld [smem:$0x3FB0]  }
0x29: {  	s4 =	sld [smem:$0x3FB2]  }
0x2a: {  	p0 =	seq.s32 s5, $0x0;
	s5 =	sld [smem:$0x3FB3]  }
0x2b: {  	s6 =	sld [smem:$0x3FB4]  }
0x2c: {  	s7 =	sld [smem:$0x3FB5]  }
0x2d: {  	s3 =	simm.s32 $0x108;
	s8 =	sld [smem:$0x3FB6]  }
0x2e: {  	s3 =	simm.s32 @!p0 $0x1082;
	s9 =	sld [smem:$0x3FB7]  }
0x2f: {  	lr =	sadd.s32 s0, s3;
	s0 =	sld [smem:$0x3FAE]  }
0x30: {  	s3 =	sld [smem:$0x3FB1]  }
0x31: {  	[smem:$0x3FBA] =	sst s10  }
0x32: {  	s10 =	sld [smem:$0x3FB8];
	_ =	sdelay $0x3  }
0x33: {  	p0 =	seq.s32 s10, $0x1;
	s10 =	sld [smem:$0x3FBA];
	_ =	sdelay $0x3  }
0x34: {  	[smem:$0x3FBA] =	sst s10  }
0x35: {  	s10 =	sld [smem:$0x3FB9];
	_ =	sdelay $0x3  }
0x36: {  	p1 =	seq.s32 s10, $0x1;
	s10 =	sld [smem:$0x3FBA];
	_ =	sdelay $0x3  }
0x37: {  	[smem:$0x3FBA] =	sst s10  }
0x38: {  	s10 =	sld [smem:$0x3FBB]  }
0x39: {  	_ = 	snop;
	(pc) =	sbr.ind lr, $3  }
0x3a: {  	_ = 	snop  }
0x3b: {  	_ = 	snop  }
0x3c: {  	p2 =	seq.s32 s10, $0x1;
	s10 =	sld [smem:$0x3FBA]  }
0x3d: {  	_ =	shalt  }
0x3e: {  	_ =	shalt  }
0x3f: {  	_ =	shalt  }
0x40: {  	_ =	shalt  }
0x41: {  	_ =	shalt  }
0x42: {  	_ =	shalt  }
0x43: {  	_ =	shalt  }
0x44: {  	_ =	shalt  }
0x45: {  	_ =	shalt  }
0x46: {  	_ =	shalt  }
0x47: {  	_ =	shalt  }
0x48: {  	_ =	shalt  }
0x49: {  	_ =	shalt  }
0x4a: {  	_ =	shalt  }
0x4b: {  	_ =	shalt  }
0x4c: {  	_ =	shalt  }
0x4d: {  	_ =	shalt  }
0x4e: {  	_ =	shalt  }
0x4f: {  	_ =	shalt  }
0x50: {  	_ =	shalt  }
0x51: {  	_ =	shalt  }
0x52: {  	_ =	shalt  }
0x53: {  	_ =	shalt  }
0x54: {  	_ =	shalt  }
0x55: {  	_ =	shalt  }
0x56: {  	_ =	shalt  }
0x57: {  	_ =	shalt  }
0x58: {  	_ =	shalt  }
0x59: {  	_ =	shalt  }
0x5a: {  	_ =	shalt  }
0x5b: {  	_ =	shalt  }
0x5c: {  	_ =	shalt  }
0x5d: {  	_ =	shalt  }
0x5e: {  	_ =	shalt  }
0x5f: {  	_ =	shalt  }
0x60: {  	_ =	shalt  }
0x61: {  	_ =	shalt  }
0x62: {  	_ =	shalt  }
0x63: {  	_ =	shalt  }
0x64: {  	_ =	shalt  }
0x65: {  	_ =	shalt  }
0x66: {  	_ =	shalt  }
0x67: {  	_ =	shalt  }
0x68: {  	_ =	shalt  }
0x69: {  	_ =	shalt  }
0x6a: {  	_ =	shalt  }
0x6b: {  	_ =	shalt  }
0x6c: {  	_ =	shalt  }
0x6d: {  	_ =	shalt  }
0x6e: {  	_ =	shalt  }
0x6f: {  	_ =	shalt  }
0x70: {  	_ =	shalt  }
0x71: {  	_ =	shalt  }
0x72: {  	_ =	shalt  }
0x73: {  	_ =	shalt  }
0x74: {  	_ =	shalt  }
0x75: {  	_ =	shalt  }
0x76: {  	_ =	shalt  }
0x77: {  	_ =	shalt  }
0x78: {  	_ =	shalt  }
0x79: {  	_ =	shalt  }
0x7a: {  	_ =	shalt  }
0x7b: {  	_ =	shalt  }
0x7c: {  	_ =	shalt  }
0x7d: {  	_ =	shalt  }
0x7e: {  	_ =	shalt  }
0x7f: {  	_ =	shalt  }
0x80: {  	_ =	shalt  }
0x81: {  	_ =	shalt  }
0x82: {  	_ =	shalt  }
0x83: {  	_ =	shalt  }
0x84: {  	_ =	shalt  }
0x85: {  	_ =	shalt  }
0x86: {  	_ =	shalt  }
0x87: {  	_ =	shalt  }
.Lfunc_end0:
.L_simem_size_0:
called_computation_lowered:
.L_overlay_start_0:
0x88: {  	s2 =	sld [smem:$0x3FD9]  }
0x89: {  	s3 =	sld [smem:$0x3FFE];
	_ =	sdelay $0x1  }
0x8a: {  	s1 =	srdreg.scid  }
0x8b: {  	s0 =	sand.u32 $0x1, s1  }
0x8c: {  	s16 =	sshll.u32 s0, $0xA;
	s2 =	sadd.s32 s3, s2  }
0x8d: {  	s2 =	sadd.s32 s2, s16  }
0x8e: {  	[smem:$0x3FC6] =	sst s2  }
0x8f: {  	_ = 	snop  }
0x90: {  	(tm) =	ssettm $0x1  }
0x91: {  	s17 =	sld [smem:$0x3FFB];
	_ =	sdelay $0x3  }
0x92: {  	_ =	strace s17  }
0x93: {  	s2 =	sld [smem:$0x3FFC];
	_ =	sdelay $0x3  }
0x94: {  	_ =	strace s2  }
0x95: {  	s2 =	sld [smem:$0x3FFD];
	_ =	sdelay $0x3  }
0x96: {  	_ =	strace s2  }
0x97: {  	_ =	strace $0x8FFFFFFF  }
0x98: {  	s18 =	sld [smem:$0x3FDB];
	_ =	sdelay $0x1  }
0x99: {  	s19 =	simm.s32 $_scs_section_size  }
0x9a: {  	s4 =	simm.s32 $_size__tile_overlayer_lowered;
	s5 =	simm.s32 $_tile_overlayer_lowered  }
0x9b: {  	s22 =	simm.s32 $0x1BFF;
	s21 =	sshll.u32 s5, $0x1;
	s2 =	sadd.s32 s19, s18  }
0x9c: {  	s6 =	simm.s32 $0x0;
	s20 =	sshll.u32 s4, $0x1;
	s4 =	sadd.s32 s21, s2  }
0x9d: {  	[timem:s6], [sflag:s22] =	dma.local [hbm:s4], s20  }
0x9e: {  	_ =	swait.ge [sflag:s22], s20  }
0x9f: {  	s3 =	ssub.s32 $0x0, s20;
	[sflag:s22] =	ssyncset.done $0x0  }
0xa0: {  	[sflag:s22] =	ssyncadd.s32 s3;
	_ =	sdelay $0x1  }
0xa1: {  	s23 =	simm.s32 $0x1B8B  }
0xa2: {  	_ =	swait.ge [sflag:s23], $0x1  }
0xa3: {  	[sflag:s23] =	ssyncset.done $0x0  }
0xa4: {  	s25 =	simm.s32 $0x1B8E;
	s24 =	sld [smem:$0x3FFE];
	[sflag:s23] =	ssyncadd.s32 $0xFFFFFFFF  }
0xa5: {  	s26 =	simm.s32 $execute0_lowered;
	[smem:$0x3FD2] =	sst s25  }
0xa6: {  	s4 =	sshll.u32 s26, $0x1;
	_ =	strace $0x80000046;
	[dreg:$0x1] =	wrdreg $0xFFFFFFFF  }
0xa7: {  	s28 =	simm.s32 $_size_execute0_lowered;
	s2 =	sadd.s32 s2, s4;
	[dreg:$0x0] =	wrdreg $0x0  }
0xa8: {  	s4 =	sshll.u32 s28, $0x1;
	[dreg:$0x2] =	wrdreg s2  }
0xa9: {  	[dreg:$0x3] =	wrdreg s4  }
0xaa: {  	[dreg:$0x4] =	wrdreg $0xC0  }
0xab: {  	_ =	task [dreg:s6], $0x5FFFF  }
0xac: {  	[dreg:$0x1] =	wrdreg $0xFFFFFFFF  }
0xad: {  	[dreg:$0x0] =	wrdreg $0x60  }
0xae: {  	[dreg:$0x2] =	wrdreg s24  }
0xaf: {  	[dreg:$0x3] =	wrdreg $0x9  }
0xb0: {  	_ =	task.clear_ibuf [dreg:s6], $0x4FFFF;
	_ =	strace $0x90000046  }
0xb1: {  	s29 =	simm.s32 $0x9;
	_ =	strace $0x80000048  }
0xb2: {  	_ =	swait.ge [sflag:s29], $0x1  }
0xb3: {  	[sflag:s29] =	ssyncadd.s32 $0xFFFFFFFF  }
0xb4: {  	_ =	strace $0x90000048  }
0xb5: {  	_ =	sfence  }
0xb6: {  	s30 =	sld [smem:$0x0];
	_ =	sdelay $0x2  }
0xb7: {  	s31 =	sshll.u32 s1, $0xD;
	s1 =	sshrl.u32 s1, $0x2  }
0xb8: {  	s3 =	sand.u32 $0x4000, s31;
	s1 =	sadd.s32 s1, s30  }
0xb9: {  	s0 =	sor.u32 s3, s0;
	s1 =	sshll.u32 s1, $0x11  }
0xba: {  	s0 =	sor.u32 s1, s0  }
0xbb: {  	s0 =	sadd.s32 $0x8F2B, s0  }
0xbc: {  	[sflag:s0] =	ssyncadd.remote.s32 $0x1  }
0xbd: {  	_ =	sfence.sel $0xFFFF  }
0xbe: {  	[dreg:$0x0] =	wrdreg $0xFFFFFFFF;
	(pc) =	sbr.abs _section_cstart, $3  }
0xbf: {  	[dreg:$0x1] =	wrdreg $0xFFFFFFFF  }
0xc0: {  	_ =	task.clear_ibuf [dreg:s6], $0x2FFFF;
	_ =	strace $0x9FFFFFFF  }
0xc1: {  	(tm) =	ssettm $0x7FFFFFFF  }
tec
execute0_lowered:
.L_overlay_start_1:
0x0: {  	(tag) =	ssettag $0x1  }
0x1: {  	s0 =	rddreg [dreg:$0x0]  }
0x2: {  	s2 =	simm.s32 $0x0;
	s1 =	srdreg.scid;
	s13 =	stileid.u32  }
0x3: {  	s28 =	simm.s32 $0x1000;
	s29 =	simm.s32 $0xB;
	s30 =	simm.s32 $0xC  }
0x4: {  	s31 =	simm.s32 $0x10;
	[smem:$0x7FF] =	sst s2;
	s1 =	sand.u32 $0x1, s1  }
0x5: {  	s4 =	sshll.u32 s13, $0x1;
	s3 =	sadd.s32 $0x2400, s0;
	s17 =	sadd.s32 $0x4F9400, s0  }
0x6: {  	s8 =	sadd.s32 $0x2700, s0;
	s9 =	sadd.s32 $0x2800, s0;
	s10 =	sadd.s32 $0x2900, s0  }
0x7: {  	s13 =	smul.u32 $0xE00, s13;
	_ =	strace $0x80000047;
	s4 =	sor.u32 s1, s4  }
0x8: {  	s6 =	ssub.s32 $0x2, s1;
	s5 =	sshll.u32 s4, $0x8;
	s4 =	smul.u32 $0x700, s4  }
0x9: {  	s24 =	smul.u32 $0x700, s1;
	[dreg:$0x7] =	wrdreg s17;
	s7 =	sshrl.u32 s6, $0x1  }
0xa: {  	s5 =	sadd.s32 s5, s0;
	s11 =	ssub.s32 s6, s7;
	s22 =	sshrl.u32 s4, $0x3  }
0xb: {  	s6 =	sadd.s32 $0x2500, s0;
	s5 =	sadd.s32 $0x400, s5;
	s12 =	smul.u32 $0x700, s22  }
0xc: {  	s7 =	sadd.s32 $0x2600, s0;
	[dreg:$0x8] =	wrdreg s5;
	s5 =	smul.u32 $0x3800, s22  }
0xd: {  	s16 =	sadd.s32 $0x6C8, s4;
	s22 =	sadd.s32 $0x6E8, s4;
	s18 =	sadd.s32 s17, s12  }
0xe: {  	s12 =	sadd.s32 $0x2A00, s0;
	s15 =	sshrl.u32 s5, $0x3;
	s0 =	sadd.s32 s24, s13  }
0xf: {  	s5 =	sshrl.u32 s16, $0x3;
	s16 =	sadd.s32 $0x6D8, s4;
	s4 =	sadd.s32 $0x6F8, s4  }
0x10: {  	s23 =	sadd.s32 $0x700, s18;
	s25 =	sadd.s32 $0xE00, s18;
	s26 =	sadd.s32 $0x1500, s18  }
0x11: {  	s14 =	sadd.s32 $0x1C00, s18;
	s1 =	sadd.s32 s17, s15;
	[dreg:$0x9] =	wrdreg s18  }
0x12: {  	s13 =	sor.u32 $0x58, s0;
	s5 =	smul.u32 $0x700, s5;
	[dreg:$0xa] =	wrdreg s23  }
0x13: {  	s15 =	sor.u32 $0x48, s0;
	s16 =	sshrl.u32 s16, $0x3;
	[dreg:$0xb] =	wrdreg s25  }
0x14: {  	s21 =	sor.u32 $0x40, s0;
	s4 =	sshrl.u32 s4, $0x3;
	[dreg:$0xc] =	wrdreg s26  }
0x15: {  	[dreg:$0xd] =	wrdreg s14;
	s13 =	sshrl.u32 s13, $0x3;
	s14 =	sor.u32 $0x50, s0  }
0x16: {  	s15 =	sshrl.u32 s15, $0x3;
	s20 =	smul.u32 $0x700, s16;
	s24 =	sadd.s32 $0x2300, s1  }
0x17: {  	s23 =	sshrl.u32 s21, $0x3;
	s26 =	sadd.s32 $0x2A00, s1;
	[dreg:$0xe] =	wrdreg s24  }
0x18: {  	s25 =	sshrl.u32 s22, $0x3;
	s1 =	sadd.s32 $0x3100, s1;
	[dreg:$0xf] =	wrdreg s26  }
0x19: {  	s0 =	sshrl.u32 s0, $0x3;
	s16 =	sadd.s32 $0x5E800, s18;
	[dreg:$0x10] =	wrdreg s1  }
0x1a: {  	s13 =	smul.u32 $0x700, s13;
	[dreg:$0x11] =	wrdreg s16;
	s24 =	sadd.s32 $0x5F600, s18  }
0x1b: {  	s19 =	smul.u32 $0x700, s15;
	s26 =	sadd.s32 $0x61200, s18;
	[dreg:$0x17] =	wrdreg s24  }
0x1c: {  	s14 =	sshrl.u32 s14, $0x3;
	s0 =	smul.u32 $0x700, s0;
	[dreg:$0x19] =	wrdreg s26  }
0x1d: {  	s15 =	simm.s32 $0x1800;
	s16 =	simm.s32 $0x2000;
	[dreg:$0x2] =	wrdreg s13  }
0x1e: {  	s1 =	simm.s32 $0xE;
	s14 =	smul.u32 $0x700, s14;
	[dreg:$0x4] =	wrdreg s19  }
0x1f: {  	s20 =	sadd.s32 s17, s20;
	s26 =	simm.s32 $0x3800;
	[dreg:$0x6] =	wrdreg s0  }
0x20: {  	s24 =	simm.s32 $0x8000;
	s13 =	smul.u32 $0x700, s23;
	[dreg:$0x13] =	wrdreg s20  }
0x21: {  	s19 =	sadd.s32 s17, s5;
	s23 =	smax.u32 s11, $0x1;
	[dreg:$0x3] =	wrdreg s14  }
0x22: {  	s5 =	simm.s32 $0x5000;
	s0 =	simm.s32 $0xD;
	[dreg:$0x12] =	wrdreg s19  }
0x23: {  	s14 =	smul.u32 $0x700, s25;
	[dreg:$0x16] =	wrdreg s23;
	s25 =	sadd.s32 $0x60400, s18  }
0x24: {  	s23 =	simm.s32 $0x3000;
	s18 =	simm.s32 $0xB800;
	[dreg:$0x5] =	wrdreg s13  }
0x25: {  	s13 =	smul.u32 $0x700, s4;
	[dreg:$0x18] =	wrdreg s25;
	s25 =	simm.s32 $0x4800  }
0x26: {  	v0 =	vlaneseq.u32;
	s4 =	simm.s32 $0x8;
	s21 =	sadd.s32 s17, s14;
	s14 =	simm.s32 $0xF  }
0x27: {  	v1 =	vshrl.u32 v0, $0x3;
	[dreg:$0x14] =	wrdreg s21;
	s22 =	sadd.s32 s17, s13;
	s17 =	simm.s32 $0x2800  }
0x28: {  	vm0 =	vmmov $0xffff;
	v0 =	vand.u32 $0x7, v0;
	v1 =	vmul.u32 $0x8, v1;
	s13 =	simm.s32 $0x0;
	[dreg:$0x15] =	wrdreg s22;
	s22 =	simm.s32 $0x7  }
.LBB2_1:
0x29: {  	[dreg:$0x1a] =	wrdreg s13  }
0x2a: {  	s11 =	rddreg [dreg:$0x8];
	s21 =	simm.s32 $0x11  }
0x2b: {  	[tilespmem:s2], [sflag:$0x11] =	stream.linear.gather [hbm4b:s11+s2], $0x700, $0x38;
	[tilespmem:$0x1C800] =	vst v63  }
0x2c: {  	_ =	swait.ge [sflag:s21], $0x700  }
0x2d: {  	[sflag:s21] =	ssyncset.done $0x0  }
0x2e: {  	[sflag:s21] =	ssyncadd.s32 $0xFFFFF900  }
0x2f: {  	v2 =	vld.msk [tilespmem:$0x0], $0xff;
	_ =	sdelay $0x4  }
0x30: {  	v3 =	vshrl.u32 v2, $0x3  }
0x31: {  	v3 =	vmul.u32 $0x70, v3  }
0x32: {  	v2 =	vand.u32 $0x7, v2  }
0x33: {  	v2 =	vor.u32 v2, v3  }
0x34: {  	v2 =	vperm.xlane v2, v0;
	_ =	sdelay $0x1  }
0x35: {  	v2 =	vadd.s32 v1, v2;
	_ =	sdelay $0x3  }
0x36: {  	s13 =	simm.s32 $0x800  }
0x37: {  	[tilespmem:s13], [sflag:$0x1] =	stream.indirect_vreg.gather [hbm4b:s3+s2], $0x80, v2, vm0, $0xb8;
	[tilespmem:$0x1C800] =	vst v63  }
0x38: {  	_ = 	snop  }
0x39: {  	[tilespmem:s28], [sflag:$0x1] =	stream.indirect_vreg.gather [hbm4b:s6+s2], $0x80, v2, vm0, $0xb8;
	[tilespmem:$0x1C800] =	vst v63  }
0x3a: {  	_ = 	snop  }
0x3b: {  	[tilespmem:s15], [sflag:$0x1] =	stream.indirect_vreg.gather [hbm4b:s7+s2], $0x80, v2, vm0, $0xb8;
	[tilespmem:$0x1C800] =	vst v63  }
0x3c: {  	_ = 	snop  }
0x3d: {  	[tilespmem:s16], [sflag:$0x1] =	stream.indirect_vreg.gather [hbm4b:s8+s2], $0x80, v2, vm0, $0xb8;
	[tilespmem:$0x1C800] =	vst v63  }
0x3e: {  	_ = 	snop  }
0x3f: {  	[tilespmem:s17], [sflag:$0x1] =	stream.indirect_vreg.gather [hbm4b:s9+s2], $0x80, v2, vm0, $0xb8;
	[tilespmem:$0x1C800] =	vst v63  }
0x40: {  	_ = 	snop  }
0x41: {  	[tilespmem:s23], [sflag:$0x1] =	stream.indirect_vreg.gather [hbm4b:s10+s2], $0x80, v2, vm0, $0xb8;
	[tilespmem:$0x1C800] =	vst v63  }
0x42: {  	_ = 	snop  }
0x43: {  	[tilespmem:s26], [sflag:$0x1] =	stream.indirect_vreg.gather [hbm4b:s12+s2], $0x80, v2, vm0, $0xb8;
	[tilespmem:$0x1C800] =	vst v63  }
0x44: {  	v2 =	vld.msk [tilespmem:$0x8], $0xff;
	_ =	sdelay $0x4  }
0x45: {  	v3 =	vshrl.u32 v2, $0x3  }
0x46: {  	v3 =	vmul.u32 $0x70, v3  }
0x47: {  	v2 =	vand.u32 $0x7, v2  }
0x48: {  	v2 =	vor.u32 v2, v3  }
0x49: {  	v2 =	vperm.xlane v2, v0;
	_ =	sdelay $0x1  }
0x4a: {  	v2 =	vadd.s32 v1, v2;
	_ =	sdelay $0x3  }
0x4b: {  	s19 =	simm.s32 $0x4000  }
0x4c: {  	[tilespmem:s19], [sflag:$0x2] =	stream.indirect_vreg.gather [hbm4b:s3+s2], $0x80, v2, vm0, $0xb8;
	[tilespmem:$0x1C800] =	vst v63  }
0x4d: {  	_ = 	snop  }
0x4e: {  	[tilespmem:s25], [sflag:$0x2] =	stream.indirect_vreg.gather [hbm4b:s6+s2], $0x80, v2, vm0, $0xb8;
	[tilespmem:$0x1C800] =	vst v63  }
0x4f: {  	_ = 	snop  }
0x50: {  	[tilespmem:s5], [sflag:$0x2] =	stream.indirect_vreg.gather [hbm4b:s7+s2], $0x80, v2, vm0, $0xb8;
	[tilespmem:$0x1C800] =	vst v63  }
0x51: {  	s20 =	simm.s32 $0x5800  }
0x52: {  	[tilespmem:s20], [sflag:$0x2] =	stream.indirect_vreg.gather [hbm4b:s8+s2], $0x80, v2, vm0, $0xb8;
	[tilespmem:$0x1C800] =	vst v63  }
0x53: {  	s21 =	simm.s32 $0x6000  }
0x54: {  	[tilespmem:s21], [sflag:$0x2] =	stream.indirect_vreg.gather [hbm4b:s9+s2], $0x80, v2, vm0, $0xb8;
	[tilespmem:$0x1C800] =	vst v63  }
0x55: {  	s20 =	simm.s32 $0x6800  }
0x56: {  	[tilespmem:s20], [sflag:$0x2] =	stream.indirect_vreg.gather [hbm4b:s10+s2], $0x80, v2, vm0, $0xb8;
	[tilespmem:$0x1C800] =	vst v63  }
0x57: {  	s21 =	simm.s32 $0x7000  }
0x58: {  	[tilespmem:s21], [sflag:$0x2] =	stream.indirect_vreg.gather [hbm4b:s12+s2], $0x80, v2, vm0, $0xb8;
	[tilespmem:$0x1C800] =	vst v63  }
0x59: {  	v2 =	vld.msk [tilespmem:$0x10], $0xff;
	_ =	sdelay $0x4  }
0x5a: {  	v3 =	vshrl.u32 v2, $0x3  }
0x5b: {  	v3 =	vmul.u32 $0x70, v3  }
0x5c: {  	v2 =	vand.u32 $0x7, v2  }
0x5d: {  	v2 =	vor.u32 v2, v3  }
0x5e: {  	v2 =	vperm.xlane v2, v0;
	_ =	sdelay $0x1  }
0x5f: {  	v2 =	vadd.s32 v1, v2;
	_ =	sdelay $0x3  }
0x60: {  	s20 =	simm.s32 $0x7800  }
0x61: {  	[tilespmem:s20], [sflag:$0x3] =	stream.indirect_vreg.gather [hbm4b:s3+s2], $0x80, v2, vm0, $0xb8;
	[tilespmem:$0x1C800] =	vst v63  }
0x62: {  	_ = 	snop  }
0x63: {  	[tilespmem:s24], [sflag:$0x3] =	stream.indirect_vreg.gather [hbm4b:s6+s2], $0x80, v2, vm0, $0xb8;
	[tilespmem:$0x1C800] =	vst v63  }
0x64: {  	s21 =	simm.s32 $0x8800  }
0x65: {  	[tilespmem:s21], [sflag:$0x3] =	stream.indirect_vreg.gather [hbm4b:s7+s2], $0x80, v2, vm0, $0xb8;
	[tilespmem:$0x1C800] =	vst v63  }
0x66: {  	s21 =	simm.s32 $0x9000  }
0x67: {  	[tilespmem:s21], [sflag:$0x3] =	stream.indirect_vreg.gather [hbm4b:s8+s2], $0x80, v2, vm0, $0xb8;
	[tilespmem:$0x1C800] =	vst v63  }
0x68: {  	s21 =	simm.s32 $0x9800  }
0x69: {  	[tilespmem:s21], [sflag:$0x3] =	stream.indirect_vreg.gather [hbm4b:s9+s2], $0x80, v2, vm0, $0xb8;
	[tilespmem:$0x1C800] =	vst v63  }
0x6a: {  	s21 =	simm.s32 $0xA000  }
0x6b: {  	[tilespmem:s21], [sflag:$0x3] =	stream.indirect_vreg.gather [hbm4b:s10+s2], $0x80, v2, vm0, $0xb8;
	[tilespmem:$0x1C800] =	vst v63  }
0x6c: {  	s21 =	simm.s32 $0xA800  }
0x6d: {  	[tilespmem:s21], [sflag:$0x3] =	stream.indirect_vreg.gather [hbm4b:s12+s2], $0x80, v2, vm0, $0xb8;
	[tilespmem:$0x1C800] =	vst v63  }
0x6e: {  	v2 =	vld.msk [tilespmem:$0x18], $0xff;
	_ =	sdelay $0x4  }
0x6f: {  	v3 =	vshrl.u32 v2, $0x3  }
0x70: {  	v3 =	vmul.u32 $0x70, v3  }
0x71: {  	v2 =	vand.u32 $0x7, v2  }
0x72: {  	v2 =	vor.u32 v2, v3  }
0x73: {  	v2 =	vperm.xlane v2, v0;
	_ =	sdelay $0x1  }
0x74: {  	v2 =	vadd.s32 v1, v2;
	_ =	sdelay $0x3  }
0x75: {  	s21 =	simm.s32 $0xB000  }
0x76: {  	[tilespmem:s21], [sflag:$0x4] =	stream.indirect_vreg.gather [hbm4b:s3+s2], $0x80, v2, vm0, $0xb8;
	[tilespmem:$0x1C800] =	vst v63  }
0x77: {  	_ = 	snop  }
0x78: {  	[tilespmem:s18], [sflag:$0x4] =	stream.indirect_vreg.gather [hbm4b:s6+s2], $0x80, v2, vm0, $0xb8;
	[tilespmem:$0x1C800] =	vst v63  }
0x79: {  	s11 =	simm.s32 $0xC000  }
0x7a: {  	[tilespmem:s11], [sflag:$0x4] =	stream.indirect_vreg.gather [hbm4b:s7+s2], $0x80, v2, vm0, $0xb8;
	[tilespmem:$0x1C800] =	vst v63  }
0x7b: {  	s11 =	simm.s32 $0xC800  }
0x7c: {  	[tilespmem:s11], [sflag:$0x4] =	stream.indirect_vreg.gather [hbm4b:s8+s2], $0x80, v2, vm0, $0xb8;
	[tilespmem:$0x1C800] =	vst v63  }
0x7d: {  	s11 =	simm.s32 $0xD000  }
0x7e: {  	[tilespmem:s11], [sflag:$0x4] =	stream.indirect_vreg.gather [hbm4b:s9+s2], $0x80, v2, vm0, $0xb8;
	[tilespmem:$0x1C800] =	vst v63  }
0x7f: {  	s11 =	simm.s32 $0xD800  }
0x80: {  	[tilespmem:s11], [sflag:$0x4] =	stream.indirect_vreg.gather [hbm4b:s10+s2], $0x80, v2, vm0, $0xb8;
	[tilespmem:$0x1C800] =	vst v63  }
0x81: {  	s11 =	simm.s32 $0xE000  }
0x82: {  	[tilespmem:s11], [sflag:$0x4] =	stream.indirect_vreg.gather [hbm4b:s12+s2], $0x80, v2, vm0, $0xb8;
	[tilespmem:$0x1C800] =	vst v63  }
0x83: {  	s11 =	simm.s32 $0x1  }
0x84: {  	_ =	swait.ge [sflag:s11], $0x3800  }
0x85: {  	[sflag:s11] =	ssyncset.done $0x0  }
0x86: {  	s13 =	simm.s32 $0x800;
	[sflag:s11] =	ssyncadd.s32 $0xFFFFC800;
	s11 =	rddreg [dreg:$0x9]  }
0x87: {  	[hbm4b:s11+s2] =	stream.linear.scatter [tilespmem:s13], [sflag:$0x9], $0x3800, $0x38;
	[tilespmem:$0x1C800] =	vst v63  }
0x88: {  	v2 =	vld.msk [tilespmem:$0x20], $0xff;
	_ =	sdelay $0x4  }
0x89: {  	v3 =	vshrl.u32 v2, $0x3  }
0x8a: {  	v3 =	vmul.u32 $0x70, v3  }
0x8b: {  	v2 =	vand.u32 $0x7, v2  }
0x8c: {  	v2 =	vor.u32 v2, v3  }
0x8d: {  	v2 =	vperm.xlane v2, v0;
	_ =	sdelay $0x1  }
0x8e: {  	v2 =	vadd.s32 v1, v2;
	_ =	sdelay $0x3  }
0x8f: {  	s13 =	simm.s32 $0xE800  }
0x90: {  	[tilespmem:s13], [sflag:$0x5] =	stream.indirect_vreg.gather [hbm4b:s3+s2], $0x80, v2, vm0, $0xb8;
	[tilespmem:$0x1C800] =	vst v63  }
0x91: {  	s11 =	simm.s32 $0xF000  }
0x92: {  	[tilespmem:s11], [sflag:$0x5] =	stream.indirect_vreg.gather [hbm4b:s6+s2], $0x80, v2, vm0, $0xb8;
	[tilespmem:$0x1C800] =	vst v63  }
0x93: {  	s11 =	simm.s32 $0xF800  }
0x94: {  	[tilespmem:s11], [sflag:$0x5] =	stream.indirect_vreg.gather [hbm4b:s7+s2], $0x80, v2, vm0, $0xb8;
	[tilespmem:$0x1C800] =	vst v63  }
0x95: {  	s11 =	simm.s32 $0x10000  }
0x96: {  	[tilespmem:s11], [sflag:$0x5] =	stream.indirect_vreg.gather [hbm4b:s8+s2], $0x80, v2, vm0, $0xb8;
	[tilespmem:$0x1C800] =	vst v63  }
0x97: {  	s11 =	simm.s32 $0x10800  }
0x98: {  	[tilespmem:s11], [sflag:$0x5] =	stream.indirect_vreg.gather [hbm4b:s9+s2], $0x80, v2, vm0, $0xb8;
	[tilespmem:$0x1C800] =	vst v63  }
0x99: {  	s11 =	simm.s32 $0x11000  }
0x9a: {  	[tilespmem:s11], [sflag:$0x5] =	stream.indirect_vreg.gather [hbm4b:s10+s2], $0x80, v2, vm0, $0xb8;
	[tilespmem:$0x1C800] =	vst v63  }
0x9b: {  	s11 =	simm.s32 $0x11800  }
0x9c: {  	[tilespmem:s11], [sflag:$0x5] =	stream.indirect_vreg.gather [hbm4b:s12+s2], $0x80, v2, vm0, $0xb8;
	[tilespmem:$0x1C800] =	vst v63  }
0x9d: {  	s11 =	simm.s32 $0x2  }
0x9e: {  	_ =	swait.ge [sflag:s11], $0x3800  }
0x9f: {  	[sflag:s11] =	ssyncset.done $0x0  }
0xa0: {  	s19 =	simm.s32 $0x4000;
	[sflag:s11] =	ssyncadd.s32 $0xFFFFC800;
	s11 =	rddreg [dreg:$0xa]  }
0xa1: {  	[hbm4b:s11+s2] =	stream.linear.scatter [tilespmem:s19], [sflag:$0xA], $0x3800, $0x38;
	[tilespmem:$0x1C800] =	vst v63  }
0xa2: {  	v2 =	vld.msk [tilespmem:$0x28], $0xff;
	_ =	sdelay $0x4  }
0xa3: {  	v3 =	vshrl.u32 v2, $0x3  }
0xa4: {  	v3 =	vmul.u32 $0x70, v3  }
0xa5: {  	v2 =	vand.u32 $0x7, v2  }
0xa6: {  	v2 =	vor.u32 v2, v3  }
0xa7: {  	v2 =	vperm.xlane v2, v0;
	_ =	sdelay $0x1  }
0xa8: {  	v2 =	vadd.s32 v1, v2;
	_ =	sdelay $0x3  }
0xa9: {  	s19 =	simm.s32 $0x12000  }
0xaa: {  	[tilespmem:s19], [sflag:$0x6] =	stream.indirect_vreg.gather [hbm4b:s3+s2], $0x80, v2, vm0, $0xb8;
	[tilespmem:$0x1C800] =	vst v63  }
0xab: {  	s11 =	simm.s32 $0x12800  }
0xac: {  	[tilespmem:s11], [sflag:$0x6] =	stream.indirect_vreg.gather [hbm4b:s6+s2], $0x80, v2, vm0, $0xb8;
	[tilespmem:$0x1C800] =	vst v63  }
0xad: {  	s11 =	simm.s32 $0x13000  }
0xae: {  	[tilespmem:s11], [sflag:$0x6] =	stream.indirect_vreg.gather [hbm4b:s7+s2], $0x80, v2, vm0, $0xb8;
	[tilespmem:$0x1C800] =	vst v63  }
0xaf: {  	s11 =	simm.s32 $0x13800  }
0xb0: {  	[tilespmem:s11], [sflag:$0x6] =	stream.indirect_vreg.gather [hbm4b:s8+s2], $0x80, v2, vm0, $0xb8;
	[tilespmem:$0x1C800] =	vst v63  }
0xb1: {  	s11 =	simm.s32 $0x14000  }
0xb2: {  	[tilespmem:s11], [sflag:$0x6] =	stream.indirect_vreg.gather [hbm4b:s9+s2], $0x80, v2, vm0, $0xb8;
	[tilespmem:$0x1C800] =	vst v63  }
0xb3: {  	s11 =	simm.s32 $0x14800  }
0xb4: {  	[tilespmem:s11], [sflag:$0x6] =	stream.indirect_vreg.gather [hbm4b:s10+s2], $0x80, v2, vm0, $0xb8;
	[tilespmem:$0x1C800] =	vst v63  }
0xb5: {  	s11 =	simm.s32 $0x15000  }
0xb6: {  	[tilespmem:s11], [sflag:$0x6] =	stream.indirect_vreg.gather [hbm4b:s12+s2], $0x80, v2, vm0, $0xb8;
	[tilespmem:$0x1C800] =	vst v63  }
0xb7: {  	s11 =	simm.s32 $0x3  }
0xb8: {  	_ =	swait.ge [sflag:s11], $0x3800  }
0xb9: {  	[sflag:s11] =	ssyncset.done $0x0  }
0xba: {  	s20 =	simm.s32 $0x7800;
	[sflag:s11] =	ssyncadd.s32 $0xFFFFC800;
	s11 =	rddreg [dreg:$0xb]  }
0xbb: {  	[hbm4b:s11+s2] =	stream.linear.scatter [tilespmem:s20], [sflag:$0xB], $0x3800, $0x38;
	[tilespmem:$0x1C800] =	vst v63  }
0xbc: {  	v2 =	vld.msk [tilespmem:$0x30], $0xff;
	_ =	sdelay $0x4  }
0xbd: {  	v3 =	vshrl.u32 v2, $0x3  }
0xbe: {  	v3 =	vmul.u32 $0x70, v3  }
0xbf: {  	v2 =	vand.u32 $0x7, v2  }
0xc0: {  	v2 =	vor.u32 v2, v3  }
0xc1: {  	v2 =	vperm.xlane v2, v0;
	_ =	sdelay $0x1  }
0xc2: {  	v2 =	vadd.s32 v1, v2;
	_ =	sdelay $0x3  }
0xc3: {  	s20 =	simm.s32 $0x15800  }
0xc4: {  	[tilespmem:s20], [sflag:$0x7] =	stream.indirect_vreg.gather [hbm4b:s3+s2], $0x80, v2, vm0, $0xb8;
	[tilespmem:$0x1C800] =	vst v63  }
0xc5: {  	s11 =	simm.s32 $0x16000  }
0xc6: {  	[tilespmem:s11], [sflag:$0x7] =	stream.indirect_vreg.gather [hbm4b:s6+s2], $0x80, v2, vm0, $0xb8;
	[tilespmem:$0x1C800] =	vst v63  }
0xc7: {  	s11 =	simm.s32 $0x16800  }
0xc8: {  	[tilespmem:s11], [sflag:$0x7] =	stream.indirect_vreg.gather [hbm4b:s7+s2], $0x80, v2, vm0, $0xb8;
	[tilespmem:$0x1C800] =	vst v63  }
0xc9: {  	s11 =	simm.s32 $0x17000  }
0xca: {  	[tilespmem:s11], [sflag:$0x7] =	stream.indirect_vreg.gather [hbm4b:s8+s2], $0x80, v2, vm0, $0xb8;
	[tilespmem:$0x1C800] =	vst v63  }
0xcb: {  	s11 =	simm.s32 $0x17800  }
0xcc: {  	[tilespmem:s11], [sflag:$0x7] =	stream.indirect_vreg.gather [hbm4b:s9+s2], $0x80, v2, vm0, $0xb8;
	[tilespmem:$0x1C800] =	vst v63  }
0xcd: {  	s11 =	simm.s32 $0x18000  }
0xce: {  	[tilespmem:s11], [sflag:$0x7] =	stream.indirect_vreg.gather [hbm4b:s10+s2], $0x80, v2, vm0, $0xb8;
	[tilespmem:$0x1C800] =	vst v63  }
0xcf: {  	s11 =	simm.s32 $0x18800  }
0xd0: {  	[tilespmem:s11], [sflag:$0x7] =	stream.indirect_vreg.gather [hbm4b:s12+s2], $0x80, v2, vm0, $0xb8;
	[tilespmem:$0x1C800] =	vst v63  }
0xd1: {  	s11 =	simm.s32 $0x4  }
0xd2: {  	_ =	swait.ge [sflag:s11], $0x3800  }
0xd3: {  	[sflag:s11] =	ssyncset.done $0x0  }
0xd4: {  	s21 =	simm.s32 $0xB000;
	[sflag:s11] =	ssyncadd.s32 $0xFFFFC800;
	s11 =	rddreg [dreg:$0xc]  }
0xd5: {  	[hbm4b:s11+s2] =	stream.linear.scatter [tilespmem:s21], [sflag:$0xC], $0x3800, $0x38;
	[tilespmem:$0x1C800] =	vst v63  }
0xd6: {  	v2 =	vld.msk [tilespmem:$0x38], $0xff;
	_ =	sdelay $0x4  }
0xd7: {  	v3 =	vshrl.u32 v2, $0x3  }
0xd8: {  	v3 =	vmul.u32 $0x70, v3  }
0xd9: {  	v2 =	vand.u32 $0x7, v2  }
0xda: {  	v2 =	vor.u32 v2, v3  }
0xdb: {  	v2 =	vperm.xlane v2, v0;
	_ =	sdelay $0x1  }
0xdc: {  	v2 =	vadd.s32 v1, v2;
	_ =	sdelay $0x3  }
0xdd: {  	s21 =	simm.s32 $0x19000  }
0xde: {  	[tilespmem:s21], [sflag:$0x8] =	stream.indirect_vreg.gather [hbm4b:s3+s2], $0x80, v2, vm0, $0xb8;
	[tilespmem:$0x1C800] =	vst v63  }
0xdf: {  	s11 =	simm.s32 $0x19800  }
0xe0: {  	[tilespmem:s11], [sflag:$0x8] =	stream.indirect_vreg.gather [hbm4b:s6+s2], $0x80, v2, vm0, $0xb8;
	[tilespmem:$0x1C800] =	vst v63  }
0xe1: {  	s11 =	simm.s32 $0x1A000  }
0xe2: {  	[tilespmem:s11], [sflag:$0x8] =	stream.indirect_vreg.gather [hbm4b:s7+s2], $0x80, v2, vm0, $0xb8;
	[tilespmem:$0x1C800] =	vst v63  }
0xe3: {  	s11 =	simm.s32 $0x1A800  }
0xe4: {  	[tilespmem:s11], [sflag:$0x8] =	stream.indirect_vreg.gather [hbm4b:s8+s2], $0x80, v2, vm0, $0xb8;
	[tilespmem:$0x1C800] =	vst v63  }
0xe5: {  	s11 =	simm.s32 $0x1B000  }
0xe6: {  	[tilespmem:s11], [sflag:$0x8] =	stream.indirect_vreg.gather [hbm4b:s9+s2], $0x80, v2, vm0, $0xb8;
	[tilespmem:$0x1C800] =	vst v63  }
0xe7: {  	s11 =	simm.s32 $0x1B800  }
0xe8: {  	[tilespmem:s11], [sflag:$0x8] =	stream.indirect_vreg.gather [hbm4b:s10+s2], $0x80, v2, vm0, $0xb8;
	[tilespmem:$0x1C800] =	vst v63  }
0xe9: {  	s11 =	simm.s32 $0x1C000  }
0xea: {  	[tilespmem:s11], [sflag:$0x8] =	stream.indirect_vreg.gather [hbm4b:s12+s2], $0x80, v2, vm0, $0xb8;
	[tilespmem:$0x1C800] =	vst v63  }
0xeb: {  	s11 =	simm.s32 $0x5  }
0xec: {  	_ =	swait.ge [sflag:s11], $0x3800  }
0xed: {  	[sflag:s11] =	ssyncset.done $0x0  }
0xee: {  	[sflag:s11] =	ssyncadd.s32 $0xFFFFC800;
	s11 =	rddreg [dreg:$0xd]  }
0xef: {  	[hbm4b:s11+s2] =	stream.linear.scatter [tilespmem:s13], [sflag:$0xD], $0x3800, $0x38;
	[tilespmem:$0x1C800] =	vst v63  }
0xf0: {  	s13 =	simm.s32 $0x9  }
0xf1: {  	_ =	swait.ge [sflag:s13], $0x3800  }
0xf2: {  	[sflag:s13] =	ssyncset.done $0x0  }
0xf3: {  	[sflag:s13] =	ssyncadd.s32 $0xFFFFC800  }
0xf4: {  	v2 =	vld.msk [tilespmem:$0x40], $0xff;
	_ =	sdelay $0x4  }
0xf5: {  	v3 =	vshrl.u32 v2, $0x3  }
0xf6: {  	v3 =	vmul.u32 $0x70, v3  }
0xf7: {  	v2 =	vand.u32 $0x7, v2  }
0xf8: {  	v2 =	vor.u32 v2, v3  }
0xf9: {  	v2 =	vperm.xlane v2, v0;
	_ =	sdelay $0x1  }
0xfa: {  	v2 =	vadd.s32 v1, v2;
	_ =	sdelay $0x3  }
0xfb: {  	s13 =	simm.s32 $0x800  }
0xfc: {  	[tilespmem:s13], [sflag:$0x1] =	stream.indirect_vreg.gather [hbm4b:s3+s2], $0x80, v2, vm0, $0xb8;
	[tilespmem:$0x1C800] =	vst v63  }
0xfd: {  	_ = 	snop  }
0xfe: {  	[tilespmem:s28], [sflag:$0x1] =	stream.indirect_vreg.gather [hbm4b:s6+s2], $0x80, v2, vm0, $0xb8;
	[tilespmem:$0x1C800] =	vst v63  }
0xff: {  	_ = 	snop  }
0x100: {  	[tilespmem:s15], [sflag:$0x1] =	stream.indirect_vreg.gather [hbm4b:s7+s2], $0x80, v2, vm0, $0xb8;
	[tilespmem:$0x1C800] =	vst v63  }
0x101: {  	_ = 	snop  }
0x102: {  	[tilespmem:s16], [sflag:$0x1] =	stream.indirect_vreg.gather [hbm4b:s8+s2], $0x80, v2, vm0, $0xb8;
	[tilespmem:$0x1C800] =	vst v63  }
0x103: {  	_ = 	snop  }
0x104: {  	[tilespmem:s17], [sflag:$0x1] =	stream.indirect_vreg.gather [hbm4b:s9+s2], $0x80, v2, vm0, $0xb8;
	[tilespmem:$0x1C800] =	vst v63  }
0x105: {  	_ = 	snop  }
0x106: {  	[tilespmem:s23], [sflag:$0x1] =	stream.indirect_vreg.gather [hbm4b:s10+s2], $0x80, v2, vm0, $0xb8;
	[tilespmem:$0x1C800] =	vst v63  }
0x107: {  	s15 =	simm.s32 $0x6  }
0x108: {  	[tilespmem:s26], [sflag:$0x1] =	stream.indirect_vreg.gather [hbm4b:s12+s2], $0x80, v2, vm0, $0xb8;
	[tilespmem:$0x1C800] =	vst v63  }
0x109: {  	_ =	swait.ge [sflag:s15], $0x3800  }
0x10a: {  	[sflag:s15] =	ssyncset.done $0x0  }
0x10b: {  	s17 =	simm.s32 $0xA;
	s16 =	rddreg [dreg:$0xe];
	[sflag:s15] =	ssyncadd.s32 $0xFFFFC800  }
0x10c: {  	[hbm4b:s16+s2] =	stream.linear.scatter [tilespmem:s19], [sflag:$0xE], $0x3800, $0x38;
	[tilespmem:$0x1C800] =	vst v63  }
0x10d: {  	_ =	swait.ge [sflag:s17], $0x3800  }
0x10e: {  	[sflag:s17] =	ssyncset.done $0x0  }
0x10f: {  	[sflag:s17] =	ssyncadd.s32 $0xFFFFC800  }
0x110: {  	v2 =	vld.msk [tilespmem:$0x48], $0xff;
	_ =	sdelay $0x4  }
0x111: {  	v3 =	vshrl.u32 v2, $0x3  }
0x112: {  	v3 =	vmul.u32 $0x70, v3  }
0x113: {  	v2 =	vand.u32 $0x7, v2  }
0x114: {  	v2 =	vor.u32 v2, v3  }
0x115: {  	v2 =	vperm.xlane v2, v0;
	_ =	sdelay $0x1  }
0x116: {  	v2 =	vadd.s32 v1, v2;
	_ =	sdelay $0x3  }
0x117: {  	s19 =	simm.s32 $0x4000  }
0x118: {  	[tilespmem:s19], [sflag:$0x2] =	stream.indirect_vreg.gather [hbm4b:s3+s2], $0x80, v2, vm0, $0xb8;
	[tilespmem:$0x1C800] =	vst v63  }
0x119: {  	_ = 	snop  }
0x11a: {  	[tilespmem:s25], [sflag:$0x2] =	stream.indirect_vreg.gather [hbm4b:s6+s2], $0x80, v2, vm0, $0xb8;
	[tilespmem:$0x1C800] =	vst v63  }
0x11b: {  	_ = 	snop  }
0x11c: {  	[tilespmem:s5], [sflag:$0x2] =	stream.indirect_vreg.gather [hbm4b:s7+s2], $0x80, v2, vm0, $0xb8;
	[tilespmem:$0x1C800] =	vst v63  }
0x11d: {  	s23 =	simm.s32 $0x5800  }
0x11e: {  	[tilespmem:s23], [sflag:$0x2] =	stream.indirect_vreg.gather [hbm4b:s8+s2], $0x80, v2, vm0, $0xb8;
	[tilespmem:$0x1C800] =	vst v63  }
0x11f: {  	s25 =	simm.s32 $0x6000  }
0x120: {  	[tilespmem:s25], [sflag:$0x2] =	stream.indirect_vreg.gather [hbm4b:s9+s2], $0x80, v2, vm0, $0xb8;
	[tilespmem:$0x1C800] =	vst v63  }
0x121: {  	s26 =	simm.s32 $0x6800  }
0x122: {  	[tilespmem:s26], [sflag:$0x2] =	stream.indirect_vreg.gather [hbm4b:s10+s2], $0x80, v2, vm0, $0xb8;
	[tilespmem:$0x1C800] =	vst v63  }
0x123: {  	s28 =	simm.s32 $0x7000  }
0x124: {  	[tilespmem:s28], [sflag:$0x2] =	stream.indirect_vreg.gather [hbm4b:s12+s2], $0x80, v2, vm0, $0xb8;
	[tilespmem:$0x1C800] =	vst v63  }
0x125: {  	_ =	swait.ge [sflag:s22], $0x3800  }
0x126: {  	[sflag:s22] =	ssyncset.done $0x0  }
0x127: {  	s5 =	rddreg [dreg:$0xf];
	[sflag:s22] =	ssyncadd.s32 $0xFFFFC800  }
0x128: {  	[hbm4b:s5+s2] =	stream.linear.scatter [tilespmem:s20], [sflag:$0xF], $0x3800, $0x38;
	[tilespmem:$0x1C800] =	vst v63  }
0x129: {  	_ =	swait.ge [sflag:s29], $0x3800  }
0x12a: {  	[sflag:s29] =	ssyncset.done $0x0  }
0x12b: {  	[sflag:s29] =	ssyncadd.s32 $0xFFFFC800  }
0x12c: {  	v2 =	vld.msk [tilespmem:$0x50], $0xff;
	_ =	sdelay $0x4  }
0x12d: {  	v3 =	vshrl.u32 v2, $0x3  }
0x12e: {  	v3 =	vmul.u32 $0x70, v3  }
0x12f: {  	v2 =	vand.u32 $0x7, v2  }
0x130: {  	v2 =	vor.u32 v2, v3  }
0x131: {  	v2 =	vperm.xlane v2, v0;
	_ =	sdelay $0x1  }
0x132: {  	v2 =	vadd.s32 v1, v2;
	_ =	sdelay $0x3  }
0x133: {  	s11 =	simm.s32 $0x7800  }
0x134: {  	[tilespmem:s11], [sflag:$0x3] =	stream.indirect_vreg.gather [hbm4b:s3+s2], $0x80, v2, vm0, $0xb8;
	[tilespmem:$0x1C800] =	vst v63  }
0x135: {  	_ = 	snop  }
0x136: {  	[tilespmem:s24], [sflag:$0x3] =	stream.indirect_vreg.gather [hbm4b:s6+s2], $0x80, v2, vm0, $0xb8;
	[tilespmem:$0x1C800] =	vst v63  }
0x137: {  	s13 =	simm.s32 $0x8800  }
0x138: {  	[tilespmem:s13], [sflag:$0x3] =	stream.indirect_vreg.gather [hbm4b:s7+s2], $0x80, v2, vm0, $0xb8;
	[tilespmem:$0x1C800] =	vst v63  }
0x139: {  	s15 =	simm.s32 $0x9000  }
0x13a: {  	[tilespmem:s15], [sflag:$0x3] =	stream.indirect_vreg.gather [hbm4b:s8+s2], $0x80, v2, vm0, $0xb8;
	[tilespmem:$0x1C800] =	vst v63  }
0x13b: {  	s16 =	simm.s32 $0x9800  }
0x13c: {  	[tilespmem:s16], [sflag:$0x3] =	stream.indirect_vreg.gather [hbm4b:s9+s2], $0x80, v2, vm0, $0xb8;
	[tilespmem:$0x1C800] =	vst v63  }
0x13d: {  	s17 =	simm.s32 $0xA000  }
0x13e: {  	[tilespmem:s17], [sflag:$0x3] =	stream.indirect_vreg.gather [hbm4b:s10+s2], $0x80, v2, vm0, $0xb8;
	[tilespmem:$0x1C800] =	vst v63  }
0x13f: {  	s19 =	simm.s32 $0xA800  }
0x140: {  	[tilespmem:s19], [sflag:$0x3] =	stream.indirect_vreg.gather [hbm4b:s12+s2], $0x80, v2, vm0, $0xb8;
	[tilespmem:$0x1C800] =	vst v63  }
0x141: {  	_ =	swait.ge [sflag:s4], $0x3800  }
0x142: {  	[sflag:s4] =	ssyncset.done $0x0  }
0x143: {  	s20 =	rddreg [dreg:$0x10];
	[sflag:s4] =	ssyncadd.s32 $0xFFFFC800  }
0x144: {  	[hbm4b:s20+s2] =	stream.linear.scatter [tilespmem:s21], [sflag:$0x10], $0x3800, $0x38;
	[tilespmem:$0x1C800] =	vst v63  }
0x145: {  	_ =	swait.ge [sflag:s30], $0x3800  }
0x146: {  	[sflag:s30] =	ssyncset.done $0x0  }
0x147: {  	[sflag:s30] =	ssyncadd.s32 $0xFFFFC800  }
0x148: {  	v2 =	vld.msk [tilespmem:$0x58], $0xff;
	_ =	sdelay $0x4  }
0x149: {  	v3 =	vshrl.u32 v2, $0x3  }
0x14a: {  	v3 =	vmul.u32 $0x70, v3  }
0x14b: {  	v2 =	vand.u32 $0x7, v2  }
0x14c: {  	v2 =	vor.u32 v2, v3  }
0x14d: {  	v2 =	vperm.xlane v2, v0;
	_ =	sdelay $0x1  }
0x14e: {  	v2 =	vadd.s32 v1, v2;
	_ =	sdelay $0x3  }
0x14f: {  	s21 =	simm.s32 $0xB000  }
0x150: {  	[tilespmem:s21], [sflag:$0x4] =	stream.indirect_vreg.gather [hbm4b:s3+s2], $0x80, v2, vm0, $0xb8;
	[tilespmem:$0x1C800] =	vst v63  }
0x151: {  	_ = 	snop  }
0x152: {  	[tilespmem:s18], [sflag:$0x4] =	stream.indirect_vreg.gather [hbm4b:s6+s2], $0x80, v2, vm0, $0xb8;
	[tilespmem:$0x1C800] =	vst v63  }
0x153: {  	s23 =	simm.s32 $0xC000  }
0x154: {  	[tilespmem:s23], [sflag:$0x4] =	stream.indirect_vreg.gather [hbm4b:s7+s2], $0x80, v2, vm0, $0xb8;
	[tilespmem:$0x1C800] =	vst v63  }
0x155: {  	s24 =	simm.s32 $0xC800  }
0x156: {  	[tilespmem:s24], [sflag:$0x4] =	stream.indirect_vreg.gather [hbm4b:s8+s2], $0x80, v2, vm0, $0xb8;
	[tilespmem:$0x1C800] =	vst v63  }
0x157: {  	s25 =	simm.s32 $0xD000  }
0x158: {  	[tilespmem:s25], [sflag:$0x4] =	stream.indirect_vreg.gather [hbm4b:s9+s2], $0x80, v2, vm0, $0xb8;
	[tilespmem:$0x1C800] =	vst v63  }
0x159: {  	s26 =	simm.s32 $0xD800;
	s28 =	simm.s32 $0xE000  }
0x15a: {  	[tilespmem:s26], [sflag:$0x4] =	stream.indirect_vreg.gather [hbm4b:s10+s2], $0x80, v2, vm0, $0xb8;
	[tilespmem:$0x1C800] =	vst v63  }
0x15b: {  	s16 =	simm.s32 $0x98;
	s11 =	rddreg [dreg:$0x7];
	s23 =	simm.s32 $0x260  }
0x15c: {  	[tilespmem:s28], [sflag:$0x4] =	stream.indirect_vreg.gather [hbm4b:s12+s2], $0x80, v2, vm0, $0xb8;
	[tilespmem:$0x1C800] =	vst v63  }
.LBB2_2:
0x15d: {  	s5 =	simm.s32 $0x1  }
0x15e: {  	_ =	swait.ge [sflag:s5], $0x3800  }
0x15f: {  	s28 =	simm.s32 $0x800;
	s17 =	rddreg [dreg:$0x5];
	[sflag:s5] =	ssyncset.done $0x0  }
0x160: {  	s13 =	sadd.s32 $0xFFFFFEA0, s23;
	[sflag:s5] =	ssyncadd.s32 $0xFFFFC800;
	s17 =	sadd.s32 s11, s17  }
0x161: {  	[hbm4b:s17+s2] =	stream.linear.scatter [tilespmem:s28], [sflag:$0x9], $0x3800, $0x38;
	[tilespmem:$0x1C800] =	vst v63  }
0x162: {  	s26 =	sadd.s32 $0xFFFFFFC8, s16;
	s17 =	sand.u32 $0x1E00, s13;
	_ =	swait.ge [sflag:s0], $0x3800  }
0x163: {  	s26 =	sand.u32 $0x60, s26;
	s17 =	sshrl.u32 s17, $0x2;
	[sflag:s0] =	ssyncset.done $0x0  }
0x164: {  	s26 =	sor.u32 s26, s17;
	[sflag:s0] =	ssyncadd.s32 $0xFFFFC800  }
0x165: {  	v2 =	vld.msk [tilespmem:s26+$0x0], $0xff;
	_ =	sdelay $0x4  }
0x166: {  	v3 =	vshrl.u32 v2, $0x3  }
0x167: {  	v3 =	vmul.u32 $0x70, v3  }
0x168: {  	v2 =	vand.u32 $0x7, v2  }
0x169: {  	v2 =	vor.u32 v2, v3  }
0x16a: {  	v2 =	vperm.xlane v2, v0;
	_ =	sdelay $0x1  }
0x16b: {  	v2 =	vadd.s32 v1, v2;
	_ =	sdelay $0x3  }
0x16c: {  	s5 =	simm.s32 $0xE800  }
0x16d: {  	[tilespmem:s5], [sflag:$0x5] =	stream.indirect_vreg.gather [hbm4b:s3+s2], $0x80, v2, vm0, $0xb8;
	[tilespmem:$0x1C800] =	vst v63  }
0x16e: {  	s13 =	simm.s32 $0xF000  }
0x16f: {  	[tilespmem:s13], [sflag:$0x5] =	stream.indirect_vreg.gather [hbm4b:s6+s2], $0x80, v2, vm0, $0xb8;
	[tilespmem:$0x1C800] =	vst v63  }
0x170: {  	s15 =	simm.s32 $0xF800  }
0x171: {  	[tilespmem:s15], [sflag:$0x5] =	stream.indirect_vreg.gather [hbm4b:s7+s2], $0x80, v2, vm0, $0xb8;
	[tilespmem:$0x1C800] =	vst v63  }
0x172: {  	s18 =	simm.s32 $0x10000  }
0x173: {  	[tilespmem:s18], [sflag:$0x5] =	stream.indirect_vreg.gather [hbm4b:s8+s2], $0x80, v2, vm0, $0xb8;
	[tilespmem:$0x1C800] =	vst v63  }
0x174: {  	s19 =	simm.s32 $0x10800  }
0x175: {  	[tilespmem:s19], [sflag:$0x5] =	stream.indirect_vreg.gather [hbm4b:s9+s2], $0x80, v2, vm0, $0xb8;
	[tilespmem:$0x1C800] =	vst v63  }
0x176: {  	s20 =	simm.s32 $0x11000  }
0x177: {  	[tilespmem:s20], [sflag:$0x5] =	stream.indirect_vreg.gather [hbm4b:s10+s2], $0x80, v2, vm0, $0xb8;
	[tilespmem:$0x1C800] =	vst v63  }
0x178: {  	s21 =	simm.s32 $0x11800;
	s24 =	simm.s32 $0x2  }
0x179: {  	[tilespmem:s21], [sflag:$0x5] =	stream.indirect_vreg.gather [hbm4b:s12+s2], $0x80, v2, vm0, $0xb8;
	[tilespmem:$0x1C800] =	vst v63  }
0x17a: {  	_ =	swait.ge [sflag:s24], $0x3800  }
0x17b: {  	s25 =	rddreg [dreg:$0x4];
	[sflag:s24] =	ssyncset.done $0x0  }
0x17c: {  	[sflag:s24] =	ssyncadd.s32 $0xFFFFC800;
	s26 =	sadd.s32 s11, s25;
	s25 =	simm.s32 $0x4000  }
0x17d: {  	[hbm4b:s26+s2] =	stream.linear.scatter [tilespmem:s25], [sflag:$0xA], $0x3800, $0x38;
	[tilespmem:$0x1C800] =	vst v63  }
0x17e: {  	s15 =	sadd.s32 $0xFFFFFFD0, s16;
	_ =	swait.ge [sflag:s1], $0x3800  }
0x17f: {  	s26 =	sand.u32 $0x68, s15;
	[sflag:s1] =	ssyncset.done $0x0  }
0x180: {  	s26 =	sor.u32 s26, s17;
	[sflag:s1] =	ssyncadd.s32 $0xFFFFC800  }
0x181: {  	v2 =	vld.msk [tilespmem:s26+$0x0], $0xff;
	_ =	sdelay $0x4  }
0x182: {  	v3 =	vshrl.u32 v2, $0x3  }
0x183: {  	v3 =	vmul.u32 $0x70, v3  }
0x184: {  	v2 =	vand.u32 $0x7, v2  }
0x185: {  	v2 =	vor.u32 v2, v3  }
0x186: {  	v2 =	vperm.xlane v2, v0;
	_ =	sdelay $0x1  }
0x187: {  	v2 =	vadd.s32 v1, v2;
	_ =	sdelay $0x3  }
0x188: {  	s19 =	simm.s32 $0x12000  }
0x189: {  	[tilespmem:s19], [sflag:$0x6] =	stream.indirect_vreg.gather [hbm4b:s3+s2], $0x80, v2, vm0, $0xb8;
	[tilespmem:$0x1C800] =	vst v63  }
0x18a: {  	s18 =	simm.s32 $0x12800  }
0x18b: {  	[tilespmem:s18], [sflag:$0x6] =	stream.indirect_vreg.gather [hbm4b:s6+s2], $0x80, v2, vm0, $0xb8;
	[tilespmem:$0x1C800] =	vst v63  }
0x18c: {  	s20 =	simm.s32 $0x13000  }
0x18d: {  	[tilespmem:s20], [sflag:$0x6] =	stream.indirect_vreg.gather [hbm4b:s7+s2], $0x80, v2, vm0, $0xb8;
	[tilespmem:$0x1C800] =	vst v63  }
0x18e: {  	s21 =	simm.s32 $0x13800  }
0x18f: {  	[tilespmem:s21], [sflag:$0x6] =	stream.indirect_vreg.gather [hbm4b:s8+s2], $0x80, v2, vm0, $0xb8;
	[tilespmem:$0x1C800] =	vst v63  }
0x190: {  	s24 =	simm.s32 $0x14000  }
0x191: {  	[tilespmem:s24], [sflag:$0x6] =	stream.indirect_vreg.gather [hbm4b:s9+s2], $0x80, v2, vm0, $0xb8;
	[tilespmem:$0x1C800] =	vst v63  }
0x192: {  	s26 =	simm.s32 $0x14800  }
0x193: {  	[tilespmem:s26], [sflag:$0x6] =	stream.indirect_vreg.gather [hbm4b:s10+s2], $0x80, v2, vm0, $0xb8;
	[tilespmem:$0x1C800] =	vst v63  }
0x194: {  	s15 =	simm.s32 $0x15000;
	s18 =	simm.s32 $0x3  }
0x195: {  	[tilespmem:s15], [sflag:$0x6] =	stream.indirect_vreg.gather [hbm4b:s12+s2], $0x80, v2, vm0, $0xb8;
	[tilespmem:$0x1C800] =	vst v63  }
0x196: {  	_ =	swait.ge [sflag:s18], $0x3800  }
0x197: {  	s20 =	rddreg [dreg:$0x3];
	[sflag:s18] =	ssyncset.done $0x0  }
0x198: {  	s24 =	simm.s32 $0x7800;
	[sflag:s18] =	ssyncadd.s32 $0xFFFFC800;
	s26 =	sadd.s32 s11, s20  }
0x199: {  	[hbm4b:s26+s2] =	stream.linear.scatter [tilespmem:s24], [sflag:$0xB], $0x3800, $0x38;
	[tilespmem:$0x1C800] =	vst v63  }
0x19a: {  	s21 =	sadd.s32 $0xFFFFFFD8, s16;
	_ =	swait.ge [sflag:s14], $0x3800  }
0x19b: {  	s26 =	sand.u32 $0x70, s21;
	[sflag:s14] =	ssyncset.done $0x0  }
0x19c: {  	s26 =	sor.u32 s26, s17;
	[sflag:s14] =	ssyncadd.s32 $0xFFFFC800  }
0x19d: {  	v2 =	vld.msk [tilespmem:s26+$0x0], $0xff;
	_ =	sdelay $0x4  }
0x19e: {  	v3 =	vshrl.u32 v2, $0x3  }
0x19f: {  	v3 =	vmul.u32 $0x70, v3  }
0x1a0: {  	v2 =	vand.u32 $0x7, v2  }
0x1a1: {  	v2 =	vor.u32 v2, v3  }
0x1a2: {  	v2 =	vperm.xlane v2, v0;
	_ =	sdelay $0x1  }
0x1a3: {  	v2 =	vadd.s32 v1, v2;
	_ =	sdelay $0x3  }
0x1a4: {  	s20 =	simm.s32 $0x15800  }
0x1a5: {  	[tilespmem:s20], [sflag:$0x7] =	stream.indirect_vreg.gather [hbm4b:s3+s2], $0x80, v2, vm0, $0xb8;
	[tilespmem:$0x1C800] =	vst v63  }
0x1a6: {  	s26 =	simm.s32 $0x16000  }
0x1a7: {  	[tilespmem:s26], [sflag:$0x7] =	stream.indirect_vreg.gather [hbm4b:s6+s2], $0x80, v2, vm0, $0xb8;
	[tilespmem:$0x1C800] =	vst v63  }
0x1a8: {  	s15 =	simm.s32 $0x16800  }
0x1a9: {  	[tilespmem:s15], [sflag:$0x7] =	stream.indirect_vreg.gather [hbm4b:s7+s2], $0x80, v2, vm0, $0xb8;
	[tilespmem:$0x1C800] =	vst v63  }
0x1aa: {  	s18 =	simm.s32 $0x17000  }
0x1ab: {  	[tilespmem:s18], [sflag:$0x7] =	stream.indirect_vreg.gather [hbm4b:s8+s2], $0x80, v2, vm0, $0xb8;
	[tilespmem:$0x1C800] =	vst v63  }
0x1ac: {  	s21 =	simm.s32 $0x17800  }
0x1ad: {  	[tilespmem:s21], [sflag:$0x7] =	stream.indirect_vreg.gather [hbm4b:s9+s2], $0x80, v2, vm0, $0xb8;
	[tilespmem:$0x1C800] =	vst v63  }
0x1ae: {  	s26 =	simm.s32 $0x18000  }
0x1af: {  	[tilespmem:s26], [sflag:$0x7] =	stream.indirect_vreg.gather [hbm4b:s10+s2], $0x80, v2, vm0, $0xb8;
	[tilespmem:$0x1C800] =	vst v63  }
0x1b0: {  	s15 =	simm.s32 $0x18800;
	s18 =	simm.s32 $0x4  }
0x1b1: {  	[tilespmem:s15], [sflag:$0x7] =	stream.indirect_vreg.gather [hbm4b:s12+s2], $0x80, v2, vm0, $0xb8;
	[tilespmem:$0x1C800] =	vst v63  }
0x1b2: {  	_ =	swait.ge [sflag:s18], $0x3800  }
0x1b3: {  	s21 =	rddreg [dreg:$0x2];
	[sflag:s18] =	ssyncset.done $0x0  }
0x1b4: {  	[sflag:s18] =	ssyncadd.s32 $0xFFFFC800;
	s26 =	sadd.s32 s11, s21;
	s18 =	simm.s32 $0xB000  }
0x1b5: {  	[hbm4b:s26+s2] =	stream.linear.scatter [tilespmem:s18], [sflag:$0xC], $0x3800, $0x38;
	[tilespmem:$0x1C800] =	vst v63  }
0x1b6: {  	s13 =	sadd.s32 $0xFFFFFFE0, s16;
	_ =	swait.ge [sflag:s31], $0x3800  }
0x1b7: {  	s26 =	sand.u32 $0x78, s13;
	[sflag:s31] =	ssyncset.done $0x0  }
0x1b8: {  	s17 =	sor.u32 s26, s17;
	[sflag:s31] =	ssyncadd.s32 $0xFFFFC800  }
0x1b9: {  	v2 =	vld.msk [tilespmem:s17+$0x0], $0xff;
	_ =	sdelay $0x4  }
0x1ba: {  	v3 =	vshrl.u32 v2, $0x3  }
0x1bb: {  	v3 =	vmul.u32 $0x70, v3  }
0x1bc: {  	v2 =	vand.u32 $0x7, v2  }
0x1bd: {  	v2 =	vor.u32 v2, v3  }
0x1be: {  	v2 =	vperm.xlane v2, v0;
	_ =	sdelay $0x1  }
0x1bf: {  	v2 =	vadd.s32 v1, v2;
	_ =	sdelay $0x3  }
0x1c0: {  	s21 =	simm.s32 $0x19000  }
0x1c1: {  	[tilespmem:s21], [sflag:$0x8] =	stream.indirect_vreg.gather [hbm4b:s3+s2], $0x80, v2, vm0, $0xb8;
	[tilespmem:$0x1C800] =	vst v63  }
0x1c2: {  	s15 =	simm.s32 $0x19800  }
0x1c3: {  	[tilespmem:s15], [sflag:$0x8] =	stream.indirect_vreg.gather [hbm4b:s6+s2], $0x80, v2, vm0, $0xb8;
	[tilespmem:$0x1C800] =	vst v63  }
0x1c4: {  	s17 =	simm.s32 $0x1A000  }
0x1c5: {  	[tilespmem:s17], [sflag:$0x8] =	stream.indirect_vreg.gather [hbm4b:s7+s2], $0x80, v2, vm0, $0xb8;
	[tilespmem:$0x1C800] =	vst v63  }
0x1c6: {  	s26 =	simm.s32 $0x1A800  }
0x1c7: {  	[tilespmem:s26], [sflag:$0x8] =	stream.indirect_vreg.gather [hbm4b:s8+s2], $0x80, v2, vm0, $0xb8;
	[tilespmem:$0x1C800] =	vst v63  }
0x1c8: {  	s15 =	simm.s32 $0x1B000  }
0x1c9: {  	[tilespmem:s15], [sflag:$0x8] =	stream.indirect_vreg.gather [hbm4b:s9+s2], $0x80, v2, vm0, $0xb8;
	[tilespmem:$0x1C800] =	vst v63  }
0x1ca: {  	s17 =	simm.s32 $0x1B800  }
0x1cb: {  	[tilespmem:s17], [sflag:$0x8] =	stream.indirect_vreg.gather [hbm4b:s10+s2], $0x80, v2, vm0, $0xb8;
	[tilespmem:$0x1C800] =	vst v63  }
0x1cc: {  	s26 =	simm.s32 $0x1C000;
	s15 =	simm.s32 $0x5  }
0x1cd: {  	[tilespmem:s26], [sflag:$0x8] =	stream.indirect_vreg.gather [hbm4b:s12+s2], $0x80, v2, vm0, $0xb8;
	[tilespmem:$0x1C800] =	vst v63  }
0x1ce: {  	_ =	swait.ge [sflag:s15], $0x3800  }
0x1cf: {  	s26 =	rddreg [dreg:$0x6]  }
0x1d0: {  	[sflag:s15] =	ssyncset.done $0x0;
	s17 =	sadd.s32 s11, s26  }
0x1d1: {  	[sflag:s15] =	ssyncadd.s32 $0xFFFFC800;
	s15 =	sadd.s32 $0x5400, s17  }
0x1d2: {  	[hbm4b:s15+s2] =	stream.linear.scatter [tilespmem:s5], [sflag:$0xD], $0x3800, $0x38;
	[tilespmem:$0x1C800] =	vst v63  }
0x1d3: {  	s13 =	sadd.s32 $0xFFFFFFA0, s23;
	s5 =	simm.s32 $0x9  }
0x1d4: {  	s26 =	sand.u32 $0x3E00, s13;
	s15 =	sadd.s32 $0xFFFFFFE8, s16;
	_ =	swait.ge [sflag:s5], $0x3800  }
0x1d5: {  	s26 =	sshrl.u32 s26, $0x2;
	s13 =	sand.u32 $0x40, s15;
	[sflag:s5] =	ssyncset.done $0x0  }
0x1d6: {  	s13 =	sor.u32 s13, s26;
	[sflag:s5] =	ssyncadd.s32 $0xFFFFC800  }
0x1d7: {  	v2 =	vld.msk [tilespmem:s13+$0x0], $0xff;
	_ =	sdelay $0x4  }
0x1d8: {  	v3 =	vshrl.u32 v2, $0x3  }
0x1d9: {  	v3 =	vmul.u32 $0x70, v3  }
0x1da: {  	v2 =	vand.u32 $0x7, v2  }
0x1db: {  	v2 =	vor.u32 v2, v3  }
0x1dc: {  	v2 =	vperm.xlane v2, v0;
	_ =	sdelay $0x1  }
0x1dd: {  	v2 =	vadd.s32 v1, v2;
	_ =	sdelay $0x4  }
0x1de: {  	[tilespmem:s28], [sflag:$0x1] =	stream.indirect_vreg.gather [hbm4b:s3+s2], $0x80, v2, vm0, $0xb8;
	[tilespmem:$0x1C800] =	vst v63  }
0x1df: {  	s28 =	simm.s32 $0x1000  }
0x1e0: {  	[tilespmem:s28], [sflag:$0x1] =	stream.indirect_vreg.gather [hbm4b:s6+s2], $0x80, v2, vm0, $0xb8;
	[tilespmem:$0x1C800] =	vst v63  }
0x1e1: {  	s13 =	simm.s32 $0x1800  }
0x1e2: {  	[tilespmem:s13], [sflag:$0x1] =	stream.indirect_vreg.gather [hbm4b:s7+s2], $0x80, v2, vm0, $0xb8;
	[tilespmem:$0x1C800] =	vst v63  }
0x1e3: {  	s26 =	simm.s32 $0x2000  }
0x1e4: {  	[tilespmem:s26], [sflag:$0x1] =	stream.indirect_vreg.gather [hbm4b:s8+s2], $0x80, v2, vm0, $0xb8;
	[tilespmem:$0x1C800] =	vst v63  }
0x1e5: {  	s13 =	simm.s32 $0x2800  }
0x1e6: {  	[tilespmem:s13], [sflag:$0x1] =	stream.indirect_vreg.gather [hbm4b:s9+s2], $0x80, v2, vm0, $0xb8;
	[tilespmem:$0x1C800] =	vst v63  }
0x1e7: {  	s26 =	simm.s32 $0x3000  }
0x1e8: {  	[tilespmem:s26], [sflag:$0x1] =	stream.indirect_vreg.gather [hbm4b:s10+s2], $0x80, v2, vm0, $0xb8;
	[tilespmem:$0x1C800] =	vst v63  }
0x1e9: {  	s13 =	simm.s32 $0x3800;
	s26 =	simm.s32 $0x6  }
0x1ea: {  	[tilespmem:s13], [sflag:$0x1] =	stream.indirect_vreg.gather [hbm4b:s12+s2], $0x80, v2, vm0, $0xb8;
	[tilespmem:$0x1C800] =	vst v63  }
0x1eb: {  	_ =	swait.ge [sflag:s26], $0x3800  }
0x1ec: {  	[sflag:s26] =	ssyncset.done $0x0  }
0x1ed: {  	s5 =	sadd.s32 $0x5B00, s17;
	[sflag:s26] =	ssyncadd.s32 $0xFFFFC800  }
0x1ee: {  	[hbm4b:s5+s2] =	stream.linear.scatter [tilespmem:s19], [sflag:$0xE], $0x3800, $0x38;
	[tilespmem:$0x1C800] =	vst v63  }
0x1ef: {  	s26 =	sadd.s32 $0xFFFFFFC0, s23;
	s5 =	simm.s32 $0xA  }
0x1f0: {  	s19 =	sadd.s32 $0xFFFFFFF0, s16;
	s13 =	sand.u32 $0x3E00, s26;
	_ =	swait.ge [sflag:s5], $0x3800  }
0x1f1: {  	s26 =	sand.u32 $0x48, s19;
	s13 =	sshrl.u32 s13, $0x2;
	[sflag:s5] =	ssyncset.done $0x0  }
0x1f2: {  	s13 =	sor.u32 s26, s13;
	[sflag:s5] =	ssyncadd.s32 $0xFFFFC800  }
0x1f3: {  	v2 =	vld.msk [tilespmem:s13+$0x0], $0xff;
	_ =	sdelay $0x4  }
0x1f4: {  	v3 =	vshrl.u32 v2, $0x3  }
0x1f5: {  	v3 =	vmul.u32 $0x70, v3  }
0x1f6: {  	v2 =	vand.u32 $0x7, v2  }
0x1f7: {  	v2 =	vor.u32 v2, v3  }
0x1f8: {  	v2 =	vperm.xlane v2, v0;
	_ =	sdelay $0x1  }
0x1f9: {  	v2 =	vadd.s32 v1, v2;
	_ =	sdelay $0x4  }
0x1fa: {  	[tilespmem:s25], [sflag:$0x2] =	stream.indirect_vreg.gather [hbm4b:s3+s2], $0x80, v2, vm0, $0xb8;
	[tilespmem:$0x1C800] =	vst v63  }
0x1fb: {  	s25 =	simm.s32 $0x4800  }
0x1fc: {  	[tilespmem:s25], [sflag:$0x2] =	stream.indirect_vreg.gather [hbm4b:s6+s2], $0x80, v2, vm0, $0xb8;
	[tilespmem:$0x1C800] =	vst v63  }
0x1fd: {  	s19 =	simm.s32 $0x5000  }
0x1fe: {  	[tilespmem:s19], [sflag:$0x2] =	stream.indirect_vreg.gather [hbm4b:s7+s2], $0x80, v2, vm0, $0xb8;
	[tilespmem:$0x1C800] =	vst v63  }
0x1ff: {  	s26 =	simm.s32 $0x5800  }
0x200: {  	[tilespmem:s26], [sflag:$0x2] =	stream.indirect_vreg.gather [hbm4b:s8+s2], $0x80, v2, vm0, $0xb8;
	[tilespmem:$0x1C800] =	vst v63  }
0x201: {  	s19 =	simm.s32 $0x6000  }
0x202: {  	[tilespmem:s19], [sflag:$0x2] =	stream.indirect_vreg.gather [hbm4b:s9+s2], $0x80, v2, vm0, $0xb8;
	[tilespmem:$0x1C800] =	vst v63  }
0x203: {  	s26 =	simm.s32 $0x6800  }
0x204: {  	[tilespmem:s26], [sflag:$0x2] =	stream.indirect_vreg.gather [hbm4b:s10+s2], $0x80, v2, vm0, $0xb8;
	[tilespmem:$0x1C800] =	vst v63  }
0x205: {  	s19 =	simm.s32 $0x7000  }
0x206: {  	[tilespmem:s19], [sflag:$0x2] =	stream.indirect_vreg.gather [hbm4b:s12+s2], $0x80, v2, vm0, $0xb8;
	[tilespmem:$0x1C800] =	vst v63  }
0x207: {  	_ =	swait.ge [sflag:s22], $0x3800  }
0x208: {  	[sflag:s22] =	ssyncset.done $0x0  }
0x209: {  	s26 =	sadd.s32 $0x6200, s17;
	s19 =	sadd.s32 $0xFFFFFFE0, s23;
	[sflag:s22] =	ssyncadd.s32 $0xFFFFC800  }
0x20a: {  	[hbm4b:s26+s2] =	stream.linear.scatter [tilespmem:s20], [sflag:$0xF], $0x3800, $0x38;
	[tilespmem:$0x1C800] =	vst v63  }
0x20b: {  	s13 =	sand.u32 $0x3E00, s19;
	s20 =	sadd.s32 $0xFFFFFFF8, s16;
	_ =	swait.ge [sflag:s29], $0x3800  }
0x20c: {  	s13 =	sshrl.u32 s13, $0x2;
	s26 =	sand.u32 $0x50, s20;
	[sflag:s29] =	ssyncset.done $0x0  }
0x20d: {  	s13 =	sor.u32 s26, s13;
	[sflag:s29] =	ssyncadd.s32 $0xFFFFC800  }
0x20e: {  	v2 =	vld.msk [tilespmem:s13+$0x0], $0xff;
	_ =	sdelay $0x4  }
0x20f: {  	v3 =	vshrl.u32 v2, $0x3  }
0x210: {  	v3 =	vmul.u32 $0x70, v3  }
0x211: {  	v2 =	vand.u32 $0x7, v2  }
0x212: {  	v2 =	vor.u32 v2, v3  }
0x213: {  	v2 =	vperm.xlane v2, v0;
	_ =	sdelay $0x1  }
0x214: {  	v2 =	vadd.s32 v1, v2;
	_ =	sdelay $0x4  }
0x215: {  	[tilespmem:s24], [sflag:$0x3] =	stream.indirect_vreg.gather [hbm4b:s3+s2], $0x80, v2, vm0, $0xb8;
	[tilespmem:$0x1C800] =	vst v63  }
0x216: {  	s24 =	simm.s32 $0x8000  }
0x217: {  	[tilespmem:s24], [sflag:$0x3] =	stream.indirect_vreg.gather [hbm4b:s6+s2], $0x80, v2, vm0, $0xb8;
	[tilespmem:$0x1C800] =	vst v63  }
0x218: {  	s19 =	simm.s32 $0x8800  }
0x219: {  	[tilespmem:s19], [sflag:$0x3] =	stream.indirect_vreg.gather [hbm4b:s7+s2], $0x80, v2, vm0, $0xb8;
	[tilespmem:$0x1C800] =	vst v63  }
0x21a: {  	s20 =	simm.s32 $0x9000  }
0x21b: {  	[tilespmem:s20], [sflag:$0x3] =	stream.indirect_vreg.gather [hbm4b:s8+s2], $0x80, v2, vm0, $0xb8;
	[tilespmem:$0x1C800] =	vst v63  }
0x21c: {  	s19 =	simm.s32 $0x9800  }
0x21d: {  	[tilespmem:s19], [sflag:$0x3] =	stream.indirect_vreg.gather [hbm4b:s9+s2], $0x80, v2, vm0, $0xb8;
	[tilespmem:$0x1C800] =	vst v63  }
0x21e: {  	s20 =	simm.s32 $0xA000  }
0x21f: {  	[tilespmem:s20], [sflag:$0x3] =	stream.indirect_vreg.gather [hbm4b:s10+s2], $0x80, v2, vm0, $0xb8;
	[tilespmem:$0x1C800] =	vst v63  }
0x220: {  	s19 =	simm.s32 $0xA800  }
0x221: {  	[tilespmem:s19], [sflag:$0x3] =	stream.indirect_vreg.gather [hbm4b:s12+s2], $0x80, v2, vm0, $0xb8;
	[tilespmem:$0x1C800] =	vst v63  }
0x222: {  	_ =	swait.ge [sflag:s4], $0x3800  }
0x223: {  	[sflag:s4] =	ssyncset.done $0x0  }
0x224: {  	s20 =	sadd.s32 $0x6900, s17;
	[sflag:s4] =	ssyncadd.s32 $0xFFFFC800  }
0x225: {  	[hbm4b:s20+s2] =	stream.linear.scatter [tilespmem:s21], [sflag:$0x10], $0x3800, $0x38;
	[tilespmem:$0x1C800] =	vst v63  }
0x226: {  	s17 =	sand.u32 $0x3E00, s23;
	_ =	swait.ge [sflag:s30], $0x3800  }
0x227: {  	s13 =	sshrl.u32 s17, $0x2;
	s19 =	sand.u32 $0x58, s16;
	[sflag:s30] =	ssyncset.done $0x0  }
0x228: {  	s13 =	sor.u32 s19, s13;
	[sflag:s30] =	ssyncadd.s32 $0xFFFFC800  }
0x229: {  	v2 =	vld.msk [tilespmem:s13+$0x0], $0xff;
	_ =	sdelay $0x4  }
0x22a: {  	v3 =	vshrl.u32 v2, $0x3  }
0x22b: {  	v3 =	vmul.u32 $0x70, v3  }
0x22c: {  	v2 =	vand.u32 $0x7, v2  }
0x22d: {  	v2 =	vor.u32 v2, v3  }
0x22e: {  	v2 =	vperm.xlane v2, v0;
	_ =	sdelay $0x1  }
0x22f: {  	v2 =	vadd.s32 v1, v2;
	_ =	sdelay $0x4  }
0x230: {  	[tilespmem:s18], [sflag:$0x4] =	stream.indirect_vreg.gather [hbm4b:s3+s2], $0x80, v2, vm0, $0xb8;
	[tilespmem:$0x1C800] =	vst v63  }
0x231: {  	s18 =	simm.s32 $0xB800  }
0x232: {  	[tilespmem:s18], [sflag:$0x4] =	stream.indirect_vreg.gather [hbm4b:s6+s2], $0x80, v2, vm0, $0xb8;
	[tilespmem:$0x1C800] =	vst v63  }
0x233: {  	s20 =	simm.s32 $0xC000  }
0x234: {  	[tilespmem:s20], [sflag:$0x4] =	stream.indirect_vreg.gather [hbm4b:s7+s2], $0x80, v2, vm0, $0xb8;
	[tilespmem:$0x1C800] =	vst v63  }
0x235: {  	s21 =	simm.s32 $0xC800  }
0x236: {  	[tilespmem:s21], [sflag:$0x4] =	stream.indirect_vreg.gather [hbm4b:s8+s2], $0x80, v2, vm0, $0xb8;
	[tilespmem:$0x1C800] =	vst v63  }
0x237: {  	p0 =	sne.s32 s16, $0x6D8;
	s11 =	sadd.s32 $0x3800, s11;
	s19 =	simm.s32 $0xD000  }
0x238: {  	[tilespmem:s19], [sflag:$0x4] =	stream.indirect_vreg.gather [hbm4b:s9+s2], $0x80, v2, vm0, $0xb8;
	[tilespmem:$0x1C800] =	vst v63  }
.Ltmp0:
0x239: {  	s15 =	simm.s32 $0x800;
	s5 =	simm.s32 $0x4000;
	(pc) =	sbr.rel @p0 .LBB2_2-.Ltmp0, $4  }
0x23a: {  	s26 =	simm.s32 $0x7800;
	s23 =	sadd.s32 $0x100, s23;
	s20 =	simm.s32 $0xD800  }
0x23b: {  	[tilespmem:s20], [sflag:$0x4] =	stream.indirect_vreg.gather [hbm4b:s10+s2], $0x80, v2, vm0, $0xb8;
	[tilespmem:$0x1C800] =	vst v63  }
0x23c: {  	s16 =	sadd.s32 $0x40, s16;
	s13 =	simm.s32 $0xB000;
	s21 =	simm.s32 $0xE000  }
0x23d: {  	[tilespmem:s21], [sflag:$0x4] =	stream.indirect_vreg.gather [hbm4b:s12+s2], $0x80, v2, vm0, $0xb8;
	[tilespmem:$0x1C800] =	vst v63  }
0x23e: {  	s11 =	simm.s32 $0x1  }
0x23f: {  	_ =	swait.ge [sflag:s11], $0x3800  }
0x240: {  	[sflag:s11] =	ssyncset.done $0x0  }
0x241: {  	s20 =	rddreg [dreg:$0x11];
	[sflag:s11] =	ssyncadd.s32 $0xFFFFC800  }
0x242: {  	[hbm4b:s20+s2] =	stream.linear.scatter [tilespmem:s15], [sflag:$0x9], $0x3800, $0x38;
	[tilespmem:$0x1C800] =	vst v63  }
0x243: {  	_ =	swait.ge [sflag:s0], $0x3800  }
0x244: {  	[sflag:s0] =	ssyncset.done $0x0  }
0x245: {  	[sflag:s0] =	ssyncadd.s32 $0xFFFFC800  }
0x246: {  	v2 =	vld.msk [tilespmem:$0x6E0], $0xff;
	_ =	sdelay $0x4  }
0x247: {  	v3 =	vshrl.u32 v2, $0x3  }
0x248: {  	v3 =	vmul.u32 $0x70, v3  }
0x249: {  	v2 =	vand.u32 $0x7, v2  }
0x24a: {  	v2 =	vor.u32 v2, v3  }
0x24b: {  	v2 =	vperm.xlane v2, v0;
	_ =	sdelay $0x1  }
0x24c: {  	v2 =	vadd.s32 v1, v2;
	_ =	sdelay $0x3  }
0x24d: {  	s15 =	simm.s32 $0xE800  }
0x24e: {  	[tilespmem:s15], [sflag:$0x5] =	stream.indirect_vreg.gather [hbm4b:s3+s2], $0x80, v2, vm0, $0xb8;
	[tilespmem:$0x1C800] =	vst v63  }
0x24f: {  	s21 =	simm.s32 $0xF000  }
0x250: {  	[tilespmem:s21], [sflag:$0x5] =	stream.indirect_vreg.gather [hbm4b:s6+s2], $0x80, v2, vm0, $0xb8;
	[tilespmem:$0x1C800] =	vst v63  }
0x251: {  	s23 =	simm.s32 $0xF800  }
0x252: {  	[tilespmem:s23], [sflag:$0x5] =	stream.indirect_vreg.gather [hbm4b:s7+s2], $0x80, v2, vm0, $0xb8;
	[tilespmem:$0x1C800] =	vst v63  }
0x253: {  	s16 =	simm.s32 $0x10000  }
0x254: {  	[tilespmem:s16], [sflag:$0x5] =	stream.indirect_vreg.gather [hbm4b:s8+s2], $0x80, v2, vm0, $0xb8;
	[tilespmem:$0x1C800] =	vst v63  }
0x255: {  	s17 =	simm.s32 $0x10800  }
0x256: {  	[tilespmem:s17], [sflag:$0x5] =	stream.indirect_vreg.gather [hbm4b:s9+s2], $0x80, v2, vm0, $0xb8;
	[tilespmem:$0x1C800] =	vst v63  }
0x257: {  	s19 =	simm.s32 $0x11000  }
0x258: {  	[tilespmem:s19], [sflag:$0x5] =	stream.indirect_vreg.gather [hbm4b:s10+s2], $0x80, v2, vm0, $0xb8;
	[tilespmem:$0x1C800] =	vst v63  }
0x259: {  	s20 =	simm.s32 $0x11800;
	s21 =	simm.s32 $0x2  }
0x25a: {  	[tilespmem:s20], [sflag:$0x5] =	stream.indirect_vreg.gather [hbm4b:s12+s2], $0x80, v2, vm0, $0xb8;
	[tilespmem:$0x1C800] =	vst v63  }
0x25b: {  	_ =	swait.ge [sflag:s21], $0x3800  }
0x25c: {  	[sflag:s21] =	ssyncset.done $0x0  }
0x25d: {  	s23 =	rddreg [dreg:$0x12];
	[sflag:s21] =	ssyncadd.s32 $0xFFFFC800  }
0x25e: {  	[hbm4b:s23+s2] =	stream.linear.scatter [tilespmem:s5], [sflag:$0xA], $0x3800, $0x38;
	[tilespmem:$0x1C800] =	vst v63  }
0x25f: {  	_ =	swait.ge [sflag:s1], $0x3800  }
0x260: {  	[sflag:s1] =	ssyncset.done $0x0  }
0x261: {  	[sflag:s1] =	ssyncadd.s32 $0xFFFFC800  }
0x262: {  	v2 =	vld.msk [tilespmem:$0x6E8], $0xff;
	_ =	sdelay $0x4  }
0x263: {  	v3 =	vshrl.u32 v2, $0x3  }
0x264: {  	v3 =	vmul.u32 $0x70, v3  }
0x265: {  	v2 =	vand.u32 $0x7, v2  }
0x266: {  	v2 =	vor.u32 v2, v3  }
0x267: {  	v2 =	vperm.xlane v2, v0;
	_ =	sdelay $0x1  }
0x268: {  	v2 =	vadd.s32 v1, v2;
	_ =	sdelay $0x3  }
0x269: {  	s5 =	simm.s32 $0x12000  }
0x26a: {  	[tilespmem:s5], [sflag:$0x6] =	stream.indirect_vreg.gather [hbm4b:s3+s2], $0x80, v2, vm0, $0xb8;
	[tilespmem:$0x1C800] =	vst v63  }
0x26b: {  	s16 =	simm.s32 $0x12800  }
0x26c: {  	[tilespmem:s16], [sflag:$0x6] =	stream.indirect_vreg.gather [hbm4b:s6+s2], $0x80, v2, vm0, $0xb8;
	[tilespmem:$0x1C800] =	vst v63  }
0x26d: {  	s17 =	simm.s32 $0x13000  }
0x26e: {  	[tilespmem:s17], [sflag:$0x6] =	stream.indirect_vreg.gather [hbm4b:s7+s2], $0x80, v2, vm0, $0xb8;
	[tilespmem:$0x1C800] =	vst v63  }
0x26f: {  	s19 =	simm.s32 $0x13800  }
0x270: {  	[tilespmem:s19], [sflag:$0x6] =	stream.indirect_vreg.gather [hbm4b:s8+s2], $0x80, v2, vm0, $0xb8;
	[tilespmem:$0x1C800] =	vst v63  }
0x271: {  	s20 =	simm.s32 $0x14000  }
0x272: {  	[tilespmem:s20], [sflag:$0x6] =	stream.indirect_vreg.gather [hbm4b:s9+s2], $0x80, v2, vm0, $0xb8;
	[tilespmem:$0x1C800] =	vst v63  }
0x273: {  	s21 =	simm.s32 $0x14800  }
0x274: {  	[tilespmem:s21], [sflag:$0x6] =	stream.indirect_vreg.gather [hbm4b:s10+s2], $0x80, v2, vm0, $0xb8;
	[tilespmem:$0x1C800] =	vst v63  }
0x275: {  	s23 =	simm.s32 $0x15000;
	s16 =	simm.s32 $0x3  }
0x276: {  	[tilespmem:s23], [sflag:$0x6] =	stream.indirect_vreg.gather [hbm4b:s12+s2], $0x80, v2, vm0, $0xb8;
	[tilespmem:$0x1C800] =	vst v63  }
0x277: {  	_ =	swait.ge [sflag:s16], $0x3800  }
0x278: {  	[sflag:s16] =	ssyncset.done $0x0  }
0x279: {  	s17 =	rddreg [dreg:$0x17];
	[sflag:s16] =	ssyncadd.s32 $0xFFFFC800  }
0x27a: {  	[hbm4b:s17+s2] =	stream.linear.scatter [tilespmem:s26], [sflag:$0xB], $0x3800, $0x38;
	[tilespmem:$0x1C800] =	vst v63  }
0x27b: {  	_ =	swait.ge [sflag:s14], $0x3800  }
0x27c: {  	[sflag:s14] =	ssyncset.done $0x0  }
0x27d: {  	[sflag:s14] =	ssyncadd.s32 $0xFFFFC800  }
0x27e: {  	v2 =	vld.msk [tilespmem:$0x6F0], $0xff;
	_ =	sdelay $0x4  }
0x27f: {  	v3 =	vshrl.u32 v2, $0x3  }
0x280: {  	v3 =	vmul.u32 $0x70, v3  }
0x281: {  	v2 =	vand.u32 $0x7, v2  }
0x282: {  	v2 =	vor.u32 v2, v3  }
0x283: {  	v2 =	vperm.xlane v2, v0;
	_ =	sdelay $0x1  }
0x284: {  	v2 =	vadd.s32 v1, v2;
	_ =	sdelay $0x3  }
0x285: {  	s16 =	simm.s32 $0x15800  }
0x286: {  	[tilespmem:s16], [sflag:$0x7] =	stream.indirect_vreg.gather [hbm4b:s3+s2], $0x80, v2, vm0, $0xb8;
	[tilespmem:$0x1C800] =	vst v63  }
0x287: {  	s19 =	simm.s32 $0x16000  }
0x288: {  	[tilespmem:s19], [sflag:$0x7] =	stream.indirect_vreg.gather [hbm4b:s6+s2], $0x80, v2, vm0, $0xb8;
	[tilespmem:$0x1C800] =	vst v63  }
0x289: {  	s20 =	simm.s32 $0x16800  }
0x28a: {  	[tilespmem:s20], [sflag:$0x7] =	stream.indirect_vreg.gather [hbm4b:s7+s2], $0x80, v2, vm0, $0xb8;
	[tilespmem:$0x1C800] =	vst v63  }
0x28b: {  	s21 =	simm.s32 $0x17000  }
0x28c: {  	[tilespmem:s21], [sflag:$0x7] =	stream.indirect_vreg.gather [hbm4b:s8+s2], $0x80, v2, vm0, $0xb8;
	[tilespmem:$0x1C800] =	vst v63  }
0x28d: {  	s23 =	simm.s32 $0x17800  }
0x28e: {  	[tilespmem:s23], [sflag:$0x7] =	stream.indirect_vreg.gather [hbm4b:s9+s2], $0x80, v2, vm0, $0xb8;
	[tilespmem:$0x1C800] =	vst v63  }
0x28f: {  	s26 =	simm.s32 $0x18000  }
0x290: {  	[tilespmem:s26], [sflag:$0x7] =	stream.indirect_vreg.gather [hbm4b:s10+s2], $0x80, v2, vm0, $0xb8;
	[tilespmem:$0x1C800] =	vst v63  }
0x291: {  	s17 =	simm.s32 $0x18800;
	s19 =	simm.s32 $0x4  }
0x292: {  	[tilespmem:s17], [sflag:$0x7] =	stream.indirect_vreg.gather [hbm4b:s12+s2], $0x80, v2, vm0, $0xb8;
	[tilespmem:$0x1C800] =	vst v63  }
0x293: {  	_ =	swait.ge [sflag:s19], $0x3800  }
0x294: {  	[sflag:s19] =	ssyncset.done $0x0  }
0x295: {  	s20 =	rddreg [dreg:$0x13];
	[sflag:s19] =	ssyncadd.s32 $0xFFFFC800  }
0x296: {  	[hbm4b:s20+s2] =	stream.linear.scatter [tilespmem:s13], [sflag:$0xC], $0x3800, $0x38;
	[tilespmem:$0x1C800] =	vst v63  }
0x297: {  	_ =	swait.ge [sflag:s31], $0x3800  }
0x298: {  	[sflag:s31] =	ssyncset.done $0x0  }
0x299: {  	[sflag:s31] =	ssyncadd.s32 $0xFFFFC800  }
0x29a: {  	v2 =	vld.msk [tilespmem:$0x6F8], $0xff;
	_ =	sdelay $0x4  }
0x29b: {  	v3 =	vshrl.u32 v2, $0x3  }
0x29c: {  	v3 =	vmul.u32 $0x70, v3  }
0x29d: {  	v2 =	vand.u32 $0x7, v2  }
0x29e: {  	v2 =	vor.u32 v2, v3  }
0x29f: {  	v2 =	vperm.xlane v2, v0;
	_ =	sdelay $0x1  }
0x2a0: {  	v2 =	vadd.s32 v1, v2;
	_ =	sdelay $0x3  }
0x2a1: {  	s13 =	simm.s32 $0x19000  }
0x2a2: {  	[tilespmem:s13], [sflag:$0x8] =	stream.indirect_vreg.gather [hbm4b:s3+s2], $0x80, v2, vm0, $0xb8;
	[tilespmem:$0x1C800] =	vst v63  }
0x2a3: {  	s21 =	simm.s32 $0x19800  }
0x2a4: {  	[tilespmem:s21], [sflag:$0x8] =	stream.indirect_vreg.gather [hbm4b:s6+s2], $0x80, v2, vm0, $0xb8;
	[tilespmem:$0x1C800] =	vst v63  }
0x2a5: {  	s23 =	simm.s32 $0x1A000  }
0x2a6: {  	[tilespmem:s23], [sflag:$0x8] =	stream.indirect_vreg.gather [hbm4b:s7+s2], $0x80, v2, vm0, $0xb8;
	[tilespmem:$0x1C800] =	vst v63  }
0x2a7: {  	s26 =	simm.s32 $0x1A800  }
0x2a8: {  	[tilespmem:s26], [sflag:$0x8] =	stream.indirect_vreg.gather [hbm4b:s8+s2], $0x80, v2, vm0, $0xb8;
	[tilespmem:$0x1C800] =	vst v63  }
0x2a9: {  	s17 =	simm.s32 $0x1B000  }
0x2aa: {  	[tilespmem:s17], [sflag:$0x8] =	stream.indirect_vreg.gather [hbm4b:s9+s2], $0x80, v2, vm0, $0xb8;
	[tilespmem:$0x1C800] =	vst v63  }
0x2ab: {  	s19 =	simm.s32 $0x1B800  }
0x2ac: {  	[tilespmem:s19], [sflag:$0x8] =	stream.indirect_vreg.gather [hbm4b:s10+s2], $0x80, v2, vm0, $0xb8;
	[tilespmem:$0x1C800] =	vst v63  }
0x2ad: {  	s20 =	simm.s32 $0x1C000;
	s21 =	simm.s32 $0x5  }
0x2ae: {  	[tilespmem:s20], [sflag:$0x8] =	stream.indirect_vreg.gather [hbm4b:s12+s2], $0x80, v2, vm0, $0xb8;
	[tilespmem:$0x1C800] =	vst v63  }
0x2af: {  	_ =	swait.ge [sflag:s21], $0x3800  }
0x2b0: {  	[sflag:s21] =	ssyncset.done $0x0  }
0x2b1: {  	s26 =	simm.s32 $0x9;
	s23 =	rddreg [dreg:$0x18];
	[sflag:s21] =	ssyncadd.s32 $0xFFFFC800  }
0x2b2: {  	[hbm4b:s23+s2] =	stream.linear.scatter [tilespmem:s15], [sflag:$0xD], $0x3800, $0x38;
	[tilespmem:$0x1C800] =	vst v63  }
0x2b3: {  	_ =	swait.ge [sflag:s26], $0x3800  }
0x2b4: {  	[sflag:s26] =	ssyncset.done $0x0  }
0x2b5: {  	s15 =	simm.s32 $0x6;
	[sflag:s26] =	ssyncadd.s32 $0xFFFFC800  }
0x2b6: {  	_ =	swait.ge [sflag:s15], $0x3800  }
0x2b7: {  	[sflag:s15] =	ssyncset.done $0x0  }
0x2b8: {  	s19 =	simm.s32 $0xA;
	s17 =	rddreg [dreg:$0x14];
	[sflag:s15] =	ssyncadd.s32 $0xFFFFC800  }
0x2b9: {  	[hbm4b:s17+s2] =	stream.linear.scatter [tilespmem:s5], [sflag:$0xE], $0x3800, $0x38;
	[tilespmem:$0x1C800] =	vst v63  }
0x2ba: {  	_ =	swait.ge [sflag:s19], $0x3800  }
0x2bb: {  	[sflag:s19] =	ssyncset.done $0x0  }
0x2bc: {  	[sflag:s19] =	ssyncadd.s32 $0xFFFFC800  }
0x2bd: {  	_ =	swait.ge [sflag:s22], $0x3800  }
0x2be: {  	[sflag:s22] =	ssyncset.done $0x0  }
0x2bf: {  	s20 =	rddreg [dreg:$0x19];
	[sflag:s22] =	ssyncadd.s32 $0xFFFFC800  }
0x2c0: {  	[hbm4b:s20+s2] =	stream.linear.scatter [tilespmem:s16], [sflag:$0xF], $0x3800, $0x38;
	[tilespmem:$0x1C800] =	vst v63  }
0x2c1: {  	_ =	swait.ge [sflag:s29], $0x3800  }
0x2c2: {  	[sflag:s29] =	ssyncset.done $0x0  }
0x2c3: {  	[sflag:s29] =	ssyncadd.s32 $0xFFFFC800  }
0x2c4: {  	_ =	swait.ge [sflag:s4], $0x3800  }
0x2c5: {  	[sflag:s4] =	ssyncset.done $0x0  }
0x2c6: {  	s21 =	rddreg [dreg:$0x15];
	[sflag:s4] =	ssyncadd.s32 $0xFFFFC800  }
0x2c7: {  	[hbm4b:s21+s2] =	stream.linear.scatter [tilespmem:s13], [sflag:$0x10], $0x3800, $0x38;
	[tilespmem:$0x1C800] =	vst v63  }
0x2c8: {  	_ =	swait.ge [sflag:s30], $0x3800  }
0x2c9: {  	[sflag:s30] =	ssyncset.done $0x0  }
0x2ca: {  	[sflag:s30] =	ssyncadd.s32 $0xFFFFC800  }
0x2cb: {  	_ =	swait.ge [sflag:s0], $0x3800  }
0x2cc: {  	[sflag:s0] =	ssyncset.done $0x0  }
0x2cd: {  	[sflag:s0] =	ssyncadd.s32 $0xFFFFC800  }
0x2ce: {  	_ =	swait.ge [sflag:s1], $0x3800  }
0x2cf: {  	[sflag:s1] =	ssyncset.done $0x0  }
0x2d0: {  	[sflag:s1] =	ssyncadd.s32 $0xFFFFC800  }
0x2d1: {  	_ =	swait.ge [sflag:s14], $0x3800  }
0x2d2: {  	[sflag:s14] =	ssyncset.done $0x0  }
0x2d3: {  	[sflag:s14] =	ssyncadd.s32 $0xFFFFC800  }
0x2d4: {  	_ =	swait.ge [sflag:s31], $0x3800  }
0x2d5: {  	s23 =	rddreg [dreg:$0x1a]  }
0x2d6: {  	s26 =	rddreg [dreg:$0x16];
	s13 =	sadd.s32 $0x1, s23  }
0x2d7: {  	p0 =	sne.s32 s13, s26  }
.Ltmp1:
0x2d8: {  	_ = 	snop;
	(pc) =	sbr.rel @p0 .LBB2_1-.Ltmp1, $4  }
0x2d9: {  	_ = 	snop  }
0x2da: {  	s15 =	simm.s32 $0x1800;
	s17 =	simm.s32 $0x2800  }
0x2db: {  	s5 =	simm.s32 $0x5000;
	s16 =	simm.s32 $0x2000;
	[sflag:s31] =	ssyncset.done $0x0  }
0x2dc: {  	[sflag:s31] =	ssyncadd.s32 $0xFFFFC800;
	s23 =	simm.s32 $0x3000;
	s26 =	simm.s32 $0x3800  }
0x2dd: {  	_ =	sfence.sel $0x180000  }
0x2de: {  	[bflag:$0x0] =	sbarrier.arrive $0xFFFF  }
0x2df: {  	_ =	strace $0x90000047  }
0x2e0: {  	s0 =	stileid.u32;
	[bflag:$0x2] =	sbarrier.arrive $0xFFFF  }
0x2e1: {  	p0 =	sne.s32 s0, $0x0;
	s0 =	rddreg [dreg:$0x1]  }
0x2e2: {  	s0 =	sadd.s32 @!p0 $0x100000, s0  }
0x2e3: {  	[sflag:s0] =	ssyncadd.tile.s32 @!p0 $0x1;
	_ =	shalt  }
.Lfunc_end2:
_tile_overlayer_lowered:
.L_overlay_start_2:
0x2e4: {  	(tag) =	ssettag $0x2  }
0x2e5: {  	s0 =	rddreg [dreg:$0x0];
	s2 =	stileid.u32  }
0x2e6: {  	s1 =	rddreg [dreg:$0x1];
	p0 =	sne.s32 s2, $0x0  }
0x2e7: {  	s3 =	rddreg [dreg:$0x2];
	[bflag:$0x3] =	sbarrier.arrive $0xFFFF;
	s2 =	simm.s32 @!p0 $0x1C11  }
0x2e8: {  	[timem:s3], [sflag:s2] =	dma.local @!p0 [hbm:s0], s1  }
0x2e9: {  	s0 =	simm.s32 @!p0 $0x11  }
0x2ea: {  	_ =	swait.ge @!p0 [sflag:s0], s1  }
0x2eb: {  	s1 =	ssub.s32 @!p0 $0x0, s1;
	[sflag:s0] =	ssyncset.done @!p0 $0x0  }
0x2ec: {  	[sflag:s0] =	ssyncadd.s32 @!p0 s1  }
0x2ed: {  	[bflag:$0x3] =	sbarrier.arrive $0xFFFF  }
0x2ee: {  	_ =	shalt  }

</sc_bundles>
